<compile_context>
chip_gen: v7x
topology: tpu7x:2x2x1
jax: 0.10.2.dev20260603
libtpu: 0.0.44.dev20260713+nightly
codegen_flags: <defaults>
</compile_context>

<pallas_src>
import functools

import jax
import jax.numpy as jnp
from jax import lax
from jax.experimental import pallas as pl
from jax.experimental.pallas import tpu as pltpu
from jax.experimental.pallas import tpu_sc as plsc

EMB = 512
OUT = 512
NW = 32
CH = 120
M_BLK = 512
CHUNK_SIZES = (15360, 15360, 15360, 15360)


def _make_sc_gather(b_total):
  b_per_w = b_total // NW
  nchunk = b_per_w // CH
  assert b_per_w % CH == 0 and b_total % (8 * NW) == 0

  mesh = plsc.VectorSubcoreMesh(core_axis_name="c", subcore_axis_name="s")

  @functools.partial(
      pl.kernel,
      mesh=mesh,
      out_type=[
          jax.ShapeDtypeStruct((b_total, EMB), jnp.float32),
          jax.ShapeDtypeStruct((b_total,), jnp.int32),
      ],
      scratch_types=[
          pltpu.VMEM((b_per_w,), jnp.int32),
          pltpu.VMEM((2, CH, EMB), jnp.float32),
          pltpu.VMEM((b_per_w,), jnp.int32),
          pltpu.SemaphoreType.DMA,
          pltpu.SemaphoreType.DMA,
          pltpu.SemaphoreType.DMA,
          pltpu.SemaphoreType.DMA,
      ],
  )
  def gather_kernel(table_hbm, posmap_hbm, ids_hbm, rows_out_hbm, pos_out_hbm,
                    idx_v, rows_v, pos_v, gsem, psem, osem0, osem1):
    wid = lax.axis_index("s") * 2 + lax.axis_index("c")
    base = wid * b_per_w
    pltpu.sync_copy(ids_hbm.at[pl.ds(base, b_per_w)], idx_v)
    pos_copies = [
        pltpu.async_copy(posmap_hbm.at[idx_v.at[pl.ds(c * CH, CH)]],
                         pos_v.at[pl.ds(c * CH, CH)], psem)
        for c in range(nchunk)
    ]
    osems = (osem0, osem1)
    pending = [None, None]
    for c in range(nchunk):
      s = c % 2
      if pending[s] is not None:
        pending[s].wait()
      g = pltpu.async_copy(table_hbm.at[idx_v.at[pl.ds(c * CH, CH)]],
                           rows_v.at[s], gsem)
      g.wait()
      pending[s] = pltpu.async_copy(
          rows_v.at[s], rows_out_hbm.at[pl.ds(base + c * CH, CH)], osems[s])
    for p in pending:
      if p is not None:
        p.wait()
    for gp in pos_copies:
      gp.wait()
    pltpu.sync_copy(pos_v, pos_out_hbm.at[pl.ds(base, b_per_w)])

  return gather_kernel


def _project_block(x_ref, pidx_ref, poshead_ref, we_ref, wp_ref, b_ref,
                   *rest):
  o_ref = rest[-1]
  x = x_ref[...]
  pidx = pidx_ref[0, 0, :]
  ph = (pidx[:, None] == lax.broadcasted_iota(jnp.int32, (M_BLK, 16), 1)
        ).astype(jnp.float32)
  pp = lax.dot_general(poshead_ref[...], wp_ref[...],
                       (((1,), (1,)), ((), ())),
                       preferred_element_type=jnp.float32)
  acc = lax.dot_general(x, we_ref[...], (((1,), (1,)), ((), ())),
                        preferred_element_type=jnp.float32)
  acc = acc + lax.dot_general(ph, pp, (((1,), (0,)), ((), ())),
                              preferred_element_type=jnp.float32)
  o_ref[...] = acc + b_ref[...]


def _project_chunk(x, pidx3, poshead, we, wp, b2, prev, blk0, n):
  h = x.shape[0]
  nb = h // M_BLK
  pdim = wp.shape[1]
  in_specs = [
      pl.BlockSpec((M_BLK, EMB), lambda i: (i, 0)),
      pl.BlockSpec((1, 1, M_BLK), lambda i: (i, 0, 0)),
      pl.BlockSpec((16, pdim), lambda i: (0, 0)),
      pl.BlockSpec((OUT, EMB), lambda i: (0, 0)),
      pl.BlockSpec((OUT, pdim), lambda i: (0, 0)),
      pl.BlockSpec((1, OUT), lambda i: (0, 0)),
  ]
  args = [x, pidx3, poshead, we, wp, b2]
  aliases = {}
  if prev is not None:
    in_specs.append(pl.BlockSpec(memory_space=pltpu.HBM))
    args.append(prev)
    aliases = {6: 0}
  return pl.pallas_call(
      _project_block,
      grid=(nb,),
      in_specs=in_specs,
      out_specs=pl.BlockSpec((M_BLK, OUT), lambda i: (blk0 + i, 0)),
      out_shape=jax.ShapeDtypeStruct((n, OUT), jnp.float32),
      input_output_aliases=aliases,
      compiler_params=pltpu.CompilerParams(
          dimension_semantics=("arbitrary",)),
  )(*args)


def kernel(entity_ids, entity_table, pos_table, entity_id_to_pos_index, W, b):
  nb_, nc, ne = entity_ids.shape
  n = entity_ids.size
  ids = jnp.transpose(entity_ids, (0, 2, 1)).reshape(-1).astype(jnp.int32)
  posmap = entity_id_to_pos_index.astype(jnp.int32)
  we = W[:, :EMB]
  wp = W[:, EMB:]
  poshead = pos_table[:16]
  b2 = b.reshape(1, OUT)
  starts = [0]
  for h in CHUNK_SIZES:
    starts.append(starts[-1] + h)
  assert starts[-1] == n
  chunks = [
      _make_sc_gather(h)(entity_table, posmap,
                         lax.slice(ids, (s,), (s + h,)))
      for s, h in zip(starts, CHUNK_SIZES)
  ]
  out = None
  for s, h, (rows_k, pidx_k) in zip(starts, CHUNK_SIZES, chunks):
    out = _project_chunk(rows_k, pidx_k.reshape(h // M_BLK, 1, M_BLK),
                         poshead, we, wp, b2, out, s // M_BLK, n)
  return out.reshape(nb_, ne, nc, OUT).transpose(0, 2, 1, 3)

# --- scband reference (transcript-rebuilt; emitter-appended) ---
"""Pipeline reference for scband-word-net-all-embedding-10539849745017 (READ-ONLY COPY).

The authoritative reference and input builder live on the scoring server;
editing this copy changes nothing except your own understanding.
"""

import jax, jax.numpy as jnp
import numpy as np

VOCAB = 100000      # entity vocabulary size (len(entities))
EMB_DIM = 512       # pretrained entity embedding dim (from h5 file)
POS_DIM = 25        # pos_embedding_dim
ENT_DIM = 512       # entity_dim (projection output)
N_POS = 9           # len(POS_MAP)


def setup_inputs(seed: int = 0) -> dict:
    key = jax.random.key(seed)
    k1, k2, k3, k4, k5 = jax.random.split(key, 5)
    entity_ids = jax.random.randint(k1, (16, 128, 30), 0, VOCAB)
    # pretrained entity embeddings; padding_idx=0 row zeroed
    entity_table = 0.02 * jax.random.normal(k2, (VOCAB, EMB_DIM), dtype=jnp.float32)
    entity_table = entity_table.at[0].set(0.0)
    # pos_embeddings is nn.Embedding(len(entities), pos_dim) in the original
    # (only indices 0..8 are ever used, but the table has VOCAB rows)
    pos_table = 0.02 * jax.random.normal(k3, (VOCAB, POS_DIM), dtype=jnp.float32)
    entity_id_to_pos_index = jax.random.randint(k4, (VOCAB,), 0, N_POS)
    kW, kb = jax.random.split(k5)
    W = 0.02 * jax.random.normal(kW, (ENT_DIM, EMB_DIM + POS_DIM), dtype=jnp.float32)
    b = jnp.zeros((ENT_DIM,), dtype=jnp.float32)
    return {
        "entity_ids": entity_ids,
        "entity_table": entity_table,
        "pos_table": pos_table,
        "entity_id_to_pos_index": entity_id_to_pos_index,
        "W": W,
        "b": b,
    }


def reference(entity_ids, entity_table, pos_table, entity_id_to_pos_index, W, b):
    # unique entity ids + inverse mapping
    unique_ids, inv = jnp.unique(
        entity_ids, return_inverse=True, size=entity_ids.size)
    inv = inv.reshape(entity_ids.shape)
    # look up pretrained embeddings for unique ids
    unique_entity_embeddings = jnp.take(entity_table, unique_ids, axis=0)
    # look up POS index per unique entity, then POS embedding
    unique_pos_ids = jnp.take(entity_id_to_pos_index, unique_ids)
    unique_pos_embeddings = jnp.take(pos_table, unique_pos_ids, axis=0)
    # concat and project (dropout in eval mode = identity)
    entity_and_pos = jnp.concatenate(
        [unique_entity_embeddings, unique_pos_embeddings], axis=-1)
    projected = entity_and_pos @ W.T + b
    # scatter back to (batch, num_candidates, num_entities, entity_dim)
    return jnp.take(projected, inv, axis=0)

if __name__ == "__main__":
    import jax
    _d = setup_inputs()
    print(jax.jit(kernel)(*tuple(_d.values())))

</pallas_src>

<mosaic_0001>
#map = affine_map<(d0, d1) -> (0, 0)>
#map1 = affine_map<(d0, d1) -> (0)>
module attributes {stable_mosaic.version = 14 : i64} {
  func.func @gather_kernel(%arg0: i32, %arg1: i32, %arg2: memref<100000x512xf32, #tpu.memory_space<hbm>>, %arg3: memref<100000xi32, #tpu.memory_space<hbm>>, %arg4: memref<15360xi32, #tpu.memory_space<hbm>>, %arg5: memref<15360x512xf32, #tpu.memory_space<hbm>>, %arg6: memref<15360xi32, #tpu.memory_space<hbm>>, %arg7: memref<480xi32, #tpu.memory_space<vmem>>, %arg8: memref<2x120x512xf32, #tpu.memory_space<vmem>>, %arg9: memref<480xi32, #tpu.memory_space<vmem>>, %arg10: memref<!tpu.dma_semaphore, #tpu.memory_space<semaphore_mem>>, %arg11: memref<!tpu.dma_semaphore, #tpu.memory_space<semaphore_mem>>, %arg12: memref<!tpu.dma_semaphore, #tpu.memory_space<semaphore_mem>>, %arg13: memref<!tpu.dma_semaphore, #tpu.memory_space<semaphore_mem>>) attributes {dimension_semantics = [#tpu.dimension_semantics<core_parallel>, #tpu.dimension_semantics<subcore_parallel>], iteration_bounds = array<i64: 2, 16>, scalar_prefetch = 0 : i64, scratch_operands = 7 : i64, tpu.core_type = #tpu.core_type<sc_vector_subcore>, window_params = [{transform_indices = #map}, {transform_indices = #map1}, {transform_indices = #map1}, {transform_indices = #map}, {transform_indices = #map1}]} {
    %mul3A = arith.constant 2 : i32
    %mul3A_0 = arith.muli %arg1, %mul3A : i32
    %add3A = arith.addi %mul3A_0, %arg0 : i32
    %mul3A_1 = arith.constant 480 : i32
    %mul3A_2 = arith.muli %add3A, %mul3A_1 : i32
    "tpu.region"() ({
      %run_scoped3A = tpu.sem_alloc : memref<!tpu.dma_semaphore, #tpu.memory_space<semaphore_mem>>
      %dma_start3A_241 = tpu.memref_slice %arg4[%mul3A_2] : memref<15360xi32, #tpu.memory_space<hbm>> -> memref<480xi32, #tpu.memory_space<hbm>>
      %dma_start3A_242 = tpu.memref_slice %arg4[%mul3A_2] : memref<15360xi32, #tpu.memory_space<hbm>> -> memref<480xi32, #tpu.memory_space<hbm>>
      tpu.enqueue_dma source(%dma_start3A_242 : memref<480xi32, #tpu.memory_space<hbm>>) target(%arg7 : memref<480xi32, #tpu.memory_space<vmem>>) target_semaphore(%run_scoped3A : memref<!tpu.dma_semaphore, #tpu.memory_space<semaphore_mem>>)
      %dma_wait3A_243 = tpu.memref_slice %arg4[%mul3A_2] : memref<15360xi32, #tpu.memory_space<hbm>> -> memref<480xi32, #tpu.memory_space<hbm>>
      %dma_wait3A_244 = tpu.memref_slice %arg4[%mul3A_2] : memref<15360xi32, #tpu.memory_space<hbm>> -> memref<480xi32, #tpu.memory_space<hbm>>
      tpu.wait_dma2 semaphore(%run_scoped3A : memref<!tpu.dma_semaphore, #tpu.memory_space<semaphore_mem>>) src(%dma_wait3A_244 : memref<480xi32, #tpu.memory_space<hbm>>) dst(%arg7 : memref<480xi32, #tpu.memory_space<vmem>>)
      tpu.yield
    }) : () -> ()
    %dma_start3A = arith.constant 0 : i32
    %dma_start3A_3 = tpu.memref_slice %arg9[%dma_start3A] : memref<480xi32, #tpu.memory_space<vmem>> -> memref<120xi32, #tpu.memory_space<vmem>>
    %dma_start3A_4 = arith.constant 0 : i32
    %dma_start3A_5 = tpu.memref_slice %arg7[%dma_start3A_4] : memref<480xi32, #tpu.memory_space<vmem>> -> memref<120xi32, #tpu.memory_space<vmem>>
    %dma_start3A_6 = arith.constant 0 : i32
    %dma_start3A_7 = tpu.memref_slice %arg3[%dma_start3A_6] : memref<100000xi32, #tpu.memory_space<hbm>> -> memref<100000xi32, #tpu.memory_space<hbm>>
    tpu.enqueue_indirect_dma source(%dma_start3A_7 : memref<100000xi32, #tpu.memory_space<hbm>>) target(%dma_start3A_3 : memref<120xi32, #tpu.memory_space<vmem>>) offsets(%dma_start3A_5 : memref<120xi32, #tpu.memory_space<vmem>>) semaphore(%arg11 : memref<!tpu.dma_semaphore, #tpu.memory_space<semaphore_mem>>)
    %dma_start3A_8 = arith.constant 120 : i32
    %dma_start3A_9 = tpu.memref_slice %arg9[%dma_start3A_8] : memref<480xi32, #tpu.memory_space<vmem>> -> memref<120xi32, #tpu.memory_space<vmem>>
    %dma_start3A_10 = arith.constant 120 : i32
    %dma_start3A_11 = tpu.memref_slice %arg7[%dma_start3A_10] : memref<480xi32, #tpu.memory_space<vmem>> -> memref<120xi32, #tpu.memory_space<vmem>>
    %dma_start3A_12 = arith.constant 0 : i32
    %dma_start3A_13 = tpu.memref_slice %arg3[%dma_start3A_12] : memref<100000xi32, #tpu.memory_space<hbm>> -> memref<100000xi32, #tpu.memory_space<hbm>>
    tpu.enqueue_indirect_dma source(%dma_start3A_13 : memref<100000xi32, #tpu.memory_space<hbm>>) target(%dma_start3A_9 : memref<120xi32, #tpu.memory_space<vmem>>) offsets(%dma_start3A_11 : memref<120xi32, #tpu.memory_space<vmem>>) semaphore(%arg11 : memref<!tpu.dma_semaphore, #tpu.memory_space<semaphore_mem>>)
    %dma_start3A_14 = arith.constant 240 : i32
    %dma_start3A_15 = tpu.memref_slice %arg9[%dma_start3A_14] : memref<480xi32, #tpu.memory_space<vmem>> -> memref<120xi32, #tpu.memory_space<vmem>>
    %dma_start3A_16 = arith.constant 240 : i32
    %dma_start3A_17 = tpu.memref_slice %arg7[%dma_start3A_16] : memref<480xi32, #tpu.memory_space<vmem>> -> memref<120xi32, #tpu.memory_space<vmem>>
    %dma_start3A_18 = arith.constant 0 : i32
    %dma_start3A_19 = tpu.memref_slice %arg3[%dma_start3A_18] : memref<100000xi32, #tpu.memory_space<hbm>> -> memref<100000xi32, #tpu.memory_space<hbm>>
    tpu.enqueue_indirect_dma source(%dma_start3A_19 : memref<100000xi32, #tpu.memory_space<hbm>>) target(%dma_start3A_15 : memref<120xi32, #tpu.memory_space<vmem>>) offsets(%dma_start3A_17 : memref<120xi32, #tpu.memory_space<vmem>>) semaphore(%arg11 : memref<!tpu.dma_semaphore, #tpu.memory_space<semaphore_mem>>)
    %dma_start3A_20 = arith.constant 360 : i32
    %dma_start3A_21 = tpu.memref_slice %arg9[%dma_start3A_20] : memref<480xi32, #tpu.memory_space<vmem>> -> memref<120xi32, #tpu.memory_space<vmem>>
    %dma_start3A_22 = arith.constant 360 : i32
    %dma_start3A_23 = tpu.memref_slice %arg7[%dma_start3A_22] : memref<480xi32, #tpu.memory_space<vmem>> -> memref<120xi32, #tpu.memory_space<vmem>>
    %dma_start3A_24 = arith.constant 0 : i32
    %dma_start3A_25 = tpu.memref_slice %arg3[%dma_start3A_24] : memref<100000xi32, #tpu.memory_space<hbm>> -> memref<100000xi32, #tpu.memory_space<hbm>>
    tpu.enqueue_indirect_dma source(%dma_start3A_25 : memref<100000xi32, #tpu.memory_space<hbm>>) target(%dma_start3A_21 : memref<120xi32, #tpu.memory_space<vmem>>) offsets(%dma_start3A_23 : memref<120xi32, #tpu.memory_space<vmem>>) semaphore(%arg11 : memref<!tpu.dma_semaphore, #tpu.memory_space<semaphore_mem>>)
    %dma_start3A_26 = arith.constant 0 : i32
    %dma_start3A_27 = arith.constant 0 : i32
    %dma_start3A_28 = arith.constant 0 : i32
    %dma_start3A_29 = tpu.memref_slice %arg8[%dma_start3A_26, %dma_start3A_27, %dma_start3A_28] : memref<2x120x512xf32, #tpu.memory_space<vmem>> -> memref<1x120x512xf32, #tpu.memory_space<vmem>>
    %dma_start3A_30 = tpu.memref_squeeze %dma_start3A_29 : memref<1x120x512xf32, #tpu.memory_space<vmem>> -> memref<120x512xf32, #tpu.memory_space<vmem>>
    %dma_start3A_31 = arith.constant 0 : i32
    %dma_start3A_32 = tpu.memref_slice %arg7[%dma_start3A_31] : memref<480xi32, #tpu.memory_space<vmem>> -> memref<120xi32, #tpu.memory_space<vmem>>
    %dma_start3A_33 = arith.constant 0 : i32
    %dma_start3A_34 = arith.constant 0 : i32
    %dma_start3A_35 = tpu.memref_slice %arg2[%dma_start3A_33, %dma_start3A_34] : memref<100000x512xf32, #tpu.memory_space<hbm>> -> memref<100000x512xf32, #tpu.memory_space<hbm>>
    tpu.enqueue_indirect_dma source(%dma_start3A_35 : memref<100000x512xf32, #tpu.memory_space<hbm>>) target(%dma_start3A_30 : memref<120x512xf32, #tpu.memory_space<vmem>>) offsets(%dma_start3A_32 : memref<120xi32, #tpu.memory_space<vmem>>) semaphore(%arg10 : memref<!tpu.dma_semaphore, #tpu.memory_space<semaphore_mem>>)
    %dma_wait3A = arith.constant 0 : i32
    %dma_wait3A_36 = arith.constant 0 : i32
    %dma_wait3A_37 = arith.constant 0 : i32
    %dma_wait3A_38 = tpu.memref_slice %arg8[%dma_wait3A, %dma_wait3A_36, %dma_wait3A_37] : memref<2x120x512xf32, #tpu.memory_space<vmem>> -> memref<1x120x512xf32, #tpu.memory_space<vmem>>
    %dma_wait3A_39 = tpu.memref_squeeze %dma_wait3A_38 : memref<1x120x512xf32, #tpu.memory_space<vmem>> -> memref<120x512xf32, #tpu.memory_space<vmem>>
    %dma_wait3A_40 = arith.constant 0 : i32
    %dma_wait3A_41 = tpu.memref_slice %arg7[%dma_wait3A_40] : memref<480xi32, #tpu.memory_space<vmem>> -> memref<120xi32, #tpu.memory_space<vmem>>
    %dma_wait3A_42 = arith.constant 0 : i32
    %dma_wait3A_43 = arith.constant 0 : i32
    %dma_wait3A_44 = tpu.memref_slice %arg2[%dma_wait3A_42, %dma_wait3A_43] : memref<100000x512xf32, #tpu.memory_space<hbm>> -> memref<100000x512xf32, #tpu.memory_space<hbm>>
    tpu.wait_indirect_dma semaphore(%arg10 : memref<!tpu.dma_semaphore, #tpu.memory_space<semaphore_mem>>) src(%dma_wait3A_44 : memref<100000x512xf32, #tpu.memory_space<hbm>>) dst(%dma_wait3A_39 : memref<120x512xf32, #tpu.memory_space<vmem>>)
    %add3A_45 = arith.constant 0 : i32
    %add3A_46 = arith.addi %mul3A_2, %add3A_45 : i32
    %dma_start3A_47 = arith.constant 0 : i32
    %dma_start3A_48 = arith.constant 0 : i32
    %dma_start3A_49 = arith.constant 0 : i32
    %dma_start3A_50 = tpu.memref_slice %arg8[%dma_start3A_47, %dma_start3A_48, %dma_start3A_49] : memref<2x120x512xf32, #tpu.memory_space<vmem>> -> memref<1x120x512xf32, #tpu.memory_space<vmem>>
    %dma_start3A_51 = tpu.memref_squeeze %dma_start3A_50 : memref<1x120x512xf32, #tpu.memory_space<vmem>> -> memref<120x512xf32, #tpu.memory_space<vmem>>
    %dma_start3A_52 = arith.constant 0 : i32
    %dma_start3A_53 = tpu.memref_slice %arg5[%add3A_46, %dma_start3A_52] : memref<15360x512xf32, #tpu.memory_space<hbm>> -> memref<120x512xf32, #tpu.memory_space<hbm>>
    %dma_start3A_54 = arith.constant 0 : i32
    %dma_start3A_55 = tpu.memref_slice %arg5[%add3A_46, %dma_start3A_54] : memref<15360x512xf32, #tpu.memory_space<hbm>> -> memref<120x512xf32, #tpu.memory_space<hbm>>
    %dma_start3A_56 = arith.constant 0 : i32
    %dma_start3A_57 = arith.constant 0 : i32
    %dma_start3A_58 = tpu.memref_slice %arg8[%dma_start3A_47, %dma_start3A_56, %dma_start3A_57] : memref<2x120x512xf32, #tpu.memory_space<vmem>> -> memref<1x120x512xf32, #tpu.memory_space<vmem>>
    %dma_start3A_59 = tpu.memref_squeeze %dma_start3A_58 : memref<1x120x512xf32, #tpu.memory_space<vmem>> -> memref<120x512xf32, #tpu.memory_space<vmem>>
    tpu.enqueue_dma source(%dma_start3A_59 : memref<120x512xf32, #tpu.memory_space<vmem>>) target(%dma_start3A_55 : memref<120x512xf32, #tpu.memory_space<hbm>>) target_semaphore(%arg12 : memref<!tpu.dma_semaphore, #tpu.memory_space<semaphore_mem>>)
    %dma_start3A_60 = arith.constant 1 : i32
    %dma_start3A_61 = arith.constant 0 : i32
    %dma_start3A_62 = arith.constant 0 : i32
    %dma_start3A_63 = tpu.memref_slice %arg8[%dma_start3A_60, %dma_start3A_61, %dma_start3A_62] : memref<2x120x512xf32, #tpu.memory_space<vmem>> -> memref<1x120x512xf32, #tpu.memory_space<vmem>>
    %dma_start3A_64 = tpu.memref_squeeze %dma_start3A_63 : memref<1x120x512xf32, #tpu.memory_space<vmem>> -> memref<120x512xf32, #tpu.memory_space<vmem>>
    %dma_start3A_65 = arith.constant 120 : i32
    %dma_start3A_66 = tpu.memref_slice %arg7[%dma_start3A_65] : memref<480xi32, #tpu.memory_space<vmem>> -> memref<120xi32, #tpu.memory_space<vmem>>
    %dma_start3A_67 = arith.constant 0 : i32
    %dma_start3A_68 = arith.constant 0 : i32
    %dma_start3A_69 = tpu.memref_slice %arg2[%dma_start3A_67, %dma_start3A_68] : memref<100000x512xf32, #tpu.memory_space<hbm>> -> memref<100000x512xf32, #tpu.memory_space<hbm>>
    tpu.enqueue_indirect_dma source(%dma_start3A_69 : memref<100000x512xf32, #tpu.memory_space<hbm>>) target(%dma_start3A_64 : memref<120x512xf32, #tpu.memory_space<vmem>>) offsets(%dma_start3A_66 : memref<120xi32, #tpu.memory_space<vmem>>) semaphore(%arg10 : memref<!tpu.dma_semaphore, #tpu.memory_space<semaphore_mem>>)
    %dma_wait3A_70 = arith.constant 1 : i32
    %dma_wait3A_71 = arith.constant 0 : i32
    %dma_wait3A_72 = arith.constant 0 : i32
    %dma_wait3A_73 = tpu.memref_slice %arg8[%dma_wait3A_70, %dma_wait3A_71, %dma_wait3A_72] : memref<2x120x512xf32, #tpu.memory_space<vmem>> -> memref<1x120x512xf32, #tpu.memory_space<vmem>>
    %dma_wait3A_74 = tpu.memref_squeeze %dma_wait3A_73 : memref<1x120x512xf32, #tpu.memory_space<vmem>> -> memref<120x512xf32, #tpu.memory_space<vmem>>
    %dma_wait3A_75 = arith.constant 120 : i32
    %dma_wait3A_76 = tpu.memref_slice %arg7[%dma_wait3A_75] : memref<480xi32, #tpu.memory_space<vmem>> -> memref<120xi32, #tpu.memory_space<vmem>>
    %dma_wait3A_77 = arith.constant 0 : i32
    %dma_wait3A_78 = arith.constant 0 : i32
    %dma_wait3A_79 = tpu.memref_slice %arg2[%dma_wait3A_77, %dma_wait3A_78] : memref<100000x512xf32, #tpu.memory_space<hbm>> -> memref<100000x512xf32, #tpu.memory_space<hbm>>
    tpu.wait_indirect_dma semaphore(%arg10 : memref<!tpu.dma_semaphore, #tpu.memory_space<semaphore_mem>>) src(%dma_wait3A_79 : memref<100000x512xf32, #tpu.memory_space<hbm>>) dst(%dma_wait3A_74 : memref<120x512xf32, #tpu.memory_space<vmem>>)
    %add3A_80 = arith.constant 120 : i32
    %add3A_81 = arith.addi %mul3A_2, %add3A_80 : i32
    %dma_start3A_82 = arith.constant 1 : i32
    %dma_start3A_83 = arith.constant 0 : i32
    %dma_start3A_84 = arith.constant 0 : i32
    %dma_start3A_85 = tpu.memref_slice %arg8[%dma_start3A_82, %dma_start3A_83, %dma_start3A_84] : memref<2x120x512xf32, #tpu.memory_space<vmem>> -> memref<1x120x512xf32, #tpu.memory_space<vmem>>
    %dma_start3A_86 = tpu.memref_squeeze %dma_start3A_85 : memref<1x120x512xf32, #tpu.memory_space<vmem>> -> memref<120x512xf32, #tpu.memory_space<vmem>>
    %dma_start3A_87 = arith.constant 0 : i32
    %dma_start3A_88 = tpu.memref_slice %arg5[%add3A_81, %dma_start3A_87] : memref<15360x512xf32, #tpu.memory_space<hbm>> -> memref<120x512xf32, #tpu.memory_space<hbm>>
    %dma_start3A_89 = arith.constant 0 : i32
    %dma_start3A_90 = tpu.memref_slice %arg5[%add3A_81, %dma_start3A_89] : memref<15360x512xf32, #tpu.memory_space<hbm>> -> memref<120x512xf32, #tpu.memory_space<hbm>>
    %dma_start3A_91 = arith.constant 0 : i32
    %dma_start3A_92 = arith.constant 0 : i32
    %dma_start3A_93 = tpu.memref_slice %arg8[%dma_start3A_82, %dma_start3A_91, %dma_start3A_92] : memref<2x120x512xf32, #tpu.memory_space<vmem>> -> memref<1x120x512xf32, #tpu.memory_space<vmem>>
    %dma_start3A_94 = tpu.memref_squeeze %dma_start3A_93 : memref<1x120x512xf32, #tpu.memory_space<vmem>> -> memref<120x512xf32, #tpu.memory_space<vmem>>
    tpu.enqueue_dma source(%dma_start3A_94 : memref<120x512xf32, #tpu.memory_space<vmem>>) target(%dma_start3A_90 : memref<120x512xf32, #tpu.memory_space<hbm>>) target_semaphore(%arg13 : memref<!tpu.dma_semaphore, #tpu.memory_space<semaphore_mem>>)
    %dma_wait3A_95 = arith.constant 0 : i32
    %dma_wait3A_96 = arith.constant 0 : i32
    %dma_wait3A_97 = arith.constant 0 : i32
    %dma_wait3A_98 = tpu.memref_slice %arg8[%dma_wait3A_95, %dma_wait3A_96, %dma_wait3A_97] : memref<2x120x512xf32, #tpu.memory_space<vmem>> -> memref<1x120x512xf32, #tpu.memory_space<vmem>>
    %dma_wait3A_99 = tpu.memref_squeeze %dma_wait3A_98 : memref<1x120x512xf32, #tpu.memory_space<vmem>> -> memref<120x512xf32, #tpu.memory_space<vmem>>
    %dma_wait3A_100 = arith.constant 0 : i32
    %dma_wait3A_101 = tpu.memref_slice %arg5[%add3A_46, %dma_wait3A_100] : memref<15360x512xf32, #tpu.memory_space<hbm>> -> memref<120x512xf32, #tpu.memory_space<hbm>>
    %dma_wait3A_102 = arith.constant 0 : i32
    %dma_wait3A_103 = tpu.memref_slice %arg5[%add3A_46, %dma_wait3A_102] : memref<15360x512xf32, #tpu.memory_space<hbm>> -> memref<120x512xf32, #tpu.memory_space<hbm>>
    %dma_wait3A_104 = arith.constant 0 : i32
    %dma_wait3A_105 = arith.constant 0 : i32
    %dma_wait3A_106 = tpu.memref_slice %arg8[%dma_wait3A_95, %dma_wait3A_104, %dma_wait3A_105] : memref<2x120x512xf32, #tpu.memory_space<vmem>> -> memref<1x120x512xf32, #tpu.memory_space<vmem>>
    %dma_wait3A_107 = tpu.memref_squeeze %dma_wait3A_106 : memref<1x120x512xf32, #tpu.memory_space<vmem>> -> memref<120x512xf32, #tpu.memory_space<vmem>>
    tpu.wait_dma2 semaphore(%arg12 : memref<!tpu.dma_semaphore, #tpu.memory_space<semaphore_mem>>) src(%dma_wait3A_107 : memref<120x512xf32, #tpu.memory_space<vmem>>) dst(%dma_wait3A_103 : memref<120x512xf32, #tpu.memory_space<hbm>>)
    %dma_start3A_108 = arith.constant 0 : i32
    %dma_start3A_109 = arith.constant 0 : i32
    %dma_start3A_110 = arith.constant 0 : i32
    %dma_start3A_111 = tpu.memref_slice %arg8[%dma_start3A_108, %dma_start3A_109, %dma_start3A_110] : memref<2x120x512xf32, #tpu.memory_space<vmem>> -> memref<1x120x512xf32, #tpu.memory_space<vmem>>
    %dma_start3A_112 = tpu.memref_squeeze %dma_start3A_111 : memref<1x120x512xf32, #tpu.memory_space<vmem>> -> memref<120x512xf32, #tpu.memory_space<vmem>>
    %dma_start3A_113 = arith.constant 240 : i32
    %dma_start3A_114 = tpu.memref_slice %arg7[%dma_start3A_113] : memref<480xi32, #tpu.memory_space<vmem>> -> memref<120xi32, #tpu.memory_space<vmem>>
    %dma_start3A_115 = arith.constant 0 : i32
    %dma_start3A_116 = arith.constant 0 : i32
    %dma_start3A_117 = tpu.memref_slice %arg2[%dma_start3A_115, %dma_start3A_116] : memref<100000x512xf32, #tpu.memory_space<hbm>> -> memref<100000x512xf32, #tpu.memory_space<hbm>>
    tpu.enqueue_indirect_dma source(%dma_start3A_117 : memref<100000x512xf32, #tpu.memory_space<hbm>>) target(%dma_start3A_112 : memref<120x512xf32, #tpu.memory_space<vmem>>) offsets(%dma_start3A_114 : memref<120xi32, #tpu.memory_space<vmem>>) semaphore(%arg10 : memref<!tpu.dma_semaphore, #tpu.memory_space<semaphore_mem>>)
    %dma_wait3A_118 = arith.constant 0 : i32
    %dma_wait3A_119 = arith.constant 0 : i32
    %dma_wait3A_120 = arith.constant 0 : i32
    %dma_wait3A_121 = tpu.memref_slice %arg8[%dma_wait3A_118, %dma_wait3A_119, %dma_wait3A_120] : memref<2x120x512xf32, #tpu.memory_space<vmem>> -> memref<1x120x512xf32, #tpu.memory_space<vmem>>
    %dma_wait3A_122 = tpu.memref_squeeze %dma_wait3A_121 : memref<1x120x512xf32, #tpu.memory_space<vmem>> -> memref<120x512xf32, #tpu.memory_space<vmem>>
    %dma_wait3A_123 = arith.constant 240 : i32
    %dma_wait3A_124 = tpu.memref_slice %arg7[%dma_wait3A_123] : memref<480xi32, #tpu.memory_space<vmem>> -> memref<120xi32, #tpu.memory_space<vmem>>
    %dma_wait3A_125 = arith.constant 0 : i32
    %dma_wait3A_126 = arith.constant 0 : i32
    %dma_wait3A_127 = tpu.memref_slice %arg2[%dma_wait3A_125, %dma_wait3A_126] : memref<100000x512xf32, #tpu.memory_space<hbm>> -> memref<100000x512xf32, #tpu.memory_space<hbm>>
    tpu.wait_indirect_dma semaphore(%arg10 : memref<!tpu.dma_semaphore, #tpu.memory_space<semaphore_mem>>) src(%dma_wait3A_127 : memref<100000x512xf32, #tpu.memory_space<hbm>>) dst(%dma_wait3A_122 : memref<120x512xf32, #tpu.memory_space<vmem>>)
    %add3A_128 = arith.constant 240 : i32
    %add3A_129 = arith.addi %mul3A_2, %add3A_128 : i32
    %dma_start3A_130 = arith.constant 0 : i32
    %dma_start3A_131 = arith.constant 0 : i32
    %dma_start3A_132 = arith.constant 0 : i32
    %dma_start3A_133 = tpu.memref_slice %arg8[%dma_start3A_130, %dma_start3A_131, %dma_start3A_132] : memref<2x120x512xf32, #tpu.memory_space<vmem>> -> memref<1x120x512xf32, #tpu.memory_space<vmem>>
    %dma_start3A_134 = tpu.memref_squeeze %dma_start3A_133 : memref<1x120x512xf32, #tpu.memory_space<vmem>> -> memref<120x512xf32, #tpu.memory_space<vmem>>
    %dma_start3A_135 = arith.constant 0 : i32
    %dma_start3A_136 = tpu.memref_slice %arg5[%add3A_129, %dma_start3A_135] : memref<15360x512xf32, #tpu.memory_space<hbm>> -> memref<120x512xf32, #tpu.memory_space<hbm>>
    %dma_start3A_137 = arith.constant 0 : i32
    %dma_start3A_138 = tpu.memref_slice %arg5[%add3A_129, %dma_start3A_137] : memref<15360x512xf32, #tpu.memory_space<hbm>> -> memref<120x512xf32, #tpu.memory_space<hbm>>
    %dma_start3A_139 = arith.constant 0 : i32
    %dma_start3A_140 = arith.constant 0 : i32
    %dma_start3A_141 = tpu.memref_slice %arg8[%dma_start3A_130, %dma_start3A_139, %dma_start3A_140] : memref<2x120x512xf32, #tpu.memory_space<vmem>> -> memref<1x120x512xf32, #tpu.memory_space<vmem>>
    %dma_start3A_142 = tpu.memref_squeeze %dma_start3A_141 : memref<1x120x512xf32, #tpu.memory_space<vmem>> -> memref<120x512xf32, #tpu.memory_space<vmem>>
    tpu.enqueue_dma source(%dma_start3A_142 : memref<120x512xf32, #tpu.memory_space<vmem>>) target(%dma_start3A_138 : memref<120x512xf32, #tpu.memory_space<hbm>>) target_semaphore(%arg12 : memref<!tpu.dma_semaphore, #tpu.memory_space<semaphore_mem>>)
    %dma_wait3A_143 = arith.constant 1 : i32
    %dma_wait3A_144 = arith.constant 0 : i32
    %dma_wait3A_145 = arith.constant 0 : i32
    %dma_wait3A_146 = tpu.memref_slice %arg8[%dma_wait3A_143, %dma_wait3A_144, %dma_wait3A_145] : memref<2x120x512xf32, #tpu.memory_space<vmem>> -> memref<1x120x512xf32, #tpu.memory_space<vmem>>
    %dma_wait3A_147 = tpu.memref_squeeze %dma_wait3A_146 : memref<1x120x512xf32, #tpu.memory_space<vmem>> -> memref<120x512xf32, #tpu.memory_space<vmem>>
    %dma_wait3A_148 = arith.constant 0 : i32
    %dma_wait3A_149 = tpu.memref_slice %arg5[%add3A_81, %dma_wait3A_148] : memref<15360x512xf32, #tpu.memory_space<hbm>> -> memref<120x512xf32, #tpu.memory_space<hbm>>
    %dma_wait3A_150 = arith.constant 0 : i32
    %dma_wait3A_151 = tpu.memref_slice %arg5[%add3A_81, %dma_wait3A_150] : memref<15360x512xf32, #tpu.memory_space<hbm>> -> memref<120x512xf32, #tpu.memory_space<hbm>>
    %dma_wait3A_152 = arith.constant 0 : i32
    %dma_wait3A_153 = arith.constant 0 : i32
    %dma_wait3A_154 = tpu.memref_slice %arg8[%dma_wait3A_143, %dma_wait3A_152, %dma_wait3A_153] : memref<2x120x512xf32, #tpu.memory_space<vmem>> -> memref<1x120x512xf32, #tpu.memory_space<vmem>>
    %dma_wait3A_155 = tpu.memref_squeeze %dma_wait3A_154 : memref<1x120x512xf32, #tpu.memory_space<vmem>> -> memref<120x512xf32, #tpu.memory_space<vmem>>
    tpu.wait_dma2 semaphore(%arg13 : memref<!tpu.dma_semaphore, #tpu.memory_space<semaphore_mem>>) src(%dma_wait3A_155 : memref<120x512xf32, #tpu.memory_space<vmem>>) dst(%dma_wait3A_151 : memref<120x512xf32, #tpu.memory_space<hbm>>)
    %dma_start3A_156 = arith.constant 1 : i32
    %dma_start3A_157 = arith.constant 0 : i32
    %dma_start3A_158 = arith.constant 0 : i32
    %dma_start3A_159 = tpu.memref_slice %arg8[%dma_start3A_156, %dma_start3A_157, %dma_start3A_158] : memref<2x120x512xf32, #tpu.memory_space<vmem>> -> memref<1x120x512xf32, #tpu.memory_space<vmem>>
    %dma_start3A_160 = tpu.memref_squeeze %dma_start3A_159 : memref<1x120x512xf32, #tpu.memory_space<vmem>> -> memref<120x512xf32, #tpu.memory_space<vmem>>
    %dma_start3A_161 = arith.constant 360 : i32
    %dma_start3A_162 = tpu.memref_slice %arg7[%dma_start3A_161] : memref<480xi32, #tpu.memory_space<vmem>> -> memref<120xi32, #tpu.memory_space<vmem>>
    %dma_start3A_163 = arith.constant 0 : i32
    %dma_start3A_164 = arith.constant 0 : i32
    %dma_start3A_165 = tpu.memref_slice %arg2[%dma_start3A_163, %dma_start3A_164] : memref<100000x512xf32, #tpu.memory_space<hbm>> -> memref<100000x512xf32, #tpu.memory_space<hbm>>
    tpu.enqueue_indirect_dma source(%dma_start3A_165 : memref<100000x512xf32, #tpu.memory_space<hbm>>) target(%dma_start3A_160 : memref<120x512xf32, #tpu.memory_space<vmem>>) offsets(%dma_start3A_162 : memref<120xi32, #tpu.memory_space<vmem>>) semaphore(%arg10 : memref<!tpu.dma_semaphore, #tpu.memory_space<semaphore_mem>>)
    %dma_wait3A_166 = arith.constant 1 : i32
    %dma_wait3A_167 = arith.constant 0 : i32
    %dma_wait3A_168 = arith.constant 0 : i32
    %dma_wait3A_169 = tpu.memref_slice %arg8[%dma_wait3A_166, %dma_wait3A_167, %dma_wait3A_168] : memref<2x120x512xf32, #tpu.memory_space<vmem>> -> memref<1x120x512xf32, #tpu.memory_space<vmem>>
    %dma_wait3A_170 = tpu.memref_squeeze %dma_wait3A_169 : memref<1x120x512xf32, #tpu.memory_space<vmem>> -> memref<120x512xf32, #tpu.memory_space<vmem>>
    %dma_wait3A_171 = arith.constant 360 : i32
    %dma_wait3A_172 = tpu.memref_slice %arg7[%dma_wait3A_171] : memref<480xi32, #tpu.memory_space<vmem>> -> memref<120xi32, #tpu.memory_space<vmem>>
    %dma_wait3A_173 = arith.constant 0 : i32
    %dma_wait3A_174 = arith.constant 0 : i32
    %dma_wait3A_175 = tpu.memref_slice %arg2[%dma_wait3A_173, %dma_wait3A_174] : memref<100000x512xf32, #tpu.memory_space<hbm>> -> memref<100000x512xf32, #tpu.memory_space<hbm>>
    tpu.wait_indirect_dma semaphore(%arg10 : memref<!tpu.dma_semaphore, #tpu.memory_space<semaphore_mem>>) src(%dma_wait3A_175 : memref<100000x512xf32, #tpu.memory_space<hbm>>) dst(%dma_wait3A_170 : memref<120x512xf32, #tpu.memory_space<vmem>>)
    %add3A_176 = arith.constant 360 : i32
    %add3A_177 = arith.addi %mul3A_2, %add3A_176 : i32
    %dma_start3A_178 = arith.constant 1 : i32
    %dma_start3A_179 = arith.constant 0 : i32
    %dma_start3A_180 = arith.constant 0 : i32
    %dma_start3A_181 = tpu.memref_slice %arg8[%dma_start3A_178, %dma_start3A_179, %dma_start3A_180] : memref<2x120x512xf32, #tpu.memory_space<vmem>> -> memref<1x120x512xf32, #tpu.memory_space<vmem>>
    %dma_start3A_182 = tpu.memref_squeeze %dma_start3A_181 : memref<1x120x512xf32, #tpu.memory_space<vmem>> -> memref<120x512xf32, #tpu.memory_space<vmem>>
    %dma_start3A_183 = arith.constant 0 : i32
    %dma_start3A_184 = tpu.memref_slice %arg5[%add3A_177, %dma_start3A_183] : memref<15360x512xf32, #tpu.memory_space<hbm>> -> memref<120x512xf32, #tpu.memory_space<hbm>>
    %dma_start3A_185 = arith.constant 0 : i32
    %dma_start3A_186 = tpu.memref_slice %arg5[%add3A_177, %dma_start3A_185] : memref<15360x512xf32, #tpu.memory_space<hbm>> -> memref<120x512xf32, #tpu.memory_space<hbm>>
    %dma_start3A_187 = arith.constant 0 : i32
    %dma_start3A_188 = arith.constant 0 : i32
    %dma_start3A_189 = tpu.memref_slice %arg8[%dma_start3A_178, %dma_start3A_187, %dma_start3A_188] : memref<2x120x512xf32, #tpu.memory_space<vmem>> -> memref<1x120x512xf32, #tpu.memory_space<vmem>>
    %dma_start3A_190 = tpu.memref_squeeze %dma_start3A_189 : memref<1x120x512xf32, #tpu.memory_space<vmem>> -> memref<120x512xf32, #tpu.memory_space<vmem>>
    tpu.enqueue_dma source(%dma_start3A_190 : memref<120x512xf32, #tpu.memory_space<vmem>>) target(%dma_start3A_186 : memref<120x512xf32, #tpu.memory_space<hbm>>) target_semaphore(%arg13 : memref<!tpu.dma_semaphore, #tpu.memory_space<semaphore_mem>>)
    %dma_wait3A_191 = arith.constant 0 : i32
    %dma_wait3A_192 = arith.constant 0 : i32
    %dma_wait3A_193 = arith.constant 0 : i32
    %dma_wait3A_194 = tpu.memref_slice %arg8[%dma_wait3A_191, %dma_wait3A_192, %dma_wait3A_193] : memref<2x120x512xf32, #tpu.memory_space<vmem>> -> memref<1x120x512xf32, #tpu.memory_space<vmem>>
    %dma_wait3A_195 = tpu.memref_squeeze %dma_wait3A_194 : memref<1x120x512xf32, #tpu.memory_space<vmem>> -> memref<120x512xf32, #tpu.memory_space<vmem>>
    %dma_wait3A_196 = arith.constant 0 : i32
    %dma_wait3A_197 = tpu.memref_slice %arg5[%add3A_129, %dma_wait3A_196] : memref<15360x512xf32, #tpu.memory_space<hbm>> -> memref<120x512xf32, #tpu.memory_space<hbm>>
    %dma_wait3A_198 = arith.constant 0 : i32
    %dma_wait3A_199 = tpu.memref_slice %arg5[%add3A_129, %dma_wait3A_198] : memref<15360x512xf32, #tpu.memory_space<hbm>> -> memref<120x512xf32, #tpu.memory_space<hbm>>
    %dma_wait3A_200 = arith.constant 0 : i32
    %dma_wait3A_201 = arith.constant 0 : i32
    %dma_wait3A_202 = tpu.memref_slice %arg8[%dma_wait3A_191, %dma_wait3A_200, %dma_wait3A_201] : memref<2x120x512xf32, #tpu.memory_space<vmem>> -> memref<1x120x512xf32, #tpu.memory_space<vmem>>
    %dma_wait3A_203 = tpu.memref_squeeze %dma_wait3A_202 : memref<1x120x512xf32, #tpu.memory_space<vmem>> -> memref<120x512xf32, #tpu.memory_space<vmem>>
    tpu.wait_dma2 semaphore(%arg12 : memref<!tpu.dma_semaphore, #tpu.memory_space<semaphore_mem>>) src(%dma_wait3A_203 : memref<120x512xf32, #tpu.memory_space<vmem>>) dst(%dma_wait3A_199 : memref<120x512xf32, #tpu.memory_space<hbm>>)
    %dma_wait3A_204 = arith.constant 1 : i32
    %dma_wait3A_205 = arith.constant 0 : i32
    %dma_wait3A_206 = arith.constant 0 : i32
    %dma_wait3A_207 = tpu.memref_slice %arg8[%dma_wait3A_204, %dma_wait3A_205, %dma_wait3A_206] : memref<2x120x512xf32, #tpu.memory_space<vmem>> -> memref<1x120x512xf32, #tpu.memory_space<vmem>>
    %dma_wait3A_208 = tpu.memref_squeeze %dma_wait3A_207 : memref<1x120x512xf32, #tpu.memory_space<vmem>> -> memref<120x512xf32, #tpu.memory_space<vmem>>
    %dma_wait3A_209 = arith.constant 0 : i32
    %dma_wait3A_210 = tpu.memref_slice %arg5[%add3A_177, %dma_wait3A_209] : memref<15360x512xf32, #tpu.memory_space<hbm>> -> memref<120x512xf32, #tpu.memory_space<hbm>>
    %dma_wait3A_211 = arith.constant 0 : i32
    %dma_wait3A_212 = tpu.memref_slice %arg5[%add3A_177, %dma_wait3A_211] : memref<15360x512xf32, #tpu.memory_space<hbm>> -> memref<120x512xf32, #tpu.memory_space<hbm>>
    %dma_wait3A_213 = arith.constant 0 : i32
    %dma_wait3A_214 = arith.constant 0 : i32
    %dma_wait3A_215 = tpu.memref_slice %arg8[%dma_wait3A_204, %dma_wait3A_213, %dma_wait3A_214] : memref<2x120x512xf32, #tpu.memory_space<vmem>> -> memref<1x120x512xf32, #tpu.memory_space<vmem>>
    %dma_wait3A_216 = tpu.memref_squeeze %dma_wait3A_215 : memref<1x120x512xf32, #tpu.memory_space<vmem>> -> memref<120x512xf32, #tpu.memory_space<vmem>>
    tpu.wait_dma2 semaphore(%arg13 : memref<!tpu.dma_semaphore, #tpu.memory_space<semaphore_mem>>) src(%dma_wait3A_216 : memref<120x512xf32, #tpu.memory_space<vmem>>) dst(%dma_wait3A_212 : memref<120x512xf32, #tpu.memory_space<hbm>>)
    %dma_wait3A_217 = arith.constant 0 : i32
    %dma_wait3A_218 = tpu.memref_slice %arg9[%dma_wait3A_217] : memref<480xi32, #tpu.memory_space<vmem>> -> memref<120xi32, #tpu.memory_space<vmem>>
    %dma_wait3A_219 = arith.constant 0 : i32
    %dma_wait3A_220 = tpu.memref_slice %arg7[%dma_wait3A_219] : memref<480xi32, #tpu.memory_space<vmem>> -> memref<120xi32, #tpu.memory_space<vmem>>
    %dma_wait3A_221 = arith.constant 0 : i32
    %dma_wait3A_222 = tpu.memref_slice %arg3[%dma_wait3A_221] : memref<100000xi32, #tpu.memory_space<hbm>> -> memref<100000xi32, #tpu.memory_space<hbm>>
    tpu.wait_indirect_dma semaphore(%arg11 : memref<!tpu.dma_semaphore, #tpu.memory_space<semaphore_mem>>) src(%dma_wait3A_222 : memref<100000xi32, #tpu.memory_space<hbm>>) dst(%dma_wait3A_218 : memref<120xi32, #tpu.memory_space<vmem>>)
    %dma_wait3A_223 = arith.constant 120 : i32
    %dma_wait3A_224 = tpu.memref_slice %arg9[%dma_wait3A_223] : memref<480xi32, #tpu.memory_space<vmem>> -> memref<120xi32, #tpu.memory_space<vmem>>
    %dma_wait3A_225 = arith.constant 120 : i32
    %dma_wait3A_226 = tpu.memref_slice %arg7[%dma_wait3A_225] : memref<480xi32, #tpu.memory_space<vmem>> -> memref<120xi32, #tpu.memory_space<vmem>>
    %dma_wait3A_227 = arith.constant 0 : i32
    %dma_wait3A_228 = tpu.memref_slice %arg3[%dma_wait3A_227] : memref<100000xi32, #tpu.memory_space<hbm>> -> memref<100000xi32, #tpu.memory_space<hbm>>
    tpu.wait_indirect_dma semaphore(%arg11 : memref<!tpu.dma_semaphore, #tpu.memory_space<semaphore_mem>>) src(%dma_wait3A_228 : memref<100000xi32, #tpu.memory_space<hbm>>) dst(%dma_wait3A_224 : memref<120xi32, #tpu.memory_space<vmem>>)
    %dma_wait3A_229 = arith.constant 240 : i32
    %dma_wait3A_230 = tpu.memref_slice %arg9[%dma_wait3A_229] : memref<480xi32, #tpu.memory_space<vmem>> -> memref<120xi32, #tpu.memory_space<vmem>>
    %dma_wait3A_231 = arith.constant 240 : i32
    %dma_wait3A_232 = tpu.memref_slice %arg7[%dma_wait3A_231] : memref<480xi32, #tpu.memory_space<vmem>> -> memref<120xi32, #tpu.memory_space<vmem>>
    %dma_wait3A_233 = arith.constant 0 : i32
    %dma_wait3A_234 = tpu.memref_slice %arg3[%dma_wait3A_233] : memref<100000xi32, #tpu.memory_space<hbm>> -> memref<100000xi32, #tpu.memory_space<hbm>>
    tpu.wait_indirect_dma semaphore(%arg11 : memref<!tpu.dma_semaphore, #tpu.memory_space<semaphore_mem>>) src(%dma_wait3A_234 : memref<100000xi32, #tpu.memory_space<hbm>>) dst(%dma_wait3A_230 : memref<120xi32, #tpu.memory_space<vmem>>)
    %dma_wait3A_235 = arith.constant 360 : i32
    %dma_wait3A_236 = tpu.memref_slice %arg9[%dma_wait3A_235] : memref<480xi32, #tpu.memory_space<vmem>> -> memref<120xi32, #tpu.memory_space<vmem>>
    %dma_wait3A_237 = arith.constant 360 : i32
    %dma_wait3A_238 = tpu.memref_slice %arg7[%dma_wait3A_237] : memref<480xi32, #tpu.memory_space<vmem>> -> memref<120xi32, #tpu.memory_space<vmem>>
    %dma_wait3A_239 = arith.constant 0 : i32
    %dma_wait3A_240 = tpu.memref_slice %arg3[%dma_wait3A_239] : memref<100000xi32, #tpu.memory_space<hbm>> -> memref<100000xi32, #tpu.memory_space<hbm>>
    tpu.wait_indirect_dma semaphore(%arg11 : memref<!tpu.dma_semaphore, #tpu.memory_space<semaphore_mem>>) src(%dma_wait3A_240 : memref<100000xi32, #tpu.memory_space<hbm>>) dst(%dma_wait3A_236 : memref<120xi32, #tpu.memory_space<vmem>>)
    "tpu.region"() ({
      %run_scoped3A = tpu.sem_alloc : memref<!tpu.dma_semaphore, #tpu.memory_space<semaphore_mem>>
      %dma_start3A_241 = tpu.memref_slice %arg6[%mul3A_2] : memref<15360xi32, #tpu.memory_space<hbm>> -> memref<480xi32, #tpu.memory_space<hbm>>
      %dma_start3A_242 = tpu.memref_slice %arg6[%mul3A_2] : memref<15360xi32, #tpu.memory_space<hbm>> -> memref<480xi32, #tpu.memory_space<hbm>>
      tpu.enqueue_dma source(%arg9 : memref<480xi32, #tpu.memory_space<vmem>>) target(%dma_start3A_242 : memref<480xi32, #tpu.memory_space<hbm>>) target_semaphore(%run_scoped3A : memref<!tpu.dma_semaphore, #tpu.memory_space<semaphore_mem>>)
      %dma_wait3A_243 = tpu.memref_slice %arg6[%mul3A_2] : memref<15360xi32, #tpu.memory_space<hbm>> -> memref<480xi32, #tpu.memory_space<hbm>>
      %dma_wait3A_244 = tpu.memref_slice %arg6[%mul3A_2] : memref<15360xi32, #tpu.memory_space<hbm>> -> memref<480xi32, #tpu.memory_space<hbm>>
      tpu.wait_dma2 semaphore(%run_scoped3A : memref<!tpu.dma_semaphore, #tpu.memory_space<semaphore_mem>>) src(%arg9 : memref<480xi32, #tpu.memory_space<vmem>>) dst(%dma_wait3A_244 : memref<480xi32, #tpu.memory_space<hbm>>)
      tpu.yield
    }) : () -> ()
    return
  }
}

#map = affine_map<(d0, d1) -> (0, 0)>
#map1 = affine_map<(d0, d1) -> (0)>
module attributes {stable_mosaic.version = 14 : i64} {
  func.func @gather_kernel(%arg0: i32, %arg1: i32, %arg2: memref<100000x512xf32, #tpu.memory_space<hbm>>, %arg3: memref<100000xi32, #tpu.memory_space<hbm>>, %arg4: memref<15360xi32, #tpu.memory_space<hbm>>, %arg5: memref<15360x512xf32, #tpu.memory_space<hbm>>, %arg6: memref<15360xi32, #tpu.memory_space<hbm>>, %arg7: memref<480xi32, #tpu.memory_space<vmem>>, %arg8: memref<2x120x512xf32, #tpu.memory_space<vmem>>, %arg9: memref<480xi32, #tpu.memory_space<vmem>>, %arg10: memref<!tpu.dma_semaphore, #tpu.memory_space<semaphore_mem>>, %arg11: memref<!tpu.dma_semaphore, #tpu.memory_space<semaphore_mem>>, %arg12: memref<!tpu.dma_semaphore, #tpu.memory_space<semaphore_mem>>, %arg13: memref<!tpu.dma_semaphore, #tpu.memory_space<semaphore_mem>>) attributes {dimension_semantics = [#tpu.dimension_semantics<core_parallel>, #tpu.dimension_semantics<subcore_parallel>], iteration_bounds = array<i64: 2, 16>, scalar_prefetch = 0 : i64, scratch_operands = 7 : i64, tpu.core_type = #tpu.core_type<sc_vector_subcore>, window_params = [{transform_indices = #map}, {transform_indices = #map1}, {transform_indices = #map1}, {transform_indices = #map}, {transform_indices = #map1}]} {
    %mul3A = arith.constant 2 : i32
    %mul3A_0 = arith.muli %arg1, %mul3A : i32
    %add3A = arith.addi %mul3A_0, %arg0 : i32
    %mul3A_1 = arith.constant 480 : i32
    %mul3A_2 = arith.muli %add3A, %mul3A_1 : i32
    "tpu.region"() ({
      %run_scoped3A = tpu.sem_alloc : memref<!tpu.dma_semaphore, #tpu.memory_space<semaphore_mem>>
      %dma_start3A_241 = tpu.memref_slice %arg4[%mul3A_2] : memref<15360xi32, #tpu.memory_space<hbm>> -> memref<480xi32, #tpu.memory_space<hbm>>
      %dma_start3A_242 = tpu.memref_slice %arg4[%mul3A_2] : memref<15360xi32, #tpu.memory_space<hbm>> -> memref<480xi32, #tpu.memory_space<hbm>>
      tpu.enqueue_dma source(%dma_start3A_242 : memref<480xi32, #tpu.memory_space<hbm>>) target(%arg7 : memref<480xi32, #tpu.memory_space<vmem>>) target_semaphore(%run_scoped3A : memref<!tpu.dma_semaphore, #tpu.memory_space<semaphore_mem>>)
      %dma_wait3A_243 = tpu.memref_slice %arg4[%mul3A_2] : memref<15360xi32, #tpu.memory_space<hbm>> -> memref<480xi32, #tpu.memory_space<hbm>>
      %dma_wait3A_244 = tpu.memref_slice %arg4[%mul3A_2] : memref<15360xi32, #tpu.memory_space<hbm>> -> memref<480xi32, #tpu.memory_space<hbm>>
      tpu.wait_dma2 semaphore(%run_scoped3A : memref<!tpu.dma_semaphore, #tpu.memory_space<semaphore_mem>>) src(%dma_wait3A_244 : memref<480xi32, #tpu.memory_space<hbm>>) dst(%arg7 : memref<480xi32, #tpu.memory_space<vmem>>)
      tpu.yield
    }) : () -> ()
    %dma_start3A = arith.constant 0 : i32
    %dma_start3A_3 = tpu.memref_slice %arg9[%dma_start3A] : memref<480xi32, #tpu.memory_space<vmem>> -> memref<120xi32, #tpu.memory_space<vmem>>
    %dma_start3A_4 = arith.constant 0 : i32
    %dma_start3A_5 = tpu.memref_slice %arg7[%dma_start3A_4] : memref<480xi32, #tpu.memory_space<vmem>> -> memref<120xi32, #tpu.memory_space<vmem>>
    %dma_start3A_6 = arith.constant 0 : i32
    %dma_start3A_7 = tpu.memref_slice %arg3[%dma_start3A_6] : memref<100000xi32, #tpu.memory_space<hbm>> -> memref<100000xi32, #tpu.memory_space<hbm>>
    tpu.enqueue_indirect_dma source(%dma_start3A_7 : memref<100000xi32, #tpu.memory_space<hbm>>) target(%dma_start3A_3 : memref<120xi32, #tpu.memory_space<vmem>>) offsets(%dma_start3A_5 : memref<120xi32, #tpu.memory_space<vmem>>) semaphore(%arg11 : memref<!tpu.dma_semaphore, #tpu.memory_space<semaphore_mem>>)
    %dma_start3A_8 = arith.constant 120 : i32
    %dma_start3A_9 = tpu.memref_slice %arg9[%dma_start3A_8] : memref<480xi32, #tpu.memory_space<vmem>> -> memref<120xi32, #tpu.memory_space<vmem>>
    %dma_start3A_10 = arith.constant 120 : i32
    %dma_start3A_11 = tpu.memref_slice %arg7[%dma_start3A_10] : memref<480xi32, #tpu.memory_space<vmem>> -> memref<120xi32, #tpu.memory_space<vmem>>
    %dma_start3A_12 = arith.constant 0 : i32
    %dma_start3A_13 = tpu.memref_slice %arg3[%dma_start3A_12] : memref<100000xi32, #tpu.memory_space<hbm>> -> memref<100000xi32, #tpu.memory_space<hbm>>
    tpu.enqueue_indirect_dma source(%dma_start3A_13 : memref<100000xi32, #tpu.memory_space<hbm>>) target(%dma_start3A_9 : memref<120xi32, #tpu.memory_space<vmem>>) offsets(%dma_start3A_11 : memref<120xi32, #tpu.memory_space<vmem>>) semaphore(%arg11 : memref<!tpu.dma_semaphore, #tpu.memory_space<semaphore_mem>>)
    %dma_start3A_14 = arith.constant 240 : i32
    %dma_start3A_15 = tpu.memref_slice %arg9[%dma_start3A_14] : memref<480xi32, #tpu.memory_space<vmem>> -> memref<120xi32, #tpu.memory_space<vmem>>
    %dma_start3A_16 = arith.constant 240 : i32
    %dma_start3A_17 = tpu.memref_slice %arg7[%dma_start3A_16] : memref<480xi32, #tpu.memory_space<vmem>> -> memref<120xi32, #tpu.memory_space<vmem>>
    %dma_start3A_18 = arith.constant 0 : i32
    %dma_start3A_19 = tpu.memref_slice %arg3[%dma_start3A_18] : memref<100000xi32, #tpu.memory_space<hbm>> -> memref<100000xi32, #tpu.memory_space<hbm>>
    tpu.enqueue_indirect_dma source(%dma_start3A_19 : memref<100000xi32, #tpu.memory_space<hbm>>) target(%dma_start3A_15 : memref<120xi32, #tpu.memory_space<vmem>>) offsets(%dma_start3A_17 : memref<120xi32, #tpu.memory_space<vmem>>) semaphore(%arg11 : memref<!tpu.dma_semaphore, #tpu.memory_space<semaphore_mem>>)
    %dma_start3A_20 = arith.constant 360 : i32
    %dma_start3A_21 = tpu.memref_slice %arg9[%dma_start3A_20] : memref<480xi32, #tpu.memory_space<vmem>> -> memref<120xi32, #tpu.memory_space<vmem>>
    %dma_start3A_22 = arith.constant 360 : i32
    %dma_start3A_23 = tpu.memref_slice %arg7[%dma_start3A_22] : memref<480xi32, #tpu.memory_space<vmem>> -> memref<120xi32, #tpu.memory_space<vmem>>
    %dma_start3A_24 = arith.constant 0 : i32
    %dma_start3A_25 = tpu.memref_slice %arg3[%dma_start3A_24] : memref<100000xi32, #tpu.memory_space<hbm>> -> memref<100000xi32, #tpu.memory_space<hbm>>
    tpu.enqueue_indirect_dma source(%dma_start3A_25 : memref<100000xi32, #tpu.memory_space<hbm>>) target(%dma_start3A_21 : memref<120xi32, #tpu.memory_space<vmem>>) offsets(%dma_start3A_23 : memref<120xi32, #tpu.memory_space<vmem>>) semaphore(%arg11 : memref<!tpu.dma_semaphore, #tpu.memory_space<semaphore_mem>>)
    %dma_start3A_26 = arith.constant 0 : i32
    %dma_start3A_27 = arith.constant 0 : i32
    %dma_start3A_28 = arith.constant 0 : i32
    %dma_start3A_29 = tpu.memref_slice %arg8[%dma_start3A_26, %dma_start3A_27, %dma_start3A_28] : memref<2x120x512xf32, #tpu.memory_space<vmem>> -> memref<1x120x512xf32, #tpu.memory_space<vmem>>
    %dma_start3A_30 = tpu.memref_squeeze %dma_start3A_29 : memref<1x120x512xf32, #tpu.memory_space<vmem>> -> memref<120x512xf32, #tpu.memory_space<vmem>>
    %dma_start3A_31 = arith.constant 0 : i32
    %dma_start3A_32 = tpu.memref_slice %arg7[%dma_start3A_31] : memref<480xi32, #tpu.memory_space<vmem>> -> memref<120xi32, #tpu.memory_space<vmem>>
    %dma_start3A_33 = arith.constant 0 : i32
    %dma_start3A_34 = arith.constant 0 : i32
    %dma_start3A_35 = tpu.memref_slice %arg2[%dma_start3A_33, %dma_start3A_34] : memref<100000x512xf32, #tpu.memory_space<hbm>> -> memref<100000x512xf32, #tpu.memory_space<hbm>>
    tpu.enqueue_indirect_dma source(%dma_start3A_35 : memref<100000x512xf32, #tpu.memory_space<hbm>>) target(%dma_start3A_30 : memref<120x512xf32, #tpu.memory_space<vmem>>) offsets(%dma_start3A_32 : memref<120xi32, #tpu.memory_space<vmem>>) semaphore(%arg10 : memref<!tpu.dma_semaphore, #tpu.memory_space<semaphore_mem>>)
    %dma_wait3A = arith.constant 0 : i32
    %dma_wait3A_36 = arith.constant 0 : i32
    %dma_wait3A_37 = arith.constant 0 : i32
    %dma_wait3A_38 = tpu.memref_slice %arg8[%dma_wait3A, %dma_wait3A_36, %dma_wait3A_37] : memref<2x120x512xf32, #tpu.memory_space<vmem>> -> memref<1x120x512xf32, #tpu.memory_space<vmem>>
    %dma_wait3A_39 = tpu.memref_squeeze %dma_wait3A_38 : memref<1x120x512xf32, #tpu.memory_space<vmem>> -> memref<120x512xf32, #tpu.memory_space<vmem>>
    %dma_wait3A_40 = arith.constant 0 : i32
    %dma_wait3A_41 = tpu.memref_slice %arg7[%dma_wait3A_40] : memref<480xi32, #tpu.memory_space<vmem>> -> memref<120xi32, #tpu.memory_space<vmem>>
    %dma_wait3A_42 = arith.constant 0 : i32
    %dma_wait3A_43 = arith.constant 0 : i32
    %dma_wait3A_44 = tpu.memref_slice %arg2[%dma_wait3A_42, %dma_wait3A_43] : memref<100000x512xf32, #tpu.memory_space<hbm>> -> memref<100000x512xf32, #tpu.memory_space<hbm>>
    tpu.wait_indirect_dma semaphore(%arg10 : memref<!tpu.dma_semaphore, #tpu.memory_space<semaphore_mem>>) src(%dma_wait3A_44 : memref<100000x512xf32, #tpu.memory_space<hbm>>) dst(%dma_wait3A_39 : memref<120x512xf32, #tpu.memory_space<vmem>>)
    %add3A_45 = arith.constant 0 : i32
    %add3A_46 = arith.addi %mul3A_2, %add3A_45 : i32
    %dma_start3A_47 = arith.constant 0 : i32
    %dma_start3A_48 = arith.constant 0 : i32
    %dma_start3A_49 = arith.constant 0 : i32
    %dma_start3A_50 = tpu.memref_slice %arg8[%dma_start3A_47, %dma_start3A_48, %dma_start3A_49] : memref<2x120x512xf32, #tpu.memory_space<vmem>> -> memref<1x120x512xf32, #tpu.memory_space<vmem>>
    %dma_start3A_51 = tpu.memref_squeeze %dma_start3A_50 : memref<1x120x512xf32, #tpu.memory_space<vmem>> -> memref<120x512xf32, #tpu.memory_space<vmem>>
    %dma_start3A_52 = arith.constant 0 : i32
    %dma_start3A_53 = tpu.memref_slice %arg5[%add3A_46, %dma_start3A_52] : memref<15360x512xf32, #tpu.memory_space<hbm>> -> memref<120x512xf32, #tpu.memory_space<hbm>>
    %dma_start3A_54 = arith.constant 0 : i32
    %dma_start3A_55 = tpu.memref_slice %arg5[%add3A_46, %dma_start3A_54] : memref<15360x512xf32, #tpu.memory_space<hbm>> -> memref<120x512xf32, #tpu.memory_space<hbm>>
    %dma_start3A_56 = arith.constant 0 : i32
    %dma_start3A_57 = arith.constant 0 : i32
    %dma_start3A_58 = tpu.memref_slice %arg8[%dma_start3A_47, %dma_start3A_56, %dma_start3A_57] : memref<2x120x512xf32, #tpu.memory_space<vmem>> -> memref<1x120x512xf32, #tpu.memory_space<vmem>>
    %dma_start3A_59 = tpu.memref_squeeze %dma_start3A_58 : memref<1x120x512xf32, #tpu.memory_space<vmem>> -> memref<120x512xf32, #tpu.memory_space<vmem>>
    tpu.enqueue_dma source(%dma_start3A_59 : memref<120x512xf32, #tpu.memory_space<vmem>>) target(%dma_start3A_55 : memref<120x512xf32, #tpu.memory_space<hbm>>) target_semaphore(%arg12 : memref<!tpu.dma_semaphore, #tpu.memory_space<semaphore_mem>>)
    %dma_start3A_60 = arith.constant 1 : i32
    %dma_start3A_61 = arith.constant 0 : i32
    %dma_start3A_62 = arith.constant 0 : i32
    %dma_start3A_63 = tpu.memref_slice %arg8[%dma_start3A_60, %dma_start3A_61, %dma_start3A_62] : memref<2x120x512xf32, #tpu.memory_space<vmem>> -> memref<1x120x512xf32, #tpu.memory_space<vmem>>
    %dma_start3A_64 = tpu.memref_squeeze %dma_start3A_63 : memref<1x120x512xf32, #tpu.memory_space<vmem>> -> memref<120x512xf32, #tpu.memory_space<vmem>>
    %dma_start3A_65 = arith.constant 120 : i32
    %dma_start3A_66 = tpu.memref_slice %arg7[%dma_start3A_65] : memref<480xi32, #tpu.memory_space<vmem>> -> memref<120xi32, #tpu.memory_space<vmem>>
    %dma_start3A_67 = arith.constant 0 : i32
    %dma_start3A_68 = arith.constant 0 : i32
    %dma_start3A_69 = tpu.memref_slice %arg2[%dma_start3A_67, %dma_start3A_68] : memref<100000x512xf32, #tpu.memory_space<hbm>> -> memref<100000x512xf32, #tpu.memory_space<hbm>>
    tpu.enqueue_indirect_dma source(%dma_start3A_69 : memref<100000x512xf32, #tpu.memory_space<hbm>>) target(%dma_start3A_64 : memref<120x512xf32, #tpu.memory_space<vmem>>) offsets(%dma_start3A_66 : memref<120xi32, #tpu.memory_space<vmem>>) semaphore(%arg10 : memref<!tpu.dma_semaphore, #tpu.memory_space<semaphore_mem>>)
    %dma_wait3A_70 = arith.constant 1 : i32
    %dma_wait3A_71 = arith.constant 0 : i32
    %dma_wait3A_72 = arith.constant 0 : i32
    %dma_wait3A_73 = tpu.memref_slice %arg8[%dma_wait3A_70, %dma_wait3A_71, %dma_wait3A_72] : memref<2x120x512xf32, #tpu.memory_space<vmem>> -> memref<1x120x512xf32, #tpu.memory_space<vmem>>
    %dma_wait3A_74 = tpu.memref_squeeze %dma_wait3A_73 : memref<1x120x512xf32, #tpu.memory_space<vmem>> -> memref<120x512xf32, #tpu.memory_space<vmem>>
    %dma_wait3A_75 = arith.constant 120 : i32
    %dma_wait3A_76 = tpu.memref_slice %arg7[%dma_wait3A_75] : memref<480xi32, #tpu.memory_space<vmem>> -> memref<120xi32, #tpu.memory_space<vmem>>
    %dma_wait3A_77 = arith.constant 0 : i32
    %dma_wait3A_78 = arith.constant 0 : i32
    %dma_wait3A_79 = tpu.memref_slice %arg2[%dma_wait3A_77, %dma_wait3A_78] : memref<100000x512xf32, #tpu.memory_space<hbm>> -> memref<100000x512xf32, #tpu.memory_space<hbm>>
    tpu.wait_indirect_dma semaphore(%arg10 : memref<!tpu.dma_semaphore, #tpu.memory_space<semaphore_mem>>) src(%dma_wait3A_79 : memref<100000x512xf32, #tpu.memory_space<hbm>>) dst(%dma_wait3A_74 : memref<120x512xf32, #tpu.memory_space<vmem>>)
    %add3A_80 = arith.constant 120 : i32
    %add3A_81 = arith.addi %mul3A_2, %add3A_80 : i32
    %dma_start3A_82 = arith.constant 1 : i32
    %dma_start3A_83 = arith.constant 0 : i32
    %dma_start3A_84 = arith.constant 0 : i32
    %dma_start3A_85 = tpu.memref_slice %arg8[%dma_start3A_82, %dma_start3A_83, %dma_start3A_84] : memref<2x120x512xf32, #tpu.memory_space<vmem>> -> memref<1x120x512xf32, #tpu.memory_space<vmem>>
    %dma_start3A_86 = tpu.memref_squeeze %dma_start3A_85 : memref<1x120x512xf32, #tpu.memory_space<vmem>> -> memref<120x512xf32, #tpu.memory_space<vmem>>
    %dma_start3A_87 = arith.constant 0 : i32
    %dma_start3A_88 = tpu.memref_slice %arg5[%add3A_81, %dma_start3A_87] : memref<15360x512xf32, #tpu.memory_space<hbm>> -> memref<120x512xf32, #tpu.memory_space<hbm>>
    %dma_start3A_89 = arith.constant 0 : i32
    %dma_start3A_90 = tpu.memref_slice %arg5[%add3A_81, %dma_start3A_89] : memref<15360x512xf32, #tpu.memory_space<hbm>> -> memref<120x512xf32, #tpu.memory_space<hbm>>
    %dma_start3A_91 = arith.constant 0 : i32
    %dma_start3A_92 = arith.constant 0 : i32
    %dma_start3A_93 = tpu.memref_slice %arg8[%dma_start3A_82, %dma_start3A_91, %dma_start3A_92] : memref<2x120x512xf32, #tpu.memory_space<vmem>> -> memref<1x120x512xf32, #tpu.memory_space<vmem>>
    %dma_start3A_94 = tpu.memref_squeeze %dma_start3A_93 : memref<1x120x512xf32, #tpu.memory_space<vmem>> -> memref<120x512xf32, #tpu.memory_space<vmem>>
    tpu.enqueue_dma source(%dma_start3A_94 : memref<120x512xf32, #tpu.memory_space<vmem>>) target(%dma_start3A_90 : memref<120x512xf32, #tpu.memory_space<hbm>>) target_semaphore(%arg13 : memref<!tpu.dma_semaphore, #tpu.memory_space<semaphore_mem>>)
    %dma_wait3A_95 = arith.constant 0 : i32
    %dma_wait3A_96 = arith.constant 0 : i32
    %dma_wait3A_97 = arith.constant 0 : i32
    %dma_wait3A_98 = tpu.memref_slice %arg8[%dma_wait3A_95, %dma_wait3A_96, %dma_wait3A_97] : memref<2x120x512xf32, #tpu.memory_space<vmem>> -> memref<1x120x512xf32, #tpu.memory_space<vmem>>
    %dma_wait3A_99 = tpu.memref_squeeze %dma_wait3A_98 : memref<1x120x512xf32, #tpu.memory_space<vmem>> -> memref<120x512xf32, #tpu.memory_space<vmem>>
    %dma_wait3A_100 = arith.constant 0 : i32
    %dma_wait3A_101 = tpu.memref_slice %arg5[%add3A_46, %dma_wait3A_100] : memref<15360x512xf32, #tpu.memory_space<hbm>> -> memref<120x512xf32, #tpu.memory_space<hbm>>
    %dma_wait3A_102 = arith.constant 0 : i32
    %dma_wait3A_103 = tpu.memref_slice %arg5[%add3A_46, %dma_wait3A_102] : memref<15360x512xf32, #tpu.memory_space<hbm>> -> memref<120x512xf32, #tpu.memory_space<hbm>>
    %dma_wait3A_104 = arith.constant 0 : i32
    %dma_wait3A_105 = arith.constant 0 : i32
    %dma_wait3A_106 = tpu.memref_slice %arg8[%dma_wait3A_95, %dma_wait3A_104, %dma_wait3A_105] : memref<2x120x512xf32, #tpu.memory_space<vmem>> -> memref<1x120x512xf32, #tpu.memory_space<vmem>>
    %dma_wait3A_107 = tpu.memref_squeeze %dma_wait3A_106 : memref<1x120x512xf32, #tpu.memory_space<vmem>> -> memref<120x512xf32, #tpu.memory_space<vmem>>
    tpu.wait_dma2 semaphore(%arg12 : memref<!tpu.dma_semaphore, #tpu.memory_space<semaphore_mem>>) src(%dma_wait3A_107 : memref<120x512xf32, #tpu.memory_space<vmem>>) dst(%dma_wait3A_103 : memref<120x512xf32, #tpu.memory_space<hbm>>)
    %dma_start3A_108 = arith.constant 0 : i32
    %dma_start3A_109 = arith.constant 0 : i32
    %dma_start3A_110 = arith.constant 0 : i32
    %dma_start3A_111 = tpu.memref_slice %arg8[%dma_start3A_108, %dma_start3A_109, %dma_start3A_110] : memref<2x120x512xf32, #tpu.memory_space<vmem>> -> memref<1x120x512xf32, #tpu.memory_space<vmem>>
    %dma_start3A_112 = tpu.memref_squeeze %dma_start3A_111 : memref<1x120x512xf32, #tpu.memory_space<vmem>> -> memref<120x512xf32, #tpu.memory_space<vmem>>
    %dma_start3A_113 = arith.constant 240 : i32
    %dma_start3A_114 = tpu.memref_slice %arg7[%dma_start3A_113] : memref<480xi32, #tpu.memory_space<vmem>> -> memref<120xi32, #tpu.memory_space<vmem>>
    %dma_start3A_115 = arith.constant 0 : i32
    %dma_start3A_116 = arith.constant 0 : i32
    %dma_start3A_117 = tpu.memref_slice %arg2[%dma_start3A_115, %dma_start3A_116] : memref<100000x512xf32, #tpu.memory_space<hbm>> -> memref<100000x512xf32, #tpu.memory_space<hbm>>
    tpu.enqueue_indirect_dma source(%dma_start3A_117 : memref<100000x512xf32, #tpu.memory_space<hbm>>) target(%dma_start3A_112 : memref<120x512xf32, #tpu.memory_space<vmem>>) offsets(%dma_start3A_114 : memref<120xi32, #tpu.memory_space<vmem>>) semaphore(%arg10 : memref<!tpu.dma_semaphore, #tpu.memory_space<semaphore_mem>>)
    %dma_wait3A_118 = arith.constant 0 : i32
    %dma_wait3A_119 = arith.constant 0 : i32
    %dma_wait3A_120 = arith.constant 0 : i32
    %dma_wait3A_121 = tpu.memref_slice %arg8[%dma_wait3A_118, %dma_wait3A_119, %dma_wait3A_120] : memref<2x120x512xf32, #tpu.memory_space<vmem>> -> memref<1x120x512xf32, #tpu.memory_space<vmem>>
    %dma_wait3A_122 = tpu.memref_squeeze %dma_wait3A_121 : memref<1x120x512xf32, #tpu.memory_space<vmem>> -> memref<120x512xf32, #tpu.memory_space<vmem>>
    %dma_wait3A_123 = arith.constant 240 : i32
    %dma_wait3A_124 = tpu.memref_slice %arg7[%dma_wait3A_123] : memref<480xi32, #tpu.memory_space<vmem>> -> memref<120xi32, #tpu.memory_space<vmem>>
    %dma_wait3A_125 = arith.constant 0 : i32
    %dma_wait3A_126 = arith.constant 0 : i32
    %dma_wait3A_127 = tpu.memref_slice %arg2[%dma_wait3A_125, %dma_wait3A_126] : memref<100000x512xf32, #tpu.memory_space<hbm>> -> memref<100000x512xf32, #tpu.memory_space<hbm>>
    tpu.wait_indirect_dma semaphore(%arg10 : memref<!tpu.dma_semaphore, #tpu.memory_space<semaphore_mem>>) src(%dma_wait3A_127 : memref<100000x512xf32, #tpu.memory_space<hbm>>) dst(%dma_wait3A_122 : memref<120x512xf32, #tpu.memory_space<vmem>>)
    %add3A_128 = arith.constant 240 : i32
    %add3A_129 = arith.addi %mul3A_2, %add3A_128 : i32
    %dma_start3A_130 = arith.constant 0 : i32
    %dma_start3A_131 = arith.constant 0 : i32
    %dma_start3A_132 = arith.constant 0 : i32
    %dma_start3A_133 = tpu.memref_slice %arg8[%dma_start3A_130, %dma_start3A_131, %dma_start3A_132] : memref<2x120x512xf32, #tpu.memory_space<vmem>> -> memref<1x120x512xf32, #tpu.memory_space<vmem>>
    %dma_start3A_134 = tpu.memref_squeeze %dma_start3A_133 : memref<1x120x512xf32, #tpu.memory_space<vmem>> -> memref<120x512xf32, #tpu.memory_space<vmem>>
    %dma_start3A_135 = arith.constant 0 : i32
    %dma_start3A_136 = tpu.memref_slice %arg5[%add3A_129, %dma_start3A_135] : memref<15360x512xf32, #tpu.memory_space<hbm>> -> memref<120x512xf32, #tpu.memory_space<hbm>>
    %dma_start3A_137 = arith.constant 0 : i32
    %dma_start3A_138 = tpu.memref_slice %arg5[%add3A_129, %dma_start3A_137] : memref<15360x512xf32, #tpu.memory_space<hbm>> -> memref<120x512xf32, #tpu.memory_space<hbm>>
    %dma_start3A_139 = arith.constant 0 : i32
    %dma_start3A_140 = arith.constant 0 : i32
    %dma_start3A_141 = tpu.memref_slice %arg8[%dma_start3A_130, %dma_start3A_139, %dma_start3A_140] : memref<2x120x512xf32, #tpu.memory_space<vmem>> -> memref<1x120x512xf32, #tpu.memory_space<vmem>>
    %dma_start3A_142 = tpu.memref_squeeze %dma_start3A_141 : memref<1x120x512xf32, #tpu.memory_space<vmem>> -> memref<120x512xf32, #tpu.memory_space<vmem>>
    tpu.enqueue_dma source(%dma_start3A_142 : memref<120x512xf32, #tpu.memory_space<vmem>>) target(%dma_start3A_138 : memref<120x512xf32, #tpu.memory_space<hbm>>) target_semaphore(%arg12 : memref<!tpu.dma_semaphore, #tpu.memory_space<semaphore_mem>>)
    %dma_wait3A_143 = arith.constant 1 : i32
    %dma_wait3A_144 = arith.constant 0 : i32
    %dma_wait3A_145 = arith.constant 0 : i32
    %dma_wait3A_146 = tpu.memref_slice %arg8[%dma_wait3A_143, %dma_wait3A_144, %dma_wait3A_145] : memref<2x120x512xf32, #tpu.memory_space<vmem>> -> memref<1x120x512xf32, #tpu.memory_space<vmem>>
    %dma_wait3A_147 = tpu.memref_squeeze %dma_wait3A_146 : memref<1x120x512xf32, #tpu.memory_space<vmem>> -> memref<120x512xf32, #tpu.memory_space<vmem>>
    %dma_wait3A_148 = arith.constant 0 : i32
    %dma_wait3A_149 = tpu.memref_slice %arg5[%add3A_81, %dma_wait3A_148] : memref<15360x512xf32, #tpu.memory_space<hbm>> -> memref<120x512xf32, #tpu.memory_space<hbm>>
    %dma_wait3A_150 = arith.constant 0 : i32
    %dma_wait3A_151 = tpu.memref_slice %arg5[%add3A_81, %dma_wait3A_150] : memref<15360x512xf32, #tpu.memory_space<hbm>> -> memref<120x512xf32, #tpu.memory_space<hbm>>
    %dma_wait3A_152 = arith.constant 0 : i32
    %dma_wait3A_153 = arith.constant 0 : i32
    %dma_wait3A_154 = tpu.memref_slice %arg8[%dma_wait3A_143, %dma_wait3A_152, %dma_wait3A_153] : memref<2x120x512xf32, #tpu.memory_space<vmem>> -> memref<1x120x512xf32, #tpu.memory_space<vmem>>
    %dma_wait3A_155 = tpu.memref_squeeze %dma_wait3A_154 : memref<1x120x512xf32, #tpu.memory_space<vmem>> -> memref<120x512xf32, #tpu.memory_space<vmem>>
    tpu.wait_dma2 semaphore(%arg13 : memref<!tpu.dma_semaphore, #tpu.memory_space<semaphore_mem>>) src(%dma_wait3A_155 : memref<120x512xf32, #tpu.memory_space<vmem>>) dst(%dma_wait3A_151 : memref<120x512xf32, #tpu.memory_space<hbm>>)
    %dma_start3A_156 = arith.constant 1 : i32
    %dma_start3A_157 = arith.constant 0 : i32
    %dma_start3A_158 = arith.constant 0 : i32
    %dma_start3A_159 = tpu.memref_slice %arg8[%dma_start3A_156, %dma_start3A_157, %dma_start3A_158] : memref<2x120x512xf32, #tpu.memory_space<vmem>> -> memref<1x120x512xf32, #tpu.memory_space<vmem>>
    %dma_start3A_160 = tpu.memref_squeeze %dma_start3A_159 : memref<1x120x512xf32, #tpu.memory_space<vmem>> -> memref<120x512xf32, #tpu.memory_space<vmem>>
    %dma_start3A_161 = arith.constant 360 : i32
    %dma_start3A_162 = tpu.memref_slice %arg7[%dma_start3A_161] : memref<480xi32, #tpu.memory_space<vmem>> -> memref<120xi32, #tpu.memory_space<vmem>>
    %dma_start3A_163 = arith.constant 0 : i32
    %dma_start3A_164 = arith.constant 0 : i32
    %dma_start3A_165 = tpu.memref_slice %arg2[%dma_start3A_163, %dma_start3A_164] : memref<100000x512xf32, #tpu.memory_space<hbm>> -> memref<100000x512xf32, #tpu.memory_space<hbm>>
    tpu.enqueue_indirect_dma source(%dma_start3A_165 : memref<100000x512xf32, #tpu.memory_space<hbm>>) target(%dma_start3A_160 : memref<120x512xf32, #tpu.memory_space<vmem>>) offsets(%dma_start3A_162 : memref<120xi32, #tpu.memory_space<vmem>>) semaphore(%arg10 : memref<!tpu.dma_semaphore, #tpu.memory_space<semaphore_mem>>)
    %dma_wait3A_166 = arith.constant 1 : i32
    %dma_wait3A_167 = arith.constant 0 : i32
    %dma_wait3A_168 = arith.constant 0 : i32
    %dma_wait3A_169 = tpu.memref_slice %arg8[%dma_wait3A_166, %dma_wait3A_167, %dma_wait3A_168] : memref<2x120x512xf32, #tpu.memory_space<vmem>> -> memref<1x120x512xf32, #tpu.memory_space<vmem>>
    %dma_wait3A_170 = tpu.memref_squeeze %dma_wait3A_169 : memref<1x120x512xf32, #tpu.memory_space<vmem>> -> memref<120x512xf32, #tpu.memory_space<vmem>>
    %dma_wait3A_171 = arith.constant 360 : i32
    %dma_wait3A_172 = tpu.memref_slice %arg7[%dma_wait3A_171] : memref<480xi32, #tpu.memory_space<vmem>> -> memref<120xi32, #tpu.memory_space<vmem>>
    %dma_wait3A_173 = arith.constant 0 : i32
    %dma_wait3A_174 = arith.constant 0 : i32
    %dma_wait3A_175 = tpu.memref_slice %arg2[%dma_wait3A_173, %dma_wait3A_174] : memref<100000x512xf32, #tpu.memory_space<hbm>> -> memref<100000x512xf32, #tpu.memory_space<hbm>>
    tpu.wait_indirect_dma semaphore(%arg10 : memref<!tpu.dma_semaphore, #tpu.memory_space<semaphore_mem>>) src(%dma_wait3A_175 : memref<100000x512xf32, #tpu.memory_space<hbm>>) dst(%dma_wait3A_170 : memref<120x512xf32, #tpu.memory_space<vmem>>)
    %add3A_176 = arith.constant 360 : i32
    %add3A_177 = arith.addi %mul3A_2, %add3A_176 : i32
    %dma_start3A_178 = arith.constant 1 : i32
    %dma_start3A_179 = arith.constant 0 : i32
    %dma_start3A_180 = arith.constant 0 : i32
    %dma_start3A_181 = tpu.memref_slice %arg8[%dma_start3A_178, %dma_start3A_179, %dma_start3A_180] : memref<2x120x512xf32, #tpu.memory_space<vmem>> -> memref<1x120x512xf32, #tpu.memory_space<vmem>>
    %dma_start3A_182 = tpu.memref_squeeze %dma_start3A_181 : memref<1x120x512xf32, #tpu.memory_space<vmem>> -> memref<120x512xf32, #tpu.memory_space<vmem>>
    %dma_start3A_183 = arith.constant 0 : i32
    %dma_start3A_184 = tpu.memref_slice %arg5[%add3A_177, %dma_start3A_183] : memref<15360x512xf32, #tpu.memory_space<hbm>> -> memref<120x512xf32, #tpu.memory_space<hbm>>
    %dma_start3A_185 = arith.constant 0 : i32
    %dma_start3A_186 = tpu.memref_slice %arg5[%add3A_177, %dma_start3A_185] : memref<15360x512xf32, #tpu.memory_space<hbm>> -> memref<120x512xf32, #tpu.memory_space<hbm>>
    %dma_start3A_187 = arith.constant 0 : i32
    %dma_start3A_188 = arith.constant 0 : i32
    %dma_start3A_189 = tpu.memref_slice %arg8[%dma_start3A_178, %dma_start3A_187, %dma_start3A_188] : memref<2x120x512xf32, #tpu.memory_space<vmem>> -> memref<1x120x512xf32, #tpu.memory_space<vmem>>
    %dma_start3A_190 = tpu.memref_squeeze %dma_start3A_189 : memref<1x120x512xf32, #tpu.memory_space<vmem>> -> memref<120x512xf32, #tpu.memory_space<vmem>>
    tpu.enqueue_dma source(%dma_start3A_190 : memref<120x512xf32, #tpu.memory_space<vmem>>) target(%dma_start3A_186 : memref<120x512xf32, #tpu.memory_space<hbm>>) target_semaphore(%arg13 : memref<!tpu.dma_semaphore, #tpu.memory_space<semaphore_mem>>)
    %dma_wait3A_191 = arith.constant 0 : i32
    %dma_wait3A_192 = arith.constant 0 : i32
    %dma_wait3A_193 = arith.constant 0 : i32
    %dma_wait3A_194 = tpu.memref_slice %arg8[%dma_wait3A_191, %dma_wait3A_192, %dma_wait3A_193] : memref<2x120x512xf32, #tpu.memory_space<vmem>> -> memref<1x120x512xf32, #tpu.memory_space<vmem>>
    %dma_wait3A_195 = tpu.memref_squeeze %dma_wait3A_194 : memref<1x120x512xf32, #tpu.memory_space<vmem>> -> memref<120x512xf32, #tpu.memory_space<vmem>>
    %dma_wait3A_196 = arith.constant 0 : i32
    %dma_wait3A_197 = tpu.memref_slice %arg5[%add3A_129, %dma_wait3A_196] : memref<15360x512xf32, #tpu.memory_space<hbm>> -> memref<120x512xf32, #tpu.memory_space<hbm>>
    %dma_wait3A_198 = arith.constant 0 : i32
    %dma_wait3A_199 = tpu.memref_slice %arg5[%add3A_129, %dma_wait3A_198] : memref<15360x512xf32, #tpu.memory_space<hbm>> -> memref<120x512xf32, #tpu.memory_space<hbm>>
    %dma_wait3A_200 = arith.constant 0 : i32
    %dma_wait3A_201 = arith.constant 0 : i32
    %dma_wait3A_202 = tpu.memref_slice %arg8[%dma_wait3A_191, %dma_wait3A_200, %dma_wait3A_201] : memref<2x120x512xf32, #tpu.memory_space<vmem>> -> memref<1x120x512xf32, #tpu.memory_space<vmem>>
    %dma_wait3A_203 = tpu.memref_squeeze %dma_wait3A_202 : memref<1x120x512xf32, #tpu.memory_space<vmem>> -> memref<120x512xf32, #tpu.memory_space<vmem>>
    tpu.wait_dma2 semaphore(%arg12 : memref<!tpu.dma_semaphore, #tpu.memory_space<semaphore_mem>>) src(%dma_wait3A_203 : memref<120x512xf32, #tpu.memory_space<vmem>>) dst(%dma_wait3A_199 : memref<120x512xf32, #tpu.memory_space<hbm>>)
    %dma_wait3A_204 = arith.constant 1 : i32
    %dma_wait3A_205 = arith.constant 0 : i32
    %dma_wait3A_206 = arith.constant 0 : i32
    %dma_wait3A_207 = tpu.memref_slice %arg8[%dma_wait3A_204, %dma_wait3A_205, %dma_wait3A_206] : memref<2x120x512xf32, #tpu.memory_space<vmem>> -> memref<1x120x512xf32, #tpu.memory_space<vmem>>
    %dma_wait3A_208 = tpu.memref_squeeze %dma_wait3A_207 : memref<1x120x512xf32, #tpu.memory_space<vmem>> -> memref<120x512xf32, #tpu.memory_space<vmem>>
    %dma_wait3A_209 = arith.constant 0 : i32
    %dma_wait3A_210 = tpu.memref_slice %arg5[%add3A_177, %dma_wait3A_209] : memref<15360x512xf32, #tpu.memory_space<hbm>> -> memref<120x512xf32, #tpu.memory_space<hbm>>
    %dma_wait3A_211 = arith.constant 0 : i32
    %dma_wait3A_212 = tpu.memref_slice %arg5[%add3A_177, %dma_wait3A_211] : memref<15360x512xf32, #tpu.memory_space<hbm>> -> memref<120x512xf32, #tpu.memory_space<hbm>>
    %dma_wait3A_213 = arith.constant 0 : i32
    %dma_wait3A_214 = arith.constant 0 : i32
    %dma_wait3A_215 = tpu.memref_slice %arg8[%dma_wait3A_204, %dma_wait3A_213, %dma_wait3A_214] : memref<2x120x512xf32, #tpu.memory_space<vmem>> -> memref<1x120x512xf32, #tpu.memory_space<vmem>>
    %dma_wait3A_216 = tpu.memref_squeeze %dma_wait3A_215 : memref<1x120x512xf32, #tpu.memory_space<vmem>> -> memref<120x512xf32, #tpu.memory_space<vmem>>
    tpu.wait_dma2 semaphore(%arg13 : memref<!tpu.dma_semaphore, #tpu.memory_space<semaphore_mem>>) src(%dma_wait3A_216 : memref<120x512xf32, #tpu.memory_space<vmem>>) dst(%dma_wait3A_212 : memref<120x512xf32, #tpu.memory_space<hbm>>)
    %dma_wait3A_217 = arith.constant 0 : i32
    %dma_wait3A_218 = tpu.memref_slice %arg9[%dma_wait3A_217] : memref<480xi32, #tpu.memory_space<vmem>> -> memref<120xi32, #tpu.memory_space<vmem>>
    %dma_wait3A_219 = arith.constant 0 : i32
    %dma_wait3A_220 = tpu.memref_slice %arg7[%dma_wait3A_219] : memref<480xi32, #tpu.memory_space<vmem>> -> memref<120xi32, #tpu.memory_space<vmem>>
    %dma_wait3A_221 = arith.constant 0 : i32
    %dma_wait3A_222 = tpu.memref_slice %arg3[%dma_wait3A_221] : memref<100000xi32, #tpu.memory_space<hbm>> -> memref<100000xi32, #tpu.memory_space<hbm>>
    tpu.wait_indirect_dma semaphore(%arg11 : memref<!tpu.dma_semaphore, #tpu.memory_space<semaphore_mem>>) src(%dma_wait3A_222 : memref<100000xi32, #tpu.memory_space<hbm>>) dst(%dma_wait3A_218 : memref<120xi32, #tpu.memory_space<vmem>>)
    %dma_wait3A_223 = arith.constant 120 : i32
    %dma_wait3A_224 = tpu.memref_slice %arg9[%dma_wait3A_223] : memref<480xi32, #tpu.memory_space<vmem>> -> memref<120xi32, #tpu.memory_space<vmem>>
    %dma_wait3A_225 = arith.constant 120 : i32
    %dma_wait3A_226 = tpu.memref_slice %arg7[%dma_wait3A_225] : memref<480xi32, #tpu.memory_space<vmem>> -> memref<120xi32, #tpu.memory_space<vmem>>
    %dma_wait3A_227 = arith.constant 0 : i32
    %dma_wait3A_228 = tpu.memref_slice %arg3[%dma_wait3A_227] : memref<100000xi32, #tpu.memory_space<hbm>> -> memref<100000xi32, #tpu.memory_space<hbm>>
    tpu.wait_indirect_dma semaphore(%arg11 : memref<!tpu.dma_semaphore, #tpu.memory_space<semaphore_mem>>) src(%dma_wait3A_228 : memref<100000xi32, #tpu.memory_space<hbm>>) dst(%dma_wait3A_224 : memref<120xi32, #tpu.memory_space<vmem>>)
    %dma_wait3A_229 = arith.constant 240 : i32
    %dma_wait3A_230 = tpu.memref_slice %arg9[%dma_wait3A_229] : memref<480xi32, #tpu.memory_space<vmem>> -> memref<120xi32, #tpu.memory_space<vmem>>
    %dma_wait3A_231 = arith.constant 240 : i32
    %dma_wait3A_232 = tpu.memref_slice %arg7[%dma_wait3A_231] : memref<480xi32, #tpu.memory_space<vmem>> -> memref<120xi32, #tpu.memory_space<vmem>>
    %dma_wait3A_233 = arith.constant 0 : i32
    %dma_wait3A_234 = tpu.memref_slice %arg3[%dma_wait3A_233] : memref<100000xi32, #tpu.memory_space<hbm>> -> memref<100000xi32, #tpu.memory_space<hbm>>
    tpu.wait_indirect_dma semaphore(%arg11 : memref<!tpu.dma_semaphore, #tpu.memory_space<semaphore_mem>>) src(%dma_wait3A_234 : memref<100000xi32, #tpu.memory_space<hbm>>) dst(%dma_wait3A_230 : memref<120xi32, #tpu.memory_space<vmem>>)
    %dma_wait3A_235 = arith.constant 360 : i32
    %dma_wait3A_236 = tpu.memref_slice %arg9[%dma_wait3A_235] : memref<480xi32, #tpu.memory_space<vmem>> -> memref<120xi32, #tpu.memory_space<vmem>>
    %dma_wait3A_237 = arith.constant 360 : i32
    %dma_wait3A_238 = tpu.memref_slice %arg7[%dma_wait3A_237] : memref<480xi32, #tpu.memory_space<vmem>> -> memref<120xi32, #tpu.memory_space<vmem>>
    %dma_wait3A_239 = arith.constant 0 : i32
    %dma_wait3A_240 = tpu.memref_slice %arg3[%dma_wait3A_239] : memref<100000xi32, #tpu.memory_space<hbm>> -> memref<100000xi32, #tpu.memory_space<hbm>>
    tpu.wait_indirect_dma semaphore(%arg11 : memref<!tpu.dma_semaphore, #tpu.memory_space<semaphore_mem>>) src(%dma_wait3A_240 : memref<100000xi32, #tpu.memory_space<hbm>>) dst(%dma_wait3A_236 : memref<120xi32, #tpu.memory_space<vmem>>)
    "tpu.region"() ({
      %run_scoped3A = tpu.sem_alloc : memref<!tpu.dma_semaphore, #tpu.memory_space<semaphore_mem>>
      %dma_start3A_241 = tpu.memref_slice %arg6[%mul3A_2] : memref<15360xi32, #tpu.memory_space<hbm>> -> memref<480xi32, #tpu.memory_space<hbm>>
      %dma_start3A_242 = tpu.memref_slice %arg6[%mul3A_2] : memref<15360xi32, #tpu.memory_space<hbm>> -> memref<480xi32, #tpu.memory_space<hbm>>
      tpu.enqueue_dma source(%arg9 : memref<480xi32, #tpu.memory_space<vmem>>) target(%dma_start3A_242 : memref<480xi32, #tpu.memory_space<hbm>>) target_semaphore(%run_scoped3A : memref<!tpu.dma_semaphore, #tpu.memory_space<semaphore_mem>>)
      %dma_wait3A_243 = tpu.memref_slice %arg6[%mul3A_2] : memref<15360xi32, #tpu.memory_space<hbm>> -> memref<480xi32, #tpu.memory_space<hbm>>
      %dma_wait3A_244 = tpu.memref_slice %arg6[%mul3A_2] : memref<15360xi32, #tpu.memory_space<hbm>> -> memref<480xi32, #tpu.memory_space<hbm>>
      tpu.wait_dma2 semaphore(%run_scoped3A : memref<!tpu.dma_semaphore, #tpu.memory_space<semaphore_mem>>) src(%arg9 : memref<480xi32, #tpu.memory_space<vmem>>) dst(%dma_wait3A_244 : memref<480xi32, #tpu.memory_space<hbm>>)
      tpu.yield
    }) : () -> ()
    return
  }
}

#map = affine_map<(d0, d1) -> (0, 0)>
#map1 = affine_map<(d0, d1) -> (0)>
module attributes {stable_mosaic.version = 14 : i64} {
  func.func @gather_kernel(%arg0: i32, %arg1: i32, %arg2: memref<100000x512xf32, #tpu.memory_space<hbm>>, %arg3: memref<100000xi32, #tpu.memory_space<hbm>>, %arg4: memref<15360xi32, #tpu.memory_space<hbm>>, %arg5: memref<15360x512xf32, #tpu.memory_space<hbm>>, %arg6: memref<15360xi32, #tpu.memory_space<hbm>>, %arg7: memref<480xi32, #tpu.memory_space<vmem>>, %arg8: memref<2x120x512xf32, #tpu.memory_space<vmem>>, %arg9: memref<480xi32, #tpu.memory_space<vmem>>, %arg10: memref<!tpu.dma_semaphore, #tpu.memory_space<semaphore_mem>>, %arg11: memref<!tpu.dma_semaphore, #tpu.memory_space<semaphore_mem>>, %arg12: memref<!tpu.dma_semaphore, #tpu.memory_space<semaphore_mem>>, %arg13: memref<!tpu.dma_semaphore, #tpu.memory_space<semaphore_mem>>) attributes {dimension_semantics = [#tpu.dimension_semantics<core_parallel>, #tpu.dimension_semantics<subcore_parallel>], iteration_bounds = array<i64: 2, 16>, scalar_prefetch = 0 : i64, scratch_operands = 7 : i64, tpu.core_type = #tpu.core_type<sc_vector_subcore>, window_params = [{transform_indices = #map}, {transform_indices = #map1}, {transform_indices = #map1}, {transform_indices = #map}, {transform_indices = #map1}]} {
    %mul3A = arith.constant 2 : i32
    %mul3A_0 = arith.muli %arg1, %mul3A : i32
    %add3A = arith.addi %mul3A_0, %arg0 : i32
    %mul3A_1 = arith.constant 480 : i32
    %mul3A_2 = arith.muli %add3A, %mul3A_1 : i32
    "tpu.region"() ({
      %run_scoped3A = tpu.sem_alloc : memref<!tpu.dma_semaphore, #tpu.memory_space<semaphore_mem>>
      %dma_start3A_241 = tpu.memref_slice %arg4[%mul3A_2] : memref<15360xi32, #tpu.memory_space<hbm>> -> memref<480xi32, #tpu.memory_space<hbm>>
      %dma_start3A_242 = tpu.memref_slice %arg4[%mul3A_2] : memref<15360xi32, #tpu.memory_space<hbm>> -> memref<480xi32, #tpu.memory_space<hbm>>
      tpu.enqueue_dma source(%dma_start3A_242 : memref<480xi32, #tpu.memory_space<hbm>>) target(%arg7 : memref<480xi32, #tpu.memory_space<vmem>>) target_semaphore(%run_scoped3A : memref<!tpu.dma_semaphore, #tpu.memory_space<semaphore_mem>>)
      %dma_wait3A_243 = tpu.memref_slice %arg4[%mul3A_2] : memref<15360xi32, #tpu.memory_space<hbm>> -> memref<480xi32, #tpu.memory_space<hbm>>
      %dma_wait3A_244 = tpu.memref_slice %arg4[%mul3A_2] : memref<15360xi32, #tpu.memory_space<hbm>> -> memref<480xi32, #tpu.memory_space<hbm>>
      tpu.wait_dma2 semaphore(%run_scoped3A : memref<!tpu.dma_semaphore, #tpu.memory_space<semaphore_mem>>) src(%dma_wait3A_244 : memref<480xi32, #tpu.memory_space<hbm>>) dst(%arg7 : memref<480xi32, #tpu.memory_space<vmem>>)
      tpu.yield
    }) : () -> ()
    %dma_start3A = arith.constant 0 : i32
    %dma_start3A_3 = tpu.memref_slice %arg9[%dma_start3A] : memref<480xi32, #tpu.memory_space<vmem>> -> memref<120xi32, #tpu.memory_space<vmem>>
    %dma_start3A_4 = arith.constant 0 : i32
    %dma_start3A_5 = tpu.memref_slice %arg7[%dma_start3A_4] : memref<480xi32, #tpu.memory_space<vmem>> -> memref<120xi32, #tpu.memory_space<vmem>>
    %dma_start3A_6 = arith.constant 0 : i32
    %dma_start3A_7 = tpu.memref_slice %arg3[%dma_start3A_6] : memref<100000xi32, #tpu.memory_space<hbm>> -> memref<100000xi32, #tpu.memory_space<hbm>>
    tpu.enqueue_indirect_dma source(%dma_start3A_7 : memref<100000xi32, #tpu.memory_space<hbm>>) target(%dma_start3A_3 : memref<120xi32, #tpu.memory_space<vmem>>) offsets(%dma_start3A_5 : memref<120xi32, #tpu.memory_space<vmem>>) semaphore(%arg11 : memref<!tpu.dma_semaphore, #tpu.memory_space<semaphore_mem>>)
    %dma_start3A_8 = arith.constant 120 : i32
    %dma_start3A_9 = tpu.memref_slice %arg9[%dma_start3A_8] : memref<480xi32, #tpu.memory_space<vmem>> -> memref<120xi32, #tpu.memory_space<vmem>>
    %dma_start3A_10 = arith.constant 120 : i32
    %dma_start3A_11 = tpu.memref_slice %arg7[%dma_start3A_10] : memref<480xi32, #tpu.memory_space<vmem>> -> memref<120xi32, #tpu.memory_space<vmem>>
    %dma_start3A_12 = arith.constant 0 : i32
    %dma_start3A_13 = tpu.memref_slice %arg3[%dma_start3A_12] : memref<100000xi32, #tpu.memory_space<hbm>> -> memref<100000xi32, #tpu.memory_space<hbm>>
    tpu.enqueue_indirect_dma source(%dma_start3A_13 : memref<100000xi32, #tpu.memory_space<hbm>>) target(%dma_start3A_9 : memref<120xi32, #tpu.memory_space<vmem>>) offsets(%dma_start3A_11 : memref<120xi32, #tpu.memory_space<vmem>>) semaphore(%arg11 : memref<!tpu.dma_semaphore, #tpu.memory_space<semaphore_mem>>)
    %dma_start3A_14 = arith.constant 240 : i32
    %dma_start3A_15 = tpu.memref_slice %arg9[%dma_start3A_14] : memref<480xi32, #tpu.memory_space<vmem>> -> memref<120xi32, #tpu.memory_space<vmem>>
    %dma_start3A_16 = arith.constant 240 : i32
    %dma_start3A_17 = tpu.memref_slice %arg7[%dma_start3A_16] : memref<480xi32, #tpu.memory_space<vmem>> -> memref<120xi32, #tpu.memory_space<vmem>>
    %dma_start3A_18 = arith.constant 0 : i32
    %dma_start3A_19 = tpu.memref_slice %arg3[%dma_start3A_18] : memref<100000xi32, #tpu.memory_space<hbm>> -> memref<100000xi32, #tpu.memory_space<hbm>>
    tpu.enqueue_indirect_dma source(%dma_start3A_19 : memref<100000xi32, #tpu.memory_space<hbm>>) target(%dma_start3A_15 : memref<120xi32, #tpu.memory_space<vmem>>) offsets(%dma_start3A_17 : memref<120xi32, #tpu.memory_space<vmem>>) semaphore(%arg11 : memref<!tpu.dma_semaphore, #tpu.memory_space<semaphore_mem>>)
    %dma_start3A_20 = arith.constant 360 : i32
    %dma_start3A_21 = tpu.memref_slice %arg9[%dma_start3A_20] : memref<480xi32, #tpu.memory_space<vmem>> -> memref<120xi32, #tpu.memory_space<vmem>>
    %dma_start3A_22 = arith.constant 360 : i32
    %dma_start3A_23 = tpu.memref_slice %arg7[%dma_start3A_22] : memref<480xi32, #tpu.memory_space<vmem>> -> memref<120xi32, #tpu.memory_space<vmem>>
    %dma_start3A_24 = arith.constant 0 : i32
    %dma_start3A_25 = tpu.memref_slice %arg3[%dma_start3A_24] : memref<100000xi32, #tpu.memory_space<hbm>> -> memref<100000xi32, #tpu.memory_space<hbm>>
    tpu.enqueue_indirect_dma source(%dma_start3A_25 : memref<100000xi32, #tpu.memory_space<hbm>>) target(%dma_start3A_21 : memref<120xi32, #tpu.memory_space<vmem>>) offsets(%dma_start3A_23 : memref<120xi32, #tpu.memory_space<vmem>>) semaphore(%arg11 : memref<!tpu.dma_semaphore, #tpu.memory_space<semaphore_mem>>)
    %dma_start3A_26 = arith.constant 0 : i32
    %dma_start3A_27 = arith.constant 0 : i32
    %dma_start3A_28 = arith.constant 0 : i32
    %dma_start3A_29 = tpu.memref_slice %arg8[%dma_start3A_26, %dma_start3A_27, %dma_start3A_28] : memref<2x120x512xf32, #tpu.memory_space<vmem>> -> memref<1x120x512xf32, #tpu.memory_space<vmem>>
    %dma_start3A_30 = tpu.memref_squeeze %dma_start3A_29 : memref<1x120x512xf32, #tpu.memory_space<vmem>> -> memref<120x512xf32, #tpu.memory_space<vmem>>
    %dma_start3A_31 = arith.constant 0 : i32
    %dma_start3A_32 = tpu.memref_slice %arg7[%dma_start3A_31] : memref<480xi32, #tpu.memory_space<vmem>> -> memref<120xi32, #tpu.memory_space<vmem>>
    %dma_start3A_33 = arith.constant 0 : i32
    %dma_start3A_34 = arith.constant 0 : i32
    %dma_start3A_35 = tpu.memref_slice %arg2[%dma_start3A_33, %dma_start3A_34] : memref<100000x512xf32, #tpu.memory_space<hbm>> -> memref<100000x512xf32, #tpu.memory_space<hbm>>
    tpu.enqueue_indirect_dma source(%dma_start3A_35 : memref<100000x512xf32, #tpu.memory_space<hbm>>) target(%dma_start3A_30 : memref<120x512xf32, #tpu.memory_space<vmem>>) offsets(%dma_start3A_32 : memref<120xi32, #tpu.memory_space<vmem>>) semaphore(%arg10 : memref<!tpu.dma_semaphore, #tpu.memory_space<semaphore_mem>>)
    %dma_wait3A = arith.constant 0 : i32
    %dma_wait3A_36 = arith.constant 0 : i32
    %dma_wait3A_37 = arith.constant 0 : i32
    %dma_wait3A_38 = tpu.memref_slice %arg8[%dma_wait3A, %dma_wait3A_36, %dma_wait3A_37] : memref<2x120x512xf32, #tpu.memory_space<vmem>> -> memref<1x120x512xf32, #tpu.memory_space<vmem>>
    %dma_wait3A_39 = tpu.memref_squeeze %dma_wait3A_38 : memref<1x120x512xf32, #tpu.memory_space<vmem>> -> memref<120x512xf32, #tpu.memory_space<vmem>>
    %dma_wait3A_40 = arith.constant 0 : i32
    %dma_wait3A_41 = tpu.memref_slice %arg7[%dma_wait3A_40] : memref<480xi32, #tpu.memory_space<vmem>> -> memref<120xi32, #tpu.memory_space<vmem>>
    %dma_wait3A_42 = arith.constant 0 : i32
    %dma_wait3A_43 = arith.constant 0 : i32
    %dma_wait3A_44 = tpu.memref_slice %arg2[%dma_wait3A_42, %dma_wait3A_43] : memref<100000x512xf32, #tpu.memory_space<hbm>> -> memref<100000x512xf32, #tpu.memory_space<hbm>>
    tpu.wait_indirect_dma semaphore(%arg10 : memref<!tpu.dma_semaphore, #tpu.memory_space<semaphore_mem>>) src(%dma_wait3A_44 : memref<100000x512xf32, #tpu.memory_space<hbm>>) dst(%dma_wait3A_39 : memref<120x512xf32, #tpu.memory_space<vmem>>)
    %add3A_45 = arith.constant 0 : i32
    %add3A_46 = arith.addi %mul3A_2, %add3A_45 : i32
    %dma_start3A_47 = arith.constant 0 : i32
    %dma_start3A_48 = arith.constant 0 : i32
    %dma_start3A_49 = arith.constant 0 : i32
    %dma_start3A_50 = tpu.memref_slice %arg8[%dma_start3A_47, %dma_start3A_48, %dma_start3A_49] : memref<2x120x512xf32, #tpu.memory_space<vmem>> -> memref<1x120x512xf32, #tpu.memory_space<vmem>>
    %dma_start3A_51 = tpu.memref_squeeze %dma_start3A_50 : memref<1x120x512xf32, #tpu.memory_space<vmem>> -> memref<120x512xf32, #tpu.memory_space<vmem>>
    %dma_start3A_52 = arith.constant 0 : i32
    %dma_start3A_53 = tpu.memref_slice %arg5[%add3A_46, %dma_start3A_52] : memref<15360x512xf32, #tpu.memory_space<hbm>> -> memref<120x512xf32, #tpu.memory_space<hbm>>
    %dma_start3A_54 = arith.constant 0 : i32
    %dma_start3A_55 = tpu.memref_slice %arg5[%add3A_46, %dma_start3A_54] : memref<15360x512xf32, #tpu.memory_space<hbm>> -> memref<120x512xf32, #tpu.memory_space<hbm>>
    %dma_start3A_56 = arith.constant 0 : i32
    %dma_start3A_57 = arith.constant 0 : i32
    %dma_start3A_58 = tpu.memref_slice %arg8[%dma_start3A_47, %dma_start3A_56, %dma_start3A_57] : memref<2x120x512xf32, #tpu.memory_space<vmem>> -> memref<1x120x512xf32, #tpu.memory_space<vmem>>
    %dma_start3A_59 = tpu.memref_squeeze %dma_start3A_58 : memref<1x120x512xf32, #tpu.memory_space<vmem>> -> memref<120x512xf32, #tpu.memory_space<vmem>>
    tpu.enqueue_dma source(%dma_start3A_59 : memref<120x512xf32, #tpu.memory_space<vmem>>) target(%dma_start3A_55 : memref<120x512xf32, #tpu.memory_space<hbm>>) target_semaphore(%arg12 : memref<!tpu.dma_semaphore, #tpu.memory_space<semaphore_mem>>)
    %dma_start3A_60 = arith.constant 1 : i32
    %dma_start3A_61 = arith.constant 0 : i32
    %dma_start3A_62 = arith.constant 0 : i32
    %dma_start3A_63 = tpu.memref_slice %arg8[%dma_start3A_60, %dma_start3A_61, %dma_start3A_62] : memref<2x120x512xf32, #tpu.memory_space<vmem>> -> memref<1x120x512xf32, #tpu.memory_space<vmem>>
    %dma_start3A_64 = tpu.memref_squeeze %dma_start3A_63 : memref<1x120x512xf32, #tpu.memory_space<vmem>> -> memref<120x512xf32, #tpu.memory_space<vmem>>
    %dma_start3A_65 = arith.constant 120 : i32
    %dma_start3A_66 = tpu.memref_slice %arg7[%dma_start3A_65] : memref<480xi32, #tpu.memory_space<vmem>> -> memref<120xi32, #tpu.memory_space<vmem>>
    %dma_start3A_67 = arith.constant 0 : i32
    %dma_start3A_68 = arith.constant 0 : i32
    %dma_start3A_69 = tpu.memref_slice %arg2[%dma_start3A_67, %dma_start3A_68] : memref<100000x512xf32, #tpu.memory_space<hbm>> -> memref<100000x512xf32, #tpu.memory_space<hbm>>
    tpu.enqueue_indirect_dma source(%dma_start3A_69 : memref<100000x512xf32, #tpu.memory_space<hbm>>) target(%dma_start3A_64 : memref<120x512xf32, #tpu.memory_space<vmem>>) offsets(%dma_start3A_66 : memref<120xi32, #tpu.memory_space<vmem>>) semaphore(%arg10 : memref<!tpu.dma_semaphore, #tpu.memory_space<semaphore_mem>>)
    %dma_wait3A_70 = arith.constant 1 : i32
    %dma_wait3A_71 = arith.constant 0 : i32
    %dma_wait3A_72 = arith.constant 0 : i32
    %dma_wait3A_73 = tpu.memref_slice %arg8[%dma_wait3A_70, %dma_wait3A_71, %dma_wait3A_72] : memref<2x120x512xf32, #tpu.memory_space<vmem>> -> memref<1x120x512xf32, #tpu.memory_space<vmem>>
    %dma_wait3A_74 = tpu.memref_squeeze %dma_wait3A_73 : memref<1x120x512xf32, #tpu.memory_space<vmem>> -> memref<120x512xf32, #tpu.memory_space<vmem>>
    %dma_wait3A_75 = arith.constant 120 : i32
    %dma_wait3A_76 = tpu.memref_slice %arg7[%dma_wait3A_75] : memref<480xi32, #tpu.memory_space<vmem>> -> memref<120xi32, #tpu.memory_space<vmem>>
    %dma_wait3A_77 = arith.constant 0 : i32
    %dma_wait3A_78 = arith.constant 0 : i32
    %dma_wait3A_79 = tpu.memref_slice %arg2[%dma_wait3A_77, %dma_wait3A_78] : memref<100000x512xf32, #tpu.memory_space<hbm>> -> memref<100000x512xf32, #tpu.memory_space<hbm>>
    tpu.wait_indirect_dma semaphore(%arg10 : memref<!tpu.dma_semaphore, #tpu.memory_space<semaphore_mem>>) src(%dma_wait3A_79 : memref<100000x512xf32, #tpu.memory_space<hbm>>) dst(%dma_wait3A_74 : memref<120x512xf32, #tpu.memory_space<vmem>>)
    %add3A_80 = arith.constant 120 : i32
    %add3A_81 = arith.addi %mul3A_2, %add3A_80 : i32
    %dma_start3A_82 = arith.constant 1 : i32
    %dma_start3A_83 = arith.constant 0 : i32
    %dma_start3A_84 = arith.constant 0 : i32
    %dma_start3A_85 = tpu.memref_slice %arg8[%dma_start3A_82, %dma_start3A_83, %dma_start3A_84] : memref<2x120x512xf32, #tpu.memory_space<vmem>> -> memref<1x120x512xf32, #tpu.memory_space<vmem>>
    %dma_start3A_86 = tpu.memref_squeeze %dma_start3A_85 : memref<1x120x512xf32, #tpu.memory_space<vmem>> -> memref<120x512xf32, #tpu.memory_space<vmem>>
    %dma_start3A_87 = arith.constant 0 : i32
    %dma_start3A_88 = tpu.memref_slice %arg5[%add3A_81, %dma_start3A_87] : memref<15360x512xf32, #tpu.memory_space<hbm>> -> memref<120x512xf32, #tpu.memory_space<hbm>>
    %dma_start3A_89 = arith.constant 0 : i32
    %dma_start3A_90 = tpu.memref_slice %arg5[%add3A_81, %dma_start3A_89] : memref<15360x512xf32, #tpu.memory_space<hbm>> -> memref<120x512xf32, #tpu.memory_space<hbm>>
    %dma_start3A_91 = arith.constant 0 : i32
    %dma_start3A_92 = arith.constant 0 : i32
    %dma_start3A_93 = tpu.memref_slice %arg8[%dma_start3A_82, %dma_start3A_91, %dma_start3A_92] : memref<2x120x512xf32, #tpu.memory_space<vmem>> -> memref<1x120x512xf32, #tpu.memory_space<vmem>>
    %dma_start3A_94 = tpu.memref_squeeze %dma_start3A_93 : memref<1x120x512xf32, #tpu.memory_space<vmem>> -> memref<120x512xf32, #tpu.memory_space<vmem>>
    tpu.enqueue_dma source(%dma_start3A_94 : memref<120x512xf32, #tpu.memory_space<vmem>>) target(%dma_start3A_90 : memref<120x512xf32, #tpu.memory_space<hbm>>) target_semaphore(%arg13 : memref<!tpu.dma_semaphore, #tpu.memory_space<semaphore_mem>>)
    %dma_wait3A_95 = arith.constant 0 : i32
    %dma_wait3A_96 = arith.constant 0 : i32
    %dma_wait3A_97 = arith.constant 0 : i32
    %dma_wait3A_98 = tpu.memref_slice %arg8[%dma_wait3A_95, %dma_wait3A_96, %dma_wait3A_97] : memref<2x120x512xf32, #tpu.memory_space<vmem>> -> memref<1x120x512xf32, #tpu.memory_space<vmem>>
    %dma_wait3A_99 = tpu.memref_squeeze %dma_wait3A_98 : memref<1x120x512xf32, #tpu.memory_space<vmem>> -> memref<120x512xf32, #tpu.memory_space<vmem>>
    %dma_wait3A_100 = arith.constant 0 : i32
    %dma_wait3A_101 = tpu.memref_slice %arg5[%add3A_46, %dma_wait3A_100] : memref<15360x512xf32, #tpu.memory_space<hbm>> -> memref<120x512xf32, #tpu.memory_space<hbm>>
    %dma_wait3A_102 = arith.constant 0 : i32
    %dma_wait3A_103 = tpu.memref_slice %arg5[%add3A_46, %dma_wait3A_102] : memref<15360x512xf32, #tpu.memory_space<hbm>> -> memref<120x512xf32, #tpu.memory_space<hbm>>
    %dma_wait3A_104 = arith.constant 0 : i32
    %dma_wait3A_105 = arith.constant 0 : i32
    %dma_wait3A_106 = tpu.memref_slice %arg8[%dma_wait3A_95, %dma_wait3A_104, %dma_wait3A_105] : memref<2x120x512xf32, #tpu.memory_space<vmem>> -> memref<1x120x512xf32, #tpu.memory_space<vmem>>
    %dma_wait3A_107 = tpu.memref_squeeze %dma_wait3A_106 : memref<1x120x512xf32, #tpu.memory_space<vmem>> -> memref<120x512xf32, #tpu.memory_space<vmem>>
    tpu.wait_dma2 semaphore(%arg12 : memref<!tpu.dma_semaphore, #tpu.memory_space<semaphore_mem>>) src(%dma_wait3A_107 : memref<120x512xf32, #tpu.memory_space<vmem>>) dst(%dma_wait3A_103 : memref<120x512xf32, #tpu.memory_space<hbm>>)
    %dma_start3A_108 = arith.constant 0 : i32
    %dma_start3A_109 = arith.constant 0 : i32
    %dma_start3A_110 = arith.constant 0 : i32
    %dma_start3A_111 = tpu.memref_slice %arg8[%dma_start3A_108, %dma_start3A_109, %dma_start3A_110] : memref<2x120x512xf32, #tpu.memory_space<vmem>> -> memref<1x120x512xf32, #tpu.memory_space<vmem>>
    %dma_start3A_112 = tpu.memref_squeeze %dma_start3A_111 : memref<1x120x512xf32, #tpu.memory_space<vmem>> -> memref<120x512xf32, #tpu.memory_space<vmem>>
    %dma_start3A_113 = arith.constant 240 : i32
    %dma_start3A_114 = tpu.memref_slice %arg7[%dma_start3A_113] : memref<480xi32, #tpu.memory_space<vmem>> -> memref<120xi32, #tpu.memory_space<vmem>>
    %dma_start3A_115 = arith.constant 0 : i32
    %dma_start3A_116 = arith.constant 0 : i32
    %dma_start3A_117 = tpu.memref_slice %arg2[%dma_start3A_115, %dma_start3A_116] : memref<100000x512xf32, #tpu.memory_space<hbm>> -> memref<100000x512xf32, #tpu.memory_space<hbm>>
    tpu.enqueue_indirect_dma source(%dma_start3A_117 : memref<100000x512xf32, #tpu.memory_space<hbm>>) target(%dma_start3A_112 : memref<120x512xf32, #tpu.memory_space<vmem>>) offsets(%dma_start3A_114 : memref<120xi32, #tpu.memory_space<vmem>>) semaphore(%arg10 : memref<!tpu.dma_semaphore, #tpu.memory_space<semaphore_mem>>)
    %dma_wait3A_118 = arith.constant 0 : i32
    %dma_wait3A_119 = arith.constant 0 : i32
    %dma_wait3A_120 = arith.constant 0 : i32
    %dma_wait3A_121 = tpu.memref_slice %arg8[%dma_wait3A_118, %dma_wait3A_119, %dma_wait3A_120] : memref<2x120x512xf32, #tpu.memory_space<vmem>> -> memref<1x120x512xf32, #tpu.memory_space<vmem>>
    %dma_wait3A_122 = tpu.memref_squeeze %dma_wait3A_121 : memref<1x120x512xf32, #tpu.memory_space<vmem>> -> memref<120x512xf32, #tpu.memory_space<vmem>>
    %dma_wait3A_123 = arith.constant 240 : i32
    %dma_wait3A_124 = tpu.memref_slice %arg7[%dma_wait3A_123] : memref<480xi32, #tpu.memory_space<vmem>> -> memref<120xi32, #tpu.memory_space<vmem>>
    %dma_wait3A_125 = arith.constant 0 : i32
    %dma_wait3A_126 = arith.constant 0 : i32
    %dma_wait3A_127 = tpu.memref_slice %arg2[%dma_wait3A_125, %dma_wait3A_126] : memref<100000x512xf32, #tpu.memory_space<hbm>> -> memref<100000x512xf32, #tpu.memory_space<hbm>>
    tpu.wait_indirect_dma semaphore(%arg10 : memref<!tpu.dma_semaphore, #tpu.memory_space<semaphore_mem>>) src(%dma_wait3A_127 : memref<100000x512xf32, #tpu.memory_space<hbm>>) dst(%dma_wait3A_122 : memref<120x512xf32, #tpu.memory_space<vmem>>)
    %add3A_128 = arith.constant 240 : i32
    %add3A_129 = arith.addi %mul3A_2, %add3A_128 : i32
    %dma_start3A_130 = arith.constant 0 : i32
    %dma_start3A_131 = arith.constant 0 : i32
    %dma_start3A_132 = arith.constant 0 : i32
    %dma_start3A_133 = tpu.memref_slice %arg8[%dma_start3A_130, %dma_start3A_131, %dma_start3A_132] : memref<2x120x512xf32, #tpu.memory_space<vmem>> -> memref<1x120x512xf32, #tpu.memory_space<vmem>>
    %dma_start3A_134 = tpu.memref_squeeze %dma_start3A_133 : memref<1x120x512xf32, #tpu.memory_space<vmem>> -> memref<120x512xf32, #tpu.memory_space<vmem>>
    %dma_start3A_135 = arith.constant 0 : i32
    %dma_start3A_136 = tpu.memref_slice %arg5[%add3A_129, %dma_start3A_135] : memref<15360x512xf32, #tpu.memory_space<hbm>> -> memref<120x512xf32, #tpu.memory_space<hbm>>
    %dma_start3A_137 = arith.constant 0 : i32
    %dma_start3A_138 = tpu.memref_slice %arg5[%add3A_129, %dma_start3A_137] : memref<15360x512xf32, #tpu.memory_space<hbm>> -> memref<120x512xf32, #tpu.memory_space<hbm>>
    %dma_start3A_139 = arith.constant 0 : i32
    %dma_start3A_140 = arith.constant 0 : i32
    %dma_start3A_141 = tpu.memref_slice %arg8[%dma_start3A_130, %dma_start3A_139, %dma_start3A_140] : memref<2x120x512xf32, #tpu.memory_space<vmem>> -> memref<1x120x512xf32, #tpu.memory_space<vmem>>
    %dma_start3A_142 = tpu.memref_squeeze %dma_start3A_141 : memref<1x120x512xf32, #tpu.memory_space<vmem>> -> memref<120x512xf32, #tpu.memory_space<vmem>>
    tpu.enqueue_dma source(%dma_start3A_142 : memref<120x512xf32, #tpu.memory_space<vmem>>) target(%dma_start3A_138 : memref<120x512xf32, #tpu.memory_space<hbm>>) target_semaphore(%arg12 : memref<!tpu.dma_semaphore, #tpu.memory_space<semaphore_mem>>)
    %dma_wait3A_143 = arith.constant 1 : i32
    %dma_wait3A_144 = arith.constant 0 : i32
    %dma_wait3A_145 = arith.constant 0 : i32
    %dma_wait3A_146 = tpu.memref_slice %arg8[%dma_wait3A_143, %dma_wait3A_144, %dma_wait3A_145] : memref<2x120x512xf32, #tpu.memory_space<vmem>> -> memref<1x120x512xf32, #tpu.memory_space<vmem>>
    %dma_wait3A_147 = tpu.memref_squeeze %dma_wait3A_146 : memref<1x120x512xf32, #tpu.memory_space<vmem>> -> memref<120x512xf32, #tpu.memory_space<vmem>>
    %dma_wait3A_148 = arith.constant 0 : i32
    %dma_wait3A_149 = tpu.memref_slice %arg5[%add3A_81, %dma_wait3A_148] : memref<15360x512xf32, #tpu.memory_space<hbm>> -> memref<120x512xf32, #tpu.memory_space<hbm>>
    %dma_wait3A_150 = arith.constant 0 : i32
    %dma_wait3A_151 = tpu.memref_slice %arg5[%add3A_81, %dma_wait3A_150] : memref<15360x512xf32, #tpu.memory_space<hbm>> -> memref<120x512xf32, #tpu.memory_space<hbm>>
    %dma_wait3A_152 = arith.constant 0 : i32
    %dma_wait3A_153 = arith.constant 0 : i32
    %dma_wait3A_154 = tpu.memref_slice %arg8[%dma_wait3A_143, %dma_wait3A_152, %dma_wait3A_153] : memref<2x120x512xf32, #tpu.memory_space<vmem>> -> memref<1x120x512xf32, #tpu.memory_space<vmem>>
    %dma_wait3A_155 = tpu.memref_squeeze %dma_wait3A_154 : memref<1x120x512xf32, #tpu.memory_space<vmem>> -> memref<120x512xf32, #tpu.memory_space<vmem>>
    tpu.wait_dma2 semaphore(%arg13 : memref<!tpu.dma_semaphore, #tpu.memory_space<semaphore_mem>>) src(%dma_wait3A_155 : memref<120x512xf32, #tpu.memory_space<vmem>>) dst(%dma_wait3A_151 : memref<120x512xf32, #tpu.memory_space<hbm>>)
    %dma_start3A_156 = arith.constant 1 : i32
    %dma_start3A_157 = arith.constant 0 : i32
    %dma_start3A_158 = arith.constant 0 : i32
    %dma_start3A_159 = tpu.memref_slice %arg8[%dma_start3A_156, %dma_start3A_157, %dma_start3A_158] : memref<2x120x512xf32, #tpu.memory_space<vmem>> -> memref<1x120x512xf32, #tpu.memory_space<vmem>>
    %dma_start3A_160 = tpu.memref_squeeze %dma_start3A_159 : memref<1x120x512xf32, #tpu.memory_space<vmem>> -> memref<120x512xf32, #tpu.memory_space<vmem>>
    %dma_start3A_161 = arith.constant 360 : i32
    %dma_start3A_162 = tpu.memref_slice %arg7[%dma_start3A_161] : memref<480xi32, #tpu.memory_space<vmem>> -> memref<120xi32, #tpu.memory_space<vmem>>
    %dma_start3A_163 = arith.constant 0 : i32
    %dma_start3A_164 = arith.constant 0 : i32
    %dma_start3A_165 = tpu.memref_slice %arg2[%dma_start3A_163, %dma_start3A_164] : memref<100000x512xf32, #tpu.memory_space<hbm>> -> memref<100000x512xf32, #tpu.memory_space<hbm>>
    tpu.enqueue_indirect_dma source(%dma_start3A_165 : memref<100000x512xf32, #tpu.memory_space<hbm>>) target(%dma_start3A_160 : memref<120x512xf32, #tpu.memory_space<vmem>>) offsets(%dma_start3A_162 : memref<120xi32, #tpu.memory_space<vmem>>) semaphore(%arg10 : memref<!tpu.dma_semaphore, #tpu.memory_space<semaphore_mem>>)
    %dma_wait3A_166 = arith.constant 1 : i32
    %dma_wait3A_167 = arith.constant 0 : i32
    %dma_wait3A_168 = arith.constant 0 : i32
    %dma_wait3A_169 = tpu.memref_slice %arg8[%dma_wait3A_166, %dma_wait3A_167, %dma_wait3A_168] : memref<2x120x512xf32, #tpu.memory_space<vmem>> -> memref<1x120x512xf32, #tpu.memory_space<vmem>>
    %dma_wait3A_170 = tpu.memref_squeeze %dma_wait3A_169 : memref<1x120x512xf32, #tpu.memory_space<vmem>> -> memref<120x512xf32, #tpu.memory_space<vmem>>
    %dma_wait3A_171 = arith.constant 360 : i32
    %dma_wait3A_172 = tpu.memref_slice %arg7[%dma_wait3A_171] : memref<480xi32, #tpu.memory_space<vmem>> -> memref<120xi32, #tpu.memory_space<vmem>>
    %dma_wait3A_173 = arith.constant 0 : i32
    %dma_wait3A_174 = arith.constant 0 : i32
    %dma_wait3A_175 = tpu.memref_slice %arg2[%dma_wait3A_173, %dma_wait3A_174] : memref<100000x512xf32, #tpu.memory_space<hbm>> -> memref<100000x512xf32, #tpu.memory_space<hbm>>
    tpu.wait_indirect_dma semaphore(%arg10 : memref<!tpu.dma_semaphore, #tpu.memory_space<semaphore_mem>>) src(%dma_wait3A_175 : memref<100000x512xf32, #tpu.memory_space<hbm>>) dst(%dma_wait3A_170 : memref<120x512xf32, #tpu.memory_space<vmem>>)
    %add3A_176 = arith.constant 360 : i32
    %add3A_177 = arith.addi %mul3A_2, %add3A_176 : i32
    %dma_start3A_178 = arith.constant 1 : i32
    %dma_start3A_179 = arith.constant 0 : i32
    %dma_start3A_180 = arith.constant 0 : i32
    %dma_start3A_181 = tpu.memref_slice %arg8[%dma_start3A_178, %dma_start3A_179, %dma_start3A_180] : memref<2x120x512xf32, #tpu.memory_space<vmem>> -> memref<1x120x512xf32, #tpu.memory_space<vmem>>
    %dma_start3A_182 = tpu.memref_squeeze %dma_start3A_181 : memref<1x120x512xf32, #tpu.memory_space<vmem>> -> memref<120x512xf32, #tpu.memory_space<vmem>>
    %dma_start3A_183 = arith.constant 0 : i32
    %dma_start3A_184 = tpu.memref_slice %arg5[%add3A_177, %dma_start3A_183] : memref<15360x512xf32, #tpu.memory_space<hbm>> -> memref<120x512xf32, #tpu.memory_space<hbm>>
    %dma_start3A_185 = arith.constant 0 : i32
    %dma_start3A_186 = tpu.memref_slice %arg5[%add3A_177, %dma_start3A_185] : memref<15360x512xf32, #tpu.memory_space<hbm>> -> memref<120x512xf32, #tpu.memory_space<hbm>>
    %dma_start3A_187 = arith.constant 0 : i32
    %dma_start3A_188 = arith.constant 0 : i32
    %dma_start3A_189 = tpu.memref_slice %arg8[%dma_start3A_178, %dma_start3A_187, %dma_start3A_188] : memref<2x120x512xf32, #tpu.memory_space<vmem>> -> memref<1x120x512xf32, #tpu.memory_space<vmem>>
    %dma_start3A_190 = tpu.memref_squeeze %dma_start3A_189 : memref<1x120x512xf32, #tpu.memory_space<vmem>> -> memref<120x512xf32, #tpu.memory_space<vmem>>
    tpu.enqueue_dma source(%dma_start3A_190 : memref<120x512xf32, #tpu.memory_space<vmem>>) target(%dma_start3A_186 : memref<120x512xf32, #tpu.memory_space<hbm>>) target_semaphore(%arg13 : memref<!tpu.dma_semaphore, #tpu.memory_space<semaphore_mem>>)
    %dma_wait3A_191 = arith.constant 0 : i32
    %dma_wait3A_192 = arith.constant 0 : i32
    %dma_wait3A_193 = arith.constant 0 : i32
    %dma_wait3A_194 = tpu.memref_slice %arg8[%dma_wait3A_191, %dma_wait3A_192, %dma_wait3A_193] : memref<2x120x512xf32, #tpu.memory_space<vmem>> -> memref<1x120x512xf32, #tpu.memory_space<vmem>>
    %dma_wait3A_195 = tpu.memref_squeeze %dma_wait3A_194 : memref<1x120x512xf32, #tpu.memory_space<vmem>> -> memref<120x512xf32, #tpu.memory_space<vmem>>
    %dma_wait3A_196 = arith.constant 0 : i32
    %dma_wait3A_197 = tpu.memref_slice %arg5[%add3A_129, %dma_wait3A_196] : memref<15360x512xf32, #tpu.memory_space<hbm>> -> memref<120x512xf32, #tpu.memory_space<hbm>>
    %dma_wait3A_198 = arith.constant 0 : i32
    %dma_wait3A_199 = tpu.memref_slice %arg5[%add3A_129, %dma_wait3A_198] : memref<15360x512xf32, #tpu.memory_space<hbm>> -> memref<120x512xf32, #tpu.memory_space<hbm>>
    %dma_wait3A_200 = arith.constant 0 : i32
    %dma_wait3A_201 = arith.constant 0 : i32
    %dma_wait3A_202 = tpu.memref_slice %arg8[%dma_wait3A_191, %dma_wait3A_200, %dma_wait3A_201] : memref<2x120x512xf32, #tpu.memory_space<vmem>> -> memref<1x120x512xf32, #tpu.memory_space<vmem>>
    %dma_wait3A_203 = tpu.memref_squeeze %dma_wait3A_202 : memref<1x120x512xf32, #tpu.memory_space<vmem>> -> memref<120x512xf32, #tpu.memory_space<vmem>>
    tpu.wait_dma2 semaphore(%arg12 : memref<!tpu.dma_semaphore, #tpu.memory_space<semaphore_mem>>) src(%dma_wait3A_203 : memref<120x512xf32, #tpu.memory_space<vmem>>) dst(%dma_wait3A_199 : memref<120x512xf32, #tpu.memory_space<hbm>>)
    %dma_wait3A_204 = arith.constant 1 : i32
    %dma_wait3A_205 = arith.constant 0 : i32
    %dma_wait3A_206 = arith.constant 0 : i32
    %dma_wait3A_207 = tpu.memref_slice %arg8[%dma_wait3A_204, %dma_wait3A_205, %dma_wait3A_206] : memref<2x120x512xf32, #tpu.memory_space<vmem>> -> memref<1x120x512xf32, #tpu.memory_space<vmem>>
    %dma_wait3A_208 = tpu.memref_squeeze %dma_wait3A_207 : memref<1x120x512xf32, #tpu.memory_space<vmem>> -> memref<120x512xf32, #tpu.memory_space<vmem>>
    %dma_wait3A_209 = arith.constant 0 : i32
    %dma_wait3A_210 = tpu.memref_slice %arg5[%add3A_177, %dma_wait3A_209] : memref<15360x512xf32, #tpu.memory_space<hbm>> -> memref<120x512xf32, #tpu.memory_space<hbm>>
    %dma_wait3A_211 = arith.constant 0 : i32
    %dma_wait3A_212 = tpu.memref_slice %arg5[%add3A_177, %dma_wait3A_211] : memref<15360x512xf32, #tpu.memory_space<hbm>> -> memref<120x512xf32, #tpu.memory_space<hbm>>
    %dma_wait3A_213 = arith.constant 0 : i32
    %dma_wait3A_214 = arith.constant 0 : i32
    %dma_wait3A_215 = tpu.memref_slice %arg8[%dma_wait3A_204, %dma_wait3A_213, %dma_wait3A_214] : memref<2x120x512xf32, #tpu.memory_space<vmem>> -> memref<1x120x512xf32, #tpu.memory_space<vmem>>
    %dma_wait3A_216 = tpu.memref_squeeze %dma_wait3A_215 : memref<1x120x512xf32, #tpu.memory_space<vmem>> -> memref<120x512xf32, #tpu.memory_space<vmem>>
    tpu.wait_dma2 semaphore(%arg13 : memref<!tpu.dma_semaphore, #tpu.memory_space<semaphore_mem>>) src(%dma_wait3A_216 : memref<120x512xf32, #tpu.memory_space<vmem>>) dst(%dma_wait3A_212 : memref<120x512xf32, #tpu.memory_space<hbm>>)
    %dma_wait3A_217 = arith.constant 0 : i32
    %dma_wait3A_218 = tpu.memref_slice %arg9[%dma_wait3A_217] : memref<480xi32, #tpu.memory_space<vmem>> -> memref<120xi32, #tpu.memory_space<vmem>>
    %dma_wait3A_219 = arith.constant 0 : i32
    %dma_wait3A_220 = tpu.memref_slice %arg7[%dma_wait3A_219] : memref<480xi32, #tpu.memory_space<vmem>> -> memref<120xi32, #tpu.memory_space<vmem>>
    %dma_wait3A_221 = arith.constant 0 : i32
    %dma_wait3A_222 = tpu.memref_slice %arg3[%dma_wait3A_221] : memref<100000xi32, #tpu.memory_space<hbm>> -> memref<100000xi32, #tpu.memory_space<hbm>>
    tpu.wait_indirect_dma semaphore(%arg11 : memref<!tpu.dma_semaphore, #tpu.memory_space<semaphore_mem>>) src(%dma_wait3A_222 : memref<100000xi32, #tpu.memory_space<hbm>>) dst(%dma_wait3A_218 : memref<120xi32, #tpu.memory_space<vmem>>)
    %dma_wait3A_223 = arith.constant 120 : i32
    %dma_wait3A_224 = tpu.memref_slice %arg9[%dma_wait3A_223] : memref<480xi32, #tpu.memory_space<vmem>> -> memref<120xi32, #tpu.memory_space<vmem>>
    %dma_wait3A_225 = arith.constant 120 : i32
    %dma_wait3A_226 = tpu.memref_slice %arg7[%dma_wait3A_225] : memref<480xi32, #tpu.memory_space<vmem>> -> memref<120xi32, #tpu.memory_space<vmem>>
    %dma_wait3A_227 = arith.constant 0 : i32
    %dma_wait3A_228 = tpu.memref_slice %arg3[%dma_wait3A_227] : memref<100000xi32, #tpu.memory_space<hbm>> -> memref<100000xi32, #tpu.memory_space<hbm>>
    tpu.wait_indirect_dma semaphore(%arg11 : memref<!tpu.dma_semaphore, #tpu.memory_space<semaphore_mem>>) src(%dma_wait3A_228 : memref<100000xi32, #tpu.memory_space<hbm>>) dst(%dma_wait3A_224 : memref<120xi32, #tpu.memory_space<vmem>>)
    %dma_wait3A_229 = arith.constant 240 : i32
    %dma_wait3A_230 = tpu.memref_slice %arg9[%dma_wait3A_229] : memref<480xi32, #tpu.memory_space<vmem>> -> memref<120xi32, #tpu.memory_space<vmem>>
    %dma_wait3A_231 = arith.constant 240 : i32
    %dma_wait3A_232 = tpu.memref_slice %arg7[%dma_wait3A_231] : memref<480xi32, #tpu.memory_space<vmem>> -> memref<120xi32, #tpu.memory_space<vmem>>
    %dma_wait3A_233 = arith.constant 0 : i32
    %dma_wait3A_234 = tpu.memref_slice %arg3[%dma_wait3A_233] : memref<100000xi32, #tpu.memory_space<hbm>> -> memref<100000xi32, #tpu.memory_space<hbm>>
    tpu.wait_indirect_dma semaphore(%arg11 : memref<!tpu.dma_semaphore, #tpu.memory_space<semaphore_mem>>) src(%dma_wait3A_234 : memref<100000xi32, #tpu.memory_space<hbm>>) dst(%dma_wait3A_230 : memref<120xi32, #tpu.memory_space<vmem>>)
    %dma_wait3A_235 = arith.constant 360 : i32
    %dma_wait3A_236 = tpu.memref_slice %arg9[%dma_wait3A_235] : memref<480xi32, #tpu.memory_space<vmem>> -> memref<120xi32, #tpu.memory_space<vmem>>
    %dma_wait3A_237 = arith.constant 360 : i32
    %dma_wait3A_238 = tpu.memref_slice %arg7[%dma_wait3A_237] : memref<480xi32, #tpu.memory_space<vmem>> -> memref<120xi32, #tpu.memory_space<vmem>>
    %dma_wait3A_239 = arith.constant 0 : i32
    %dma_wait3A_240 = tpu.memref_slice %arg3[%dma_wait3A_239] : memref<100000xi32, #tpu.memory_space<hbm>> -> memref<100000xi32, #tpu.memory_space<hbm>>
    tpu.wait_indirect_dma semaphore(%arg11 : memref<!tpu.dma_semaphore, #tpu.memory_space<semaphore_mem>>) src(%dma_wait3A_240 : memref<100000xi32, #tpu.memory_space<hbm>>) dst(%dma_wait3A_236 : memref<120xi32, #tpu.memory_space<vmem>>)
    "tpu.region"() ({
      %run_scoped3A = tpu.sem_alloc : memref<!tpu.dma_semaphore, #tpu.memory_space<semaphore_mem>>
      %dma_start3A_241 = tpu.memref_slice %arg6[%mul3A_2] : memref<15360xi32, #tpu.memory_space<hbm>> -> memref<480xi32, #tpu.memory_space<hbm>>
      %dma_start3A_242 = tpu.memref_slice %arg6[%mul3A_2] : memref<15360xi32, #tpu.memory_space<hbm>> -> memref<480xi32, #tpu.memory_space<hbm>>
      tpu.enqueue_dma source(%arg9 : memref<480xi32, #tpu.memory_space<vmem>>) target(%dma_start3A_242 : memref<480xi32, #tpu.memory_space<hbm>>) target_semaphore(%run_scoped3A : memref<!tpu.dma_semaphore, #tpu.memory_space<semaphore_mem>>)
      %dma_wait3A_243 = tpu.memref_slice %arg6[%mul3A_2] : memref<15360xi32, #tpu.memory_space<hbm>> -> memref<480xi32, #tpu.memory_space<hbm>>
      %dma_wait3A_244 = tpu.memref_slice %arg6[%mul3A_2] : memref<15360xi32, #tpu.memory_space<hbm>> -> memref<480xi32, #tpu.memory_space<hbm>>
      tpu.wait_dma2 semaphore(%run_scoped3A : memref<!tpu.dma_semaphore, #tpu.memory_space<semaphore_mem>>) src(%arg9 : memref<480xi32, #tpu.memory_space<vmem>>) dst(%dma_wait3A_244 : memref<480xi32, #tpu.memory_space<hbm>>)
      tpu.yield
    }) : () -> ()
    return
  }
}

#map = affine_map<(d0, d1) -> (0, 0)>
#map1 = affine_map<(d0, d1) -> (0)>
module attributes {stable_mosaic.version = 14 : i64} {
  func.func @gather_kernel(%arg0: i32, %arg1: i32, %arg2: memref<100000x512xf32, #tpu.memory_space<hbm>>, %arg3: memref<100000xi32, #tpu.memory_space<hbm>>, %arg4: memref<15360xi32, #tpu.memory_space<hbm>>, %arg5: memref<15360x512xf32, #tpu.memory_space<hbm>>, %arg6: memref<15360xi32, #tpu.memory_space<hbm>>, %arg7: memref<480xi32, #tpu.memory_space<vmem>>, %arg8: memref<2x120x512xf32, #tpu.memory_space<vmem>>, %arg9: memref<480xi32, #tpu.memory_space<vmem>>, %arg10: memref<!tpu.dma_semaphore, #tpu.memory_space<semaphore_mem>>, %arg11: memref<!tpu.dma_semaphore, #tpu.memory_space<semaphore_mem>>, %arg12: memref<!tpu.dma_semaphore, #tpu.memory_space<semaphore_mem>>, %arg13: memref<!tpu.dma_semaphore, #tpu.memory_space<semaphore_mem>>) attributes {dimension_semantics = [#tpu.dimension_semantics<core_parallel>, #tpu.dimension_semantics<subcore_parallel>], iteration_bounds = array<i64: 2, 16>, scalar_prefetch = 0 : i64, scratch_operands = 7 : i64, tpu.core_type = #tpu.core_type<sc_vector_subcore>, window_params = [{transform_indices = #map}, {transform_indices = #map1}, {transform_indices = #map1}, {transform_indices = #map}, {transform_indices = #map1}]} {
    %mul3A = arith.constant 2 : i32
    %mul3A_0 = arith.muli %arg1, %mul3A : i32
    %add3A = arith.addi %mul3A_0, %arg0 : i32
    %mul3A_1 = arith.constant 480 : i32
    %mul3A_2 = arith.muli %add3A, %mul3A_1 : i32
    "tpu.region"() ({
      %run_scoped3A = tpu.sem_alloc : memref<!tpu.dma_semaphore, #tpu.memory_space<semaphore_mem>>
      %dma_start3A_241 = tpu.memref_slice %arg4[%mul3A_2] : memref<15360xi32, #tpu.memory_space<hbm>> -> memref<480xi32, #tpu.memory_space<hbm>>
      %dma_start3A_242 = tpu.memref_slice %arg4[%mul3A_2] : memref<15360xi32, #tpu.memory_space<hbm>> -> memref<480xi32, #tpu.memory_space<hbm>>
      tpu.enqueue_dma source(%dma_start3A_242 : memref<480xi32, #tpu.memory_space<hbm>>) target(%arg7 : memref<480xi32, #tpu.memory_space<vmem>>) target_semaphore(%run_scoped3A : memref<!tpu.dma_semaphore, #tpu.memory_space<semaphore_mem>>)
      %dma_wait3A_243 = tpu.memref_slice %arg4[%mul3A_2] : memref<15360xi32, #tpu.memory_space<hbm>> -> memref<480xi32, #tpu.memory_space<hbm>>
      %dma_wait3A_244 = tpu.memref_slice %arg4[%mul3A_2] : memref<15360xi32, #tpu.memory_space<hbm>> -> memref<480xi32, #tpu.memory_space<hbm>>
      tpu.wait_dma2 semaphore(%run_scoped3A : memref<!tpu.dma_semaphore, #tpu.memory_space<semaphore_mem>>) src(%dma_wait3A_244 : memref<480xi32, #tpu.memory_space<hbm>>) dst(%arg7 : memref<480xi32, #tpu.memory_space<vmem>>)
      tpu.yield
    }) : () -> ()
    %dma_start3A = arith.constant 0 : i32
    %dma_start3A_3 = tpu.memref_slice %arg9[%dma_start3A] : memref<480xi32, #tpu.memory_space<vmem>> -> memref<120xi32, #tpu.memory_space<vmem>>
    %dma_start3A_4 = arith.constant 0 : i32
    %dma_start3A_5 = tpu.memref_slice %arg7[%dma_start3A_4] : memref<480xi32, #tpu.memory_space<vmem>> -> memref<120xi32, #tpu.memory_space<vmem>>
    %dma_start3A_6 = arith.constant 0 : i32
    %dma_start3A_7 = tpu.memref_slice %arg3[%dma_start3A_6] : memref<100000xi32, #tpu.memory_space<hbm>> -> memref<100000xi32, #tpu.memory_space<hbm>>
    tpu.enqueue_indirect_dma source(%dma_start3A_7 : memref<100000xi32, #tpu.memory_space<hbm>>) target(%dma_start3A_3 : memref<120xi32, #tpu.memory_space<vmem>>) offsets(%dma_start3A_5 : memref<120xi32, #tpu.memory_space<vmem>>) semaphore(%arg11 : memref<!tpu.dma_semaphore, #tpu.memory_space<semaphore_mem>>)
    %dma_start3A_8 = arith.constant 120 : i32
    %dma_start3A_9 = tpu.memref_slice %arg9[%dma_start3A_8] : memref<480xi32, #tpu.memory_space<vmem>> -> memref<120xi32, #tpu.memory_space<vmem>>
    %dma_start3A_10 = arith.constant 120 : i32
    %dma_start3A_11 = tpu.memref_slice %arg7[%dma_start3A_10] : memref<480xi32, #tpu.memory_space<vmem>> -> memref<120xi32, #tpu.memory_space<vmem>>
    %dma_start3A_12 = arith.constant 0 : i32
    %dma_start3A_13 = tpu.memref_slice %arg3[%dma_start3A_12] : memref<100000xi32, #tpu.memory_space<hbm>> -> memref<100000xi32, #tpu.memory_space<hbm>>
    tpu.enqueue_indirect_dma source(%dma_start3A_13 : memref<100000xi32, #tpu.memory_space<hbm>>) target(%dma_start3A_9 : memref<120xi32, #tpu.memory_space<vmem>>) offsets(%dma_start3A_11 : memref<120xi32, #tpu.memory_space<vmem>>) semaphore(%arg11 : memref<!tpu.dma_semaphore, #tpu.memory_space<semaphore_mem>>)
    %dma_start3A_14 = arith.constant 240 : i32
    %dma_start3A_15 = tpu.memref_slice %arg9[%dma_start3A_14] : memref<480xi32, #tpu.memory_space<vmem>> -> memref<120xi32, #tpu.memory_space<vmem>>
    %dma_start3A_16 = arith.constant 240 : i32
    %dma_start3A_17 = tpu.memref_slice %arg7[%dma_start3A_16] : memref<480xi32, #tpu.memory_space<vmem>> -> memref<120xi32, #tpu.memory_space<vmem>>
    %dma_start3A_18 = arith.constant 0 : i32
    %dma_start3A_19 = tpu.memref_slice %arg3[%dma_start3A_18] : memref<100000xi32, #tpu.memory_space<hbm>> -> memref<100000xi32, #tpu.memory_space<hbm>>
    tpu.enqueue_indirect_dma source(%dma_start3A_19 : memref<100000xi32, #tpu.memory_space<hbm>>) target(%dma_start3A_15 : memref<120xi32, #tpu.memory_space<vmem>>) offsets(%dma_start3A_17 : memref<120xi32, #tpu.memory_space<vmem>>) semaphore(%arg11 : memref<!tpu.dma_semaphore, #tpu.memory_space<semaphore_mem>>)
    %dma_start3A_20 = arith.constant 360 : i32
    %dma_start3A_21 = tpu.memref_slice %arg9[%dma_start3A_20] : memref<480xi32, #tpu.memory_space<vmem>> -> memref<120xi32, #tpu.memory_space<vmem>>
    %dma_start3A_22 = arith.constant 360 : i32
    %dma_start3A_23 = tpu.memref_slice %arg7[%dma_start3A_22] : memref<480xi32, #tpu.memory_space<vmem>> -> memref<120xi32, #tpu.memory_space<vmem>>
    %dma_start3A_24 = arith.constant 0 : i32
    %dma_start3A_25 = tpu.memref_slice %arg3[%dma_start3A_24] : memref<100000xi32, #tpu.memory_space<hbm>> -> memref<100000xi32, #tpu.memory_space<hbm>>
    tpu.enqueue_indirect_dma source(%dma_start3A_25 : memref<100000xi32, #tpu.memory_space<hbm>>) target(%dma_start3A_21 : memref<120xi32, #tpu.memory_space<vmem>>) offsets(%dma_start3A_23 : memref<120xi32, #tpu.memory_space<vmem>>) semaphore(%arg11 : memref<!tpu.dma_semaphore, #tpu.memory_space<semaphore_mem>>)
    %dma_start3A_26 = arith.constant 0 : i32
    %dma_start3A_27 = arith.constant 0 : i32
    %dma_start3A_28 = arith.constant 0 : i32
    %dma_start3A_29 = tpu.memref_slice %arg8[%dma_start3A_26, %dma_start3A_27, %dma_start3A_28] : memref<2x120x512xf32, #tpu.memory_space<vmem>> -> memref<1x120x512xf32, #tpu.memory_space<vmem>>
    %dma_start3A_30 = tpu.memref_squeeze %dma_start3A_29 : memref<1x120x512xf32, #tpu.memory_space<vmem>> -> memref<120x512xf32, #tpu.memory_space<vmem>>
    %dma_start3A_31 = arith.constant 0 : i32
    %dma_start3A_32 = tpu.memref_slice %arg7[%dma_start3A_31] : memref<480xi32, #tpu.memory_space<vmem>> -> memref<120xi32, #tpu.memory_space<vmem>>
    %dma_start3A_33 = arith.constant 0 : i32
    %dma_start3A_34 = arith.constant 0 : i32
    %dma_start3A_35 = tpu.memref_slice %arg2[%dma_start3A_33, %dma_start3A_34] : memref<100000x512xf32, #tpu.memory_space<hbm>> -> memref<100000x512xf32, #tpu.memory_space<hbm>>
    tpu.enqueue_indirect_dma source(%dma_start3A_35 : memref<100000x512xf32, #tpu.memory_space<hbm>>) target(%dma_start3A_30 : memref<120x512xf32, #tpu.memory_space<vmem>>) offsets(%dma_start3A_32 : memref<120xi32, #tpu.memory_space<vmem>>) semaphore(%arg10 : memref<!tpu.dma_semaphore, #tpu.memory_space<semaphore_mem>>)
    %dma_wait3A = arith.constant 0 : i32
    %dma_wait3A_36 = arith.constant 0 : i32
    %dma_wait3A_37 = arith.constant 0 : i32
    %dma_wait3A_38 = tpu.memref_slice %arg8[%dma_wait3A, %dma_wait3A_36, %dma_wait3A_37] : memref<2x120x512xf32, #tpu.memory_space<vmem>> -> memref<1x120x512xf32, #tpu.memory_space<vmem>>
    %dma_wait3A_39 = tpu.memref_squeeze %dma_wait3A_38 : memref<1x120x512xf32, #tpu.memory_space<vmem>> -> memref<120x512xf32, #tpu.memory_space<vmem>>
    %dma_wait3A_40 = arith.constant 0 : i32
    %dma_wait3A_41 = tpu.memref_slice %arg7[%dma_wait3A_40] : memref<480xi32, #tpu.memory_space<vmem>> -> memref<120xi32, #tpu.memory_space<vmem>>
    %dma_wait3A_42 = arith.constant 0 : i32
    %dma_wait3A_43 = arith.constant 0 : i32
    %dma_wait3A_44 = tpu.memref_slice %arg2[%dma_wait3A_42, %dma_wait3A_43] : memref<100000x512xf32, #tpu.memory_space<hbm>> -> memref<100000x512xf32, #tpu.memory_space<hbm>>
    tpu.wait_indirect_dma semaphore(%arg10 : memref<!tpu.dma_semaphore, #tpu.memory_space<semaphore_mem>>) src(%dma_wait3A_44 : memref<100000x512xf32, #tpu.memory_space<hbm>>) dst(%dma_wait3A_39 : memref<120x512xf32, #tpu.memory_space<vmem>>)
    %add3A_45 = arith.constant 0 : i32
    %add3A_46 = arith.addi %mul3A_2, %add3A_45 : i32
    %dma_start3A_47 = arith.constant 0 : i32
    %dma_start3A_48 = arith.constant 0 : i32
    %dma_start3A_49 = arith.constant 0 : i32
    %dma_start3A_50 = tpu.memref_slice %arg8[%dma_start3A_47, %dma_start3A_48, %dma_start3A_49] : memref<2x120x512xf32, #tpu.memory_space<vmem>> -> memref<1x120x512xf32, #tpu.memory_space<vmem>>
    %dma_start3A_51 = tpu.memref_squeeze %dma_start3A_50 : memref<1x120x512xf32, #tpu.memory_space<vmem>> -> memref<120x512xf32, #tpu.memory_space<vmem>>
    %dma_start3A_52 = arith.constant 0 : i32
    %dma_start3A_53 = tpu.memref_slice %arg5[%add3A_46, %dma_start3A_52] : memref<15360x512xf32, #tpu.memory_space<hbm>> -> memref<120x512xf32, #tpu.memory_space<hbm>>
    %dma_start3A_54 = arith.constant 0 : i32
    %dma_start3A_55 = tpu.memref_slice %arg5[%add3A_46, %dma_start3A_54] : memref<15360x512xf32, #tpu.memory_space<hbm>> -> memref<120x512xf32, #tpu.memory_space<hbm>>
    %dma_start3A_56 = arith.constant 0 : i32
    %dma_start3A_57 = arith.constant 0 : i32
    %dma_start3A_58 = tpu.memref_slice %arg8[%dma_start3A_47, %dma_start3A_56, %dma_start3A_57] : memref<2x120x512xf32, #tpu.memory_space<vmem>> -> memref<1x120x512xf32, #tpu.memory_space<vmem>>
    %dma_start3A_59 = tpu.memref_squeeze %dma_start3A_58 : memref<1x120x512xf32, #tpu.memory_space<vmem>> -> memref<120x512xf32, #tpu.memory_space<vmem>>
    tpu.enqueue_dma source(%dma_start3A_59 : memref<120x512xf32, #tpu.memory_space<vmem>>) target(%dma_start3A_55 : memref<120x512xf32, #tpu.memory_space<hbm>>) target_semaphore(%arg12 : memref<!tpu.dma_semaphore, #tpu.memory_space<semaphore_mem>>)
    %dma_start3A_60 = arith.constant 1 : i32
    %dma_start3A_61 = arith.constant 0 : i32
    %dma_start3A_62 = arith.constant 0 : i32
    %dma_start3A_63 = tpu.memref_slice %arg8[%dma_start3A_60, %dma_start3A_61, %dma_start3A_62] : memref<2x120x512xf32, #tpu.memory_space<vmem>> -> memref<1x120x512xf32, #tpu.memory_space<vmem>>
    %dma_start3A_64 = tpu.memref_squeeze %dma_start3A_63 : memref<1x120x512xf32, #tpu.memory_space<vmem>> -> memref<120x512xf32, #tpu.memory_space<vmem>>
    %dma_start3A_65 = arith.constant 120 : i32
    %dma_start3A_66 = tpu.memref_slice %arg7[%dma_start3A_65] : memref<480xi32, #tpu.memory_space<vmem>> -> memref<120xi32, #tpu.memory_space<vmem>>
    %dma_start3A_67 = arith.constant 0 : i32
    %dma_start3A_68 = arith.constant 0 : i32
    %dma_start3A_69 = tpu.memref_slice %arg2[%dma_start3A_67, %dma_start3A_68] : memref<100000x512xf32, #tpu.memory_space<hbm>> -> memref<100000x512xf32, #tpu.memory_space<hbm>>
    tpu.enqueue_indirect_dma source(%dma_start3A_69 : memref<100000x512xf32, #tpu.memory_space<hbm>>) target(%dma_start3A_64 : memref<120x512xf32, #tpu.memory_space<vmem>>) offsets(%dma_start3A_66 : memref<120xi32, #tpu.memory_space<vmem>>) semaphore(%arg10 : memref<!tpu.dma_semaphore, #tpu.memory_space<semaphore_mem>>)
    %dma_wait3A_70 = arith.constant 1 : i32
    %dma_wait3A_71 = arith.constant 0 : i32
    %dma_wait3A_72 = arith.constant 0 : i32
    %dma_wait3A_73 = tpu.memref_slice %arg8[%dma_wait3A_70, %dma_wait3A_71, %dma_wait3A_72] : memref<2x120x512xf32, #tpu.memory_space<vmem>> -> memref<1x120x512xf32, #tpu.memory_space<vmem>>
    %dma_wait3A_74 = tpu.memref_squeeze %dma_wait3A_73 : memref<1x120x512xf32, #tpu.memory_space<vmem>> -> memref<120x512xf32, #tpu.memory_space<vmem>>
    %dma_wait3A_75 = arith.constant 120 : i32
    %dma_wait3A_76 = tpu.memref_slice %arg7[%dma_wait3A_75] : memref<480xi32, #tpu.memory_space<vmem>> -> memref<120xi32, #tpu.memory_space<vmem>>
    %dma_wait3A_77 = arith.constant 0 : i32
    %dma_wait3A_78 = arith.constant 0 : i32
    %dma_wait3A_79 = tpu.memref_slice %arg2[%dma_wait3A_77, %dma_wait3A_78] : memref<100000x512xf32, #tpu.memory_space<hbm>> -> memref<100000x512xf32, #tpu.memory_space<hbm>>
    tpu.wait_indirect_dma semaphore(%arg10 : memref<!tpu.dma_semaphore, #tpu.memory_space<semaphore_mem>>) src(%dma_wait3A_79 : memref<100000x512xf32, #tpu.memory_space<hbm>>) dst(%dma_wait3A_74 : memref<120x512xf32, #tpu.memory_space<vmem>>)
    %add3A_80 = arith.constant 120 : i32
    %add3A_81 = arith.addi %mul3A_2, %add3A_80 : i32
    %dma_start3A_82 = arith.constant 1 : i32
    %dma_start3A_83 = arith.constant 0 : i32
    %dma_start3A_84 = arith.constant 0 : i32
    %dma_start3A_85 = tpu.memref_slice %arg8[%dma_start3A_82, %dma_start3A_83, %dma_start3A_84] : memref<2x120x512xf32, #tpu.memory_space<vmem>> -> memref<1x120x512xf32, #tpu.memory_space<vmem>>
    %dma_start3A_86 = tpu.memref_squeeze %dma_start3A_85 : memref<1x120x512xf32, #tpu.memory_space<vmem>> -> memref<120x512xf32, #tpu.memory_space<vmem>>
    %dma_start3A_87 = arith.constant 0 : i32
    %dma_start3A_88 = tpu.memref_slice %arg5[%add3A_81, %dma_start3A_87] : memref<15360x512xf32, #tpu.memory_space<hbm>> -> memref<120x512xf32, #tpu.memory_space<hbm>>
    %dma_start3A_89 = arith.constant 0 : i32
    %dma_start3A_90 = tpu.memref_slice %arg5[%add3A_81, %dma_start3A_89] : memref<15360x512xf32, #tpu.memory_space<hbm>> -> memref<120x512xf32, #tpu.memory_space<hbm>>
    %dma_start3A_91 = arith.constant 0 : i32
    %dma_start3A_92 = arith.constant 0 : i32
    %dma_start3A_93 = tpu.memref_slice %arg8[%dma_start3A_82, %dma_start3A_91, %dma_start3A_92] : memref<2x120x512xf32, #tpu.memory_space<vmem>> -> memref<1x120x512xf32, #tpu.memory_space<vmem>>
    %dma_start3A_94 = tpu.memref_squeeze %dma_start3A_93 : memref<1x120x512xf32, #tpu.memory_space<vmem>> -> memref<120x512xf32, #tpu.memory_space<vmem>>
    tpu.enqueue_dma source(%dma_start3A_94 : memref<120x512xf32, #tpu.memory_space<vmem>>) target(%dma_start3A_90 : memref<120x512xf32, #tpu.memory_space<hbm>>) target_semaphore(%arg13 : memref<!tpu.dma_semaphore, #tpu.memory_space<semaphore_mem>>)
    %dma_wait3A_95 = arith.constant 0 : i32
    %dma_wait3A_96 = arith.constant 0 : i32
    %dma_wait3A_97 = arith.constant 0 : i32
    %dma_wait3A_98 = tpu.memref_slice %arg8[%dma_wait3A_95, %dma_wait3A_96, %dma_wait3A_97] : memref<2x120x512xf32, #tpu.memory_space<vmem>> -> memref<1x120x512xf32, #tpu.memory_space<vmem>>
    %dma_wait3A_99 = tpu.memref_squeeze %dma_wait3A_98 : memref<1x120x512xf32, #tpu.memory_space<vmem>> -> memref<120x512xf32, #tpu.memory_space<vmem>>
    %dma_wait3A_100 = arith.constant 0 : i32
    %dma_wait3A_101 = tpu.memref_slice %arg5[%add3A_46, %dma_wait3A_100] : memref<15360x512xf32, #tpu.memory_space<hbm>> -> memref<120x512xf32, #tpu.memory_space<hbm>>
    %dma_wait3A_102 = arith.constant 0 : i32
    %dma_wait3A_103 = tpu.memref_slice %arg5[%add3A_46, %dma_wait3A_102] : memref<15360x512xf32, #tpu.memory_space<hbm>> -> memref<120x512xf32, #tpu.memory_space<hbm>>
    %dma_wait3A_104 = arith.constant 0 : i32
    %dma_wait3A_105 = arith.constant 0 : i32
    %dma_wait3A_106 = tpu.memref_slice %arg8[%dma_wait3A_95, %dma_wait3A_104, %dma_wait3A_105] : memref<2x120x512xf32, #tpu.memory_space<vmem>> -> memref<1x120x512xf32, #tpu.memory_space<vmem>>
    %dma_wait3A_107 = tpu.memref_squeeze %dma_wait3A_106 : memref<1x120x512xf32, #tpu.memory_space<vmem>> -> memref<120x512xf32, #tpu.memory_space<vmem>>
    tpu.wait_dma2 semaphore(%arg12 : memref<!tpu.dma_semaphore, #tpu.memory_space<semaphore_mem>>) src(%dma_wait3A_107 : memref<120x512xf32, #tpu.memory_space<vmem>>) dst(%dma_wait3A_103 : memref<120x512xf32, #tpu.memory_space<hbm>>)
    %dma_start3A_108 = arith.constant 0 : i32
    %dma_start3A_109 = arith.constant 0 : i32
    %dma_start3A_110 = arith.constant 0 : i32
    %dma_start3A_111 = tpu.memref_slice %arg8[%dma_start3A_108, %dma_start3A_109, %dma_start3A_110] : memref<2x120x512xf32, #tpu.memory_space<vmem>> -> memref<1x120x512xf32, #tpu.memory_space<vmem>>
    %dma_start3A_112 = tpu.memref_squeeze %dma_start3A_111 : memref<1x120x512xf32, #tpu.memory_space<vmem>> -> memref<120x512xf32, #tpu.memory_space<vmem>>
    %dma_start3A_113 = arith.constant 240 : i32
    %dma_start3A_114 = tpu.memref_slice %arg7[%dma_start3A_113] : memref<480xi32, #tpu.memory_space<vmem>> -> memref<120xi32, #tpu.memory_space<vmem>>
    %dma_start3A_115 = arith.constant 0 : i32
    %dma_start3A_116 = arith.constant 0 : i32
    %dma_start3A_117 = tpu.memref_slice %arg2[%dma_start3A_115, %dma_start3A_116] : memref<100000x512xf32, #tpu.memory_space<hbm>> -> memref<100000x512xf32, #tpu.memory_space<hbm>>
    tpu.enqueue_indirect_dma source(%dma_start3A_117 : memref<100000x512xf32, #tpu.memory_space<hbm>>) target(%dma_start3A_112 : memref<120x512xf32, #tpu.memory_space<vmem>>) offsets(%dma_start3A_114 : memref<120xi32, #tpu.memory_space<vmem>>) semaphore(%arg10 : memref<!tpu.dma_semaphore, #tpu.memory_space<semaphore_mem>>)
    %dma_wait3A_118 = arith.constant 0 : i32
    %dma_wait3A_119 = arith.constant 0 : i32
    %dma_wait3A_120 = arith.constant 0 : i32
    %dma_wait3A_121 = tpu.memref_slice %arg8[%dma_wait3A_118, %dma_wait3A_119, %dma_wait3A_120] : memref<2x120x512xf32, #tpu.memory_space<vmem>> -> memref<1x120x512xf32, #tpu.memory_space<vmem>>
    %dma_wait3A_122 = tpu.memref_squeeze %dma_wait3A_121 : memref<1x120x512xf32, #tpu.memory_space<vmem>> -> memref<120x512xf32, #tpu.memory_space<vmem>>
    %dma_wait3A_123 = arith.constant 240 : i32
    %dma_wait3A_124 = tpu.memref_slice %arg7[%dma_wait3A_123] : memref<480xi32, #tpu.memory_space<vmem>> -> memref<120xi32, #tpu.memory_space<vmem>>
    %dma_wait3A_125 = arith.constant 0 : i32
    %dma_wait3A_126 = arith.constant 0 : i32
    %dma_wait3A_127 = tpu.memref_slice %arg2[%dma_wait3A_125, %dma_wait3A_126] : memref<100000x512xf32, #tpu.memory_space<hbm>> -> memref<100000x512xf32, #tpu.memory_space<hbm>>
    tpu.wait_indirect_dma semaphore(%arg10 : memref<!tpu.dma_semaphore, #tpu.memory_space<semaphore_mem>>) src(%dma_wait3A_127 : memref<100000x512xf32, #tpu.memory_space<hbm>>) dst(%dma_wait3A_122 : memref<120x512xf32, #tpu.memory_space<vmem>>)
    %add3A_128 = arith.constant 240 : i32
    %add3A_129 = arith.addi %mul3A_2, %add3A_128 : i32
    %dma_start3A_130 = arith.constant 0 : i32
    %dma_start3A_131 = arith.constant 0 : i32
    %dma_start3A_132 = arith.constant 0 : i32
    %dma_start3A_133 = tpu.memref_slice %arg8[%dma_start3A_130, %dma_start3A_131, %dma_start3A_132] : memref<2x120x512xf32, #tpu.memory_space<vmem>> -> memref<1x120x512xf32, #tpu.memory_space<vmem>>
    %dma_start3A_134 = tpu.memref_squeeze %dma_start3A_133 : memref<1x120x512xf32, #tpu.memory_space<vmem>> -> memref<120x512xf32, #tpu.memory_space<vmem>>
    %dma_start3A_135 = arith.constant 0 : i32
    %dma_start3A_136 = tpu.memref_slice %arg5[%add3A_129, %dma_start3A_135] : memref<15360x512xf32, #tpu.memory_space<hbm>> -> memref<120x512xf32, #tpu.memory_space<hbm>>
    %dma_start3A_137 = arith.constant 0 : i32
    %dma_start3A_138 = tpu.memref_slice %arg5[%add3A_129, %dma_start3A_137] : memref<15360x512xf32, #tpu.memory_space<hbm>> -> memref<120x512xf32, #tpu.memory_space<hbm>>
    %dma_start3A_139 = arith.constant 0 : i32
    %dma_start3A_140 = arith.constant 0 : i32
    %dma_start3A_141 = tpu.memref_slice %arg8[%dma_start3A_130, %dma_start3A_139, %dma_start3A_140] : memref<2x120x512xf32, #tpu.memory_space<vmem>> -> memref<1x120x512xf32, #tpu.memory_space<vmem>>
    %dma_start3A_142 = tpu.memref_squeeze %dma_start3A_141 : memref<1x120x512xf32, #tpu.memory_space<vmem>> -> memref<120x512xf32, #tpu.memory_space<vmem>>
    tpu.enqueue_dma source(%dma_start3A_142 : memref<120x512xf32, #tpu.memory_space<vmem>>) target(%dma_start3A_138 : memref<120x512xf32, #tpu.memory_space<hbm>>) target_semaphore(%arg12 : memref<!tpu.dma_semaphore, #tpu.memory_space<semaphore_mem>>)
    %dma_wait3A_143 = arith.constant 1 : i32
    %dma_wait3A_144 = arith.constant 0 : i32
    %dma_wait3A_145 = arith.constant 0 : i32
    %dma_wait3A_146 = tpu.memref_slice %arg8[%dma_wait3A_143, %dma_wait3A_144, %dma_wait3A_145] : memref<2x120x512xf32, #tpu.memory_space<vmem>> -> memref<1x120x512xf32, #tpu.memory_space<vmem>>
    %dma_wait3A_147 = tpu.memref_squeeze %dma_wait3A_146 : memref<1x120x512xf32, #tpu.memory_space<vmem>> -> memref<120x512xf32, #tpu.memory_space<vmem>>
    %dma_wait3A_148 = arith.constant 0 : i32
    %dma_wait3A_149 = tpu.memref_slice %arg5[%add3A_81, %dma_wait3A_148] : memref<15360x512xf32, #tpu.memory_space<hbm>> -> memref<120x512xf32, #tpu.memory_space<hbm>>
    %dma_wait3A_150 = arith.constant 0 : i32
    %dma_wait3A_151 = tpu.memref_slice %arg5[%add3A_81, %dma_wait3A_150] : memref<15360x512xf32, #tpu.memory_space<hbm>> -> memref<120x512xf32, #tpu.memory_space<hbm>>
    %dma_wait3A_152 = arith.constant 0 : i32
    %dma_wait3A_153 = arith.constant 0 : i32
    %dma_wait3A_154 = tpu.memref_slice %arg8[%dma_wait3A_143, %dma_wait3A_152, %dma_wait3A_153] : memref<2x120x512xf32, #tpu.memory_space<vmem>> -> memref<1x120x512xf32, #tpu.memory_space<vmem>>
    %dma_wait3A_155 = tpu.memref_squeeze %dma_wait3A_154 : memref<1x120x512xf32, #tpu.memory_space<vmem>> -> memref<120x512xf32, #tpu.memory_space<vmem>>
    tpu.wait_dma2 semaphore(%arg13 : memref<!tpu.dma_semaphore, #tpu.memory_space<semaphore_mem>>) src(%dma_wait3A_155 : memref<120x512xf32, #tpu.memory_space<vmem>>) dst(%dma_wait3A_151 : memref<120x512xf32, #tpu.memory_space<hbm>>)
    %dma_start3A_156 = arith.constant 1 : i32
    %dma_start3A_157 = arith.constant 0 : i32
    %dma_start3A_158 = arith.constant 0 : i32
    %dma_start3A_159 = tpu.memref_slice %arg8[%dma_start3A_156, %dma_start3A_157, %dma_start3A_158] : memref<2x120x512xf32, #tpu.memory_space<vmem>> -> memref<1x120x512xf32, #tpu.memory_space<vmem>>
    %dma_start3A_160 = tpu.memref_squeeze %dma_start3A_159 : memref<1x120x512xf32, #tpu.memory_space<vmem>> -> memref<120x512xf32, #tpu.memory_space<vmem>>
    %dma_start3A_161 = arith.constant 360 : i32
    %dma_start3A_162 = tpu.memref_slice %arg7[%dma_start3A_161] : memref<480xi32, #tpu.memory_space<vmem>> -> memref<120xi32, #tpu.memory_space<vmem>>
    %dma_start3A_163 = arith.constant 0 : i32
    %dma_start3A_164 = arith.constant 0 : i32
    %dma_start3A_165 = tpu.memref_slice %arg2[%dma_start3A_163, %dma_start3A_164] : memref<100000x512xf32, #tpu.memory_space<hbm>> -> memref<100000x512xf32, #tpu.memory_space<hbm>>
    tpu.enqueue_indirect_dma source(%dma_start3A_165 : memref<100000x512xf32, #tpu.memory_space<hbm>>) target(%dma_start3A_160 : memref<120x512xf32, #tpu.memory_space<vmem>>) offsets(%dma_start3A_162 : memref<120xi32, #tpu.memory_space<vmem>>) semaphore(%arg10 : memref<!tpu.dma_semaphore, #tpu.memory_space<semaphore_mem>>)
    %dma_wait3A_166 = arith.constant 1 : i32
    %dma_wait3A_167 = arith.constant 0 : i32
    %dma_wait3A_168 = arith.constant 0 : i32
    %dma_wait3A_169 = tpu.memref_slice %arg8[%dma_wait3A_166, %dma_wait3A_167, %dma_wait3A_168] : memref<2x120x512xf32, #tpu.memory_space<vmem>> -> memref<1x120x512xf32, #tpu.memory_space<vmem>>
    %dma_wait3A_170 = tpu.memref_squeeze %dma_wait3A_169 : memref<1x120x512xf32, #tpu.memory_space<vmem>> -> memref<120x512xf32, #tpu.memory_space<vmem>>
    %dma_wait3A_171 = arith.constant 360 : i32
    %dma_wait3A_172 = tpu.memref_slice %arg7[%dma_wait3A_171] : memref<480xi32, #tpu.memory_space<vmem>> -> memref<120xi32, #tpu.memory_space<vmem>>
    %dma_wait3A_173 = arith.constant 0 : i32
    %dma_wait3A_174 = arith.constant 0 : i32
    %dma_wait3A_175 = tpu.memref_slice %arg2[%dma_wait3A_173, %dma_wait3A_174] : memref<100000x512xf32, #tpu.memory_space<hbm>> -> memref<100000x512xf32, #tpu.memory_space<hbm>>
    tpu.wait_indirect_dma semaphore(%arg10 : memref<!tpu.dma_semaphore, #tpu.memory_space<semaphore_mem>>) src(%dma_wait3A_175 : memref<100000x512xf32, #tpu.memory_space<hbm>>) dst(%dma_wait3A_170 : memref<120x512xf32, #tpu.memory_space<vmem>>)
    %add3A_176 = arith.constant 360 : i32
    %add3A_177 = arith.addi %mul3A_2, %add3A_176 : i32
    %dma_start3A_178 = arith.constant 1 : i32
    %dma_start3A_179 = arith.constant 0 : i32
    %dma_start3A_180 = arith.constant 0 : i32
    %dma_start3A_181 = tpu.memref_slice %arg8[%dma_start3A_178, %dma_start3A_179, %dma_start3A_180] : memref<2x120x512xf32, #tpu.memory_space<vmem>> -> memref<1x120x512xf32, #tpu.memory_space<vmem>>
    %dma_start3A_182 = tpu.memref_squeeze %dma_start3A_181 : memref<1x120x512xf32, #tpu.memory_space<vmem>> -> memref<120x512xf32, #tpu.memory_space<vmem>>
    %dma_start3A_183 = arith.constant 0 : i32
    %dma_start3A_184 = tpu.memref_slice %arg5[%add3A_177, %dma_start3A_183] : memref<15360x512xf32, #tpu.memory_space<hbm>> -> memref<120x512xf32, #tpu.memory_space<hbm>>
    %dma_start3A_185 = arith.constant 0 : i32
    %dma_start3A_186 = tpu.memref_slice %arg5[%add3A_177, %dma_start3A_185] : memref<15360x512xf32, #tpu.memory_space<hbm>> -> memref<120x512xf32, #tpu.memory_space<hbm>>
    %dma_start3A_187 = arith.constant 0 : i32
    %dma_start3A_188 = arith.constant 0 : i32
    %dma_start3A_189 = tpu.memref_slice %arg8[%dma_start3A_178, %dma_start3A_187, %dma_start3A_188] : memref<2x120x512xf32, #tpu.memory_space<vmem>> -> memref<1x120x512xf32, #tpu.memory_space<vmem>>
    %dma_start3A_190 = tpu.memref_squeeze %dma_start3A_189 : memref<1x120x512xf32, #tpu.memory_space<vmem>> -> memref<120x512xf32, #tpu.memory_space<vmem>>
    tpu.enqueue_dma source(%dma_start3A_190 : memref<120x512xf32, #tpu.memory_space<vmem>>) target(%dma_start3A_186 : memref<120x512xf32, #tpu.memory_space<hbm>>) target_semaphore(%arg13 : memref<!tpu.dma_semaphore, #tpu.memory_space<semaphore_mem>>)
    %dma_wait3A_191 = arith.constant 0 : i32
    %dma_wait3A_192 = arith.constant 0 : i32
    %dma_wait3A_193 = arith.constant 0 : i32
    %dma_wait3A_194 = tpu.memref_slice %arg8[%dma_wait3A_191, %dma_wait3A_192, %dma_wait3A_193] : memref<2x120x512xf32, #tpu.memory_space<vmem>> -> memref<1x120x512xf32, #tpu.memory_space<vmem>>
    %dma_wait3A_195 = tpu.memref_squeeze %dma_wait3A_194 : memref<1x120x512xf32, #tpu.memory_space<vmem>> -> memref<120x512xf32, #tpu.memory_space<vmem>>
    %dma_wait3A_196 = arith.constant 0 : i32
    %dma_wait3A_197 = tpu.memref_slice %arg5[%add3A_129, %dma_wait3A_196] : memref<15360x512xf32, #tpu.memory_space<hbm>> -> memref<120x512xf32, #tpu.memory_space<hbm>>
    %dma_wait3A_198 = arith.constant 0 : i32
    %dma_wait3A_199 = tpu.memref_slice %arg5[%add3A_129, %dma_wait3A_198] : memref<15360x512xf32, #tpu.memory_space<hbm>> -> memref<120x512xf32, #tpu.memory_space<hbm>>
    %dma_wait3A_200 = arith.constant 0 : i32
    %dma_wait3A_201 = arith.constant 0 : i32
    %dma_wait3A_202 = tpu.memref_slice %arg8[%dma_wait3A_191, %dma_wait3A_200, %dma_wait3A_201] : memref<2x120x512xf32, #tpu.memory_space<vmem>> -> memref<1x120x512xf32, #tpu.memory_space<vmem>>
    %dma_wait3A_203 = tpu.memref_squeeze %dma_wait3A_202 : memref<1x120x512xf32, #tpu.memory_space<vmem>> -> memref<120x512xf32, #tpu.memory_space<vmem>>
    tpu.wait_dma2 semaphore(%arg12 : memref<!tpu.dma_semaphore, #tpu.memory_space<semaphore_mem>>) src(%dma_wait3A_203 : memref<120x512xf32, #tpu.memory_space<vmem>>) dst(%dma_wait3A_199 : memref<120x512xf32, #tpu.memory_space<hbm>>)
    %dma_wait3A_204 = arith.constant 1 : i32
    %dma_wait3A_205 = arith.constant 0 : i32
    %dma_wait3A_206 = arith.constant 0 : i32
    %dma_wait3A_207 = tpu.memref_slice %arg8[%dma_wait3A_204, %dma_wait3A_205, %dma_wait3A_206] : memref<2x120x512xf32, #tpu.memory_space<vmem>> -> memref<1x120x512xf32, #tpu.memory_space<vmem>>
    %dma_wait3A_208 = tpu.memref_squeeze %dma_wait3A_207 : memref<1x120x512xf32, #tpu.memory_space<vmem>> -> memref<120x512xf32, #tpu.memory_space<vmem>>
    %dma_wait3A_209 = arith.constant 0 : i32
    %dma_wait3A_210 = tpu.memref_slice %arg5[%add3A_177, %dma_wait3A_209] : memref<15360x512xf32, #tpu.memory_space<hbm>> -> memref<120x512xf32, #tpu.memory_space<hbm>>
    %dma_wait3A_211 = arith.constant 0 : i32
    %dma_wait3A_212 = tpu.memref_slice %arg5[%add3A_177, %dma_wait3A_211] : memref<15360x512xf32, #tpu.memory_space<hbm>> -> memref<120x512xf32, #tpu.memory_space<hbm>>
    %dma_wait3A_213 = arith.constant 0 : i32
    %dma_wait3A_214 = arith.constant 0 : i32
    %dma_wait3A_215 = tpu.memref_slice %arg8[%dma_wait3A_204, %dma_wait3A_213, %dma_wait3A_214] : memref<2x120x512xf32, #tpu.memory_space<vmem>> -> memref<1x120x512xf32, #tpu.memory_space<vmem>>
    %dma_wait3A_216 = tpu.memref_squeeze %dma_wait3A_215 : memref<1x120x512xf32, #tpu.memory_space<vmem>> -> memref<120x512xf32, #tpu.memory_space<vmem>>
    tpu.wait_dma2 semaphore(%arg13 : memref<!tpu.dma_semaphore, #tpu.memory_space<semaphore_mem>>) src(%dma_wait3A_216 : memref<120x512xf32, #tpu.memory_space<vmem>>) dst(%dma_wait3A_212 : memref<120x512xf32, #tpu.memory_space<hbm>>)
    %dma_wait3A_217 = arith.constant 0 : i32
    %dma_wait3A_218 = tpu.memref_slice %arg9[%dma_wait3A_217] : memref<480xi32, #tpu.memory_space<vmem>> -> memref<120xi32, #tpu.memory_space<vmem>>
    %dma_wait3A_219 = arith.constant 0 : i32
    %dma_wait3A_220 = tpu.memref_slice %arg7[%dma_wait3A_219] : memref<480xi32, #tpu.memory_space<vmem>> -> memref<120xi32, #tpu.memory_space<vmem>>
    %dma_wait3A_221 = arith.constant 0 : i32
    %dma_wait3A_222 = tpu.memref_slice %arg3[%dma_wait3A_221] : memref<100000xi32, #tpu.memory_space<hbm>> -> memref<100000xi32, #tpu.memory_space<hbm>>
    tpu.wait_indirect_dma semaphore(%arg11 : memref<!tpu.dma_semaphore, #tpu.memory_space<semaphore_mem>>) src(%dma_wait3A_222 : memref<100000xi32, #tpu.memory_space<hbm>>) dst(%dma_wait3A_218 : memref<120xi32, #tpu.memory_space<vmem>>)
    %dma_wait3A_223 = arith.constant 120 : i32
    %dma_wait3A_224 = tpu.memref_slice %arg9[%dma_wait3A_223] : memref<480xi32, #tpu.memory_space<vmem>> -> memref<120xi32, #tpu.memory_space<vmem>>
    %dma_wait3A_225 = arith.constant 120 : i32
    %dma_wait3A_226 = tpu.memref_slice %arg7[%dma_wait3A_225] : memref<480xi32, #tpu.memory_space<vmem>> -> memref<120xi32, #tpu.memory_space<vmem>>
    %dma_wait3A_227 = arith.constant 0 : i32
    %dma_wait3A_228 = tpu.memref_slice %arg3[%dma_wait3A_227] : memref<100000xi32, #tpu.memory_space<hbm>> -> memref<100000xi32, #tpu.memory_space<hbm>>
    tpu.wait_indirect_dma semaphore(%arg11 : memref<!tpu.dma_semaphore, #tpu.memory_space<semaphore_mem>>) src(%dma_wait3A_228 : memref<100000xi32, #tpu.memory_space<hbm>>) dst(%dma_wait3A_224 : memref<120xi32, #tpu.memory_space<vmem>>)
    %dma_wait3A_229 = arith.constant 240 : i32
    %dma_wait3A_230 = tpu.memref_slice %arg9[%dma_wait3A_229] : memref<480xi32, #tpu.memory_space<vmem>> -> memref<120xi32, #tpu.memory_space<vmem>>
    %dma_wait3A_231 = arith.constant 240 : i32
    %dma_wait3A_232 = tpu.memref_slice %arg7[%dma_wait3A_231] : memref<480xi32, #tpu.memory_space<vmem>> -> memref<120xi32, #tpu.memory_space<vmem>>
    %dma_wait3A_233 = arith.constant 0 : i32
    %dma_wait3A_234 = tpu.memref_slice %arg3[%dma_wait3A_233] : memref<100000xi32, #tpu.memory_space<hbm>> -> memref<100000xi32, #tpu.memory_space<hbm>>
    tpu.wait_indirect_dma semaphore(%arg11 : memref<!tpu.dma_semaphore, #tpu.memory_space<semaphore_mem>>) src(%dma_wait3A_234 : memref<100000xi32, #tpu.memory_space<hbm>>) dst(%dma_wait3A_230 : memref<120xi32, #tpu.memory_space<vmem>>)
    %dma_wait3A_235 = arith.constant 360 : i32
    %dma_wait3A_236 = tpu.memref_slice %arg9[%dma_wait3A_235] : memref<480xi32, #tpu.memory_space<vmem>> -> memref<120xi32, #tpu.memory_space<vmem>>
    %dma_wait3A_237 = arith.constant 360 : i32
    %dma_wait3A_238 = tpu.memref_slice %arg7[%dma_wait3A_237] : memref<480xi32, #tpu.memory_space<vmem>> -> memref<120xi32, #tpu.memory_space<vmem>>
    %dma_wait3A_239 = arith.constant 0 : i32
    %dma_wait3A_240 = tpu.memref_slice %arg3[%dma_wait3A_239] : memref<100000xi32, #tpu.memory_space<hbm>> -> memref<100000xi32, #tpu.memory_space<hbm>>
    tpu.wait_indirect_dma semaphore(%arg11 : memref<!tpu.dma_semaphore, #tpu.memory_space<semaphore_mem>>) src(%dma_wait3A_240 : memref<100000xi32, #tpu.memory_space<hbm>>) dst(%dma_wait3A_236 : memref<120xi32, #tpu.memory_space<vmem>>)
    "tpu.region"() ({
      %run_scoped3A = tpu.sem_alloc : memref<!tpu.dma_semaphore, #tpu.memory_space<semaphore_mem>>
      %dma_start3A_241 = tpu.memref_slice %arg6[%mul3A_2] : memref<15360xi32, #tpu.memory_space<hbm>> -> memref<480xi32, #tpu.memory_space<hbm>>
      %dma_start3A_242 = tpu.memref_slice %arg6[%mul3A_2] : memref<15360xi32, #tpu.memory_space<hbm>> -> memref<480xi32, #tpu.memory_space<hbm>>
      tpu.enqueue_dma source(%arg9 : memref<480xi32, #tpu.memory_space<vmem>>) target(%dma_start3A_242 : memref<480xi32, #tpu.memory_space<hbm>>) target_semaphore(%run_scoped3A : memref<!tpu.dma_semaphore, #tpu.memory_space<semaphore_mem>>)
      %dma_wait3A_243 = tpu.memref_slice %arg6[%mul3A_2] : memref<15360xi32, #tpu.memory_space<hbm>> -> memref<480xi32, #tpu.memory_space<hbm>>
      %dma_wait3A_244 = tpu.memref_slice %arg6[%mul3A_2] : memref<15360xi32, #tpu.memory_space<hbm>> -> memref<480xi32, #tpu.memory_space<hbm>>
      tpu.wait_dma2 semaphore(%run_scoped3A : memref<!tpu.dma_semaphore, #tpu.memory_space<semaphore_mem>>) src(%arg9 : memref<480xi32, #tpu.memory_space<vmem>>) dst(%dma_wait3A_244 : memref<480xi32, #tpu.memory_space<hbm>>)
      tpu.yield
    }) : () -> ()
    return
  }
}

module attributes {stable_mosaic.version = 14 : i64} {
  func.func @_project_block(%arg0: i32, %arg1: memref<512x512xf32, #tpu.memory_space<vmem>>, %arg2: memref<1x1x512xi32, #tpu.memory_space<vmem>>, %arg3: memref<16x25xf32, #tpu.memory_space<vmem>>, %arg4: memref<512x512xf32, #tpu.memory_space<vmem>>, %arg5: memref<512x25xf32, #tpu.memory_space<vmem>>, %arg6: memref<1x512xf32, #tpu.memory_space<vmem>>, %arg7: memref<512x512xf32, #tpu.memory_space<vmem>>) attributes {dimension_semantics = [#tpu.dimension_semantics<arbitrary>], iteration_bounds = array<i64: 30>, scalar_prefetch = 0 : i64, scratch_operands = 0 : i64, tpu.core_type = #tpu.core_type<tc>, window_params = [{transform_indices = @transform_0, window_bounds = array<i64: 512, 512>}, {transform_indices = @transform_1, window_bounds = array<i64: 1, 1, 512>}, {pipeline_mode = #tpu.pipeline_mode<synchronous>, transform_indices = @transform_2, window_bounds = array<i64: 16, 25>}, {pipeline_mode = #tpu.pipeline_mode<synchronous>, transform_indices = @transform_3, window_bounds = array<i64: 512, 512>}, {pipeline_mode = #tpu.pipeline_mode<synchronous>, transform_indices = @transform_4, window_bounds = array<i64: 512, 25>}, {pipeline_mode = #tpu.pipeline_mode<synchronous>, transform_indices = @transform_5, window_bounds = array<i64: 1, 512>}, {transform_indices = @transform_6, window_bounds = array<i64: 512, 512>}]} {
    %get3A = arith.constant 0 : index
    %get3A_0 = arith.constant 0 : index
    %get3A_1 = vector.load %arg1[%get3A, %get3A_0] : memref<512x512xf32, #tpu.memory_space<vmem>>, vector<512x512xf32>
    %get3A_2 = arith.constant 0 : index
    %get3A_3 = arith.constant 0 : index
    %get3A_4 = arith.constant 0 : index
    %get3A_5 = vector.load %arg2[%get3A_2, %get3A_3, %get3A_4] : memref<1x1x512xi32, #tpu.memory_space<vmem>>, vector<1x1x512xi32>
    %get3A_6 = vector.shape_cast %get3A_5 : vector<1x1x512xi32> to vector<512xi32>
    %broadcast_in_dim3A = vector.shape_cast %get3A_6 : vector<512xi32> to vector<512x1xi32>
    %iota3A = tpu.iota {dimensions = array<i32: 1>} : vector<512x16xi32>
    %eq3A = vector.broadcast %broadcast_in_dim3A : vector<512x1xi32> to vector<512x16xi32>
    %eq3A_7 = arith.cmpi eq, %eq3A, %iota3A : vector<512x16xi32>
    %convert_element_type3A = arith.extui %eq3A_7 : vector<512x16xi1> to vector<512x16xi32>
    %convert_element_type3A_8 = arith.sitofp %convert_element_type3A : vector<512x16xi32> to vector<512x16xf32>
    %get3A_9 = arith.constant 0 : index
    %get3A_10 = arith.constant 0 : index
    %get3A_11 = vector.load %arg3[%get3A_9, %get3A_10] : memref<16x25xf32, #tpu.memory_space<vmem>>, vector<16x25xf32>
    %get3A_12 = arith.constant 0 : index
    %get3A_13 = arith.constant 0 : index
    %get3A_14 = vector.load %arg5[%get3A_12, %get3A_13] : memref<512x25xf32, #tpu.memory_space<vmem>>, vector<512x25xf32>
    %dot_general3A = arith.constant dense<0.000000e+00> : vector<16x512xf32>
    %dot_general3A_15 = tpu.matmul %get3A_11, %get3A_14, %dot_general3A {dimension_numbers = #tpu.dot_dimension_numbers<[1], [1], [0], [0], [0, 0, 1, 0], [], []>, transpose_lhs_hint = false} : vector<16x25xf32>, vector<512x25xf32>, vector<16x512xf32> -> vector<16x512xf32>
    %get3A_16 = arith.constant 0 : index
    %get3A_17 = arith.constant 0 : index
    %get3A_18 = vector.load %arg4[%get3A_16, %get3A_17] : memref<512x512xf32, #tpu.memory_space<vmem>>, vector<512x512xf32>
    %dot_general3A_19 = arith.constant dense<0.000000e+00> : vector<512x512xf32>
    %dot_general3A_20 = tpu.matmul %get3A_1, %get3A_18, %dot_general3A_19 {dimension_numbers = #tpu.dot_dimension_numbers<[1], [1], [0], [0], [0, 0, 1, 0], [], []>, transpose_lhs_hint = false} : vector<512x512xf32>, vector<512x512xf32>, vector<512x512xf32> -> vector<512x512xf32>
    %dot_general3A_21 = arith.constant dense<0.000000e+00> : vector<512x512xf32>
    %dot_general3A_22 = tpu.matmul %convert_element_type3A_8, %dot_general3A_15, %dot_general3A_21 {dimension_numbers = #tpu.dot_dimension_numbers<[1], [0], [0], [1], [0, 0, 1, 1], [], []>, transpose_lhs_hint = false} : vector<512x16xf32>, vector<16x512xf32>, vector<512x512xf32> -> vector<512x512xf32>
    %add3A = arith.addf %dot_general3A_20, %dot_general3A_22 : vector<512x512xf32>
    %get3A_23 = arith.constant 0 : index
    %get3A_24 = arith.constant 0 : index
    %get3A_25 = vector.load %arg6[%get3A_23, %get3A_24] : memref<1x512xf32, #tpu.memory_space<vmem>>, vector<1x512xf32>
    %add3A_26 = vector.broadcast %get3A_25 : vector<1x512xf32> to vector<512x512xf32>
    %add3A_27 = arith.addf %add3A, %add3A_26 : vector<512x512xf32>
    %swap3A = arith.constant 0 : index
    %swap3A_28 = arith.constant 0 : index
    %swap3A_29 = vector.load %arg7[%swap3A, %swap3A_28] : memref<512x512xf32, #tpu.memory_space<vmem>>, vector<512x512xf32>
    tpu.vector_store %arg7[%swap3A, %swap3A_28], %add3A_27 {strides = array<i32>} : memref<512x512xf32, #tpu.memory_space<vmem>>, vector<512x512xf32>,
    return
  }
  func.func @transform_0(%arg0: i32) -> (i32, i32) {
    %c0_i32 = arith.constant 0 : i32
    %c0_i32_0 = arith.constant 0 : i32
    return %arg0, %c0_i32 : i32, i32
  }
  func.func @transform_1(%arg0: i32) -> (i32, i32, i32) {
    %c0_i32 = arith.constant 0 : i32
    %c0_i32_0 = arith.constant 0 : i32
    %c0_i32_1 = arith.constant 0 : i32
    return %arg0, %c0_i32, %c0_i32_0 : i32, i32, i32
  }
  func.func @transform_2(%arg0: i32) -> (i32, i32) {
    %c0_i32 = arith.constant 0 : i32
    %c0_i32_0 = arith.constant 0 : i32
    %c0_i32_1 = arith.constant 0 : i32
    return %c0_i32, %c0_i32_0 : i32, i32
  }
  func.func @transform_3(%arg0: i32) -> (i32, i32) {
    %c0_i32 = arith.constant 0 : i32
    %c0_i32_0 = arith.constant 0 : i32
    %c0_i32_1 = arith.constant 0 : i32
    return %c0_i32, %c0_i32_0 : i32, i32
  }
  func.func @transform_4(%arg0: i32) -> (i32, i32) {
    %c0_i32 = arith.constant 0 : i32
    %c0_i32_0 = arith.constant 0 : i32
    %c0_i32_1 = arith.constant 0 : i32
    return %c0_i32, %c0_i32_0 : i32, i32
  }
  func.func @transform_5(%arg0: i32) -> (i32, i32) {
    %c0_i32 = arith.constant 0 : i32
    %c0_i32_0 = arith.constant 0 : i32
    %c0_i32_1 = arith.constant 0 : i32
    return %c0_i32, %c0_i32_0 : i32, i32
  }
  func.func @transform_6(%arg0: i32) -> (i32, i32) {
    %add3A = arith.constant 0 : i32
    %add3A_0 = arith.addi %add3A, %arg0 : i32
    %c0_i32 = arith.constant 0 : i32
    %c0_i32_1 = arith.constant 0 : i32
    return %add3A_0, %c0_i32 : i32, i32
  }
}

module attributes {stable_mosaic.version = 14 : i64} {
  func.func @_project_block(%arg0: i32, %arg1: memref<512x512xf32, #tpu.memory_space<vmem>>, %arg2: memref<1x1x512xi32, #tpu.memory_space<vmem>>, %arg3: memref<16x25xf32, #tpu.memory_space<vmem>>, %arg4: memref<512x512xf32, #tpu.memory_space<vmem>>, %arg5: memref<512x25xf32, #tpu.memory_space<vmem>>, %arg6: memref<1x512xf32, #tpu.memory_space<vmem>>, %arg7: memref<61440x512xf32, #tpu.memory_space<hbm>>, %arg8: memref<512x512xf32, #tpu.memory_space<vmem>>) attributes {dimension_semantics = [#tpu.dimension_semantics<arbitrary>], iteration_bounds = array<i64: 30>, scalar_prefetch = 0 : i64, scratch_operands = 0 : i64, tpu.core_type = #tpu.core_type<tc>, window_params = [{transform_indices = @transform_0, window_bounds = array<i64: 512, 512>}, {transform_indices = @transform_1, window_bounds = array<i64: 1, 1, 512>}, {pipeline_mode = #tpu.pipeline_mode<synchronous>, transform_indices = @transform_2, window_bounds = array<i64: 16, 25>}, {pipeline_mode = #tpu.pipeline_mode<synchronous>, transform_indices = @transform_3, window_bounds = array<i64: 512, 512>}, {pipeline_mode = #tpu.pipeline_mode<synchronous>, transform_indices = @transform_4, window_bounds = array<i64: 512, 25>}, {pipeline_mode = #tpu.pipeline_mode<synchronous>, transform_indices = @transform_5, window_bounds = array<i64: 1, 512>}, {}, {transform_indices = @transform_7, window_bounds = array<i64: 512, 512>}]} {
    %get3A = arith.constant 0 : index
    %get3A_0 = arith.constant 0 : index
    %get3A_1 = vector.load %arg1[%get3A, %get3A_0] : memref<512x512xf32, #tpu.memory_space<vmem>>, vector<512x512xf32>
    %get3A_2 = arith.constant 0 : index
    %get3A_3 = arith.constant 0 : index
    %get3A_4 = arith.constant 0 : index
    %get3A_5 = vector.load %arg2[%get3A_2, %get3A_3, %get3A_4] : memref<1x1x512xi32, #tpu.memory_space<vmem>>, vector<1x1x512xi32>
    %get3A_6 = vector.shape_cast %get3A_5 : vector<1x1x512xi32> to vector<512xi32>
    %broadcast_in_dim3A = vector.shape_cast %get3A_6 : vector<512xi32> to vector<512x1xi32>
    %iota3A = tpu.iota {dimensions = array<i32: 1>} : vector<512x16xi32>
    %eq3A = vector.broadcast %broadcast_in_dim3A : vector<512x1xi32> to vector<512x16xi32>
    %eq3A_7 = arith.cmpi eq, %eq3A, %iota3A : vector<512x16xi32>
    %convert_element_type3A = arith.extui %eq3A_7 : vector<512x16xi1> to vector<512x16xi32>
    %convert_element_type3A_8 = arith.sitofp %convert_element_type3A : vector<512x16xi32> to vector<512x16xf32>
    %get3A_9 = arith.constant 0 : index
    %get3A_10 = arith.constant 0 : index
    %get3A_11 = vector.load %arg3[%get3A_9, %get3A_10] : memref<16x25xf32, #tpu.memory_space<vmem>>, vector<16x25xf32>
    %get3A_12 = arith.constant 0 : index
    %get3A_13 = arith.constant 0 : index
    %get3A_14 = vector.load %arg5[%get3A_12, %get3A_13] : memref<512x25xf32, #tpu.memory_space<vmem>>, vector<512x25xf32>
    %dot_general3A = arith.constant dense<0.000000e+00> : vector<16x512xf32>
    %dot_general3A_15 = tpu.matmul %get3A_11, %get3A_14, %dot_general3A {dimension_numbers = #tpu.dot_dimension_numbers<[1], [1], [0], [0], [0, 0, 1, 0], [], []>, transpose_lhs_hint = false} : vector<16x25xf32>, vector<512x25xf32>, vector<16x512xf32> -> vector<16x512xf32>
    %get3A_16 = arith.constant 0 : index
    %get3A_17 = arith.constant 0 : index
    %get3A_18 = vector.load %arg4[%get3A_16, %get3A_17] : memref<512x512xf32, #tpu.memory_space<vmem>>, vector<512x512xf32>
    %dot_general3A_19 = arith.constant dense<0.000000e+00> : vector<512x512xf32>
    %dot_general3A_20 = tpu.matmul %get3A_1, %get3A_18, %dot_general3A_19 {dimension_numbers = #tpu.dot_dimension_numbers<[1], [1], [0], [0], [0, 0, 1, 0], [], []>, transpose_lhs_hint = false} : vector<512x512xf32>, vector<512x512xf32>, vector<512x512xf32> -> vector<512x512xf32>
    %dot_general3A_21 = arith.constant dense<0.000000e+00> : vector<512x512xf32>
    %dot_general3A_22 = tpu.matmul %convert_element_type3A_8, %dot_general3A_15, %dot_general3A_21 {dimension_numbers = #tpu.dot_dimension_numbers<[1], [0], [0], [1], [0, 0, 1, 1], [], []>, transpose_lhs_hint = false} : vector<512x16xf32>, vector<16x512xf32>, vector<512x512xf32> -> vector<512x512xf32>
    %add3A = arith.addf %dot_general3A_20, %dot_general3A_22 : vector<512x512xf32>
    %get3A_23 = arith.constant 0 : index
    %get3A_24 = arith.constant 0 : index
    %get3A_25 = vector.load %arg6[%get3A_23, %get3A_24] : memref<1x512xf32, #tpu.memory_space<vmem>>, vector<1x512xf32>
    %add3A_26 = vector.broadcast %get3A_25 : vector<1x512xf32> to vector<512x512xf32>
    %add3A_27 = arith.addf %add3A, %add3A_26 : vector<512x512xf32>
    %swap3A = arith.constant 0 : index
    %swap3A_28 = arith.constant 0 : index
    %swap3A_29 = vector.load %arg8[%swap3A, %swap3A_28] : memref<512x512xf32, #tpu.memory_space<vmem>>, vector<512x512xf32>
    tpu.vector_store %arg8[%swap3A, %swap3A_28], %add3A_27 {strides = array<i32>} : memref<512x512xf32, #tpu.memory_space<vmem>>, vector<512x512xf32>,
    return
  }
  func.func @transform_0(%arg0: i32) -> (i32, i32) {
    %c0_i32 = arith.constant 0 : i32
    %c0_i32_0 = arith.constant 0 : i32
    return %arg0, %c0_i32 : i32, i32
  }
  func.func @transform_1(%arg0: i32) -> (i32, i32, i32) {
    %c0_i32 = arith.constant 0 : i32
    %c0_i32_0 = arith.constant 0 : i32
    %c0_i32_1 = arith.constant 0 : i32
    return %arg0, %c0_i32, %c0_i32_0 : i32, i32, i32
  }
  func.func @transform_2(%arg0: i32) -> (i32, i32) {
    %c0_i32 = arith.constant 0 : i32
    %c0_i32_0 = arith.constant 0 : i32
    %c0_i32_1 = arith.constant 0 : i32
    return %c0_i32, %c0_i32_0 : i32, i32
  }
  func.func @transform_3(%arg0: i32) -> (i32, i32) {
    %c0_i32 = arith.constant 0 : i32
    %c0_i32_0 = arith.constant 0 : i32
    %c0_i32_1 = arith.constant 0 : i32
    return %c0_i32, %c0_i32_0 : i32, i32
  }
  func.func @transform_4(%arg0: i32) -> (i32, i32) {
    %c0_i32 = arith.constant 0 : i32
    %c0_i32_0 = arith.constant 0 : i32
    %c0_i32_1 = arith.constant 0 : i32
    return %c0_i32, %c0_i32_0 : i32, i32
  }
  func.func @transform_5(%arg0: i32) -> (i32, i32) {
    %c0_i32 = arith.constant 0 : i32
    %c0_i32_0 = arith.constant 0 : i32
    %c0_i32_1 = arith.constant 0 : i32
    return %c0_i32, %c0_i32_0 : i32, i32
  }
  func.func @transform_7(%arg0: i32) -> (i32, i32) {
    %add3A = arith.constant 30 : i32
    %add3A_0 = arith.addi %add3A, %arg0 : i32
    %c0_i32 = arith.constant 0 : i32
    %c0_i32_1 = arith.constant 0 : i32
    return %add3A_0, %c0_i32 : i32, i32
  }
}

module attributes {stable_mosaic.version = 14 : i64} {
  func.func @_project_block(%arg0: i32, %arg1: memref<512x512xf32, #tpu.memory_space<vmem>>, %arg2: memref<1x1x512xi32, #tpu.memory_space<vmem>>, %arg3: memref<16x25xf32, #tpu.memory_space<vmem>>, %arg4: memref<512x512xf32, #tpu.memory_space<vmem>>, %arg5: memref<512x25xf32, #tpu.memory_space<vmem>>, %arg6: memref<1x512xf32, #tpu.memory_space<vmem>>, %arg7: memref<61440x512xf32, #tpu.memory_space<hbm>>, %arg8: memref<512x512xf32, #tpu.memory_space<vmem>>) attributes {dimension_semantics = [#tpu.dimension_semantics<arbitrary>], iteration_bounds = array<i64: 30>, scalar_prefetch = 0 : i64, scratch_operands = 0 : i64, tpu.core_type = #tpu.core_type<tc>, window_params = [{transform_indices = @transform_0, window_bounds = array<i64: 512, 512>}, {transform_indices = @transform_1, window_bounds = array<i64: 1, 1, 512>}, {pipeline_mode = #tpu.pipeline_mode<synchronous>, transform_indices = @transform_2, window_bounds = array<i64: 16, 25>}, {pipeline_mode = #tpu.pipeline_mode<synchronous>, transform_indices = @transform_3, window_bounds = array<i64: 512, 512>}, {pipeline_mode = #tpu.pipeline_mode<synchronous>, transform_indices = @transform_4, window_bounds = array<i64: 512, 25>}, {pipeline_mode = #tpu.pipeline_mode<synchronous>, transform_indices = @transform_5, window_bounds = array<i64: 1, 512>}, {}, {transform_indices = @transform_7, window_bounds = array<i64: 512, 512>}]} {
    %get3A = arith.constant 0 : index
    %get3A_0 = arith.constant 0 : index
    %get3A_1 = vector.load %arg1[%get3A, %get3A_0] : memref<512x512xf32, #tpu.memory_space<vmem>>, vector<512x512xf32>
    %get3A_2 = arith.constant 0 : index
    %get3A_3 = arith.constant 0 : index
    %get3A_4 = arith.constant 0 : index
    %get3A_5 = vector.load %arg2[%get3A_2, %get3A_3, %get3A_4] : memref<1x1x512xi32, #tpu.memory_space<vmem>>, vector<1x1x512xi32>
    %get3A_6 = vector.shape_cast %get3A_5 : vector<1x1x512xi32> to vector<512xi32>
    %broadcast_in_dim3A = vector.shape_cast %get3A_6 : vector<512xi32> to vector<512x1xi32>
    %iota3A = tpu.iota {dimensions = array<i32: 1>} : vector<512x16xi32>
    %eq3A = vector.broadcast %broadcast_in_dim3A : vector<512x1xi32> to vector<512x16xi32>
    %eq3A_7 = arith.cmpi eq, %eq3A, %iota3A : vector<512x16xi32>
    %convert_element_type3A = arith.extui %eq3A_7 : vector<512x16xi1> to vector<512x16xi32>
    %convert_element_type3A_8 = arith.sitofp %convert_element_type3A : vector<512x16xi32> to vector<512x16xf32>
    %get3A_9 = arith.constant 0 : index
    %get3A_10 = arith.constant 0 : index
    %get3A_11 = vector.load %arg3[%get3A_9, %get3A_10] : memref<16x25xf32, #tpu.memory_space<vmem>>, vector<16x25xf32>
    %get3A_12 = arith.constant 0 : index
    %get3A_13 = arith.constant 0 : index
    %get3A_14 = vector.load %arg5[%get3A_12, %get3A_13] : memref<512x25xf32, #tpu.memory_space<vmem>>, vector<512x25xf32>
    %dot_general3A = arith.constant dense<0.000000e+00> : vector<16x512xf32>
    %dot_general3A_15 = tpu.matmul %get3A_11, %get3A_14, %dot_general3A {dimension_numbers = #tpu.dot_dimension_numbers<[1], [1], [0], [0], [0, 0, 1, 0], [], []>, transpose_lhs_hint = false} : vector<16x25xf32>, vector<512x25xf32>, vector<16x512xf32> -> vector<16x512xf32>
    %get3A_16 = arith.constant 0 : index
    %get3A_17 = arith.constant 0 : index
    %get3A_18 = vector.load %arg4[%get3A_16, %get3A_17] : memref<512x512xf32, #tpu.memory_space<vmem>>, vector<512x512xf32>
    %dot_general3A_19 = arith.constant dense<0.000000e+00> : vector<512x512xf32>
    %dot_general3A_20 = tpu.matmul %get3A_1, %get3A_18, %dot_general3A_19 {dimension_numbers = #tpu.dot_dimension_numbers<[1], [1], [0], [0], [0, 0, 1, 0], [], []>, transpose_lhs_hint = false} : vector<512x512xf32>, vector<512x512xf32>, vector<512x512xf32> -> vector<512x512xf32>
    %dot_general3A_21 = arith.constant dense<0.000000e+00> : vector<512x512xf32>
    %dot_general3A_22 = tpu.matmul %convert_element_type3A_8, %dot_general3A_15, %dot_general3A_21 {dimension_numbers = #tpu.dot_dimension_numbers<[1], [0], [0], [1], [0, 0, 1, 1], [], []>, transpose_lhs_hint = false} : vector<512x16xf32>, vector<16x512xf32>, vector<512x512xf32> -> vector<512x512xf32>
    %add3A = arith.addf %dot_general3A_20, %dot_general3A_22 : vector<512x512xf32>
    %get3A_23 = arith.constant 0 : index
    %get3A_24 = arith.constant 0 : index
    %get3A_25 = vector.load %arg6[%get3A_23, %get3A_24] : memref<1x512xf32, #tpu.memory_space<vmem>>, vector<1x512xf32>
    %add3A_26 = vector.broadcast %get3A_25 : vector<1x512xf32> to vector<512x512xf32>
    %add3A_27 = arith.addf %add3A, %add3A_26 : vector<512x512xf32>
    %swap3A = arith.constant 0 : index
    %swap3A_28 = arith.constant 0 : index
    %swap3A_29 = vector.load %arg8[%swap3A, %swap3A_28] : memref<512x512xf32, #tpu.memory_space<vmem>>, vector<512x512xf32>
    tpu.vector_store %arg8[%swap3A, %swap3A_28], %add3A_27 {strides = array<i32>} : memref<512x512xf32, #tpu.memory_space<vmem>>, vector<512x512xf32>,
    return
  }
  func.func @transform_0(%arg0: i32) -> (i32, i32) {
    %c0_i32 = arith.constant 0 : i32
    %c0_i32_0 = arith.constant 0 : i32
    return %arg0, %c0_i32 : i32, i32
  }
  func.func @transform_1(%arg0: i32) -> (i32, i32, i32) {
    %c0_i32 = arith.constant 0 : i32
    %c0_i32_0 = arith.constant 0 : i32
    %c0_i32_1 = arith.constant 0 : i32
    return %arg0, %c0_i32, %c0_i32_0 : i32, i32, i32
  }
  func.func @transform_2(%arg0: i32) -> (i32, i32) {
    %c0_i32 = arith.constant 0 : i32
    %c0_i32_0 = arith.constant 0 : i32
    %c0_i32_1 = arith.constant 0 : i32
    return %c0_i32, %c0_i32_0 : i32, i32
  }
  func.func @transform_3(%arg0: i32) -> (i32, i32) {
    %c0_i32 = arith.constant 0 : i32
    %c0_i32_0 = arith.constant 0 : i32
    %c0_i32_1 = arith.constant 0 : i32
    return %c0_i32, %c0_i32_0 : i32, i32
  }
  func.func @transform_4(%arg0: i32) -> (i32, i32) {
    %c0_i32 = arith.constant 0 : i32
    %c0_i32_0 = arith.constant 0 : i32
    %c0_i32_1 = arith.constant 0 : i32
    return %c0_i32, %c0_i32_0 : i32, i32
  }
  func.func @transform_5(%arg0: i32) -> (i32, i32) {
    %c0_i32 = arith.constant 0 : i32
    %c0_i32_0 = arith.constant 0 : i32
    %c0_i32_1 = arith.constant 0 : i32
    return %c0_i32, %c0_i32_0 : i32, i32
  }
  func.func @transform_7(%arg0: i32) -> (i32, i32) {
    %add3A = arith.constant 60 : i32
    %add3A_0 = arith.addi %add3A, %arg0 : i32
    %c0_i32 = arith.constant 0 : i32
    %c0_i32_1 = arith.constant 0 : i32
    return %add3A_0, %c0_i32 : i32, i32
  }
}

module attributes {stable_mosaic.version = 14 : i64} {
  func.func @_project_block(%arg0: i32, %arg1: memref<512x512xf32, #tpu.memory_space<vmem>>, %arg2: memref<1x1x512xi32, #tpu.memory_space<vmem>>, %arg3: memref<16x25xf32, #tpu.memory_space<vmem>>, %arg4: memref<512x512xf32, #tpu.memory_space<vmem>>, %arg5: memref<512x25xf32, #tpu.memory_space<vmem>>, %arg6: memref<1x512xf32, #tpu.memory_space<vmem>>, %arg7: memref<61440x512xf32, #tpu.memory_space<hbm>>, %arg8: memref<512x512xf32, #tpu.memory_space<vmem>>) attributes {dimension_semantics = [#tpu.dimension_semantics<arbitrary>], iteration_bounds = array<i64: 30>, scalar_prefetch = 0 : i64, scratch_operands = 0 : i64, tpu.core_type = #tpu.core_type<tc>, window_params = [{transform_indices = @transform_0, window_bounds = array<i64: 512, 512>}, {transform_indices = @transform_1, window_bounds = array<i64: 1, 1, 512>}, {pipeline_mode = #tpu.pipeline_mode<synchronous>, transform_indices = @transform_2, window_bounds = array<i64: 16, 25>}, {pipeline_mode = #tpu.pipeline_mode<synchronous>, transform_indices = @transform_3, window_bounds = array<i64: 512, 512>}, {pipeline_mode = #tpu.pipeline_mode<synchronous>, transform_indices = @transform_4, window_bounds = array<i64: 512, 25>}, {pipeline_mode = #tpu.pipeline_mode<synchronous>, transform_indices = @transform_5, window_bounds = array<i64: 1, 512>}, {}, {transform_indices = @transform_7, window_bounds = array<i64: 512, 512>}]} {
    %get3A = arith.constant 0 : index
    %get3A_0 = arith.constant 0 : index
    %get3A_1 = vector.load %arg1[%get3A, %get3A_0] : memref<512x512xf32, #tpu.memory_space<vmem>>, vector<512x512xf32>
    %get3A_2 = arith.constant 0 : index
    %get3A_3 = arith.constant 0 : index
    %get3A_4 = arith.constant 0 : index
    %get3A_5 = vector.load %arg2[%get3A_2, %get3A_3, %get3A_4] : memref<1x1x512xi32, #tpu.memory_space<vmem>>, vector<1x1x512xi32>
    %get3A_6 = vector.shape_cast %get3A_5 : vector<1x1x512xi32> to vector<512xi32>
    %broadcast_in_dim3A = vector.shape_cast %get3A_6 : vector<512xi32> to vector<512x1xi32>
    %iota3A = tpu.iota {dimensions = array<i32: 1>} : vector<512x16xi32>
    %eq3A = vector.broadcast %broadcast_in_dim3A : vector<512x1xi32> to vector<512x16xi32>
    %eq3A_7 = arith.cmpi eq, %eq3A, %iota3A : vector<512x16xi32>
    %convert_element_type3A = arith.extui %eq3A_7 : vector<512x16xi1> to vector<512x16xi32>
    %convert_element_type3A_8 = arith.sitofp %convert_element_type3A : vector<512x16xi32> to vector<512x16xf32>
    %get3A_9 = arith.constant 0 : index
    %get3A_10 = arith.constant 0 : index
    %get3A_11 = vector.load %arg3[%get3A_9, %get3A_10] : memref<16x25xf32, #tpu.memory_space<vmem>>, vector<16x25xf32>
    %get3A_12 = arith.constant 0 : index
    %get3A_13 = arith.constant 0 : index
    %get3A_14 = vector.load %arg5[%get3A_12, %get3A_13] : memref<512x25xf32, #tpu.memory_space<vmem>>, vector<512x25xf32>
    %dot_general3A = arith.constant dense<0.000000e+00> : vector<16x512xf32>
    %dot_general3A_15 = tpu.matmul %get3A_11, %get3A_14, %dot_general3A {dimension_numbers = #tpu.dot_dimension_numbers<[1], [1], [0], [0], [0, 0, 1, 0], [], []>, transpose_lhs_hint = false} : vector<16x25xf32>, vector<512x25xf32>, vector<16x512xf32> -> vector<16x512xf32>
    %get3A_16 = arith.constant 0 : index
    %get3A_17 = arith.constant 0 : index
    %get3A_18 = vector.load %arg4[%get3A_16, %get3A_17] : memref<512x512xf32, #tpu.memory_space<vmem>>, vector<512x512xf32>
    %dot_general3A_19 = arith.constant dense<0.000000e+00> : vector<512x512xf32>
    %dot_general3A_20 = tpu.matmul %get3A_1, %get3A_18, %dot_general3A_19 {dimension_numbers = #tpu.dot_dimension_numbers<[1], [1], [0], [0], [0, 0, 1, 0], [], []>, transpose_lhs_hint = false} : vector<512x512xf32>, vector<512x512xf32>, vector<512x512xf32> -> vector<512x512xf32>
    %dot_general3A_21 = arith.constant dense<0.000000e+00> : vector<512x512xf32>
    %dot_general3A_22 = tpu.matmul %convert_element_type3A_8, %dot_general3A_15, %dot_general3A_21 {dimension_numbers = #tpu.dot_dimension_numbers<[1], [0], [0], [1], [0, 0, 1, 1], [], []>, transpose_lhs_hint = false} : vector<512x16xf32>, vector<16x512xf32>, vector<512x512xf32> -> vector<512x512xf32>
    %add3A = arith.addf %dot_general3A_20, %dot_general3A_22 : vector<512x512xf32>
    %get3A_23 = arith.constant 0 : index
    %get3A_24 = arith.constant 0 : index
    %get3A_25 = vector.load %arg6[%get3A_23, %get3A_24] : memref<1x512xf32, #tpu.memory_space<vmem>>, vector<1x512xf32>
    %add3A_26 = vector.broadcast %get3A_25 : vector<1x512xf32> to vector<512x512xf32>
    %add3A_27 = arith.addf %add3A, %add3A_26 : vector<512x512xf32>
    %swap3A = arith.constant 0 : index
    %swap3A_28 = arith.constant 0 : index
    %swap3A_29 = vector.load %arg8[%swap3A, %swap3A_28] : memref<512x512xf32, #tpu.memory_space<vmem>>, vector<512x512xf32>
    tpu.vector_store %arg8[%swap3A, %swap3A_28], %add3A_27 {strides = array<i32>} : memref<512x512xf32, #tpu.memory_space<vmem>>, vector<512x512xf32>,
    return
  }
  func.func @transform_0(%arg0: i32) -> (i32, i32) {
    %c0_i32 = arith.constant 0 : i32
    %c0_i32_0 = arith.constant 0 : i32
    return %arg0, %c0_i32 : i32, i32
  }
  func.func @transform_1(%arg0: i32) -> (i32, i32, i32) {
    %c0_i32 = arith.constant 0 : i32
    %c0_i32_0 = arith.constant 0 : i32
    %c0_i32_1 = arith.constant 0 : i32
    return %arg0, %c0_i32, %c0_i32_0 : i32, i32, i32
  }
  func.func @transform_2(%arg0: i32) -> (i32, i32) {
    %c0_i32 = arith.constant 0 : i32
    %c0_i32_0 = arith.constant 0 : i32
    %c0_i32_1 = arith.constant 0 : i32
    return %c0_i32, %c0_i32_0 : i32, i32
  }
  func.func @transform_3(%arg0: i32) -> (i32, i32) {
    %c0_i32 = arith.constant 0 : i32
    %c0_i32_0 = arith.constant 0 : i32
    %c0_i32_1 = arith.constant 0 : i32
    return %c0_i32, %c0_i32_0 : i32, i32
  }
  func.func @transform_4(%arg0: i32) -> (i32, i32) {
    %c0_i32 = arith.constant 0 : i32
    %c0_i32_0 = arith.constant 0 : i32
    %c0_i32_1 = arith.constant 0 : i32
    return %c0_i32, %c0_i32_0 : i32, i32
  }
  func.func @transform_5(%arg0: i32) -> (i32, i32) {
    %c0_i32 = arith.constant 0 : i32
    %c0_i32_0 = arith.constant 0 : i32
    %c0_i32_1 = arith.constant 0 : i32
    return %c0_i32, %c0_i32_0 : i32, i32
  }
  func.func @transform_7(%arg0: i32) -> (i32, i32) {
    %add3A = arith.constant 90 : i32
    %add3A_0 = arith.addi %add3A, %arg0 : i32
    %c0_i32 = arith.constant 0 : i32
    %c0_i32_1 = arith.constant 0 : i32
    return %add3A_0, %c0_i32 : i32, i32
  }
}

</mosaic_0001>

<sc_bundles>
// kernel: kernel.10.cloned.1.call-start
scs
__scs_entry_jumppad:
0x0: {  	(pc) =	sbr.rel $0x88, $3  }
0x1: {  	(tag) =	ssettag $0x0;
	lr =	simm.s32 $0x1  }
0x2: {  	[smem:$0x3F9B] =	sst lr;
	_ =	strace $0xD0000000  }
0x3: {  	_ = 	snop  }
0x4: {  	_ = 	snop  }
0x5: {  	_ = 	snop  }
0x6: {  	_ = 	snop  }
0x7: {  	_ = 	snop  }
__scs_overlays_trampoline_lowered:
0x8: {  	[smem:$0x3FAA] =	sst s0  }
0x9: {  	[smem:$0x3FAB] =	sst s1  }
0xa: {  	[smem:$0x3FAC] =	sst s2  }
0xb: {  	[smem:$0x3FAD] =	sst s3  }
0xc: {  	[smem:$0x3FAE] =	sst s4  }
0xd: {  	[smem:$0x3FAF] =	sst s5  }
0xe: {  	[smem:$0x3FB0] =	sst s6  }
0xf: {  	[smem:$0x3FB1] =	sst s7  }
0x10: {  	[smem:$0x3FB2] =	sst s8  }
0x11: {  	[smem:$0x3FB3] =	sst s9;
	s0 =	simm.s32 @!p0 $0x0  }
0x12: {  	s1 =	sld [smem:$0x3F99];
	s0 =	simm.s32 @p0 $0x1  }
0x13: {  	[smem:$0x3FB4] =	sst s0;
	s0 =	simm.s32 @!p1 $0x0  }
0x14: {  	s2 =	sld [smem:$0x3F98];
	s0 =	simm.s32 @p1 $0x1  }
0x15: {  	[smem:$0x3FB5] =	sst s0;
	s0 =	simm.s32 @!p2 $0x0  }
0x16: {  	s3 =	sld [smem:$0x3FDB];
	s0 =	simm.s32 @p2 $0x1  }
0x17: {  	s4 =	simm.s32 $0x1BF5;
	[smem:$0x3FB7] =	sst s0  }
0x18: {  	s0 =	sld [smem:$0x3F9A];
	_ =	swait.ge [sflag:s4], $0x0  }
0x19: {  	s7 =	sld [smem:$0x3F9B]  }
0x1a: {  	s8 =	sadd.s32 $0xFFFFE003, lr  }
0x1b: {  	s9 =	sadd.s32 $0xFFFFFEF7, lr;
	s5 =	simm.s32 $0xFFFFFFFF;
	p2 =	slt.u32 s8, $0xFFFFF086  }
0x1c: {  	p1 =	slt.u32 s9, $0xF7A;
	s5 =	simm.s32 @!p2 $0x0  }
0x1d: {  	s5 =	simm.s32 @p1 $0x1;
	p0 =	seq.s32 s7, s2  }
0x1e: {  	s7 =	smul.u32 @!p0 $0xF7A, s2;
	p2 =	seq.s32 @!p0 s5, $0x0  }
0x1f: {  	s9 =	smul.u32 $0xF7A, s1;
	s8 =	simm.s32 @!p0 $0x1BF5;
	p2 =	por !p2, p0  }
0x20: {  	[sflag:s8] =	ssyncset.s32 @!p0 $0xFFFFF086;
	s6 =	sadd.s32 @!p0 s3, s7;
	s7 =	simm.s32 @!p0 $0x108  }
0x21: {  	s3 =	sadd.s32 s3, s9;
	s6 =	sadd.s32 @!p0 $0x88, s6;
	s7 =	simm.s32 @p2 $0x1082  }
0x22: {  	[simem:s7], [sflag:s8] =	dma.local @!p0 [hbm:s6], $0xF7A  }
0x23: {  	s9 =	sor.u32 $0xD0000000, s2;
	s6 =	simm.s32 $0x108;
	_ =	swait.ge @!p0 [sflag:s8], $0x0  }
0x24: {  	s3 =	sadd.s32 $0x88, s3;
	s6 =	simm.s32 @!p1 $0x1082;
	[sflag:s4] =	ssyncset.s32 $0xFFFFF086  }
0x25: {  	[simem:s6], [sflag:s4] =	dma.local [hbm:s3], $0xF7A  }
0x26: {  	[smem:$0x3F9B] =	sst s1;
	(tag) =	ssettag s2;
	_ =	strace s9  }
0x27: {  	s1 =	sld [smem:$0x3FAB]  }
0x28: {  	s2 =	sld [smem:$0x3FAC]  }
0x29: {  	s4 =	sld [smem:$0x3FAE]  }
0x2a: {  	p0 =	seq.s32 s5, $0x0;
	s5 =	sld [smem:$0x3FAF]  }
0x2b: {  	s6 =	sld [smem:$0x3FB0]  }
0x2c: {  	s7 =	sld [smem:$0x3FB1]  }
0x2d: {  	s3 =	simm.s32 $0x108;
	s8 =	sld [smem:$0x3FB2]  }
0x2e: {  	s3 =	simm.s32 @!p0 $0x1082;
	s9 =	sld [smem:$0x3FB3]  }
0x2f: {  	lr =	sadd.s32 s0, s3;
	s0 =	sld [smem:$0x3FAA]  }
0x30: {  	s3 =	sld [smem:$0x3FAD]  }
0x31: {  	[smem:$0x3FB6] =	sst s10  }
0x32: {  	s10 =	sld [smem:$0x3FB4];
	_ =	sdelay $0x3  }
0x33: {  	p0 =	seq.s32 s10, $0x1;
	s10 =	sld [smem:$0x3FB6];
	_ =	sdelay $0x3  }
0x34: {  	[smem:$0x3FB6] =	sst s10  }
0x35: {  	s10 =	sld [smem:$0x3FB5];
	_ =	sdelay $0x3  }
0x36: {  	p1 =	seq.s32 s10, $0x1;
	s10 =	sld [smem:$0x3FB6];
	_ =	sdelay $0x3  }
0x37: {  	[smem:$0x3FB6] =	sst s10  }
0x38: {  	s10 =	sld [smem:$0x3FB7]  }
0x39: {  	_ = 	snop;
	(pc) =	sbr.ind lr, $3  }
0x3a: {  	_ = 	snop  }
0x3b: {  	_ = 	snop  }
0x3c: {  	p2 =	seq.s32 s10, $0x1;
	s10 =	sld [smem:$0x3FB6]  }
0x3d: {  	_ =	shalt  }
0x3e: {  	_ =	shalt  }
0x3f: {  	_ =	shalt  }
0x40: {  	_ =	shalt  }
0x41: {  	_ =	shalt  }
0x42: {  	_ =	shalt  }
0x43: {  	_ =	shalt  }
0x44: {  	_ =	shalt  }
0x45: {  	_ =	shalt  }
0x46: {  	_ =	shalt  }
0x47: {  	_ =	shalt  }
0x48: {  	_ =	shalt  }
0x49: {  	_ =	shalt  }
0x4a: {  	_ =	shalt  }
0x4b: {  	_ =	shalt  }
0x4c: {  	_ =	shalt  }
0x4d: {  	_ =	shalt  }
0x4e: {  	_ =	shalt  }
0x4f: {  	_ =	shalt  }
0x50: {  	_ =	shalt  }
0x51: {  	_ =	shalt  }
0x52: {  	_ =	shalt  }
0x53: {  	_ =	shalt  }
0x54: {  	_ =	shalt  }
0x55: {  	_ =	shalt  }
0x56: {  	_ =	shalt  }
0x57: {  	_ =	shalt  }
0x58: {  	_ =	shalt  }
0x59: {  	_ =	shalt  }
0x5a: {  	_ =	shalt  }
0x5b: {  	_ =	shalt  }
0x5c: {  	_ =	shalt  }
0x5d: {  	_ =	shalt  }
0x5e: {  	_ =	shalt  }
0x5f: {  	_ =	shalt  }
0x60: {  	_ =	shalt  }
0x61: {  	_ =	shalt  }
0x62: {  	_ =	shalt  }
0x63: {  	_ =	shalt  }
0x64: {  	_ =	shalt  }
0x65: {  	_ =	shalt  }
0x66: {  	_ =	shalt  }
0x67: {  	_ =	shalt  }
0x68: {  	_ =	shalt  }
0x69: {  	_ =	shalt  }
0x6a: {  	_ =	shalt  }
0x6b: {  	_ =	shalt  }
0x6c: {  	_ =	shalt  }
0x6d: {  	_ =	shalt  }
0x6e: {  	_ =	shalt  }
0x6f: {  	_ =	shalt  }
0x70: {  	_ =	shalt  }
0x71: {  	_ =	shalt  }
0x72: {  	_ =	shalt  }
0x73: {  	_ =	shalt  }
0x74: {  	_ =	shalt  }
0x75: {  	_ =	shalt  }
0x76: {  	_ =	shalt  }
0x77: {  	_ =	shalt  }
0x78: {  	_ =	shalt  }
0x79: {  	_ =	shalt  }
0x7a: {  	_ =	shalt  }
0x7b: {  	_ =	shalt  }
0x7c: {  	_ =	shalt  }
0x7d: {  	_ =	shalt  }
0x7e: {  	_ =	shalt  }
0x7f: {  	_ =	shalt  }
0x80: {  	_ =	shalt  }
0x81: {  	_ =	shalt  }
0x82: {  	_ =	shalt  }
0x83: {  	_ =	shalt  }
0x84: {  	_ =	shalt  }
0x85: {  	_ =	shalt  }
0x86: {  	_ =	shalt  }
0x87: {  	_ =	shalt  }
.Lfunc_end0:
.L_simem_size_0:
called_computation_lowered:
.L_overlay_start_0:
0x88: {  	s2 =	sld [smem:$0x3FD9]  }
0x89: {  	s3 =	sld [smem:$0x3FFE];
	_ =	sdelay $0x1  }
0x8a: {  	s1 =	srdreg.scid  }
0x8b: {  	s0 =	sand.u32 $0x1, s1  }
0x8c: {  	s17 =	sshll.u32 s0, $0xA;
	s2 =	sadd.s32 s3, s2  }
0x8d: {  	s2 =	sadd.s32 s2, s17  }
0x8e: {  	[smem:$0x3FC2] =	sst s2  }
0x8f: {  	_ = 	snop  }
0x90: {  	s2 =	sld [smem:$0x3FC8]  }
0x91: {  	s18 =	sld [smem:$0x3FC6]  }
0x92: {  	s4 =	sld [smem:$0x3FD0];
	(tm) =	ssettm $0x1  }
0x93: {  	s5 =	sld [smem:$0x3FFB];
	_ =	sdelay $0x3  }
0x94: {  	_ =	strace s5  }
0x95: {  	s5 =	sld [smem:$0x3FFC];
	_ =	sdelay $0x3  }
0x96: {  	_ =	strace s5  }
0x97: {  	s5 =	sld [smem:$0x3FFD];
	_ =	sdelay $0x3  }
0x98: {  	_ =	strace s5  }
0x99: {  	_ =	strace $0x8FFFFFFF  }
0x9a: {  	s19 =	sld [smem:$0x3FDB];
	_ =	sdelay $0x1  }
0x9b: {  	s6 =	simm.s32 $_scs_section_size  }
0x9c: {  	s7 =	simm.s32 $_size__tile_overlayer_lowered;
	s8 =	simm.s32 $_tile_overlayer_lowered  }
0x9d: {  	s22 =	simm.s32 $0x1BFF;
	s21 =	sshll.u32 s8, $0x1;
	s5 =	sadd.s32 s6, s19  }
0x9e: {  	s9 =	simm.s32 $0x0;
	s20 =	sshll.u32 s7, $0x1;
	s7 =	sadd.s32 s21, s5  }
0x9f: {  	[timem:s9], [sflag:s22] =	dma.local [hbm:s7], s20  }
0xa0: {  	_ =	swait.ge [sflag:s22], s20  }
0xa1: {  	s6 =	ssub.s32 $0x0, s20;
	[sflag:s22] =	ssyncset.done $0x0  }
0xa2: {  	[sflag:s22] =	ssyncadd.s32 s6;
	_ =	sdelay $0x1  }
0xa3: {  	s23 =	simm.s32 $0x1B8B  }
0xa4: {  	_ =	swait.ge [sflag:s23], $0x1  }
0xa5: {  	[sflag:s23] =	ssyncset.done $0x0  }
0xa6: {  	s25 =	simm.s32 $0x1B8E;
	s24 =	sld [smem:$0x3FFE];
	[sflag:s23] =	ssyncadd.s32 $0xFFFFFFFF  }
0xa7: {  	s26 =	simm.s32 $execute0_lowered;
	[smem:$0x3FD2] =	sst s25  }
0xa8: {  	s7 =	sshll.u32 s26, $0x1;
	_ =	strace $0x80000046;
	[dreg:$0x1] =	wrdreg $0xFFFFFFFF  }
0xa9: {  	s28 =	simm.s32 $_size_execute0_lowered;
	s5 =	sadd.s32 s5, s7;
	[dreg:$0x0] =	wrdreg $0x0  }
0xaa: {  	s7 =	sshll.u32 s28, $0x1;
	[dreg:$0x2] =	wrdreg s5  }
0xab: {  	[dreg:$0x3] =	wrdreg s7  }
0xac: {  	[dreg:$0x4] =	wrdreg $0xC0  }
0xad: {  	_ =	task [dreg:s9], $0x5FFFF  }
0xae: {  	[dreg:$0x1] =	wrdreg $0xFFFFFFFF  }
0xaf: {  	[dreg:$0x0] =	wrdreg $0x60  }
0xb0: {  	[dreg:$0x2] =	wrdreg s2  }
0xb1: {  	[dreg:$0x3] =	wrdreg s18  }
0xb2: {  	[dreg:$0x4] =	wrdreg s4  }
0xb3: {  	[dreg:$0x5] =	wrdreg s24  }
0xb4: {  	[dreg:$0x6] =	wrdreg $0x9  }
0xb5: {  	_ =	task.clear_ibuf [dreg:s9], $0x7FFFF;
	_ =	strace $0x90000046  }
0xb6: {  	s29 =	simm.s32 $0x9;
	_ =	strace $0x80000048  }
0xb7: {  	_ =	swait.ge [sflag:s29], $0x1  }
0xb8: {  	[sflag:s29] =	ssyncadd.s32 $0xFFFFFFFF  }
0xb9: {  	_ =	strace $0x90000048  }
0xba: {  	_ =	sfence  }
0xbb: {  	s30 =	sld [smem:$0x0];
	_ =	sdelay $0x2  }
0xbc: {  	s31 =	sshll.u32 s1, $0xD;
	s1 =	sshrl.u32 s1, $0x2  }
0xbd: {  	s3 =	sand.u32 $0x4000, s31;
	s1 =	sadd.s32 s1, s30  }
0xbe: {  	s0 =	sor.u32 s3, s0;
	s1 =	sshll.u32 s1, $0x11  }
0xbf: {  	s0 =	sor.u32 s1, s0  }
0xc0: {  	s0 =	sadd.s32 $0x8F2B, s0  }
0xc1: {  	[sflag:s0] =	ssyncadd.remote.s32 $0x1  }
0xc2: {  	_ =	sfence.sel $0xFFFF  }
0xc3: {  	[dreg:$0x0] =	wrdreg $0xFFFFFFFF;
	(pc) =	sbr.abs _section_cstart, $3  }
0xc4: {  	[dreg:$0x1] =	wrdreg $0xFFFFFFFF  }
0xc5: {  	_ =	task.clear_ibuf [dreg:s9], $0x2FFFF;
	_ =	strace $0x9FFFFFFF  }
0xc6: {  	(tm) =	ssettm $0x7FFFFFFF  }
0xc7: {  	_ =	shalt  }
tec
execute0_lowered:
.L_overlay_start_1:
0x0: {  	(tag) =	ssettag $0x1  }
0x1: {  	s1 =	rddreg [dreg:$0x0]  }
0x2: {  	s0 =	srdreg.scid;
	s3 =	rddreg [dreg:$0x2]  }
0x3: {  	s4 =	stileid.u32;
	s5 =	rddreg [dreg:$0x3]  }
0x4: {  	s23 =	simm.s32 $0x1E278;
	s24 =	simm.s32 $0xF0;
	s25 =	simm.s32 $0x1E2F0  }
0x5: {  	s26 =	simm.s32 $0x168;
	s31 =	simm.s32 $0x1E368;
	s30 =	simm.s32 $0x2  }
0x6: {  	s28 =	simm.s32 $0x5;
	s12 =	simm.s32 $0x2200;
	s13 =	simm.s32 $0x2A00  }
0x7: {  	s14 =	simm.s32 $0x3200;
	s0 =	sand.u32 $0x1, s0;
	s4 =	sshll.u32 s4, $0x1  }
0x8: {  	s15 =	simm.s32 $0x3A00;
	s6 =	sor.u32 s0, s4;
	s4 =	simm.s32 $0x0  }
0x9: {  	s11 =	simm.s32 $0x9200;
	s10 =	simm.s32 $0xA200;
	[smem:$0x7FF] =	sst s4  }
0xa: {  	s29 =	simm.s32 $0xB200;
	_ =	strace $0x80000047;
	[dreg:$0xb] =	wrdreg s23  }
0xb: {  	s9 =	sadd.s32 $0x4200, s5;
	s7 =	smul.u32 $0x3C, s6;
	[dreg:$0xc] =	wrdreg s24  }
0xc: {  	s0 =	ssub.s32 $0x2, s0;
	s8 =	smul.u32 $0x3C000, s6;
	[dreg:$0xd] =	wrdreg s25  }
0xd: {  	s6 =	smul.u32 $0x7800, s6;
	s21 =	sshrl.u32 s0, $0x1;
	[dreg:$0xe] =	wrdreg s26  }
0xe: {  	s0 =	ssub.s32 s0, s21;
	[dreg:$0xf] =	wrdreg s31;
	s21 =	simm.s32 $0x5A00  }
0xf: {  	s23 =	simm.s32 $0x6A00;
	s24 =	simm.s32 $0x7200;
	s25 =	simm.s32 $0x7A00  }
0x10: {  	s26 =	simm.s32 $0x8200;
	s3 =	sadd.s32 s3, s7;
	s8 =	sshrl.u32 s8, $0x3  }
0x11: {  	s16 =	sadd.s32 s9, s6;
	s5 =	sadd.s32 s7, s5;
	[dreg:$0x5] =	wrdreg s3  }
0x12: {  	s17 =	sadd.s32 s9, s8;
	[dreg:$0x6] =	wrdreg s16;
	s22 =	sadd.s32 $0x3A00, s5  }
0x13: {  	s6 =	smax.u32 s0, $0x1;
	s18 =	sadd.s32 $0x1E00, s17;
	[dreg:$0xa] =	wrdreg s22  }
0x14: {  	s5 =	sadd.s32 $0x100, s1;
	s19 =	sadd.s32 $0x3C00, s17;
	[dreg:$0x7] =	wrdreg s18  }
0x15: {  	v2 =	vlaneseq.u32;
	s16 =	simm.s32 $0x4200;
	s20 =	sadd.s32 $0x5A00, s17;
	[dreg:$0x8] =	wrdreg s19  }
0x16: {  	vm0 =	vmmov $0xffff;
	v1 =	vshrl.u32 v2, $0x3;
	s17 =	simm.s32 $0x1;
	s22 =	simm.s32 $0x6200;
	[dreg:$0x9] =	wrdreg s20  }
0x17: {  	v0 =	vand.u32 $0x7, v2;
	v2 =	vor.u32 $0x8, v2;
	v1 =	vmul.u32 $0x8, v1;
	s18 =	simm.s32 $0x200;
	s19 =	simm.s32 $0x4A00;
	s20 =	simm.s32 $0x5200  }
.LBB2_1:
0x18: {  	s31 =	rddreg [dreg:$0x5]  }
0x19: {  	[tilespmem:s4], [sflag:$0x5] =	stream.linear.gather [hbm4b:s31+s4], $0x1E0, $0x38;
	[tilespmem:$0x1E400] =	vst v63  }
0x1a: {  	_ =	swait.ge [sflag:s28], $0x1E0  }
0x1b: {  	[sflag:s28] =	ssyncset.done $0x0;
	s0 =	rddreg [dreg:$0xb]  }
0x1c: {  	s7 =	rddreg [dreg:$0xd];
	[sflag:s28] =	ssyncadd.s32 $0xFFFFFE20  }
0x1d: {  	s3 =	simm.s32 $0x1E200;
	s8 =	simm.s32 $0x78;
	s2 =	rddreg [dreg:$0x1]  }
0x1e: {  	[tilespmem:s3], [sflag:$0x2] =	stream.indirect.gather [hbm4b:s2+s8], $0x1, s4, s8, $0xb8;
	[tilespmem:$0x1E400] =	vst v63  }
0x1f: {  	s9 =	rddreg [dreg:$0xf]  }
0x20: {  	[tilespmem:s0], [sflag:$0x2] =	stream.indirect.gather [hbm4b:s2+s8], $0x1, s8, s8, $0xb8;
	[tilespmem:$0x1E400] =	vst v63  }
0x21: {  	s3 =	rddreg [dreg:$0xc]  }
0x22: {  	[tilespmem:s7], [sflag:$0x2] =	stream.indirect.gather [hbm4b:s2+s8], $0x1, s3, s8, $0xb8;
	[tilespmem:$0x1E400] =	vst v63  }
0x23: {  	s0 =	rddreg [dreg:$0xe]  }
0x24: {  	[tilespmem:s9], [sflag:$0x2] =	stream.indirect.gather [hbm4b:s2+s8], $0x1, s0, s8, $0xb8;
	[tilespmem:$0x1E400] =	vst v63  }
0x25: {  	v3 =	vld [tilespmem:$0x0];
	_ =	sdelay $0x4  }
0x26: {  	v4 =	vshll.u32 v3, $0x2  }
0x27: {  	v3 =	vand.u32 $0x7, v3;
	v4 =	vand.u32 $0xFFFFFFE0, v4  }
0x28: {  	v3 =	vor.u32 v3, v4  }
0x29: {  	v4 =	vperm.xlane v3, v0;
	_ =	sdelay $0x1  }
0x2a: {  	v4 =	vadd.s32 v1, v4;
	_ =	sdelay $0x1  }
0x2b: {  	v3 =	vperm.xlane v3, v2;
	_ =	sdelay $0x1  }
0x2c: {  	v3 =	vadd.s32 v1, v3  }
0x2d: {  	[tilespmem:s18], [sflag:$0x1] =	stream.indirect_vreg.gather [hbm4b:s1+s4], $0x80, v4, vm0, $0xb8;
	[tilespmem:$0x1E400] =	vst v63  }
0x2e: {  	s7 =	simm.s32 $0xA00  }
0x2f: {  	[tilespmem:s7], [sflag:$0x1] =	stream.indirect_vreg.gather [hbm4b:s5+s4], $0x80, v4, vm0, $0xb8;
	[tilespmem:$0x1E400] =	vst v63  }
0x30: {  	s9 =	simm.s32 $0x1200  }
0x31: {  	[tilespmem:s9], [sflag:$0x1] =	stream.indirect_vreg.gather [hbm4b:s1+s4], $0x80, v3, vm0, $0xb8;
	[tilespmem:$0x1E400] =	vst v63  }
0x32: {  	s31 =	simm.s32 $0x1A00  }
0x33: {  	[tilespmem:s31], [sflag:$0x1] =	stream.indirect_vreg.gather [hbm4b:s5+s4], $0x80, v3, vm0, $0xb8;
	[tilespmem:$0x1E400] =	vst v63  }
0x34: {  	v3 =	vld [tilespmem:$0x10];
	_ =	sdelay $0x4  }
0x35: {  	v33 =	vshll.u32 v3, $0x2  }
0x36: {  	v3 =	vand.u32 $0x7, v3;
	v4 =	vand.u32 $0xFFFFFFE0, v33  }
0x37: {  	v3 =	vor.u32 v3, v4  }
0x38: {  	v4 =	vperm.xlane v3, v0;
	_ =	sdelay $0x1  }
0x39: {  	v4 =	vadd.s32 v1, v4;
	_ =	sdelay $0x1  }
0x3a: {  	v3 =	vperm.xlane v3, v2;
	_ =	sdelay $0x1  }
0x3b: {  	v3 =	vadd.s32 v1, v3  }
0x3c: {  	[tilespmem:s12], [sflag:$0x1] =	stream.indirect_vreg.gather [hbm4b:s1+s4], $0x80, v4, vm0, $0xb8;
	[tilespmem:$0x1E400] =	vst v63  }
0x3d: {  	_ = 	snop  }
0x3e: {  	[tilespmem:s13], [sflag:$0x1] =	stream.indirect_vreg.gather [hbm4b:s5+s4], $0x80, v4, vm0, $0xb8;
	[tilespmem:$0x1E400] =	vst v63  }
0x3f: {  	_ = 	snop  }
0x40: {  	[tilespmem:s14], [sflag:$0x1] =	stream.indirect_vreg.gather [hbm4b:s1+s4], $0x80, v3, vm0, $0xb8;
	[tilespmem:$0x1E400] =	vst v63  }
0x41: {  	_ = 	snop  }
0x42: {  	[tilespmem:s15], [sflag:$0x1] =	stream.indirect_vreg.gather [hbm4b:s5+s4], $0x80, v3, vm0, $0xb8;
	[tilespmem:$0x1E400] =	vst v63  }
0x43: {  	v3 =	vld [tilespmem:$0x20];
	_ =	sdelay $0x4  }
0x44: {  	v34 =	vshll.u32 v3, $0x2  }
0x45: {  	v3 =	vand.u32 $0x7, v3;
	v4 =	vand.u32 $0xFFFFFFE0, v34  }
0x46: {  	v3 =	vor.u32 v3, v4  }
0x47: {  	v4 =	vperm.xlane v3, v0;
	_ =	sdelay $0x1  }
0x48: {  	v4 =	vadd.s32 v1, v4;
	_ =	sdelay $0x1  }
0x49: {  	v3 =	vperm.xlane v3, v2;
	_ =	sdelay $0x1  }
0x4a: {  	v3 =	vadd.s32 v1, v3  }
0x4b: {  	[tilespmem:s16], [sflag:$0x1] =	stream.indirect_vreg.gather [hbm4b:s1+s4], $0x80, v4, vm0, $0xb8;
	[tilespmem:$0x1E400] =	vst v63  }
0x4c: {  	_ = 	snop  }
0x4d: {  	[tilespmem:s19], [sflag:$0x1] =	stream.indirect_vreg.gather [hbm4b:s5+s4], $0x80, v4, vm0, $0xb8;
	[tilespmem:$0x1E400] =	vst v63  }
0x4e: {  	_ = 	snop  }
0x4f: {  	[tilespmem:s20], [sflag:$0x1] =	stream.indirect_vreg.gather [hbm4b:s1+s4], $0x80, v3, vm0, $0xb8;
	[tilespmem:$0x1E400] =	vst v63  }
0x50: {  	_ = 	snop  }
0x51: {  	[tilespmem:s21], [sflag:$0x1] =	stream.indirect_vreg.gather [hbm4b:s5+s4], $0x80, v3, vm0, $0xb8;
	[tilespmem:$0x1E400] =	vst v63  }
0x52: {  	v3 =	vld [tilespmem:$0x30];
	_ =	sdelay $0x4  }
0x53: {  	v35 =	vshll.u32 v3, $0x2  }
0x54: {  	v3 =	vand.u32 $0x7, v3;
	v4 =	vand.u32 $0xFFFFFFE0, v35  }
0x55: {  	v3 =	vor.u32 v3, v4  }
0x56: {  	v4 =	vperm.xlane v3, v0;
	_ =	sdelay $0x1  }
0x57: {  	v4 =	vadd.s32 v1, v4;
	_ =	sdelay $0x1  }
0x58: {  	v3 =	vperm.xlane v3, v2;
	_ =	sdelay $0x1  }
0x59: {  	v3 =	vadd.s32 v1, v3  }
0x5a: {  	[tilespmem:s22], [sflag:$0x1] =	stream.indirect_vreg.gather [hbm4b:s1+s4], $0x80, v4, vm0, $0xb8;
	[tilespmem:$0x1E400] =	vst v63  }
0x5b: {  	_ = 	snop  }
0x5c: {  	[tilespmem:s23], [sflag:$0x1] =	stream.indirect_vreg.gather [hbm4b:s5+s4], $0x80, v4, vm0, $0xb8;
	[tilespmem:$0x1E400] =	vst v63  }
0x5d: {  	_ = 	snop  }
0x5e: {  	[tilespmem:s24], [sflag:$0x1] =	stream.indirect_vreg.gather [hbm4b:s1+s4], $0x80, v3, vm0, $0xb8;
	[tilespmem:$0x1E400] =	vst v63  }
0x5f: {  	_ = 	snop  }
0x60: {  	[tilespmem:s25], [sflag:$0x1] =	stream.indirect_vreg.gather [hbm4b:s5+s4], $0x80, v3, vm0, $0xb8;
	[tilespmem:$0x1E400] =	vst v63  }
0x61: {  	v3 =	vld [tilespmem:$0x40];
	_ =	sdelay $0x4  }
0x62: {  	v36 =	vshll.u32 v3, $0x2  }
0x63: {  	v3 =	vand.u32 $0x7, v3;
	v4 =	vand.u32 $0xFFFFFFE0, v36  }
0x64: {  	v3 =	vor.u32 v3, v4  }
0x65: {  	v4 =	vperm.xlane v3, v0;
	_ =	sdelay $0x1  }
0x66: {  	v4 =	vadd.s32 v1, v4;
	_ =	sdelay $0x1  }
0x67: {  	v3 =	vperm.xlane v3, v2;
	_ =	sdelay $0x1  }
0x68: {  	v3 =	vadd.s32 v1, v3  }
0x69: {  	[tilespmem:s26], [sflag:$0x1] =	stream.indirect_vreg.gather [hbm4b:s1+s4], $0x80, v4, vm0, $0xb8;
	[tilespmem:$0x1E400] =	vst v63  }
0x6a: {  	s8 =	simm.s32 $0x8A00  }
0x6b: {  	[tilespmem:s8], [sflag:$0x1] =	stream.indirect_vreg.gather [hbm4b:s5+s4], $0x80, v4, vm0, $0xb8;
	[tilespmem:$0x1E400] =	vst v63  }
0x6c: {  	_ = 	snop  }
0x6d: {  	[tilespmem:s11], [sflag:$0x1] =	stream.indirect_vreg.gather [hbm4b:s1+s4], $0x80, v3, vm0, $0xb8;
	[tilespmem:$0x1E400] =	vst v63  }
0x6e: {  	s8 =	simm.s32 $0x9A00  }
0x6f: {  	[tilespmem:s8], [sflag:$0x1] =	stream.indirect_vreg.gather [hbm4b:s5+s4], $0x80, v3, vm0, $0xb8;
	[tilespmem:$0x1E400] =	vst v63  }
0x70: {  	v3 =	vld [tilespmem:$0x50];
	_ =	sdelay $0x4  }
0x71: {  	v37 =	vshll.u32 v3, $0x2  }
0x72: {  	v3 =	vand.u32 $0x7, v3;
	v4 =	vand.u32 $0xFFFFFFE0, v37  }
0x73: {  	v3 =	vor.u32 v3, v4  }
0x74: {  	v4 =	vperm.xlane v3, v0;
	_ =	sdelay $0x1  }
0x75: {  	v4 =	vadd.s32 v1, v4;
	_ =	sdelay $0x1  }
0x76: {  	v3 =	vperm.xlane v3, v2;
	_ =	sdelay $0x1  }
0x77: {  	v3 =	vadd.s32 v1, v3  }
0x78: {  	[tilespmem:s10], [sflag:$0x1] =	stream.indirect_vreg.gather [hbm4b:s1+s4], $0x80, v4, vm0, $0xb8;
	[tilespmem:$0x1E400] =	vst v63  }
0x79: {  	s7 =	simm.s32 $0xAA00  }
0x7a: {  	[tilespmem:s7], [sflag:$0x1] =	stream.indirect_vreg.gather [hbm4b:s5+s4], $0x80, v4, vm0, $0xb8;
	[tilespmem:$0x1E400] =	vst v63  }
0x7b: {  	_ = 	snop  }
0x7c: {  	[tilespmem:s29], [sflag:$0x1] =	stream.indirect_vreg.gather [hbm4b:s1+s4], $0x80, v3, vm0, $0xb8;
	[tilespmem:$0x1E400] =	vst v63  }
0x7d: {  	s2 =	simm.s32 $0xBA00  }
0x7e: {  	[tilespmem:s2], [sflag:$0x1] =	stream.indirect_vreg.gather [hbm4b:s5+s4], $0x80, v3, vm0, $0xb8;
	[tilespmem:$0x1E400] =	vst v63  }
0x7f: {  	v3 =	vld [tilespmem:$0x60];
	_ =	sdelay $0x4  }
0x80: {  	v38 =	vshll.u32 v3, $0x2  }
0x81: {  	v3 =	vand.u32 $0x7, v3;
	v4 =	vand.u32 $0xFFFFFFE0, v38  }
0x82: {  	v3 =	vor.u32 v3, v4  }
0x83: {  	v4 =	vperm.xlane v3, v0;
	_ =	sdelay $0x1  }
0x84: {  	v4 =	vadd.s32 v1, v4;
	_ =	sdelay $0x1  }
0x85: {  	v3 =	vperm.xlane v3, v2;
	_ =	sdelay $0x1  }
0x86: {  	s3 =	simm.s32 $0xC200;
	v3 =	vadd.s32 v1, v3  }
0x87: {  	[tilespmem:s3], [sflag:$0x1] =	stream.indirect_vreg.gather [hbm4b:s1+s4], $0x80, v4, vm0, $0xb8;
	[tilespmem:$0x1E400] =	vst v63  }
0x88: {  	s2 =	simm.s32 $0xCA00  }
0x89: {  	[tilespmem:s2], [sflag:$0x1] =	stream.indirect_vreg.gather [hbm4b:s5+s4], $0x80, v4, vm0, $0xb8;
	[tilespmem:$0x1E400] =	vst v63  }
0x8a: {  	s3 =	simm.s32 $0xD200  }
0x8b: {  	[tilespmem:s3], [sflag:$0x1] =	stream.indirect_vreg.gather [hbm4b:s1+s4], $0x80, v3, vm0, $0xb8;
	[tilespmem:$0x1E400] =	vst v63  }
0x8c: {  	s2 =	simm.s32 $0xDA00  }
0x8d: {  	[tilespmem:s2], [sflag:$0x1] =	stream.indirect_vreg.gather [hbm4b:s5+s4], $0x80, v3, vm0, $0xb8;
	[tilespmem:$0x1E400] =	vst v63  }
0x8e: {  	v3 =	vld.msk [tilespmem:$0x70], $0xff;
	_ =	sdelay $0x4  }
0x8f: {  	v39 =	vshll.u32 v3, $0x2  }
0x90: {  	v3 =	vand.u32 $0x7, v3;
	v4 =	vand.u32 $0xFFFFFFE0, v39  }
0x91: {  	v3 =	vor.u32 v3, v4  }
0x92: {  	v3 =	vperm.xlane v3, v0;
	_ =	sdelay $0x1  }
0x93: {  	v3 =	vadd.s32 v1, v3;
	_ =	sdelay $0x3  }
0x94: {  	s3 =	simm.s32 $0xE200  }
0x95: {  	[tilespmem:s3], [sflag:$0x1] =	stream.indirect_vreg.gather [hbm4b:s1+s4], $0x80, v3, vm0, $0xb8;
	[tilespmem:$0x1E400] =	vst v63  }
0x96: {  	s2 =	simm.s32 $0xEA00  }
0x97: {  	[tilespmem:s2], [sflag:$0x1] =	stream.indirect_vreg.gather [hbm4b:s5+s4], $0x80, v3, vm0, $0xb8;
	[tilespmem:$0x1E400] =	vst v63  }
0x98: {  	_ =	swait.ge [sflag:s17], $0xF000  }
0x99: {  	[sflag:s17] =	ssyncset.done $0x0  }
0x9a: {  	s3 =	rddreg [dreg:$0x6];
	[sflag:s17] =	ssyncadd.s32 $0xFFFF1000  }
0x9b: {  	[hbm4b:s3+s4] =	stream.linear.scatter [tilespmem:s18], [sflag:$0x3], $0xF000, $0x38;
	[tilespmem:$0x1E400] =	vst v63  }
0x9c: {  	v3 =	vld [tilespmem:$0x78];
	_ =	sdelay $0x4  }
0x9d: {  	v40 =	vshll.u32 v3, $0x2  }
0x9e: {  	v3 =	vand.u32 $0x7, v3;
	v4 =	vand.u32 $0xFFFFFFE0, v40  }
0x9f: {  	v3 =	vor.u32 v3, v4  }
0xa0: {  	v4 =	vperm.xlane v3, v0;
	_ =	sdelay $0x1  }
0xa1: {  	v4 =	vadd.s32 v1, v4;
	_ =	sdelay $0x1  }
0xa2: {  	v3 =	vperm.xlane v3, v2;
	_ =	sdelay $0x1  }
0xa3: {  	s3 =	simm.s32 $0xF200;
	v3 =	vadd.s32 v1, v3  }
0xa4: {  	[tilespmem:s3], [sflag:$0x1] =	stream.indirect_vreg.gather [hbm4b:s1+s4], $0x80, v4, vm0, $0xb8;
	[tilespmem:$0x1E400] =	vst v63  }
0xa5: {  	s2 =	simm.s32 $0xFA00  }
0xa6: {  	[tilespmem:s2], [sflag:$0x1] =	stream.indirect_vreg.gather [hbm4b:s5+s4], $0x80, v4, vm0, $0xb8;
	[tilespmem:$0x1E400] =	vst v63  }
0xa7: {  	s2 =	simm.s32 $0x10200  }
0xa8: {  	[tilespmem:s2], [sflag:$0x1] =	stream.indirect_vreg.gather [hbm4b:s1+s4], $0x80, v3, vm0, $0xb8;
	[tilespmem:$0x1E400] =	vst v63  }
0xa9: {  	s2 =	simm.s32 $0x10A00  }
0xaa: {  	[tilespmem:s2], [sflag:$0x1] =	stream.indirect_vreg.gather [hbm4b:s5+s4], $0x80, v3, vm0, $0xb8;
	[tilespmem:$0x1E400] =	vst v63  }
0xab: {  	v3 =	vld [tilespmem:$0x88];
	_ =	sdelay $0x4  }
0xac: {  	v41 =	vshll.u32 v3, $0x2  }
0xad: {  	v3 =	vand.u32 $0x7, v3;
	v4 =	vand.u32 $0xFFFFFFE0, v41  }
0xae: {  	v3 =	vor.u32 v3, v4  }
0xaf: {  	v4 =	vperm.xlane v3, v0;
	_ =	sdelay $0x1  }
0xb0: {  	v4 =	vadd.s32 v1, v4;
	_ =	sdelay $0x1  }
0xb1: {  	v3 =	vperm.xlane v3, v2;
	_ =	sdelay $0x1  }
0xb2: {  	s2 =	simm.s32 $0x11200;
	v3 =	vadd.s32 v1, v3  }
0xb3: {  	[tilespmem:s2], [sflag:$0x1] =	stream.indirect_vreg.gather [hbm4b:s1+s4], $0x80, v4, vm0, $0xb8;
	[tilespmem:$0x1E400] =	vst v63  }
0xb4: {  	s2 =	simm.s32 $0x11A00  }
0xb5: {  	[tilespmem:s2], [sflag:$0x1] =	stream.indirect_vreg.gather [hbm4b:s5+s4], $0x80, v4, vm0, $0xb8;
	[tilespmem:$0x1E400] =	vst v63  }
0xb6: {  	s2 =	simm.s32 $0x12200  }
0xb7: {  	[tilespmem:s2], [sflag:$0x1] =	stream.indirect_vreg.gather [hbm4b:s1+s4], $0x80, v3, vm0, $0xb8;
	[tilespmem:$0x1E400] =	vst v63  }
0xb8: {  	s2 =	simm.s32 $0x12A00  }
0xb9: {  	[tilespmem:s2], [sflag:$0x1] =	stream.indirect_vreg.gather [hbm4b:s5+s4], $0x80, v3, vm0, $0xb8;
	[tilespmem:$0x1E400] =	vst v63  }
0xba: {  	v3 =	vld [tilespmem:$0x98];
	_ =	sdelay $0x4  }
0xbb: {  	v42 =	vshll.u32 v3, $0x2  }
0xbc: {  	v3 =	vand.u32 $0x7, v3;
	v4 =	vand.u32 $0xFFFFFFE0, v42  }
0xbd: {  	v3 =	vor.u32 v3, v4  }
0xbe: {  	v4 =	vperm.xlane v3, v0;
	_ =	sdelay $0x1  }
0xbf: {  	v4 =	vadd.s32 v1, v4;
	_ =	sdelay $0x1  }
0xc0: {  	v3 =	vperm.xlane v3, v2;
	_ =	sdelay $0x1  }
0xc1: {  	s2 =	simm.s32 $0x13200;
	v3 =	vadd.s32 v1, v3  }
0xc2: {  	[tilespmem:s2], [sflag:$0x1] =	stream.indirect_vreg.gather [hbm4b:s1+s4], $0x80, v4, vm0, $0xb8;
	[tilespmem:$0x1E400] =	vst v63  }
0xc3: {  	s2 =	simm.s32 $0x13A00  }
0xc4: {  	[tilespmem:s2], [sflag:$0x1] =	stream.indirect_vreg.gather [hbm4b:s5+s4], $0x80, v4, vm0, $0xb8;
	[tilespmem:$0x1E400] =	vst v63  }
0xc5: {  	s2 =	simm.s32 $0x14200  }
0xc6: {  	[tilespmem:s2], [sflag:$0x1] =	stream.indirect_vreg.gather [hbm4b:s1+s4], $0x80, v3, vm0, $0xb8;
	[tilespmem:$0x1E400] =	vst v63  }
0xc7: {  	s2 =	simm.s32 $0x14A00  }
0xc8: {  	[tilespmem:s2], [sflag:$0x1] =	stream.indirect_vreg.gather [hbm4b:s5+s4], $0x80, v3, vm0, $0xb8;
	[tilespmem:$0x1E400] =	vst v63  }
0xc9: {  	v3 =	vld [tilespmem:$0xA8];
	_ =	sdelay $0x4  }
0xca: {  	v43 =	vshll.u32 v3, $0x2  }
0xcb: {  	v3 =	vand.u32 $0x7, v3;
	v4 =	vand.u32 $0xFFFFFFE0, v43  }
0xcc: {  	v3 =	vor.u32 v3, v4  }
0xcd: {  	v4 =	vperm.xlane v3, v0;
	_ =	sdelay $0x1  }
0xce: {  	v4 =	vadd.s32 v1, v4;
	_ =	sdelay $0x1  }
0xcf: {  	v3 =	vperm.xlane v3, v2;
	_ =	sdelay $0x1  }
0xd0: {  	s2 =	simm.s32 $0x15200;
	v3 =	vadd.s32 v1, v3  }
0xd1: {  	[tilespmem:s2], [sflag:$0x1] =	stream.indirect_vreg.gather [hbm4b:s1+s4], $0x80, v4, vm0, $0xb8;
	[tilespmem:$0x1E400] =	vst v63  }
0xd2: {  	s2 =	simm.s32 $0x15A00  }
0xd3: {  	[tilespmem:s2], [sflag:$0x1] =	stream.indirect_vreg.gather [hbm4b:s5+s4], $0x80, v4, vm0, $0xb8;
	[tilespmem:$0x1E400] =	vst v63  }
0xd4: {  	s2 =	simm.s32 $0x16200  }
0xd5: {  	[tilespmem:s2], [sflag:$0x1] =	stream.indirect_vreg.gather [hbm4b:s1+s4], $0x80, v3, vm0, $0xb8;
	[tilespmem:$0x1E400] =	vst v63  }
0xd6: {  	s2 =	simm.s32 $0x16A00  }
0xd7: {  	[tilespmem:s2], [sflag:$0x1] =	stream.indirect_vreg.gather [hbm4b:s5+s4], $0x80, v3, vm0, $0xb8;
	[tilespmem:$0x1E400] =	vst v63  }
0xd8: {  	v3 =	vld [tilespmem:$0xB8];
	_ =	sdelay $0x4  }
0xd9: {  	v44 =	vshll.u32 v3, $0x2  }
0xda: {  	v3 =	vand.u32 $0x7, v3;
	v4 =	vand.u32 $0xFFFFFFE0, v44  }
0xdb: {  	v3 =	vor.u32 v3, v4  }
0xdc: {  	v4 =	vperm.xlane v3, v0;
	_ =	sdelay $0x1  }
0xdd: {  	v4 =	vadd.s32 v1, v4;
	_ =	sdelay $0x1  }
0xde: {  	v3 =	vperm.xlane v3, v2;
	_ =	sdelay $0x1  }
0xdf: {  	s2 =	simm.s32 $0x17200;
	v3 =	vadd.s32 v1, v3  }
0xe0: {  	[tilespmem:s2], [sflag:$0x1] =	stream.indirect_vreg.gather [hbm4b:s1+s4], $0x80, v4, vm0, $0xb8;
	[tilespmem:$0x1E400] =	vst v63  }
0xe1: {  	s2 =	simm.s32 $0x17A00  }
0xe2: {  	[tilespmem:s2], [sflag:$0x1] =	stream.indirect_vreg.gather [hbm4b:s5+s4], $0x80, v4, vm0, $0xb8;
	[tilespmem:$0x1E400] =	vst v63  }
0xe3: {  	s2 =	simm.s32 $0x18200  }
0xe4: {  	[tilespmem:s2], [sflag:$0x1] =	stream.indirect_vreg.gather [hbm4b:s1+s4], $0x80, v3, vm0, $0xb8;
	[tilespmem:$0x1E400] =	vst v63  }
0xe5: {  	s2 =	simm.s32 $0x18A00  }
0xe6: {  	[tilespmem:s2], [sflag:$0x1] =	stream.indirect_vreg.gather [hbm4b:s5+s4], $0x80, v3, vm0, $0xb8;
	[tilespmem:$0x1E400] =	vst v63  }
0xe7: {  	v3 =	vld [tilespmem:$0xC8];
	_ =	sdelay $0x4  }
0xe8: {  	v45 =	vshll.u32 v3, $0x2  }
0xe9: {  	v3 =	vand.u32 $0x7, v3;
	v4 =	vand.u32 $0xFFFFFFE0, v45  }
0xea: {  	v3 =	vor.u32 v3, v4  }
0xeb: {  	v4 =	vperm.xlane v3, v0;
	_ =	sdelay $0x1  }
0xec: {  	v4 =	vadd.s32 v1, v4;
	_ =	sdelay $0x1  }
0xed: {  	v3 =	vperm.xlane v3, v2;
	_ =	sdelay $0x1  }
0xee: {  	s2 =	simm.s32 $0x19200;
	v3 =	vadd.s32 v1, v3  }
0xef: {  	[tilespmem:s2], [sflag:$0x1] =	stream.indirect_vreg.gather [hbm4b:s1+s4], $0x80, v4, vm0, $0xb8;
	[tilespmem:$0x1E400] =	vst v63  }
0xf0: {  	s2 =	simm.s32 $0x19A00  }
0xf1: {  	[tilespmem:s2], [sflag:$0x1] =	stream.indirect_vreg.gather [hbm4b:s5+s4], $0x80, v4, vm0, $0xb8;
	[tilespmem:$0x1E400] =	vst v63  }
0xf2: {  	s2 =	simm.s32 $0x1A200  }
0xf3: {  	[tilespmem:s2], [sflag:$0x1] =	stream.indirect_vreg.gather [hbm4b:s1+s4], $0x80, v3, vm0, $0xb8;
	[tilespmem:$0x1E400] =	vst v63  }
0xf4: {  	s2 =	simm.s32 $0x1AA00  }
0xf5: {  	[tilespmem:s2], [sflag:$0x1] =	stream.indirect_vreg.gather [hbm4b:s5+s4], $0x80, v3, vm0, $0xb8;
	[tilespmem:$0x1E400] =	vst v63  }
0xf6: {  	v3 =	vld [tilespmem:$0xD8];
	_ =	sdelay $0x4  }
0xf7: {  	v46 =	vshll.u32 v3, $0x2  }
0xf8: {  	v3 =	vand.u32 $0x7, v3;
	v4 =	vand.u32 $0xFFFFFFE0, v46  }
0xf9: {  	v3 =	vor.u32 v3, v4  }
0xfa: {  	v4 =	vperm.xlane v3, v0;
	_ =	sdelay $0x1  }
0xfb: {  	v4 =	vadd.s32 v1, v4;
	_ =	sdelay $0x1  }
0xfc: {  	v3 =	vperm.xlane v3, v2;
	_ =	sdelay $0x1  }
0xfd: {  	s2 =	simm.s32 $0x1B200;
	v3 =	vadd.s32 v1, v3  }
0xfe: {  	[tilespmem:s2], [sflag:$0x1] =	stream.indirect_vreg.gather [hbm4b:s1+s4], $0x80, v4, vm0, $0xb8;
	[tilespmem:$0x1E400] =	vst v63  }
0xff: {  	s2 =	simm.s32 $0x1BA00  }
0x100: {  	[tilespmem:s2], [sflag:$0x1] =	stream.indirect_vreg.gather [hbm4b:s5+s4], $0x80, v4, vm0, $0xb8;
	[tilespmem:$0x1E400] =	vst v63  }
0x101: {  	s2 =	simm.s32 $0x1C200  }
0x102: {  	[tilespmem:s2], [sflag:$0x1] =	stream.indirect_vreg.gather [hbm4b:s1+s4], $0x80, v3, vm0, $0xb8;
	[tilespmem:$0x1E400] =	vst v63  }
0x103: {  	s2 =	simm.s32 $0x1CA00  }
0x104: {  	[tilespmem:s2], [sflag:$0x1] =	stream.indirect_vreg.gather [hbm4b:s5+s4], $0x80, v3, vm0, $0xb8;
	[tilespmem:$0x1E400] =	vst v63  }
0x105: {  	v3 =	vld.msk [tilespmem:$0xE8], $0xff;
	_ =	sdelay $0x4  }
0x106: {  	v47 =	vshll.u32 v3, $0x2  }
0x107: {  	v3 =	vand.u32 $0x7, v3;
	v4 =	vand.u32 $0xFFFFFFE0, v47  }
0x108: {  	v3 =	vor.u32 v3, v4  }
0x109: {  	v3 =	vperm.xlane v3, v0;
	_ =	sdelay $0x1  }
0x10a: {  	v3 =	vadd.s32 v1, v3;
	_ =	sdelay $0x3  }
0x10b: {  	s2 =	simm.s32 $0x1D200  }
0x10c: {  	[tilespmem:s2], [sflag:$0x1] =	stream.indirect_vreg.gather [hbm4b:s1+s4], $0x80, v3, vm0, $0xb8;
	[tilespmem:$0x1E400] =	vst v63  }
0x10d: {  	s2 =	simm.s32 $0x1DA00  }
0x10e: {  	[tilespmem:s2], [sflag:$0x1] =	stream.indirect_vreg.gather [hbm4b:s5+s4], $0x80, v3, vm0, $0xb8;
	[tilespmem:$0x1E400] =	vst v63  }
0x10f: {  	_ =	swait.ge [sflag:s17], $0xF000  }
0x110: {  	[sflag:s17] =	ssyncset.done $0x0  }
0x111: {  	s2 =	rddreg [dreg:$0x7];
	[sflag:s17] =	ssyncadd.s32 $0xFFFF1000  }
0x112: {  	[hbm4b:s2+s4] =	stream.linear.scatter [tilespmem:s3], [sflag:$0x4], $0xF000, $0x38;
	[tilespmem:$0x1E400] =	vst v63  }
0x113: {  	s2 =	simm.s32 $0x3  }
0x114: {  	_ =	swait.ge [sflag:s2], $0xF000  }
0x115: {  	[sflag:s2] =	ssyncset.done $0x0  }
0x116: {  	[sflag:s2] =	ssyncadd.s32 $0xFFFF1000  }
0x117: {  	v3 =	vld [tilespmem:$0xF0];
	_ =	sdelay $0x4  }
0x118: {  	v48 =	vshll.u32 v3, $0x2  }
0x119: {  	v3 =	vand.u32 $0x7, v3;
	v4 =	vand.u32 $0xFFFFFFE0, v48  }
0x11a: {  	v3 =	vor.u32 v3, v4  }
0x11b: {  	v4 =	vperm.xlane v3, v0;
	_ =	sdelay $0x1  }
0x11c: {  	v4 =	vadd.s32 v1, v4;
	_ =	sdelay $0x1  }
0x11d: {  	v3 =	vperm.xlane v3, v2;
	_ =	sdelay $0x1  }
0x11e: {  	v3 =	vadd.s32 v1, v3  }
0x11f: {  	[tilespmem:s18], [sflag:$0x1] =	stream.indirect_vreg.gather [hbm4b:s1+s4], $0x80, v4, vm0, $0xb8;
	[tilespmem:$0x1E400] =	vst v63  }
0x120: {  	s0 =	simm.s32 $0xA00  }
0x121: {  	[tilespmem:s0], [sflag:$0x1] =	stream.indirect_vreg.gather [hbm4b:s5+s4], $0x80, v4, vm0, $0xb8;
	[tilespmem:$0x1E400] =	vst v63  }
0x122: {  	_ = 	snop  }
0x123: {  	[tilespmem:s9], [sflag:$0x1] =	stream.indirect_vreg.gather [hbm4b:s1+s4], $0x80, v3, vm0, $0xb8;
	[tilespmem:$0x1E400] =	vst v63  }
0x124: {  	_ = 	snop  }
0x125: {  	[tilespmem:s31], [sflag:$0x1] =	stream.indirect_vreg.gather [hbm4b:s5+s4], $0x80, v3, vm0, $0xb8;
	[tilespmem:$0x1E400] =	vst v63  }
0x126: {  	v3 =	vld [tilespmem:$0x100];
	_ =	sdelay $0x4  }
0x127: {  	v49 =	vshll.u32 v3, $0x2  }
0x128: {  	v3 =	vand.u32 $0x7, v3;
	v4 =	vand.u32 $0xFFFFFFE0, v49  }
0x129: {  	v3 =	vor.u32 v3, v4  }
0x12a: {  	v4 =	vperm.xlane v3, v0;
	_ =	sdelay $0x1  }
0x12b: {  	v4 =	vadd.s32 v1, v4;
	_ =	sdelay $0x1  }
0x12c: {  	v3 =	vperm.xlane v3, v2;
	_ =	sdelay $0x1  }
0x12d: {  	v3 =	vadd.s32 v1, v3  }
0x12e: {  	[tilespmem:s12], [sflag:$0x1] =	stream.indirect_vreg.gather [hbm4b:s1+s4], $0x80, v4, vm0, $0xb8;
	[tilespmem:$0x1E400] =	vst v63  }
0x12f: {  	_ = 	snop  }
0x130: {  	[tilespmem:s13], [sflag:$0x1] =	stream.indirect_vreg.gather [hbm4b:s5+s4], $0x80, v4, vm0, $0xb8;
	[tilespmem:$0x1E400] =	vst v63  }
0x131: {  	_ = 	snop  }
0x132: {  	[tilespmem:s14], [sflag:$0x1] =	stream.indirect_vreg.gather [hbm4b:s1+s4], $0x80, v3, vm0, $0xb8;
	[tilespmem:$0x1E400] =	vst v63  }
0x133: {  	_ = 	snop  }
0x134: {  	[tilespmem:s15], [sflag:$0x1] =	stream.indirect_vreg.gather [hbm4b:s5+s4], $0x80, v3, vm0, $0xb8;
	[tilespmem:$0x1E400] =	vst v63  }
0x135: {  	v3 =	vld [tilespmem:$0x110];
	_ =	sdelay $0x4  }
0x136: {  	v50 =	vshll.u32 v3, $0x2  }
0x137: {  	v3 =	vand.u32 $0x7, v3;
	v4 =	vand.u32 $0xFFFFFFE0, v50  }
0x138: {  	v3 =	vor.u32 v3, v4  }
0x139: {  	v4 =	vperm.xlane v3, v0;
	_ =	sdelay $0x1  }
0x13a: {  	v4 =	vadd.s32 v1, v4;
	_ =	sdelay $0x1  }
0x13b: {  	v3 =	vperm.xlane v3, v2;
	_ =	sdelay $0x1  }
0x13c: {  	v3 =	vadd.s32 v1, v3  }
0x13d: {  	[tilespmem:s16], [sflag:$0x1] =	stream.indirect_vreg.gather [hbm4b:s1+s4], $0x80, v4, vm0, $0xb8;
	[tilespmem:$0x1E400] =	vst v63  }
0x13e: {  	_ = 	snop  }
0x13f: {  	[tilespmem:s19], [sflag:$0x1] =	stream.indirect_vreg.gather [hbm4b:s5+s4], $0x80, v4, vm0, $0xb8;
	[tilespmem:$0x1E400] =	vst v63  }
0x140: {  	_ = 	snop  }
0x141: {  	[tilespmem:s20], [sflag:$0x1] =	stream.indirect_vreg.gather [hbm4b:s1+s4], $0x80, v3, vm0, $0xb8;
	[tilespmem:$0x1E400] =	vst v63  }
0x142: {  	_ = 	snop  }
0x143: {  	[tilespmem:s21], [sflag:$0x1] =	stream.indirect_vreg.gather [hbm4b:s5+s4], $0x80, v3, vm0, $0xb8;
	[tilespmem:$0x1E400] =	vst v63  }
0x144: {  	v3 =	vld [tilespmem:$0x120];
	_ =	sdelay $0x4  }
0x145: {  	v51 =	vshll.u32 v3, $0x2  }
0x146: {  	v3 =	vand.u32 $0x7, v3;
	v4 =	vand.u32 $0xFFFFFFE0, v51  }
0x147: {  	v3 =	vor.u32 v3, v4  }
0x148: {  	v4 =	vperm.xlane v3, v0;
	_ =	sdelay $0x1  }
0x149: {  	v4 =	vadd.s32 v1, v4;
	_ =	sdelay $0x1  }
0x14a: {  	v3 =	vperm.xlane v3, v2;
	_ =	sdelay $0x1  }
0x14b: {  	v3 =	vadd.s32 v1, v3  }
0x14c: {  	[tilespmem:s22], [sflag:$0x1] =	stream.indirect_vreg.gather [hbm4b:s1+s4], $0x80, v4, vm0, $0xb8;
	[tilespmem:$0x1E400] =	vst v63  }
0x14d: {  	_ = 	snop  }
0x14e: {  	[tilespmem:s23], [sflag:$0x1] =	stream.indirect_vreg.gather [hbm4b:s5+s4], $0x80, v4, vm0, $0xb8;
	[tilespmem:$0x1E400] =	vst v63  }
0x14f: {  	_ = 	snop  }
0x150: {  	[tilespmem:s24], [sflag:$0x1] =	stream.indirect_vreg.gather [hbm4b:s1+s4], $0x80, v3, vm0, $0xb8;
	[tilespmem:$0x1E400] =	vst v63  }
0x151: {  	_ = 	snop  }
0x152: {  	[tilespmem:s25], [sflag:$0x1] =	stream.indirect_vreg.gather [hbm4b:s5+s4], $0x80, v3, vm0, $0xb8;
	[tilespmem:$0x1E400] =	vst v63  }
0x153: {  	v3 =	vld [tilespmem:$0x130];
	_ =	sdelay $0x4  }
0x154: {  	v52 =	vshll.u32 v3, $0x2  }
0x155: {  	v3 =	vand.u32 $0x7, v3;
	v4 =	vand.u32 $0xFFFFFFE0, v52  }
0x156: {  	v3 =	vor.u32 v3, v4  }
0x157: {  	v4 =	vperm.xlane v3, v0;
	_ =	sdelay $0x1  }
0x158: {  	v4 =	vadd.s32 v1, v4;
	_ =	sdelay $0x1  }
0x159: {  	v3 =	vperm.xlane v3, v2;
	_ =	sdelay $0x1  }
0x15a: {  	v3 =	vadd.s32 v1, v3  }
0x15b: {  	[tilespmem:s26], [sflag:$0x1] =	stream.indirect_vreg.gather [hbm4b:s1+s4], $0x80, v4, vm0, $0xb8;
	[tilespmem:$0x1E400] =	vst v63  }
0x15c: {  	s31 =	simm.s32 $0x8A00  }
0x15d: {  	[tilespmem:s31], [sflag:$0x1] =	stream.indirect_vreg.gather [hbm4b:s5+s4], $0x80, v4, vm0, $0xb8;
	[tilespmem:$0x1E400] =	vst v63  }
0x15e: {  	_ = 	snop  }
0x15f: {  	[tilespmem:s11], [sflag:$0x1] =	stream.indirect_vreg.gather [hbm4b:s1+s4], $0x80, v3, vm0, $0xb8;
	[tilespmem:$0x1E400] =	vst v63  }
0x160: {  	_ = 	snop  }
0x161: {  	[tilespmem:s8], [sflag:$0x1] =	stream.indirect_vreg.gather [hbm4b:s5+s4], $0x80, v3, vm0, $0xb8;
	[tilespmem:$0x1E400] =	vst v63  }
0x162: {  	v3 =	vld [tilespmem:$0x140];
	_ =	sdelay $0x4  }
0x163: {  	v53 =	vshll.u32 v3, $0x2  }
0x164: {  	v3 =	vand.u32 $0x7, v3;
	v4 =	vand.u32 $0xFFFFFFE0, v53  }
0x165: {  	v3 =	vor.u32 v3, v4  }
0x166: {  	v4 =	vperm.xlane v3, v0;
	_ =	sdelay $0x1  }
0x167: {  	v4 =	vadd.s32 v1, v4;
	_ =	sdelay $0x1  }
0x168: {  	v3 =	vperm.xlane v3, v2;
	_ =	sdelay $0x1  }
0x169: {  	v3 =	vadd.s32 v1, v3  }
0x16a: {  	[tilespmem:s10], [sflag:$0x1] =	stream.indirect_vreg.gather [hbm4b:s1+s4], $0x80, v4, vm0, $0xb8;
	[tilespmem:$0x1E400] =	vst v63  }
0x16b: {  	_ = 	snop  }
0x16c: {  	[tilespmem:s7], [sflag:$0x1] =	stream.indirect_vreg.gather [hbm4b:s5+s4], $0x80, v4, vm0, $0xb8;
	[tilespmem:$0x1E400] =	vst v63  }
0x16d: {  	_ = 	snop  }
0x16e: {  	[tilespmem:s29], [sflag:$0x1] =	stream.indirect_vreg.gather [hbm4b:s1+s4], $0x80, v3, vm0, $0xb8;
	[tilespmem:$0x1E400] =	vst v63  }
0x16f: {  	s9 =	simm.s32 $0xBA00  }
0x170: {  	[tilespmem:s9], [sflag:$0x1] =	stream.indirect_vreg.gather [hbm4b:s5+s4], $0x80, v3, vm0, $0xb8;
	[tilespmem:$0x1E400] =	vst v63  }
0x171: {  	v3 =	vld [tilespmem:$0x150];
	_ =	sdelay $0x4  }
0x172: {  	v54 =	vshll.u32 v3, $0x2  }
0x173: {  	v3 =	vand.u32 $0x7, v3;
	v4 =	vand.u32 $0xFFFFFFE0, v54  }
0x174: {  	v3 =	vor.u32 v3, v4  }
0x175: {  	v4 =	vperm.xlane v3, v0;
	_ =	sdelay $0x1  }
0x176: {  	v4 =	vadd.s32 v1, v4;
	_ =	sdelay $0x1  }
0x177: {  	v3 =	vperm.xlane v3, v2;
	_ =	sdelay $0x1  }
0x178: {  	s31 =	simm.s32 $0xC200;
	v3 =	vadd.s32 v1, v3  }
0x179: {  	[tilespmem:s31], [sflag:$0x1] =	stream.indirect_vreg.gather [hbm4b:s1+s4], $0x80, v4, vm0, $0xb8;
	[tilespmem:$0x1E400] =	vst v63  }
0x17a: {  	s7 =	simm.s32 $0xCA00  }
0x17b: {  	[tilespmem:s7], [sflag:$0x1] =	stream.indirect_vreg.gather [hbm4b:s5+s4], $0x80, v4, vm0, $0xb8;
	[tilespmem:$0x1E400] =	vst v63  }
0x17c: {  	s8 =	simm.s32 $0xD200  }
0x17d: {  	[tilespmem:s8], [sflag:$0x1] =	stream.indirect_vreg.gather [hbm4b:s1+s4], $0x80, v3, vm0, $0xb8;
	[tilespmem:$0x1E400] =	vst v63  }
0x17e: {  	s9 =	simm.s32 $0xDA00  }
0x17f: {  	[tilespmem:s9], [sflag:$0x1] =	stream.indirect_vreg.gather [hbm4b:s5+s4], $0x80, v3, vm0, $0xb8;
	[tilespmem:$0x1E400] =	vst v63  }
0x180: {  	v3 =	vld.msk [tilespmem:$0x160], $0xff;
	_ =	sdelay $0x4  }
0x181: {  	v55 =	vshll.u32 v3, $0x2  }
0x182: {  	v3 =	vand.u32 $0x7, v3;
	v4 =	vand.u32 $0xFFFFFFE0, v55  }
0x183: {  	v3 =	vor.u32 v3, v4  }
0x184: {  	v3 =	vperm.xlane v3, v0;
	_ =	sdelay $0x1  }
0x185: {  	v3 =	vadd.s32 v1, v3;
	_ =	sdelay $0x3  }
0x186: {  	s31 =	simm.s32 $0xE200  }
0x187: {  	[tilespmem:s31], [sflag:$0x1] =	stream.indirect_vreg.gather [hbm4b:s1+s4], $0x80, v3, vm0, $0xb8;
	[tilespmem:$0x1E400] =	vst v63  }
0x188: {  	s7 =	simm.s32 $0xEA00  }
0x189: {  	[tilespmem:s7], [sflag:$0x1] =	stream.indirect_vreg.gather [hbm4b:s5+s4], $0x80, v3, vm0, $0xb8;
	[tilespmem:$0x1E400] =	vst v63  }
0x18a: {  	_ =	swait.ge [sflag:s17], $0xF000  }
0x18b: {  	[sflag:s17] =	ssyncset.done $0x0  }
0x18c: {  	s7 =	simm.s32 $0x4;
	s8 =	rddreg [dreg:$0x8];
	[sflag:s17] =	ssyncadd.s32 $0xFFFF1000  }
0x18d: {  	[hbm4b:s8+s4] =	stream.linear.scatter [tilespmem:s18], [sflag:$0x3], $0xF000, $0x38;
	[tilespmem:$0x1E400] =	vst v63  }
0x18e: {  	_ =	swait.ge [sflag:s7], $0xF000  }
0x18f: {  	[sflag:s7] =	ssyncset.done $0x0  }
0x190: {  	[sflag:s7] =	ssyncadd.s32 $0xFFFF1000  }
0x191: {  	v3 =	vld [tilespmem:$0x168];
	_ =	sdelay $0x4  }
0x192: {  	v56 =	vshll.u32 v3, $0x2  }
0x193: {  	v3 =	vand.u32 $0x7, v3;
	v4 =	vand.u32 $0xFFFFFFE0, v56  }
0x194: {  	v3 =	vor.u32 v3, v4  }
0x195: {  	v4 =	vperm.xlane v3, v0;
	_ =	sdelay $0x1  }
0x196: {  	v4 =	vadd.s32 v1, v4;
	_ =	sdelay $0x1  }
0x197: {  	v3 =	vperm.xlane v3, v2;
	_ =	sdelay $0x1  }
0x198: {  	v3 =	vadd.s32 v1, v3  }
0x199: {  	[tilespmem:s3], [sflag:$0x1] =	stream.indirect_vreg.gather [hbm4b:s1+s4], $0x80, v4, vm0, $0xb8;
	[tilespmem:$0x1E400] =	vst v63  }
0x19a: {  	s9 =	simm.s32 $0xFA00  }
0x19b: {  	[tilespmem:s9], [sflag:$0x1] =	stream.indirect_vreg.gather [hbm4b:s5+s4], $0x80, v4, vm0, $0xb8;
	[tilespmem:$0x1E400] =	vst v63  }
0x19c: {  	s31 =	simm.s32 $0x10200  }
0x19d: {  	[tilespmem:s31], [sflag:$0x1] =	stream.indirect_vreg.gather [hbm4b:s1+s4], $0x80, v3, vm0, $0xb8;
	[tilespmem:$0x1E400] =	vst v63  }
0x19e: {  	s8 =	simm.s32 $0x10A00  }
0x19f: {  	[tilespmem:s8], [sflag:$0x1] =	stream.indirect_vreg.gather [hbm4b:s5+s4], $0x80, v3, vm0, $0xb8;
	[tilespmem:$0x1E400] =	vst v63  }
0x1a0: {  	v3 =	vld [tilespmem:$0x178];
	_ =	sdelay $0x4  }
0x1a1: {  	v57 =	vshll.u32 v3, $0x2  }
0x1a2: {  	v3 =	vand.u32 $0x7, v3;
	v4 =	vand.u32 $0xFFFFFFE0, v57  }
0x1a3: {  	v3 =	vor.u32 v3, v4  }
0x1a4: {  	v4 =	vperm.xlane v3, v0;
	_ =	sdelay $0x1  }
0x1a5: {  	v4 =	vadd.s32 v1, v4;
	_ =	sdelay $0x1  }
0x1a6: {  	v3 =	vperm.xlane v3, v2;
	_ =	sdelay $0x1  }
0x1a7: {  	s9 =	simm.s32 $0x11200;
	v3 =	vadd.s32 v1, v3  }
0x1a8: {  	[tilespmem:s9], [sflag:$0x1] =	stream.indirect_vreg.gather [hbm4b:s1+s4], $0x80, v4, vm0, $0xb8;
	[tilespmem:$0x1E400] =	vst v63  }
0x1a9: {  	s31 =	simm.s32 $0x11A00  }
0x1aa: {  	[tilespmem:s31], [sflag:$0x1] =	stream.indirect_vreg.gather [hbm4b:s5+s4], $0x80, v4, vm0, $0xb8;
	[tilespmem:$0x1E400] =	vst v63  }
0x1ab: {  	s8 =	simm.s32 $0x12200  }
0x1ac: {  	[tilespmem:s8], [sflag:$0x1] =	stream.indirect_vreg.gather [hbm4b:s1+s4], $0x80, v3, vm0, $0xb8;
	[tilespmem:$0x1E400] =	vst v63  }
0x1ad: {  	s9 =	simm.s32 $0x12A00  }
0x1ae: {  	[tilespmem:s9], [sflag:$0x1] =	stream.indirect_vreg.gather [hbm4b:s5+s4], $0x80, v3, vm0, $0xb8;
	[tilespmem:$0x1E400] =	vst v63  }
0x1af: {  	v3 =	vld [tilespmem:$0x188];
	_ =	sdelay $0x4  }
0x1b0: {  	v58 =	vshll.u32 v3, $0x2  }
0x1b1: {  	v3 =	vand.u32 $0x7, v3;
	v4 =	vand.u32 $0xFFFFFFE0, v58  }
0x1b2: {  	v3 =	vor.u32 v3, v4  }
0x1b3: {  	v4 =	vperm.xlane v3, v0;
	_ =	sdelay $0x1  }
0x1b4: {  	v4 =	vadd.s32 v1, v4;
	_ =	sdelay $0x1  }
0x1b5: {  	v3 =	vperm.xlane v3, v2;
	_ =	sdelay $0x1  }
0x1b6: {  	s31 =	simm.s32 $0x13200;
	v3 =	vadd.s32 v1, v3  }
0x1b7: {  	[tilespmem:s31], [sflag:$0x1] =	stream.indirect_vreg.gather [hbm4b:s1+s4], $0x80, v4, vm0, $0xb8;
	[tilespmem:$0x1E400] =	vst v63  }
0x1b8: {  	s8 =	simm.s32 $0x13A00  }
0x1b9: {  	[tilespmem:s8], [sflag:$0x1] =	stream.indirect_vreg.gather [hbm4b:s5+s4], $0x80, v4, vm0, $0xb8;
	[tilespmem:$0x1E400] =	vst v63  }
0x1ba: {  	s9 =	simm.s32 $0x14200  }
0x1bb: {  	[tilespmem:s9], [sflag:$0x1] =	stream.indirect_vreg.gather [hbm4b:s1+s4], $0x80, v3, vm0, $0xb8;
	[tilespmem:$0x1E400] =	vst v63  }
0x1bc: {  	s31 =	simm.s32 $0x14A00  }
0x1bd: {  	[tilespmem:s31], [sflag:$0x1] =	stream.indirect_vreg.gather [hbm4b:s5+s4], $0x80, v3, vm0, $0xb8;
	[tilespmem:$0x1E400] =	vst v63  }
0x1be: {  	v3 =	vld [tilespmem:$0x198];
	_ =	sdelay $0x4  }
0x1bf: {  	v59 =	vshll.u32 v3, $0x2  }
0x1c0: {  	v3 =	vand.u32 $0x7, v3;
	v4 =	vand.u32 $0xFFFFFFE0, v59  }
0x1c1: {  	v3 =	vor.u32 v3, v4  }
0x1c2: {  	v4 =	vperm.xlane v3, v0;
	_ =	sdelay $0x1  }
0x1c3: {  	v4 =	vadd.s32 v1, v4;
	_ =	sdelay $0x1  }
0x1c4: {  	v3 =	vperm.xlane v3, v2;
	_ =	sdelay $0x1  }
0x1c5: {  	s8 =	simm.s32 $0x15200;
	v3 =	vadd.s32 v1, v3  }
0x1c6: {  	[tilespmem:s8], [sflag:$0x1] =	stream.indirect_vreg.gather [hbm4b:s1+s4], $0x80, v4, vm0, $0xb8;
	[tilespmem:$0x1E400] =	vst v63  }
0x1c7: {  	s9 =	simm.s32 $0x15A00  }
0x1c8: {  	[tilespmem:s9], [sflag:$0x1] =	stream.indirect_vreg.gather [hbm4b:s5+s4], $0x80, v4, vm0, $0xb8;
	[tilespmem:$0x1E400] =	vst v63  }
0x1c9: {  	s31 =	simm.s32 $0x16200  }
0x1ca: {  	[tilespmem:s31], [sflag:$0x1] =	stream.indirect_vreg.gather [hbm4b:s1+s4], $0x80, v3, vm0, $0xb8;
	[tilespmem:$0x1E400] =	vst v63  }
0x1cb: {  	s8 =	simm.s32 $0x16A00  }
0x1cc: {  	[tilespmem:s8], [sflag:$0x1] =	stream.indirect_vreg.gather [hbm4b:s5+s4], $0x80, v3, vm0, $0xb8;
	[tilespmem:$0x1E400] =	vst v63  }
0x1cd: {  	v3 =	vld [tilespmem:$0x1A8];
	_ =	sdelay $0x4  }
0x1ce: {  	v60 =	vshll.u32 v3, $0x2  }
0x1cf: {  	v3 =	vand.u32 $0x7, v3;
	v4 =	vand.u32 $0xFFFFFFE0, v60  }
0x1d0: {  	v3 =	vor.u32 v3, v4  }
0x1d1: {  	v4 =	vperm.xlane v3, v0;
	_ =	sdelay $0x1  }
0x1d2: {  	v4 =	vadd.s32 v1, v4;
	_ =	sdelay $0x1  }
0x1d3: {  	v3 =	vperm.xlane v3, v2;
	_ =	sdelay $0x1  }
0x1d4: {  	s9 =	simm.s32 $0x17200;
	v3 =	vadd.s32 v1, v3  }
0x1d5: {  	[tilespmem:s9], [sflag:$0x1] =	stream.indirect_vreg.gather [hbm4b:s1+s4], $0x80, v4, vm0, $0xb8;
	[tilespmem:$0x1E400] =	vst v63  }
0x1d6: {  	s31 =	simm.s32 $0x17A00  }
0x1d7: {  	[tilespmem:s31], [sflag:$0x1] =	stream.indirect_vreg.gather [hbm4b:s5+s4], $0x80, v4, vm0, $0xb8;
	[tilespmem:$0x1E400] =	vst v63  }
0x1d8: {  	s8 =	simm.s32 $0x18200  }
0x1d9: {  	[tilespmem:s8], [sflag:$0x1] =	stream.indirect_vreg.gather [hbm4b:s1+s4], $0x80, v3, vm0, $0xb8;
	[tilespmem:$0x1E400] =	vst v63  }
0x1da: {  	s9 =	simm.s32 $0x18A00  }
0x1db: {  	[tilespmem:s9], [sflag:$0x1] =	stream.indirect_vreg.gather [hbm4b:s5+s4], $0x80, v3, vm0, $0xb8;
	[tilespmem:$0x1E400] =	vst v63  }
0x1dc: {  	v3 =	vld [tilespmem:$0x1B8];
	_ =	sdelay $0x4  }
0x1dd: {  	v61 =	vshll.u32 v3, $0x2  }
0x1de: {  	v3 =	vand.u32 $0x7, v3;
	v4 =	vand.u32 $0xFFFFFFE0, v61  }
0x1df: {  	v3 =	vor.u32 v3, v4  }
0x1e0: {  	v4 =	vperm.xlane v3, v0;
	_ =	sdelay $0x1  }
0x1e1: {  	v4 =	vadd.s32 v1, v4;
	_ =	sdelay $0x1  }
0x1e2: {  	v3 =	vperm.xlane v3, v2;
	_ =	sdelay $0x1  }
0x1e3: {  	s31 =	simm.s32 $0x19200;
	v3 =	vadd.s32 v1, v3  }
0x1e4: {  	[tilespmem:s31], [sflag:$0x1] =	stream.indirect_vreg.gather [hbm4b:s1+s4], $0x80, v4, vm0, $0xb8;
	[tilespmem:$0x1E400] =	vst v63  }
0x1e5: {  	s8 =	simm.s32 $0x19A00  }
0x1e6: {  	[tilespmem:s8], [sflag:$0x1] =	stream.indirect_vreg.gather [hbm4b:s5+s4], $0x80, v4, vm0, $0xb8;
	[tilespmem:$0x1E400] =	vst v63  }
0x1e7: {  	s9 =	simm.s32 $0x1A200  }
0x1e8: {  	[tilespmem:s9], [sflag:$0x1] =	stream.indirect_vreg.gather [hbm4b:s1+s4], $0x80, v3, vm0, $0xb8;
	[tilespmem:$0x1E400] =	vst v63  }
0x1e9: {  	s31 =	simm.s32 $0x1AA00  }
0x1ea: {  	[tilespmem:s31], [sflag:$0x1] =	stream.indirect_vreg.gather [hbm4b:s5+s4], $0x80, v3, vm0, $0xb8;
	[tilespmem:$0x1E400] =	vst v63  }
0x1eb: {  	v3 =	vld [tilespmem:$0x1C8];
	_ =	sdelay $0x4  }
0x1ec: {  	v62 =	vshll.u32 v3, $0x2  }
0x1ed: {  	v3 =	vand.u32 $0x7, v3;
	v4 =	vand.u32 $0xFFFFFFE0, v62  }
0x1ee: {  	v3 =	vor.u32 v3, v4  }
0x1ef: {  	v4 =	vperm.xlane v3, v0;
	_ =	sdelay $0x1  }
0x1f0: {  	v4 =	vadd.s32 v1, v4;
	_ =	sdelay $0x1  }
0x1f1: {  	v3 =	vperm.xlane v3, v2;
	_ =	sdelay $0x1  }
0x1f2: {  	s8 =	simm.s32 $0x1B200;
	v3 =	vadd.s32 v1, v3  }
0x1f3: {  	[tilespmem:s8], [sflag:$0x1] =	stream.indirect_vreg.gather [hbm4b:s1+s4], $0x80, v4, vm0, $0xb8;
	[tilespmem:$0x1E400] =	vst v63  }
0x1f4: {  	s9 =	simm.s32 $0x1BA00  }
0x1f5: {  	[tilespmem:s9], [sflag:$0x1] =	stream.indirect_vreg.gather [hbm4b:s5+s4], $0x80, v4, vm0, $0xb8;
	[tilespmem:$0x1E400] =	vst v63  }
0x1f6: {  	s31 =	simm.s32 $0x1C200  }
0x1f7: {  	[tilespmem:s31], [sflag:$0x1] =	stream.indirect_vreg.gather [hbm4b:s1+s4], $0x80, v3, vm0, $0xb8;
	[tilespmem:$0x1E400] =	vst v63  }
0x1f8: {  	s8 =	simm.s32 $0x1CA00  }
0x1f9: {  	[tilespmem:s8], [sflag:$0x1] =	stream.indirect_vreg.gather [hbm4b:s5+s4], $0x80, v3, vm0, $0xb8;
	[tilespmem:$0x1E400] =	vst v63  }
0x1fa: {  	v3 =	vld.msk [tilespmem:$0x1D8], $0xff;
	_ =	sdelay $0x4  }
0x1fb: {  	v63 =	vshll.u32 v3, $0x2  }
0x1fc: {  	v3 =	vand.u32 $0x7, v3;
	v4 =	vand.u32 $0xFFFFFFE0, v63  }
0x1fd: {  	v3 =	vor.u32 v3, v4  }
0x1fe: {  	v3 =	vperm.xlane v3, v0;
	_ =	sdelay $0x1  }
0x1ff: {  	v3 =	vadd.s32 v1, v3;
	_ =	sdelay $0x3  }
0x200: {  	s9 =	simm.s32 $0x1D200  }
0x201: {  	[tilespmem:s9], [sflag:$0x1] =	stream.indirect_vreg.gather [hbm4b:s1+s4], $0x80, v3, vm0, $0xb8;
	[tilespmem:$0x1E400] =	vst v63  }
0x202: {  	s31 =	simm.s32 $0x1DA00  }
0x203: {  	[tilespmem:s31], [sflag:$0x1] =	stream.indirect_vreg.gather [hbm4b:s5+s4], $0x80, v3, vm0, $0xb8;
	[tilespmem:$0x1E400] =	vst v63  }
0x204: {  	_ =	swait.ge [sflag:s17], $0xF000  }
0x205: {  	[sflag:s17] =	ssyncset.done $0x0  }
0x206: {  	s8 =	rddreg [dreg:$0x9];
	[sflag:s17] =	ssyncadd.s32 $0xFFFF1000  }
0x207: {  	[hbm4b:s8+s4] =	stream.linear.scatter [tilespmem:s3], [sflag:$0x4], $0xF000, $0x38;
	[tilespmem:$0x1E400] =	vst v63  }
0x208: {  	_ =	swait.ge [sflag:s2], $0xF000  }
0x209: {  	[sflag:s2] =	ssyncset.done $0x0  }
0x20a: {  	[sflag:s2] =	ssyncadd.s32 $0xFFFF1000  }
0x20b: {  	_ =	swait.ge [sflag:s7], $0xF000  }
0x20c: {  	[sflag:s7] =	ssyncset.done $0x0  }
0x20d: {  	[sflag:s7] =	ssyncadd.s32 $0xFFFF1000  }
0x20e: {  	_ =	swait.ge [sflag:s30], $0x78  }
0x20f: {  	[sflag:s30] =	ssyncset.done $0x0  }
0x210: {  	[sflag:s30] =	ssyncadd.s32 $0xFFFFFF88  }
0x211: {  	_ =	swait.ge [sflag:s30], $0x78  }
0x212: {  	[sflag:s30] =	ssyncset.done $0x0  }
0x213: {  	[sflag:s30] =	ssyncadd.s32 $0xFFFFFF88  }
0x214: {  	_ =	swait.ge [sflag:s30], $0x78  }
0x215: {  	[sflag:s30] =	ssyncset.done $0x0  }
0x216: {  	[sflag:s30] =	ssyncadd.s32 $0xFFFFFF88  }
0x217: {  	_ =	swait.ge [sflag:s30], $0x78  }
0x218: {  	p0 =	sne.s32 s6, $0x1;
	s31 =	simm.s32 $0x1E200;
	[sflag:s30] =	ssyncset.done $0x0  }
.Ltmp0:
0x219: {  	s9 =	rddreg [dreg:$0xa];
	[sflag:s30] =	ssyncadd.s32 $0xFFFFFF88;
	(pc) =	sbr.rel @p0 .LBB2_1-.Ltmp0, $4  }
0x21a: {  	[hbm4b:s9+s4] =	stream.linear.scatter [tilespmem:s31], [sflag:$0x5], $0x1E0, $0x38;
	[tilespmem:$0x1E400] =	vst v63  }
0x21b: {  	_ =	swait.ge [sflag:s28], $0x1E0  }
0x21c: {  	[sflag:s28] =	ssyncset.done $0x0  }
0x21d: {  	s6 =	sadd.s32 $0xFFFFFFFF, s6;
	[sflag:s28] =	ssyncadd.s32 $0xFFFFFE20  }
0x21e: {  	_ =	sfence.sel $0x180000  }
0x21f: {  	[bflag:$0x0] =	sbarrier.arrive $0xFFFF  }
0x220: {  	_ =	strace $0x90000047  }
0x221: {  	s0 =	stileid.u32;
	[bflag:$0x2] =	sbarrier.arrive $0xFFFF  }
0x222: {  	p0 =	sne.s32 s0, $0x0;
	s0 =	rddreg [dreg:$0x4]  }
0x223: {  	s0 =	sadd.s32 @!p0 $0x100000, s0  }
0x224: {  	[sflag:s0] =	ssyncadd.tile.s32 @!p0 $0x1;
	_ =	shalt  }
.Lfunc_end2:
_tile_overlayer_lowered:
.L_overlay_start_2:
0x225: {  	(tag) =	ssettag $0x2  }
0x226: {  	s0 =	rddreg [dreg:$0x0];
	s2 =	stileid.u32  }
0x227: {  	s1 =	rddreg [dreg:$0x1];
	p0 =	sne.s32 s2, $0x0  }
0x228: {  	s3 =	rddreg [dreg:$0x2];
	[bflag:$0x3] =	sbarrier.arrive $0xFFFF;
	s2 =	simm.s32 @!p0 $0x1C05  }
0x229: {  	[timem:s3], [sflag:s2] =	dma.local @!p0 [hbm:s0], s1  }
0x22a: {  	s0 =	simm.s32 @!p0 $0x5  }
0x22b: {  	_ =	swait.ge @!p0 [sflag:s0], s1  }
0x22c: {  	s1 =	ssub.s32 @!p0 $0x0, s1;
	[sflag:s0] =	ssyncset.done @!p0 $0x0  }
0x22d: {  	[sflag:s0] =	ssyncadd.s32 @!p0 s1  }
0x22e: {  	[bflag:$0x3] =	sbarrier.arrive $0xFFFF  }
0x22f: {  	_ =	shalt  }

// kernel: kernel.13.cloned.1.call-start
scs
__scs_entry_jumppad:
0x0: {  	(pc) =	sbr.rel $0x88, $3  }
0x1: {  	(tag) =	ssettag $0x0;
	lr =	simm.s32 $0x1  }
0x2: {  	[smem:$0x3F9B] =	sst lr;
	_ =	strace $0xD0000000  }
0x3: {  	_ = 	snop  }
0x4: {  	_ = 	snop  }
0x5: {  	_ = 	snop  }
0x6: {  	_ = 	snop  }
0x7: {  	_ = 	snop  }
__scs_overlays_trampoline_lowered:
0x8: {  	[smem:$0x3FAA] =	sst s0  }
0x9: {  	[smem:$0x3FAB] =	sst s1  }
0xa: {  	[smem:$0x3FAC] =	sst s2  }
0xb: {  	[smem:$0x3FAD] =	sst s3  }
0xc: {  	[smem:$0x3FAE] =	sst s4  }
0xd: {  	[smem:$0x3FAF] =	sst s5  }
0xe: {  	[smem:$0x3FB0] =	sst s6  }
0xf: {  	[smem:$0x3FB1] =	sst s7  }
0x10: {  	[smem:$0x3FB2] =	sst s8  }
0x11: {  	[smem:$0x3FB3] =	sst s9;
	s0 =	simm.s32 @!p0 $0x0  }
0x12: {  	s1 =	sld [smem:$0x3F99];
	s0 =	simm.s32 @p0 $0x1  }
0x13: {  	[smem:$0x3FB4] =	sst s0;
	s0 =	simm.s32 @!p1 $0x0  }
0x14: {  	s2 =	sld [smem:$0x3F98];
	s0 =	simm.s32 @p1 $0x1  }
0x15: {  	[smem:$0x3FB5] =	sst s0;
	s0 =	simm.s32 @!p2 $0x0  }
0x16: {  	s3 =	sld [smem:$0x3FDB];
	s0 =	simm.s32 @p2 $0x1  }
0x17: {  	s4 =	simm.s32 $0x1BF5;
	[smem:$0x3FB7] =	sst s0  }
0x18: {  	s0 =	sld [smem:$0x3F9A];
	_ =	swait.ge [sflag:s4], $0x0  }
0x19: {  	s7 =	sld [smem:$0x3F9B]  }
0x1a: {  	s8 =	sadd.s32 $0xFFFFE003, lr  }
0x1b: {  	s9 =	sadd.s32 $0xFFFFFEF7, lr;
	s5 =	simm.s32 $0xFFFFFFFF;
	p2 =	slt.u32 s8, $0xFFFFF086  }
0x1c: {  	p1 =	slt.u32 s9, $0xF7A;
	s5 =	simm.s32 @!p2 $0x0  }
0x1d: {  	s5 =	simm.s32 @p1 $0x1;
	p0 =	seq.s32 s7, s2  }
0x1e: {  	s7 =	smul.u32 @!p0 $0xF7A, s2;
	p2 =	seq.s32 @!p0 s5, $0x0  }
0x1f: {  	s9 =	smul.u32 $0xF7A, s1;
	s8 =	simm.s32 @!p0 $0x1BF5;
	p2 =	por !p2, p0  }
0x20: {  	[sflag:s8] =	ssyncset.s32 @!p0 $0xFFFFF086;
	s6 =	sadd.s32 @!p0 s3, s7;
	s7 =	simm.s32 @!p0 $0x108  }
0x21: {  	s3 =	sadd.s32 s3, s9;
	s6 =	sadd.s32 @!p0 $0x88, s6;
	s7 =	simm.s32 @p2 $0x1082  }
0x22: {  	[simem:s7], [sflag:s8] =	dma.local @!p0 [hbm:s6], $0xF7A  }
0x23: {  	s9 =	sor.u32 $0xD0000000, s2;
	s6 =	simm.s32 $0x108;
	_ =	swait.ge @!p0 [sflag:s8], $0x0  }
0x24: {  	s3 =	sadd.s32 $0x88, s3;
	s6 =	simm.s32 @!p1 $0x1082;
	[sflag:s4] =	ssyncset.s32 $0xFFFFF086  }
0x25: {  	[simem:s6], [sflag:s4] =	dma.local [hbm:s3], $0xF7A  }
0x26: {  	[smem:$0x3F9B] =	sst s1;
	(tag) =	ssettag s2;
	_ =	strace s9  }
0x27: {  	s1 =	sld [smem:$0x3FAB]  }
0x28: {  	s2 =	sld [smem:$0x3FAC]  }
0x29: {  	s4 =	sld [smem:$0x3FAE]  }
0x2a: {  	p0 =	seq.s32 s5, $0x0;
	s5 =	sld [smem:$0x3FAF]  }
0x2b: {  	s6 =	sld [smem:$0x3FB0]  }
0x2c: {  	s7 =	sld [smem:$0x3FB1]  }
0x2d: {  	s3 =	simm.s32 $0x108;
	s8 =	sld [smem:$0x3FB2]  }
0x2e: {  	s3 =	simm.s32 @!p0 $0x1082;
	s9 =	sld [smem:$0x3FB3]  }
0x2f: {  	lr =	sadd.s32 s0, s3;
	s0 =	sld [smem:$0x3FAA]  }
0x30: {  	s3 =	sld [smem:$0x3FAD]  }
0x31: {  	[smem:$0x3FB6] =	sst s10  }
0x32: {  	s10 =	sld [smem:$0x3FB4];
	_ =	sdelay $0x3  }
0x33: {  	p0 =	seq.s32 s10, $0x1;
	s10 =	sld [smem:$0x3FB6];
	_ =	sdelay $0x3  }
0x34: {  	[smem:$0x3FB6] =	sst s10  }
0x35: {  	s10 =	sld [smem:$0x3FB5];
	_ =	sdelay $0x3  }
0x36: {  	p1 =	seq.s32 s10, $0x1;
	s10 =	sld [smem:$0x3FB6];
	_ =	sdelay $0x3  }
0x37: {  	[smem:$0x3FB6] =	sst s10  }
0x38: {  	s10 =	sld [smem:$0x3FB7]  }
0x39: {  	_ = 	snop;
	(pc) =	sbr.ind lr, $3  }
0x3a: {  	_ = 	snop  }
0x3b: {  	_ = 	snop  }
0x3c: {  	p2 =	seq.s32 s10, $0x1;
	s10 =	sld [smem:$0x3FB6]  }
0x3d: {  	_ =	shalt  }
0x3e: {  	_ =	shalt  }
0x3f: {  	_ =	shalt  }
0x40: {  	_ =	shalt  }
0x41: {  	_ =	shalt  }
0x42: {  	_ =	shalt  }
0x43: {  	_ =	shalt  }
0x44: {  	_ =	shalt  }
0x45: {  	_ =	shalt  }
0x46: {  	_ =	shalt  }
0x47: {  	_ =	shalt  }
0x48: {  	_ =	shalt  }
0x49: {  	_ =	shalt  }
0x4a: {  	_ =	shalt  }
0x4b: {  	_ =	shalt  }
0x4c: {  	_ =	shalt  }
0x4d: {  	_ =	shalt  }
0x4e: {  	_ =	shalt  }
0x4f: {  	_ =	shalt  }
0x50: {  	_ =	shalt  }
0x51: {  	_ =	shalt  }
0x52: {  	_ =	shalt  }
0x53: {  	_ =	shalt  }
0x54: {  	_ =	shalt  }
0x55: {  	_ =	shalt  }
0x56: {  	_ =	shalt  }
0x57: {  	_ =	shalt  }
0x58: {  	_ =	shalt  }
0x59: {  	_ =	shalt  }
0x5a: {  	_ =	shalt  }
0x5b: {  	_ =	shalt  }
0x5c: {  	_ =	shalt  }
0x5d: {  	_ =	shalt  }
0x5e: {  	_ =	shalt  }
0x5f: {  	_ =	shalt  }
0x60: {  	_ =	shalt  }
0x61: {  	_ =	shalt  }
0x62: {  	_ =	shalt  }
0x63: {  	_ =	shalt  }
0x64: {  	_ =	shalt  }
0x65: {  	_ =	shalt  }
0x66: {  	_ =	shalt  }
0x67: {  	_ =	shalt  }
0x68: {  	_ =	shalt  }
0x69: {  	_ =	shalt  }
0x6a: {  	_ =	shalt  }
0x6b: {  	_ =	shalt  }
0x6c: {  	_ =	shalt  }
0x6d: {  	_ =	shalt  }
0x6e: {  	_ =	shalt  }
0x6f: {  	_ =	shalt  }
0x70: {  	_ =	shalt  }
0x71: {  	_ =	shalt  }
0x72: {  	_ =	shalt  }
0x73: {  	_ =	shalt  }
0x74: {  	_ =	shalt  }
0x75: {  	_ =	shalt  }
0x76: {  	_ =	shalt  }
0x77: {  	_ =	shalt  }
0x78: {  	_ =	shalt  }
0x79: {  	_ =	shalt  }
0x7a: {  	_ =	shalt  }
0x7b: {  	_ =	shalt  }
0x7c: {  	_ =	shalt  }
0x7d: {  	_ =	shalt  }
0x7e: {  	_ =	shalt  }
0x7f: {  	_ =	shalt  }
0x80: {  	_ =	shalt  }
0x81: {  	_ =	shalt  }
0x82: {  	_ =	shalt  }
0x83: {  	_ =	shalt  }
0x84: {  	_ =	shalt  }
0x85: {  	_ =	shalt  }
0x86: {  	_ =	shalt  }
0x87: {  	_ =	shalt  }
.Lfunc_end0:
.L_simem_size_0:
called_computation.1_lowered:
.L_overlay_start_0:
0x88: {  	s2 =	sld [smem:$0x3FD9]  }
0x89: {  	s3 =	sld [smem:$0x3FFE];
	_ =	sdelay $0x1  }
0x8a: {  	s1 =	srdreg.scid  }
0x8b: {  	s0 =	sand.u32 $0x1, s1  }
0x8c: {  	s17 =	sshll.u32 s0, $0xA;
	s2 =	sadd.s32 s3, s2  }
0x8d: {  	s2 =	sadd.s32 s2, s17  }
0x8e: {  	[smem:$0x3FC2] =	sst s2  }
0x8f: {  	_ = 	snop  }
0x90: {  	s18 =	sld [smem:$0x3FC8]  }
0x91: {  	s4 =	sld [smem:$0x3FC6];
	(tm) =	ssettm $0x1  }
0x92: {  	s19 =	sld [smem:$0x3FFB];
	_ =	sdelay $0x3  }
0x93: {  	_ =	strace s19  }
0x94: {  	s2 =	sld [smem:$0x3FFC];
	_ =	sdelay $0x3  }
0x95: {  	_ =	strace s2  }
0x96: {  	s2 =	sld [smem:$0x3FFD];
	_ =	sdelay $0x3  }
0x97: {  	_ =	strace s2  }
0x98: {  	_ =	strace $0x8FFFFFFF  }
0x99: {  	s20 =	sld [smem:$0x3FDB];
	_ =	sdelay $0x1  }
0x9a: {  	s5 =	simm.s32 $_scs_section_size  }
0x9b: {  	s6 =	simm.s32 $_size__tile_overlayer_lowered;
	s7 =	simm.s32 $_tile_overlayer_lowered  }
0x9c: {  	s8 =	simm.s32 $0x1BFF;
	s21 =	sshll.u32 s7, $0x1;
	s5 =	sadd.s32 s5, s20  }
0x9d: {  	s22 =	simm.s32 $0x0;
	s6 =	sshll.u32 s6, $0x1;
	s7 =	sadd.s32 s21, s5  }
0x9e: {  	[timem:s22], [sflag:s8] =	dma.local [hbm:s7], s6  }
0x9f: {  	_ =	swait.ge [sflag:s8], s6  }
0xa0: {  	s6 =	ssub.s32 $0x0, s6;
	[sflag:s8] =	ssyncset.done $0x0  }
0xa1: {  	[sflag:s8] =	ssyncadd.s32 s6;
	_ =	sdelay $0x1  }
0xa2: {  	s23 =	simm.s32 $0x1B8B  }
0xa3: {  	_ =	swait.ge [sflag:s23], $0x1  }
0xa4: {  	[sflag:s23] =	ssyncset.done $0x0  }
0xa5: {  	[sflag:s23] =	ssyncadd.s32 $0xFFFFFFFF  }
0xa6: {  	s6 =	sld [smem:$0x0]  }
0xa7: {  	s7 =	sand.u32 $0xFFFFFFFE, s1  }
0xa8: {  	p0 =	sne.s32 s1, s7  }
0xa9: {  	s7 =	sshll.u32 @p0 s7, $0xE  }
0xaa: {  	s7 =	sadd.s32 @p0 $0x11B8D, s7;
	s8 =	sshll.u32 @p0 s6, $0x11  }
0xab: {  	s7 =	sor.u32 @p0 s8, s7  }
0xac: {  	[sflag:s7] =	ssyncadd.remote.s32 @p0 $0x1;
	_ =	sdelay $0x1  }
0xad: {  	s7 =	simm.s32 @p0 $0x1B8D  }
0xae: {  	_ =	swait.eq @p0 [sflag:s7], $0x1  }
0xaf: {  	[sflag:s7] =	ssyncadd.s32 @p0 $0xFFFFFFFF  }
0xb0: {  	s8 =	sshll.u32 @!p0 s1, $0xE  }
0xb1: {  	s8 =	sor.u32 @!p0 $0x4000, s8;
	s7 =	simm.s32 @!p0 $0x1B8D  }
0xb2: {  	s6 =	sshll.u32 @!p0 s6, $0x11;
	s8 =	sadd.s32 @!p0 $0x11B8D, s8;
	_ =	swait.eq @!p0 [sflag:s7], $0x1  }
0xb3: {  	s6 =	sor.u32 @!p0 s6, s8;
	[sflag:s7] =	ssyncadd.s32 @!p0 $0xFFFFFFFF  }
0xb4: {  	s25 =	simm.s32 $0x1B8E;
	s24 =	sld [smem:$0x3FFE];
	[sflag:s6] =	ssyncadd.remote.s32 @!p0 $0x1  }
0xb5: {  	s26 =	simm.s32 $execute0_lowered;
	[smem:$0x3FD2] =	sst s25  }
0xb6: {  	s7 =	sshll.u32 s26, $0x1;
	_ =	strace $0x80000049;
	[dreg:$0x1] =	wrdreg $0xFFFFFFFF  }
0xb7: {  	s28 =	simm.s32 $_size_execute0_lowered;
	s5 =	sadd.s32 s5, s7;
	[dreg:$0x0] =	wrdreg $0x0  }
0xb8: {  	s7 =	sshll.u32 s28, $0x1;
	[dreg:$0x2] =	wrdreg s5  }
0xb9: {  	[dreg:$0x3] =	wrdreg s7  }
0xba: {  	[dreg:$0x4] =	wrdreg $0xC0  }
0xbb: {  	_ =	task [dreg:s22], $0x5FFFF  }
0xbc: {  	[dreg:$0x1] =	wrdreg $0xFFFFFFFF  }
0xbd: {  	[dreg:$0x0] =	wrdreg $0x60  }
0xbe: {  	[dreg:$0x2] =	wrdreg s18  }
0xbf: {  	[dreg:$0x3] =	wrdreg s4  }
0xc0: {  	[dreg:$0x4] =	wrdreg s24  }
0xc1: {  	[dreg:$0x5] =	wrdreg $0xA  }
0xc2: {  	_ =	task.clear_ibuf [dreg:s22], $0x6FFFF;
	_ =	strace $0x90000049  }
0xc3: {  	s29 =	simm.s32 $0xA;
	_ =	strace $0x8000004B  }
0xc4: {  	_ =	swait.ge [sflag:s29], $0x1  }
0xc5: {  	[sflag:s29] =	ssyncadd.s32 $0xFFFFFFFF  }
0xc6: {  	_ =	strace $0x9000004B  }
0xc7: {  	_ =	sfence  }
0xc8: {  	s30 =	sld [smem:$0x0];
	_ =	sdelay $0x2  }
0xc9: {  	s31 =	sshll.u32 s1, $0xD;
	s1 =	sshrl.u32 s1, $0x2  }
0xca: {  	s4 =	sand.u32 $0x4000, s31;
	s1 =	sadd.s32 s1, s30  }
0xcb: {  	s0 =	sor.u32 s4, s0;
	s1 =	sshll.u32 s1, $0x11  }
0xcc: {  	s0 =	sor.u32 s1, s0  }
0xcd: {  	s0 =	sadd.s32 $0x8F2B, s0  }
0xce: {  	[sflag:s0] =	ssyncadd.remote.s32 $0x1  }
0xcf: {  	_ =	sfence.sel $0xFFFF  }
0xd0: {  	[dreg:$0x0] =	wrdreg $0xFFFFFFFF;
	(pc) =	sbr.abs _section_cstart, $3  }
0xd1: {  	[dreg:$0x1] =	wrdreg $0xFFFFFFFF  }
0xd2: {  	_ =	task.clear_ibuf [dreg:s22], $0x2FFFF;
	_ =	strace $0x9FFFFFFF  }
0xd3: {  	(tm) =	ssettm $0x7FFFFFFF  }
tec
execute0_lowered:
.L_overlay_start_1:
0x0: {  	(tag) =	ssettag $0x1  }
0x1: {  	s1 =	rddreg [dreg:$0x0];
	s0 =	srdreg.scid  }
0x2: {  	s2 =	stileid.u32;
	s5 =	rddreg [dreg:$0x2]  }
0x3: {  	s4 =	simm.s32 $0x0;
	s23 =	simm.s32 $0x1E278;
	s24 =	simm.s32 $0xF0  }
0x4: {  	s25 =	simm.s32 $0x1E2F0;
	s26 =	simm.s32 $0x168;
	s31 =	simm.s32 $0x1E368  }
0x5: {  	s17 =	simm.s32 $0x1;
	s30 =	simm.s32 $0x2;
	s28 =	simm.s32 $0x5  }
0x6: {  	s12 =	simm.s32 $0x2200;
	s13 =	simm.s32 $0x2A00;
	s14 =	simm.s32 $0x3200  }
0x7: {  	s15 =	simm.s32 $0x3A00;
	s16 =	simm.s32 $0x4200;
	[smem:$0x7FF] =	sst s4  }
0x8: {  	s11 =	simm.s32 $0x9200;
	_ =	strace $0x8000004A;
	[dreg:$0xa] =	wrdreg s23  }
0x9: {  	s10 =	simm.s32 $0xA200;
	s29 =	simm.s32 $0xB200;
	[dreg:$0xb] =	wrdreg s24  }
0xa: {  	s0 =	sand.u32 $0x1, s0;
	s2 =	sshll.u32 s2, $0x1;
	[dreg:$0xc] =	wrdreg s25  }
0xb: {  	s2 =	sor.u32 s0, s2;
	s0 =	ssub.s32 $0x2, s0;
	[dreg:$0xd] =	wrdreg s26  }
0xc: {  	[dreg:$0xe] =	wrdreg s31;
	s23 =	simm.s32 $0x6A00;
	s6 =	smul.u32 $0x3C, s2  }
0xd: {  	s24 =	simm.s32 $0x7200;
	s25 =	simm.s32 $0x7A00;
	s7 =	smul.u32 $0x3C000, s2  }
0xe: {  	s26 =	simm.s32 $0x8200;
	s2 =	smul.u32 $0x7800, s2;
	s6 =	sadd.s32 s6, s5  }
0xf: {  	s21 =	sshrl.u32 s0, $0x1;
	s5 =	sadd.s32 $0xF6200, s5;
	s8 =	sadd.s32 $0xF4200, s6  }
0x10: {  	s7 =	sshrl.u32 s7, $0x3;
	s2 =	sadd.s32 s5, s2;
	[dreg:$0x4] =	wrdreg s8  }
0x11: {  	s5 =	sadd.s32 s5, s7;
	s22 =	sadd.s32 $0xF5A00, s6;
	[dreg:$0x5] =	wrdreg s2  }
0x12: {  	s0 =	ssub.s32 s0, s21;
	s18 =	sadd.s32 $0x1E00, s5;
	[dreg:$0x9] =	wrdreg s22  }
0x13: {  	s21 =	simm.s32 $0x5A00;
	s19 =	sadd.s32 $0x3C00, s5;
	[dreg:$0x6] =	wrdreg s18  }
0x14: {  	v2 =	vlaneseq.u32;
	s6 =	smax.u32 s0, $0x1;
	s20 =	sadd.s32 $0x5A00, s5;
	[dreg:$0x7] =	wrdreg s19  }
0x15: {  	vm0 =	vmmov $0xffff;
	v1 =	vshrl.u32 v2, $0x3;
	s5 =	sadd.s32 $0x100, s1;
	s22 =	simm.s32 $0x6200;
	[dreg:$0x8] =	wrdreg s20  }
0x16: {  	v0 =	vand.u32 $0x7, v2;
	v2 =	vor.u32 $0x8, v2;
	v1 =	vmul.u32 $0x8, v1;
	s18 =	simm.s32 $0x200;
	s19 =	simm.s32 $0x4A00;
	s20 =	simm.s32 $0x5200  }
.LBB2_1:
0x17: {  	s31 =	rddreg [dreg:$0x4]  }
0x18: {  	[tilespmem:s4], [sflag:$0x5] =	stream.linear.gather [hbm4b:s31+s4], $0x1E0, $0x38;
	[tilespmem:$0x1E400] =	vst v63  }
0x19: {  	_ =	swait.ge [sflag:s28], $0x1E0  }
0x1a: {  	[sflag:s28] =	ssyncset.done $0x0;
	s0 =	rddreg [dreg:$0xa]  }
0x1b: {  	s7 =	rddreg [dreg:$0xc];
	[sflag:s28] =	ssyncadd.s32 $0xFFFFFE20  }
0x1c: {  	s2 =	simm.s32 $0x1E200;
	s8 =	simm.s32 $0x78;
	s3 =	rddreg [dreg:$0x1]  }
0x1d: {  	[tilespmem:s2], [sflag:$0x2] =	stream.indirect.gather [hbm4b:s3+s8], $0x1, s4, s8, $0xb8;
	[tilespmem:$0x1E400] =	vst v63  }
0x1e: {  	s9 =	rddreg [dreg:$0xe]  }
0x1f: {  	[tilespmem:s0], [sflag:$0x2] =	stream.indirect.gather [hbm4b:s3+s8], $0x1, s8, s8, $0xb8;
	[tilespmem:$0x1E400] =	vst v63  }
0x20: {  	s2 =	rddreg [dreg:$0xb]  }
0x21: {  	[tilespmem:s7], [sflag:$0x2] =	stream.indirect.gather [hbm4b:s3+s8], $0x1, s2, s8, $0xb8;
	[tilespmem:$0x1E400] =	vst v63  }
0x22: {  	s0 =	rddreg [dreg:$0xd]  }
0x23: {  	[tilespmem:s9], [sflag:$0x2] =	stream.indirect.gather [hbm4b:s3+s8], $0x1, s0, s8, $0xb8;
	[tilespmem:$0x1E400] =	vst v63  }
0x24: {  	v3 =	vld [tilespmem:$0x0];
	_ =	sdelay $0x4  }
0x25: {  	v4 =	vshll.u32 v3, $0x2  }
0x26: {  	v3 =	vand.u32 $0x7, v3;
	v4 =	vand.u32 $0xFFFFFFE0, v4  }
0x27: {  	v3 =	vor.u32 v3, v4  }
0x28: {  	v4 =	vperm.xlane v3, v0;
	_ =	sdelay $0x1  }
0x29: {  	v4 =	vadd.s32 v1, v4;
	_ =	sdelay $0x1  }
0x2a: {  	v3 =	vperm.xlane v3, v2;
	_ =	sdelay $0x1  }
0x2b: {  	v3 =	vadd.s32 v1, v3  }
0x2c: {  	[tilespmem:s18], [sflag:$0x1] =	stream.indirect_vreg.gather [hbm4b:s1+s4], $0x80, v4, vm0, $0xb8;
	[tilespmem:$0x1E400] =	vst v63  }
0x2d: {  	s7 =	simm.s32 $0xA00  }
0x2e: {  	[tilespmem:s7], [sflag:$0x1] =	stream.indirect_vreg.gather [hbm4b:s5+s4], $0x80, v4, vm0, $0xb8;
	[tilespmem:$0x1E400] =	vst v63  }
0x2f: {  	s9 =	simm.s32 $0x1200  }
0x30: {  	[tilespmem:s9], [sflag:$0x1] =	stream.indirect_vreg.gather [hbm4b:s1+s4], $0x80, v3, vm0, $0xb8;
	[tilespmem:$0x1E400] =	vst v63  }
0x31: {  	s31 =	simm.s32 $0x1A00  }
0x32: {  	[tilespmem:s31], [sflag:$0x1] =	stream.indirect_vreg.gather [hbm4b:s5+s4], $0x80, v3, vm0, $0xb8;
	[tilespmem:$0x1E400] =	vst v63  }
0x33: {  	v3 =	vld [tilespmem:$0x10];
	_ =	sdelay $0x4  }
0x34: {  	v33 =	vshll.u32 v3, $0x2  }
0x35: {  	v3 =	vand.u32 $0x7, v3;
	v4 =	vand.u32 $0xFFFFFFE0, v33  }
0x36: {  	v3 =	vor.u32 v3, v4  }
0x37: {  	v4 =	vperm.xlane v3, v0;
	_ =	sdelay $0x1  }
0x38: {  	v4 =	vadd.s32 v1, v4;
	_ =	sdelay $0x1  }
0x39: {  	v3 =	vperm.xlane v3, v2;
	_ =	sdelay $0x1  }
0x3a: {  	v3 =	vadd.s32 v1, v3  }
0x3b: {  	[tilespmem:s12], [sflag:$0x1] =	stream.indirect_vreg.gather [hbm4b:s1+s4], $0x80, v4, vm0, $0xb8;
	[tilespmem:$0x1E400] =	vst v63  }
0x3c: {  	_ = 	snop  }
0x3d: {  	[tilespmem:s13], [sflag:$0x1] =	stream.indirect_vreg.gather [hbm4b:s5+s4], $0x80, v4, vm0, $0xb8;
	[tilespmem:$0x1E400] =	vst v63  }
0x3e: {  	_ = 	snop  }
0x3f: {  	[tilespmem:s14], [sflag:$0x1] =	stream.indirect_vreg.gather [hbm4b:s1+s4], $0x80, v3, vm0, $0xb8;
	[tilespmem:$0x1E400] =	vst v63  }
0x40: {  	_ = 	snop  }
0x41: {  	[tilespmem:s15], [sflag:$0x1] =	stream.indirect_vreg.gather [hbm4b:s5+s4], $0x80, v3, vm0, $0xb8;
	[tilespmem:$0x1E400] =	vst v63  }
0x42: {  	v3 =	vld [tilespmem:$0x20];
	_ =	sdelay $0x4  }
0x43: {  	v34 =	vshll.u32 v3, $0x2  }
0x44: {  	v3 =	vand.u32 $0x7, v3;
	v4 =	vand.u32 $0xFFFFFFE0, v34  }
0x45: {  	v3 =	vor.u32 v3, v4  }
0x46: {  	v4 =	vperm.xlane v3, v0;
	_ =	sdelay $0x1  }
0x47: {  	v4 =	vadd.s32 v1, v4;
	_ =	sdelay $0x1  }
0x48: {  	v3 =	vperm.xlane v3, v2;
	_ =	sdelay $0x1  }
0x49: {  	v3 =	vadd.s32 v1, v3  }
0x4a: {  	[tilespmem:s16], [sflag:$0x1] =	stream.indirect_vreg.gather [hbm4b:s1+s4], $0x80, v4, vm0, $0xb8;
	[tilespmem:$0x1E400] =	vst v63  }
0x4b: {  	_ = 	snop  }
0x4c: {  	[tilespmem:s19], [sflag:$0x1] =	stream.indirect_vreg.gather [hbm4b:s5+s4], $0x80, v4, vm0, $0xb8;
	[tilespmem:$0x1E400] =	vst v63  }
0x4d: {  	_ = 	snop  }
0x4e: {  	[tilespmem:s20], [sflag:$0x1] =	stream.indirect_vreg.gather [hbm4b:s1+s4], $0x80, v3, vm0, $0xb8;
	[tilespmem:$0x1E400] =	vst v63  }
0x4f: {  	_ = 	snop  }
0x50: {  	[tilespmem:s21], [sflag:$0x1] =	stream.indirect_vreg.gather [hbm4b:s5+s4], $0x80, v3, vm0, $0xb8;
	[tilespmem:$0x1E400] =	vst v63  }
0x51: {  	v3 =	vld [tilespmem:$0x30];
	_ =	sdelay $0x4  }
0x52: {  	v35 =	vshll.u32 v3, $0x2  }
0x53: {  	v3 =	vand.u32 $0x7, v3;
	v4 =	vand.u32 $0xFFFFFFE0, v35  }
0x54: {  	v3 =	vor.u32 v3, v4  }
0x55: {  	v4 =	vperm.xlane v3, v0;
	_ =	sdelay $0x1  }
0x56: {  	v4 =	vadd.s32 v1, v4;
	_ =	sdelay $0x1  }
0x57: {  	v3 =	vperm.xlane v3, v2;
	_ =	sdelay $0x1  }
0x58: {  	v3 =	vadd.s32 v1, v3  }
0x59: {  	[tilespmem:s22], [sflag:$0x1] =	stream.indirect_vreg.gather [hbm4b:s1+s4], $0x80, v4, vm0, $0xb8;
	[tilespmem:$0x1E400] =	vst v63  }
0x5a: {  	_ = 	snop  }
0x5b: {  	[tilespmem:s23], [sflag:$0x1] =	stream.indirect_vreg.gather [hbm4b:s5+s4], $0x80, v4, vm0, $0xb8;
	[tilespmem:$0x1E400] =	vst v63  }
0x5c: {  	_ = 	snop  }
0x5d: {  	[tilespmem:s24], [sflag:$0x1] =	stream.indirect_vreg.gather [hbm4b:s1+s4], $0x80, v3, vm0, $0xb8;
	[tilespmem:$0x1E400] =	vst v63  }
0x5e: {  	_ = 	snop  }
0x5f: {  	[tilespmem:s25], [sflag:$0x1] =	stream.indirect_vreg.gather [hbm4b:s5+s4], $0x80, v3, vm0, $0xb8;
	[tilespmem:$0x1E400] =	vst v63  }
0x60: {  	v3 =	vld [tilespmem:$0x40];
	_ =	sdelay $0x4  }
0x61: {  	v36 =	vshll.u32 v3, $0x2  }
0x62: {  	v3 =	vand.u32 $0x7, v3;
	v4 =	vand.u32 $0xFFFFFFE0, v36  }
0x63: {  	v3 =	vor.u32 v3, v4  }
0x64: {  	v4 =	vperm.xlane v3, v0;
	_ =	sdelay $0x1  }
0x65: {  	v4 =	vadd.s32 v1, v4;
	_ =	sdelay $0x1  }
0x66: {  	v3 =	vperm.xlane v3, v2;
	_ =	sdelay $0x1  }
0x67: {  	v3 =	vadd.s32 v1, v3  }
0x68: {  	[tilespmem:s26], [sflag:$0x1] =	stream.indirect_vreg.gather [hbm4b:s1+s4], $0x80, v4, vm0, $0xb8;
	[tilespmem:$0x1E400] =	vst v63  }
0x69: {  	s8 =	simm.s32 $0x8A00  }
0x6a: {  	[tilespmem:s8], [sflag:$0x1] =	stream.indirect_vreg.gather [hbm4b:s5+s4], $0x80, v4, vm0, $0xb8;
	[tilespmem:$0x1E400] =	vst v63  }
0x6b: {  	_ = 	snop  }
0x6c: {  	[tilespmem:s11], [sflag:$0x1] =	stream.indirect_vreg.gather [hbm4b:s1+s4], $0x80, v3, vm0, $0xb8;
	[tilespmem:$0x1E400] =	vst v63  }
0x6d: {  	s8 =	simm.s32 $0x9A00  }
0x6e: {  	[tilespmem:s8], [sflag:$0x1] =	stream.indirect_vreg.gather [hbm4b:s5+s4], $0x80, v3, vm0, $0xb8;
	[tilespmem:$0x1E400] =	vst v63  }
0x6f: {  	v3 =	vld [tilespmem:$0x50];
	_ =	sdelay $0x4  }
0x70: {  	v37 =	vshll.u32 v3, $0x2  }
0x71: {  	v3 =	vand.u32 $0x7, v3;
	v4 =	vand.u32 $0xFFFFFFE0, v37  }
0x72: {  	v3 =	vor.u32 v3, v4  }
0x73: {  	v4 =	vperm.xlane v3, v0;
	_ =	sdelay $0x1  }
0x74: {  	v4 =	vadd.s32 v1, v4;
	_ =	sdelay $0x1  }
0x75: {  	v3 =	vperm.xlane v3, v2;
	_ =	sdelay $0x1  }
0x76: {  	v3 =	vadd.s32 v1, v3  }
0x77: {  	[tilespmem:s10], [sflag:$0x1] =	stream.indirect_vreg.gather [hbm4b:s1+s4], $0x80, v4, vm0, $0xb8;
	[tilespmem:$0x1E400] =	vst v63  }
0x78: {  	s7 =	simm.s32 $0xAA00  }
0x79: {  	[tilespmem:s7], [sflag:$0x1] =	stream.indirect_vreg.gather [hbm4b:s5+s4], $0x80, v4, vm0, $0xb8;
	[tilespmem:$0x1E400] =	vst v63  }
0x7a: {  	_ = 	snop  }
0x7b: {  	[tilespmem:s29], [sflag:$0x1] =	stream.indirect_vreg.gather [hbm4b:s1+s4], $0x80, v3, vm0, $0xb8;
	[tilespmem:$0x1E400] =	vst v63  }
0x7c: {  	s2 =	simm.s32 $0xBA00  }
0x7d: {  	[tilespmem:s2], [sflag:$0x1] =	stream.indirect_vreg.gather [hbm4b:s5+s4], $0x80, v3, vm0, $0xb8;
	[tilespmem:$0x1E400] =	vst v63  }
0x7e: {  	v3 =	vld [tilespmem:$0x60];
	_ =	sdelay $0x4  }
0x7f: {  	v38 =	vshll.u32 v3, $0x2  }
0x80: {  	v3 =	vand.u32 $0x7, v3;
	v4 =	vand.u32 $0xFFFFFFE0, v38  }
0x81: {  	v3 =	vor.u32 v3, v4  }
0x82: {  	v4 =	vperm.xlane v3, v0;
	_ =	sdelay $0x1  }
0x83: {  	v4 =	vadd.s32 v1, v4;
	_ =	sdelay $0x1  }
0x84: {  	v3 =	vperm.xlane v3, v2;
	_ =	sdelay $0x1  }
0x85: {  	s3 =	simm.s32 $0xC200;
	v3 =	vadd.s32 v1, v3  }
0x86: {  	[tilespmem:s3], [sflag:$0x1] =	stream.indirect_vreg.gather [hbm4b:s1+s4], $0x80, v4, vm0, $0xb8;
	[tilespmem:$0x1E400] =	vst v63  }
0x87: {  	s2 =	simm.s32 $0xCA00  }
0x88: {  	[tilespmem:s2], [sflag:$0x1] =	stream.indirect_vreg.gather [hbm4b:s5+s4], $0x80, v4, vm0, $0xb8;
	[tilespmem:$0x1E400] =	vst v63  }
0x89: {  	s3 =	simm.s32 $0xD200  }
0x8a: {  	[tilespmem:s3], [sflag:$0x1] =	stream.indirect_vreg.gather [hbm4b:s1+s4], $0x80, v3, vm0, $0xb8;
	[tilespmem:$0x1E400] =	vst v63  }
0x8b: {  	s2 =	simm.s32 $0xDA00  }
0x8c: {  	[tilespmem:s2], [sflag:$0x1] =	stream.indirect_vreg.gather [hbm4b:s5+s4], $0x80, v3, vm0, $0xb8;
	[tilespmem:$0x1E400] =	vst v63  }
0x8d: {  	v3 =	vld.msk [tilespmem:$0x70], $0xff;
	_ =	sdelay $0x4  }
0x8e: {  	v39 =	vshll.u32 v3, $0x2  }
0x8f: {  	v3 =	vand.u32 $0x7, v3;
	v4 =	vand.u32 $0xFFFFFFE0, v39  }
0x90: {  	v3 =	vor.u32 v3, v4  }
0x91: {  	v3 =	vperm.xlane v3, v0;
	_ =	sdelay $0x1  }
0x92: {  	v3 =	vadd.s32 v1, v3;
	_ =	sdelay $0x3  }
0x93: {  	s3 =	simm.s32 $0xE200  }
0x94: {  	[tilespmem:s3], [sflag:$0x1] =	stream.indirect_vreg.gather [hbm4b:s1+s4], $0x80, v3, vm0, $0xb8;
	[tilespmem:$0x1E400] =	vst v63  }
0x95: {  	s2 =	simm.s32 $0xEA00  }
0x96: {  	[tilespmem:s2], [sflag:$0x1] =	stream.indirect_vreg.gather [hbm4b:s5+s4], $0x80, v3, vm0, $0xb8;
	[tilespmem:$0x1E400] =	vst v63  }
0x97: {  	_ =	swait.ge [sflag:s17], $0xF000  }
0x98: {  	[sflag:s17] =	ssyncset.done $0x0  }
0x99: {  	s3 =	rddreg [dreg:$0x5];
	[sflag:s17] =	ssyncadd.s32 $0xFFFF1000  }
0x9a: {  	[hbm4b:s3+s4] =	stream.linear.scatter [tilespmem:s18], [sflag:$0x3], $0xF000, $0x38;
	[tilespmem:$0x1E400] =	vst v63  }
0x9b: {  	v3 =	vld [tilespmem:$0x78];
	_ =	sdelay $0x4  }
0x9c: {  	v40 =	vshll.u32 v3, $0x2  }
0x9d: {  	v3 =	vand.u32 $0x7, v3;
	v4 =	vand.u32 $0xFFFFFFE0, v40  }
0x9e: {  	v3 =	vor.u32 v3, v4  }
0x9f: {  	v4 =	vperm.xlane v3, v0;
	_ =	sdelay $0x1  }
0xa0: {  	v4 =	vadd.s32 v1, v4;
	_ =	sdelay $0x1  }
0xa1: {  	v3 =	vperm.xlane v3, v2;
	_ =	sdelay $0x1  }
0xa2: {  	s3 =	simm.s32 $0xF200;
	v3 =	vadd.s32 v1, v3  }
0xa3: {  	[tilespmem:s3], [sflag:$0x1] =	stream.indirect_vreg.gather [hbm4b:s1+s4], $0x80, v4, vm0, $0xb8;
	[tilespmem:$0x1E400] =	vst v63  }
0xa4: {  	s2 =	simm.s32 $0xFA00  }
0xa5: {  	[tilespmem:s2], [sflag:$0x1] =	stream.indirect_vreg.gather [hbm4b:s5+s4], $0x80, v4, vm0, $0xb8;
	[tilespmem:$0x1E400] =	vst v63  }
0xa6: {  	s2 =	simm.s32 $0x10200  }
0xa7: {  	[tilespmem:s2], [sflag:$0x1] =	stream.indirect_vreg.gather [hbm4b:s1+s4], $0x80, v3, vm0, $0xb8;
	[tilespmem:$0x1E400] =	vst v63  }
0xa8: {  	s2 =	simm.s32 $0x10A00  }
0xa9: {  	[tilespmem:s2], [sflag:$0x1] =	stream.indirect_vreg.gather [hbm4b:s5+s4], $0x80, v3, vm0, $0xb8;
	[tilespmem:$0x1E400] =	vst v63  }
0xaa: {  	v3 =	vld [tilespmem:$0x88];
	_ =	sdelay $0x4  }
0xab: {  	v41 =	vshll.u32 v3, $0x2  }
0xac: {  	v3 =	vand.u32 $0x7, v3;
	v4 =	vand.u32 $0xFFFFFFE0, v41  }
0xad: {  	v3 =	vor.u32 v3, v4  }
0xae: {  	v4 =	vperm.xlane v3, v0;
	_ =	sdelay $0x1  }
0xaf: {  	v4 =	vadd.s32 v1, v4;
	_ =	sdelay $0x1  }
0xb0: {  	v3 =	vperm.xlane v3, v2;
	_ =	sdelay $0x1  }
0xb1: {  	s2 =	simm.s32 $0x11200;
	v3 =	vadd.s32 v1, v3  }
0xb2: {  	[tilespmem:s2], [sflag:$0x1] =	stream.indirect_vreg.gather [hbm4b:s1+s4], $0x80, v4, vm0, $0xb8;
	[tilespmem:$0x1E400] =	vst v63  }
0xb3: {  	s2 =	simm.s32 $0x11A00  }
0xb4: {  	[tilespmem:s2], [sflag:$0x1] =	stream.indirect_vreg.gather [hbm4b:s5+s4], $0x80, v4, vm0, $0xb8;
	[tilespmem:$0x1E400] =	vst v63  }
0xb5: {  	s2 =	simm.s32 $0x12200  }
0xb6: {  	[tilespmem:s2], [sflag:$0x1] =	stream.indirect_vreg.gather [hbm4b:s1+s4], $0x80, v3, vm0, $0xb8;
	[tilespmem:$0x1E400] =	vst v63  }
0xb7: {  	s2 =	simm.s32 $0x12A00  }
0xb8: {  	[tilespmem:s2], [sflag:$0x1] =	stream.indirect_vreg.gather [hbm4b:s5+s4], $0x80, v3, vm0, $0xb8;
	[tilespmem:$0x1E400] =	vst v63  }
0xb9: {  	v3 =	vld [tilespmem:$0x98];
	_ =	sdelay $0x4  }
0xba: {  	v42 =	vshll.u32 v3, $0x2  }
0xbb: {  	v3 =	vand.u32 $0x7, v3;
	v4 =	vand.u32 $0xFFFFFFE0, v42  }
0xbc: {  	v3 =	vor.u32 v3, v4  }
0xbd: {  	v4 =	vperm.xlane v3, v0;
	_ =	sdelay $0x1  }
0xbe: {  	v4 =	vadd.s32 v1, v4;
	_ =	sdelay $0x1  }
0xbf: {  	v3 =	vperm.xlane v3, v2;
	_ =	sdelay $0x1  }
0xc0: {  	s2 =	simm.s32 $0x13200;
	v3 =	vadd.s32 v1, v3  }
0xc1: {  	[tilespmem:s2], [sflag:$0x1] =	stream.indirect_vreg.gather [hbm4b:s1+s4], $0x80, v4, vm0, $0xb8;
	[tilespmem:$0x1E400] =	vst v63  }
0xc2: {  	s2 =	simm.s32 $0x13A00  }
0xc3: {  	[tilespmem:s2], [sflag:$0x1] =	stream.indirect_vreg.gather [hbm4b:s5+s4], $0x80, v4, vm0, $0xb8;
	[tilespmem:$0x1E400] =	vst v63  }
0xc4: {  	s2 =	simm.s32 $0x14200  }
0xc5: {  	[tilespmem:s2], [sflag:$0x1] =	stream.indirect_vreg.gather [hbm4b:s1+s4], $0x80, v3, vm0, $0xb8;
	[tilespmem:$0x1E400] =	vst v63  }
0xc6: {  	s2 =	simm.s32 $0x14A00  }
0xc7: {  	[tilespmem:s2], [sflag:$0x1] =	stream.indirect_vreg.gather [hbm4b:s5+s4], $0x80, v3, vm0, $0xb8;
	[tilespmem:$0x1E400] =	vst v63  }
0xc8: {  	v3 =	vld [tilespmem:$0xA8];
	_ =	sdelay $0x4  }
0xc9: {  	v43 =	vshll.u32 v3, $0x2  }
0xca: {  	v3 =	vand.u32 $0x7, v3;
	v4 =	vand.u32 $0xFFFFFFE0, v43  }
0xcb: {  	v3 =	vor.u32 v3, v4  }
0xcc: {  	v4 =	vperm.xlane v3, v0;
	_ =	sdelay $0x1  }
0xcd: {  	v4 =	vadd.s32 v1, v4;
	_ =	sdelay $0x1  }
0xce: {  	v3 =	vperm.xlane v3, v2;
	_ =	sdelay $0x1  }
0xcf: {  	s2 =	simm.s32 $0x15200;
	v3 =	vadd.s32 v1, v3  }
0xd0: {  	[tilespmem:s2], [sflag:$0x1] =	stream.indirect_vreg.gather [hbm4b:s1+s4], $0x80, v4, vm0, $0xb8;
	[tilespmem:$0x1E400] =	vst v63  }
0xd1: {  	s2 =	simm.s32 $0x15A00  }
0xd2: {  	[tilespmem:s2], [sflag:$0x1] =	stream.indirect_vreg.gather [hbm4b:s5+s4], $0x80, v4, vm0, $0xb8;
	[tilespmem:$0x1E400] =	vst v63  }
0xd3: {  	s2 =	simm.s32 $0x16200  }
0xd4: {  	[tilespmem:s2], [sflag:$0x1] =	stream.indirect_vreg.gather [hbm4b:s1+s4], $0x80, v3, vm0, $0xb8;
	[tilespmem:$0x1E400] =	vst v63  }
0xd5: {  	s2 =	simm.s32 $0x16A00  }
0xd6: {  	[tilespmem:s2], [sflag:$0x1] =	stream.indirect_vreg.gather [hbm4b:s5+s4], $0x80, v3, vm0, $0xb8;
	[tilespmem:$0x1E400] =	vst v63  }
0xd7: {  	v3 =	vld [tilespmem:$0xB8];
	_ =	sdelay $0x4  }
0xd8: {  	v44 =	vshll.u32 v3, $0x2  }
0xd9: {  	v3 =	vand.u32 $0x7, v3;
	v4 =	vand.u32 $0xFFFFFFE0, v44  }
0xda: {  	v3 =	vor.u32 v3, v4  }
0xdb: {  	v4 =	vperm.xlane v3, v0;
	_ =	sdelay $0x1  }
0xdc: {  	v4 =	vadd.s32 v1, v4;
	_ =	sdelay $0x1  }
0xdd: {  	v3 =	vperm.xlane v3, v2;
	_ =	sdelay $0x1  }
0xde: {  	s2 =	simm.s32 $0x17200;
	v3 =	vadd.s32 v1, v3  }
0xdf: {  	[tilespmem:s2], [sflag:$0x1] =	stream.indirect_vreg.gather [hbm4b:s1+s4], $0x80, v4, vm0, $0xb8;
	[tilespmem:$0x1E400] =	vst v63  }
0xe0: {  	s2 =	simm.s32 $0x17A00  }
0xe1: {  	[tilespmem:s2], [sflag:$0x1] =	stream.indirect_vreg.gather [hbm4b:s5+s4], $0x80, v4, vm0, $0xb8;
	[tilespmem:$0x1E400] =	vst v63  }
0xe2: {  	s2 =	simm.s32 $0x18200  }
0xe3: {  	[tilespmem:s2], [sflag:$0x1] =	stream.indirect_vreg.gather [hbm4b:s1+s4], $0x80, v3, vm0, $0xb8;
	[tilespmem:$0x1E400] =	vst v63  }
0xe4: {  	s2 =	simm.s32 $0x18A00  }
0xe5: {  	[tilespmem:s2], [sflag:$0x1] =	stream.indirect_vreg.gather [hbm4b:s5+s4], $0x80, v3, vm0, $0xb8;
	[tilespmem:$0x1E400] =	vst v63  }
0xe6: {  	v3 =	vld [tilespmem:$0xC8];
	_ =	sdelay $0x4  }
0xe7: {  	v45 =	vshll.u32 v3, $0x2  }
0xe8: {  	v3 =	vand.u32 $0x7, v3;
	v4 =	vand.u32 $0xFFFFFFE0, v45  }
0xe9: {  	v3 =	vor.u32 v3, v4  }
0xea: {  	v4 =	vperm.xlane v3, v0;
	_ =	sdelay $0x1  }
0xeb: {  	v4 =	vadd.s32 v1, v4;
	_ =	sdelay $0x1  }
0xec: {  	v3 =	vperm.xlane v3, v2;
	_ =	sdelay $0x1  }
0xed: {  	s2 =	simm.s32 $0x19200;
	v3 =	vadd.s32 v1, v3  }
0xee: {  	[tilespmem:s2], [sflag:$0x1] =	stream.indirect_vreg.gather [hbm4b:s1+s4], $0x80, v4, vm0, $0xb8;
	[tilespmem:$0x1E400] =	vst v63  }
0xef: {  	s2 =	simm.s32 $0x19A00  }
0xf0: {  	[tilespmem:s2], [sflag:$0x1] =	stream.indirect_vreg.gather [hbm4b:s5+s4], $0x80, v4, vm0, $0xb8;
	[tilespmem:$0x1E400] =	vst v63  }
0xf1: {  	s2 =	simm.s32 $0x1A200  }
0xf2: {  	[tilespmem:s2], [sflag:$0x1] =	stream.indirect_vreg.gather [hbm4b:s1+s4], $0x80, v3, vm0, $0xb8;
	[tilespmem:$0x1E400] =	vst v63  }
0xf3: {  	s2 =	simm.s32 $0x1AA00  }
0xf4: {  	[tilespmem:s2], [sflag:$0x1] =	stream.indirect_vreg.gather [hbm4b:s5+s4], $0x80, v3, vm0, $0xb8;
	[tilespmem:$0x1E400] =	vst v63  }
0xf5: {  	v3 =	vld [tilespmem:$0xD8];
	_ =	sdelay $0x4  }
0xf6: {  	v46 =	vshll.u32 v3, $0x2  }
0xf7: {  	v3 =	vand.u32 $0x7, v3;
	v4 =	vand.u32 $0xFFFFFFE0, v46  }
0xf8: {  	v3 =	vor.u32 v3, v4  }
0xf9: {  	v4 =	vperm.xlane v3, v0;
	_ =	sdelay $0x1  }
0xfa: {  	v4 =	vadd.s32 v1, v4;
	_ =	sdelay $0x1  }
0xfb: {  	v3 =	vperm.xlane v3, v2;
	_ =	sdelay $0x1  }
0xfc: {  	s2 =	simm.s32 $0x1B200;
	v3 =	vadd.s32 v1, v3  }
0xfd: {  	[tilespmem:s2], [sflag:$0x1] =	stream.indirect_vreg.gather [hbm4b:s1+s4], $0x80, v4, vm0, $0xb8;
	[tilespmem:$0x1E400] =	vst v63  }
0xfe: {  	s2 =	simm.s32 $0x1BA00  }
0xff: {  	[tilespmem:s2], [sflag:$0x1] =	stream.indirect_vreg.gather [hbm4b:s5+s4], $0x80, v4, vm0, $0xb8;
	[tilespmem:$0x1E400] =	vst v63  }
0x100: {  	s2 =	simm.s32 $0x1C200  }
0x101: {  	[tilespmem:s2], [sflag:$0x1] =	stream.indirect_vreg.gather [hbm4b:s1+s4], $0x80, v3, vm0, $0xb8;
	[tilespmem:$0x1E400] =	vst v63  }
0x102: {  	s2 =	simm.s32 $0x1CA00  }
0x103: {  	[tilespmem:s2], [sflag:$0x1] =	stream.indirect_vreg.gather [hbm4b:s5+s4], $0x80, v3, vm0, $0xb8;
	[tilespmem:$0x1E400] =	vst v63  }
0x104: {  	v3 =	vld.msk [tilespmem:$0xE8], $0xff;
	_ =	sdelay $0x4  }
0x105: {  	v47 =	vshll.u32 v3, $0x2  }
0x106: {  	v3 =	vand.u32 $0x7, v3;
	v4 =	vand.u32 $0xFFFFFFE0, v47  }
0x107: {  	v3 =	vor.u32 v3, v4  }
0x108: {  	v3 =	vperm.xlane v3, v0;
	_ =	sdelay $0x1  }
0x109: {  	v3 =	vadd.s32 v1, v3;
	_ =	sdelay $0x3  }
0x10a: {  	s2 =	simm.s32 $0x1D200  }
0x10b: {  	[tilespmem:s2], [sflag:$0x1] =	stream.indirect_vreg.gather [hbm4b:s1+s4], $0x80, v3, vm0, $0xb8;
	[tilespmem:$0x1E400] =	vst v63  }
0x10c: {  	s2 =	simm.s32 $0x1DA00  }
0x10d: {  	[tilespmem:s2], [sflag:$0x1] =	stream.indirect_vreg.gather [hbm4b:s5+s4], $0x80, v3, vm0, $0xb8;
	[tilespmem:$0x1E400] =	vst v63  }
0x10e: {  	_ =	swait.ge [sflag:s17], $0xF000  }
0x10f: {  	[sflag:s17] =	ssyncset.done $0x0  }
0x110: {  	s2 =	rddreg [dreg:$0x6];
	[sflag:s17] =	ssyncadd.s32 $0xFFFF1000  }
0x111: {  	[hbm4b:s2+s4] =	stream.linear.scatter [tilespmem:s3], [sflag:$0x4], $0xF000, $0x38;
	[tilespmem:$0x1E400] =	vst v63  }
0x112: {  	s2 =	simm.s32 $0x3  }
0x113: {  	_ =	swait.ge [sflag:s2], $0xF000  }
0x114: {  	[sflag:s2] =	ssyncset.done $0x0  }
0x115: {  	[sflag:s2] =	ssyncadd.s32 $0xFFFF1000  }
0x116: {  	v3 =	vld [tilespmem:$0xF0];
	_ =	sdelay $0x4  }
0x117: {  	v48 =	vshll.u32 v3, $0x2  }
0x118: {  	v3 =	vand.u32 $0x7, v3;
	v4 =	vand.u32 $0xFFFFFFE0, v48  }
0x119: {  	v3 =	vor.u32 v3, v4  }
0x11a: {  	v4 =	vperm.xlane v3, v0;
	_ =	sdelay $0x1  }
0x11b: {  	v4 =	vadd.s32 v1, v4;
	_ =	sdelay $0x1  }
0x11c: {  	v3 =	vperm.xlane v3, v2;
	_ =	sdelay $0x1  }
0x11d: {  	v3 =	vadd.s32 v1, v3  }
0x11e: {  	[tilespmem:s18], [sflag:$0x1] =	stream.indirect_vreg.gather [hbm4b:s1+s4], $0x80, v4, vm0, $0xb8;
	[tilespmem:$0x1E400] =	vst v63  }
0x11f: {  	s0 =	simm.s32 $0xA00  }
0x120: {  	[tilespmem:s0], [sflag:$0x1] =	stream.indirect_vreg.gather [hbm4b:s5+s4], $0x80, v4, vm0, $0xb8;
	[tilespmem:$0x1E400] =	vst v63  }
0x121: {  	_ = 	snop  }
0x122: {  	[tilespmem:s9], [sflag:$0x1] =	stream.indirect_vreg.gather [hbm4b:s1+s4], $0x80, v3, vm0, $0xb8;
	[tilespmem:$0x1E400] =	vst v63  }
0x123: {  	_ = 	snop  }
0x124: {  	[tilespmem:s31], [sflag:$0x1] =	stream.indirect_vreg.gather [hbm4b:s5+s4], $0x80, v3, vm0, $0xb8;
	[tilespmem:$0x1E400] =	vst v63  }
0x125: {  	v3 =	vld [tilespmem:$0x100];
	_ =	sdelay $0x4  }
0x126: {  	v49 =	vshll.u32 v3, $0x2  }
0x127: {  	v3 =	vand.u32 $0x7, v3;
	v4 =	vand.u32 $0xFFFFFFE0, v49  }
0x128: {  	v3 =	vor.u32 v3, v4  }
0x129: {  	v4 =	vperm.xlane v3, v0;
	_ =	sdelay $0x1  }
0x12a: {  	v4 =	vadd.s32 v1, v4;
	_ =	sdelay $0x1  }
0x12b: {  	v3 =	vperm.xlane v3, v2;
	_ =	sdelay $0x1  }
0x12c: {  	v3 =	vadd.s32 v1, v3  }
0x12d: {  	[tilespmem:s12], [sflag:$0x1] =	stream.indirect_vreg.gather [hbm4b:s1+s4], $0x80, v4, vm0, $0xb8;
	[tilespmem:$0x1E400] =	vst v63  }
0x12e: {  	_ = 	snop  }
0x12f: {  	[tilespmem:s13], [sflag:$0x1] =	stream.indirect_vreg.gather [hbm4b:s5+s4], $0x80, v4, vm0, $0xb8;
	[tilespmem:$0x1E400] =	vst v63  }
0x130: {  	_ = 	snop  }
0x131: {  	[tilespmem:s14], [sflag:$0x1] =	stream.indirect_vreg.gather [hbm4b:s1+s4], $0x80, v3, vm0, $0xb8;
	[tilespmem:$0x1E400] =	vst v63  }
0x132: {  	_ = 	snop  }
0x133: {  	[tilespmem:s15], [sflag:$0x1] =	stream.indirect_vreg.gather [hbm4b:s5+s4], $0x80, v3, vm0, $0xb8;
	[tilespmem:$0x1E400] =	vst v63  }
0x134: {  	v3 =	vld [tilespmem:$0x110];
	_ =	sdelay $0x4  }
0x135: {  	v50 =	vshll.u32 v3, $0x2  }
0x136: {  	v3 =	vand.u32 $0x7, v3;
	v4 =	vand.u32 $0xFFFFFFE0, v50  }
0x137: {  	v3 =	vor.u32 v3, v4  }
0x138: {  	v4 =	vperm.xlane v3, v0;
	_ =	sdelay $0x1  }
0x139: {  	v4 =	vadd.s32 v1, v4;
	_ =	sdelay $0x1  }
0x13a: {  	v3 =	vperm.xlane v3, v2;
	_ =	sdelay $0x1  }
0x13b: {  	v3 =	vadd.s32 v1, v3  }
0x13c: {  	[tilespmem:s16], [sflag:$0x1] =	stream.indirect_vreg.gather [hbm4b:s1+s4], $0x80, v4, vm0, $0xb8;
	[tilespmem:$0x1E400] =	vst v63  }
0x13d: {  	_ = 	snop  }
0x13e: {  	[tilespmem:s19], [sflag:$0x1] =	stream.indirect_vreg.gather [hbm4b:s5+s4], $0x80, v4, vm0, $0xb8;
	[tilespmem:$0x1E400] =	vst v63  }
0x13f: {  	_ = 	snop  }
0x140: {  	[tilespmem:s20], [sflag:$0x1] =	stream.indirect_vreg.gather [hbm4b:s1+s4], $0x80, v3, vm0, $0xb8;
	[tilespmem:$0x1E400] =	vst v63  }
0x141: {  	_ = 	snop  }
0x142: {  	[tilespmem:s21], [sflag:$0x1] =	stream.indirect_vreg.gather [hbm4b:s5+s4], $0x80, v3, vm0, $0xb8;
	[tilespmem:$0x1E400] =	vst v63  }
0x143: {  	v3 =	vld [tilespmem:$0x120];
	_ =	sdelay $0x4  }
0x144: {  	v51 =	vshll.u32 v3, $0x2  }
0x145: {  	v3 =	vand.u32 $0x7, v3;
	v4 =	vand.u32 $0xFFFFFFE0, v51  }
0x146: {  	v3 =	vor.u32 v3, v4  }
0x147: {  	v4 =	vperm.xlane v3, v0;
	_ =	sdelay $0x1  }
0x148: {  	v4 =	vadd.s32 v1, v4;
	_ =	sdelay $0x1  }
0x149: {  	v3 =	vperm.xlane v3, v2;
	_ =	sdelay $0x1  }
0x14a: {  	v3 =	vadd.s32 v1, v3  }
0x14b: {  	[tilespmem:s22], [sflag:$0x1] =	stream.indirect_vreg.gather [hbm4b:s1+s4], $0x80, v4, vm0, $0xb8;
	[tilespmem:$0x1E400] =	vst v63  }
0x14c: {  	_ = 	snop  }
0x14d: {  	[tilespmem:s23], [sflag:$0x1] =	stream.indirect_vreg.gather [hbm4b:s5+s4], $0x80, v4, vm0, $0xb8;
	[tilespmem:$0x1E400] =	vst v63  }
0x14e: {  	_ = 	snop  }
0x14f: {  	[tilespmem:s24], [sflag:$0x1] =	stream.indirect_vreg.gather [hbm4b:s1+s4], $0x80, v3, vm0, $0xb8;
	[tilespmem:$0x1E400] =	vst v63  }
0x150: {  	_ = 	snop  }
0x151: {  	[tilespmem:s25], [sflag:$0x1] =	stream.indirect_vreg.gather [hbm4b:s5+s4], $0x80, v3, vm0, $0xb8;
	[tilespmem:$0x1E400] =	vst v63  }
0x152: {  	v3 =	vld [tilespmem:$0x130];
	_ =	sdelay $0x4  }
0x153: {  	v52 =	vshll.u32 v3, $0x2  }
0x154: {  	v3 =	vand.u32 $0x7, v3;
	v4 =	vand.u32 $0xFFFFFFE0, v52  }
0x155: {  	v3 =	vor.u32 v3, v4  }
0x156: {  	v4 =	vperm.xlane v3, v0;
	_ =	sdelay $0x1  }
0x157: {  	v4 =	vadd.s32 v1, v4;
	_ =	sdelay $0x1  }
0x158: {  	v3 =	vperm.xlane v3, v2;
	_ =	sdelay $0x1  }
0x159: {  	v3 =	vadd.s32 v1, v3  }
0x15a: {  	[tilespmem:s26], [sflag:$0x1] =	stream.indirect_vreg.gather [hbm4b:s1+s4], $0x80, v4, vm0, $0xb8;
	[tilespmem:$0x1E400] =	vst v63  }
0x15b: {  	s31 =	simm.s32 $0x8A00  }
0x15c: {  	[tilespmem:s31], [sflag:$0x1] =	stream.indirect_vreg.gather [hbm4b:s5+s4], $0x80, v4, vm0, $0xb8;
	[tilespmem:$0x1E400] =	vst v63  }
0x15d: {  	_ = 	snop  }
0x15e: {  	[tilespmem:s11], [sflag:$0x1] =	stream.indirect_vreg.gather [hbm4b:s1+s4], $0x80, v3, vm0, $0xb8;
	[tilespmem:$0x1E400] =	vst v63  }
0x15f: {  	_ = 	snop  }
0x160: {  	[tilespmem:s8], [sflag:$0x1] =	stream.indirect_vreg.gather [hbm4b:s5+s4], $0x80, v3, vm0, $0xb8;
	[tilespmem:$0x1E400] =	vst v63  }
0x161: {  	v3 =	vld [tilespmem:$0x140];
	_ =	sdelay $0x4  }
0x162: {  	v53 =	vshll.u32 v3, $0x2  }
0x163: {  	v3 =	vand.u32 $0x7, v3;
	v4 =	vand.u32 $0xFFFFFFE0, v53  }
0x164: {  	v3 =	vor.u32 v3, v4  }
0x165: {  	v4 =	vperm.xlane v3, v0;
	_ =	sdelay $0x1  }
0x166: {  	v4 =	vadd.s32 v1, v4;
	_ =	sdelay $0x1  }
0x167: {  	v3 =	vperm.xlane v3, v2;
	_ =	sdelay $0x1  }
0x168: {  	v3 =	vadd.s32 v1, v3  }
0x169: {  	[tilespmem:s10], [sflag:$0x1] =	stream.indirect_vreg.gather [hbm4b:s1+s4], $0x80, v4, vm0, $0xb8;
	[tilespmem:$0x1E400] =	vst v63  }
0x16a: {  	_ = 	snop  }
0x16b: {  	[tilespmem:s7], [sflag:$0x1] =	stream.indirect_vreg.gather [hbm4b:s5+s4], $0x80, v4, vm0, $0xb8;
	[tilespmem:$0x1E400] =	vst v63  }
0x16c: {  	_ = 	snop  }
0x16d: {  	[tilespmem:s29], [sflag:$0x1] =	stream.indirect_vreg.gather [hbm4b:s1+s4], $0x80, v3, vm0, $0xb8;
	[tilespmem:$0x1E400] =	vst v63  }
0x16e: {  	s9 =	simm.s32 $0xBA00  }
0x16f: {  	[tilespmem:s9], [sflag:$0x1] =	stream.indirect_vreg.gather [hbm4b:s5+s4], $0x80, v3, vm0, $0xb8;
	[tilespmem:$0x1E400] =	vst v63  }
0x170: {  	v3 =	vld [tilespmem:$0x150];
	_ =	sdelay $0x4  }
0x171: {  	v54 =	vshll.u32 v3, $0x2  }
0x172: {  	v3 =	vand.u32 $0x7, v3;
	v4 =	vand.u32 $0xFFFFFFE0, v54  }
0x173: {  	v3 =	vor.u32 v3, v4  }
0x174: {  	v4 =	vperm.xlane v3, v0;
	_ =	sdelay $0x1  }
0x175: {  	v4 =	vadd.s32 v1, v4;
	_ =	sdelay $0x1  }
0x176: {  	v3 =	vperm.xlane v3, v2;
	_ =	sdelay $0x1  }
0x177: {  	s31 =	simm.s32 $0xC200;
	v3 =	vadd.s32 v1, v3  }
0x178: {  	[tilespmem:s31], [sflag:$0x1] =	stream.indirect_vreg.gather [hbm4b:s1+s4], $0x80, v4, vm0, $0xb8;
	[tilespmem:$0x1E400] =	vst v63  }
0x179: {  	s7 =	simm.s32 $0xCA00  }
0x17a: {  	[tilespmem:s7], [sflag:$0x1] =	stream.indirect_vreg.gather [hbm4b:s5+s4], $0x80, v4, vm0, $0xb8;
	[tilespmem:$0x1E400] =	vst v63  }
0x17b: {  	s8 =	simm.s32 $0xD200  }
0x17c: {  	[tilespmem:s8], [sflag:$0x1] =	stream.indirect_vreg.gather [hbm4b:s1+s4], $0x80, v3, vm0, $0xb8;
	[tilespmem:$0x1E400] =	vst v63  }
0x17d: {  	s9 =	simm.s32 $0xDA00  }
0x17e: {  	[tilespmem:s9], [sflag:$0x1] =	stream.indirect_vreg.gather [hbm4b:s5+s4], $0x80, v3, vm0, $0xb8;
	[tilespmem:$0x1E400] =	vst v63  }
0x17f: {  	v3 =	vld.msk [tilespmem:$0x160], $0xff;
	_ =	sdelay $0x4  }
0x180: {  	v55 =	vshll.u32 v3, $0x2  }
0x181: {  	v3 =	vand.u32 $0x7, v3;
	v4 =	vand.u32 $0xFFFFFFE0, v55  }
0x182: {  	v3 =	vor.u32 v3, v4  }
0x183: {  	v3 =	vperm.xlane v3, v0;
	_ =	sdelay $0x1  }
0x184: {  	v3 =	vadd.s32 v1, v3;
	_ =	sdelay $0x3  }
0x185: {  	s31 =	simm.s32 $0xE200  }
0x186: {  	[tilespmem:s31], [sflag:$0x1] =	stream.indirect_vreg.gather [hbm4b:s1+s4], $0x80, v3, vm0, $0xb8;
	[tilespmem:$0x1E400] =	vst v63  }
0x187: {  	s7 =	simm.s32 $0xEA00  }
0x188: {  	[tilespmem:s7], [sflag:$0x1] =	stream.indirect_vreg.gather [hbm4b:s5+s4], $0x80, v3, vm0, $0xb8;
	[tilespmem:$0x1E400] =	vst v63  }
0x189: {  	_ =	swait.ge [sflag:s17], $0xF000  }
0x18a: {  	[sflag:s17] =	ssyncset.done $0x0  }
0x18b: {  	s7 =	simm.s32 $0x4;
	s8 =	rddreg [dreg:$0x7];
	[sflag:s17] =	ssyncadd.s32 $0xFFFF1000  }
0x18c: {  	[hbm4b:s8+s4] =	stream.linear.scatter [tilespmem:s18], [sflag:$0x3], $0xF000, $0x38;
	[tilespmem:$0x1E400] =	vst v63  }
0x18d: {  	_ =	swait.ge [sflag:s7], $0xF000  }
0x18e: {  	[sflag:s7] =	ssyncset.done $0x0  }
0x18f: {  	[sflag:s7] =	ssyncadd.s32 $0xFFFF1000  }
0x190: {  	v3 =	vld [tilespmem:$0x168];
	_ =	sdelay $0x4  }
0x191: {  	v56 =	vshll.u32 v3, $0x2  }
0x192: {  	v3 =	vand.u32 $0x7, v3;
	v4 =	vand.u32 $0xFFFFFFE0, v56  }
0x193: {  	v3 =	vor.u32 v3, v4  }
0x194: {  	v4 =	vperm.xlane v3, v0;
	_ =	sdelay $0x1  }
0x195: {  	v4 =	vadd.s32 v1, v4;
	_ =	sdelay $0x1  }
0x196: {  	v3 =	vperm.xlane v3, v2;
	_ =	sdelay $0x1  }
0x197: {  	v3 =	vadd.s32 v1, v3  }
0x198: {  	[tilespmem:s3], [sflag:$0x1] =	stream.indirect_vreg.gather [hbm4b:s1+s4], $0x80, v4, vm0, $0xb8;
	[tilespmem:$0x1E400] =	vst v63  }
0x199: {  	s9 =	simm.s32 $0xFA00  }
0x19a: {  	[tilespmem:s9], [sflag:$0x1] =	stream.indirect_vreg.gather [hbm4b:s5+s4], $0x80, v4, vm0, $0xb8;
	[tilespmem:$0x1E400] =	vst v63  }
0x19b: {  	s31 =	simm.s32 $0x10200  }
0x19c: {  	[tilespmem:s31], [sflag:$0x1] =	stream.indirect_vreg.gather [hbm4b:s1+s4], $0x80, v3, vm0, $0xb8;
	[tilespmem:$0x1E400] =	vst v63  }
0x19d: {  	s8 =	simm.s32 $0x10A00  }
0x19e: {  	[tilespmem:s8], [sflag:$0x1] =	stream.indirect_vreg.gather [hbm4b:s5+s4], $0x80, v3, vm0, $0xb8;
	[tilespmem:$0x1E400] =	vst v63  }
0x19f: {  	v3 =	vld [tilespmem:$0x178];
	_ =	sdelay $0x4  }
0x1a0: {  	v57 =	vshll.u32 v3, $0x2  }
0x1a1: {  	v3 =	vand.u32 $0x7, v3;
	v4 =	vand.u32 $0xFFFFFFE0, v57  }
0x1a2: {  	v3 =	vor.u32 v3, v4  }
0x1a3: {  	v4 =	vperm.xlane v3, v0;
	_ =	sdelay $0x1  }
0x1a4: {  	v4 =	vadd.s32 v1, v4;
	_ =	sdelay $0x1  }
0x1a5: {  	v3 =	vperm.xlane v3, v2;
	_ =	sdelay $0x1  }
0x1a6: {  	s9 =	simm.s32 $0x11200;
	v3 =	vadd.s32 v1, v3  }
0x1a7: {  	[tilespmem:s9], [sflag:$0x1] =	stream.indirect_vreg.gather [hbm4b:s1+s4], $0x80, v4, vm0, $0xb8;
	[tilespmem:$0x1E400] =	vst v63  }
0x1a8: {  	s31 =	simm.s32 $0x11A00  }
0x1a9: {  	[tilespmem:s31], [sflag:$0x1] =	stream.indirect_vreg.gather [hbm4b:s5+s4], $0x80, v4, vm0, $0xb8;
	[tilespmem:$0x1E400] =	vst v63  }
0x1aa: {  	s8 =	simm.s32 $0x12200  }
0x1ab: {  	[tilespmem:s8], [sflag:$0x1] =	stream.indirect_vreg.gather [hbm4b:s1+s4], $0x80, v3, vm0, $0xb8;
	[tilespmem:$0x1E400] =	vst v63  }
0x1ac: {  	s9 =	simm.s32 $0x12A00  }
0x1ad: {  	[tilespmem:s9], [sflag:$0x1] =	stream.indirect_vreg.gather [hbm4b:s5+s4], $0x80, v3, vm0, $0xb8;
	[tilespmem:$0x1E400] =	vst v63  }
0x1ae: {  	v3 =	vld [tilespmem:$0x188];
	_ =	sdelay $0x4  }
0x1af: {  	v58 =	vshll.u32 v3, $0x2  }
0x1b0: {  	v3 =	vand.u32 $0x7, v3;
	v4 =	vand.u32 $0xFFFFFFE0, v58  }
0x1b1: {  	v3 =	vor.u32 v3, v4  }
0x1b2: {  	v4 =	vperm.xlane v3, v0;
	_ =	sdelay $0x1  }
0x1b3: {  	v4 =	vadd.s32 v1, v4;
	_ =	sdelay $0x1  }
0x1b4: {  	v3 =	vperm.xlane v3, v2;
	_ =	sdelay $0x1  }
0x1b5: {  	s31 =	simm.s32 $0x13200;
	v3 =	vadd.s32 v1, v3  }
0x1b6: {  	[tilespmem:s31], [sflag:$0x1] =	stream.indirect_vreg.gather [hbm4b:s1+s4], $0x80, v4, vm0, $0xb8;
	[tilespmem:$0x1E400] =	vst v63  }
0x1b7: {  	s8 =	simm.s32 $0x13A00  }
0x1b8: {  	[tilespmem:s8], [sflag:$0x1] =	stream.indirect_vreg.gather [hbm4b:s5+s4], $0x80, v4, vm0, $0xb8;
	[tilespmem:$0x1E400] =	vst v63  }
0x1b9: {  	s9 =	simm.s32 $0x14200  }
0x1ba: {  	[tilespmem:s9], [sflag:$0x1] =	stream.indirect_vreg.gather [hbm4b:s1+s4], $0x80, v3, vm0, $0xb8;
	[tilespmem:$0x1E400] =	vst v63  }
0x1bb: {  	s31 =	simm.s32 $0x14A00  }
0x1bc: {  	[tilespmem:s31], [sflag:$0x1] =	stream.indirect_vreg.gather [hbm4b:s5+s4], $0x80, v3, vm0, $0xb8;
	[tilespmem:$0x1E400] =	vst v63  }
0x1bd: {  	v3 =	vld [tilespmem:$0x198];
	_ =	sdelay $0x4  }
0x1be: {  	v59 =	vshll.u32 v3, $0x2  }
0x1bf: {  	v3 =	vand.u32 $0x7, v3;
	v4 =	vand.u32 $0xFFFFFFE0, v59  }
0x1c0: {  	v3 =	vor.u32 v3, v4  }
0x1c1: {  	v4 =	vperm.xlane v3, v0;
	_ =	sdelay $0x1  }
0x1c2: {  	v4 =	vadd.s32 v1, v4;
	_ =	sdelay $0x1  }
0x1c3: {  	v3 =	vperm.xlane v3, v2;
	_ =	sdelay $0x1  }
0x1c4: {  	s8 =	simm.s32 $0x15200;
	v3 =	vadd.s32 v1, v3  }
0x1c5: {  	[tilespmem:s8], [sflag:$0x1] =	stream.indirect_vreg.gather [hbm4b:s1+s4], $0x80, v4, vm0, $0xb8;
	[tilespmem:$0x1E400] =	vst v63  }
0x1c6: {  	s9 =	simm.s32 $0x15A00  }
0x1c7: {  	[tilespmem:s9], [sflag:$0x1] =	stream.indirect_vreg.gather [hbm4b:s5+s4], $0x80, v4, vm0, $0xb8;
	[tilespmem:$0x1E400] =	vst v63  }
0x1c8: {  	s31 =	simm.s32 $0x16200  }
0x1c9: {  	[tilespmem:s31], [sflag:$0x1] =	stream.indirect_vreg.gather [hbm4b:s1+s4], $0x80, v3, vm0, $0xb8;
	[tilespmem:$0x1E400] =	vst v63  }
0x1ca: {  	s8 =	simm.s32 $0x16A00  }
0x1cb: {  	[tilespmem:s8], [sflag:$0x1] =	stream.indirect_vreg.gather [hbm4b:s5+s4], $0x80, v3, vm0, $0xb8;
	[tilespmem:$0x1E400] =	vst v63  }
0x1cc: {  	v3 =	vld [tilespmem:$0x1A8];
	_ =	sdelay $0x4  }
0x1cd: {  	v60 =	vshll.u32 v3, $0x2  }
0x1ce: {  	v3 =	vand.u32 $0x7, v3;
	v4 =	vand.u32 $0xFFFFFFE0, v60  }
0x1cf: {  	v3 =	vor.u32 v3, v4  }
0x1d0: {  	v4 =	vperm.xlane v3, v0;
	_ =	sdelay $0x1  }
0x1d1: {  	v4 =	vadd.s32 v1, v4;
	_ =	sdelay $0x1  }
0x1d2: {  	v3 =	vperm.xlane v3, v2;
	_ =	sdelay $0x1  }
0x1d3: {  	s9 =	simm.s32 $0x17200;
	v3 =	vadd.s32 v1, v3  }
0x1d4: {  	[tilespmem:s9], [sflag:$0x1] =	stream.indirect_vreg.gather [hbm4b:s1+s4], $0x80, v4, vm0, $0xb8;
	[tilespmem:$0x1E400] =	vst v63  }
0x1d5: {  	s31 =	simm.s32 $0x17A00  }
0x1d6: {  	[tilespmem:s31], [sflag:$0x1] =	stream.indirect_vreg.gather [hbm4b:s5+s4], $0x80, v4, vm0, $0xb8;
	[tilespmem:$0x1E400] =	vst v63  }
0x1d7: {  	s8 =	simm.s32 $0x18200  }
0x1d8: {  	[tilespmem:s8], [sflag:$0x1] =	stream.indirect_vreg.gather [hbm4b:s1+s4], $0x80, v3, vm0, $0xb8;
	[tilespmem:$0x1E400] =	vst v63  }
0x1d9: {  	s9 =	simm.s32 $0x18A00  }
0x1da: {  	[tilespmem:s9], [sflag:$0x1] =	stream.indirect_vreg.gather [hbm4b:s5+s4], $0x80, v3, vm0, $0xb8;
	[tilespmem:$0x1E400] =	vst v63  }
0x1db: {  	v3 =	vld [tilespmem:$0x1B8];
	_ =	sdelay $0x4  }
0x1dc: {  	v61 =	vshll.u32 v3, $0x2  }
0x1dd: {  	v3 =	vand.u32 $0x7, v3;
	v4 =	vand.u32 $0xFFFFFFE0, v61  }
0x1de: {  	v3 =	vor.u32 v3, v4  }
0x1df: {  	v4 =	vperm.xlane v3, v0;
	_ =	sdelay $0x1  }
0x1e0: {  	v4 =	vadd.s32 v1, v4;
	_ =	sdelay $0x1  }
0x1e1: {  	v3 =	vperm.xlane v3, v2;
	_ =	sdelay $0x1  }
0x1e2: {  	s31 =	simm.s32 $0x19200;
	v3 =	vadd.s32 v1, v3  }
0x1e3: {  	[tilespmem:s31], [sflag:$0x1] =	stream.indirect_vreg.gather [hbm4b:s1+s4], $0x80, v4, vm0, $0xb8;
	[tilespmem:$0x1E400] =	vst v63  }
0x1e4: {  	s8 =	simm.s32 $0x19A00  }
0x1e5: {  	[tilespmem:s8], [sflag:$0x1] =	stream.indirect_vreg.gather [hbm4b:s5+s4], $0x80, v4, vm0, $0xb8;
	[tilespmem:$0x1E400] =	vst v63  }
0x1e6: {  	s9 =	simm.s32 $0x1A200  }
0x1e7: {  	[tilespmem:s9], [sflag:$0x1] =	stream.indirect_vreg.gather [hbm4b:s1+s4], $0x80, v3, vm0, $0xb8;
	[tilespmem:$0x1E400] =	vst v63  }
0x1e8: {  	s31 =	simm.s32 $0x1AA00  }
0x1e9: {  	[tilespmem:s31], [sflag:$0x1] =	stream.indirect_vreg.gather [hbm4b:s5+s4], $0x80, v3, vm0, $0xb8;
	[tilespmem:$0x1E400] =	vst v63  }
0x1ea: {  	v3 =	vld [tilespmem:$0x1C8];
	_ =	sdelay $0x4  }
0x1eb: {  	v62 =	vshll.u32 v3, $0x2  }
0x1ec: {  	v3 =	vand.u32 $0x7, v3;
	v4 =	vand.u32 $0xFFFFFFE0, v62  }
0x1ed: {  	v3 =	vor.u32 v3, v4  }
0x1ee: {  	v4 =	vperm.xlane v3, v0;
	_ =	sdelay $0x1  }
0x1ef: {  	v4 =	vadd.s32 v1, v4;
	_ =	sdelay $0x1  }
0x1f0: {  	v3 =	vperm.xlane v3, v2;
	_ =	sdelay $0x1  }
0x1f1: {  	s8 =	simm.s32 $0x1B200;
	v3 =	vadd.s32 v1, v3  }
0x1f2: {  	[tilespmem:s8], [sflag:$0x1] =	stream.indirect_vreg.gather [hbm4b:s1+s4], $0x80, v4, vm0, $0xb8;
	[tilespmem:$0x1E400] =	vst v63  }
0x1f3: {  	s9 =	simm.s32 $0x1BA00  }
0x1f4: {  	[tilespmem:s9], [sflag:$0x1] =	stream.indirect_vreg.gather [hbm4b:s5+s4], $0x80, v4, vm0, $0xb8;
	[tilespmem:$0x1E400] =	vst v63  }
0x1f5: {  	s31 =	simm.s32 $0x1C200  }
0x1f6: {  	[tilespmem:s31], [sflag:$0x1] =	stream.indirect_vreg.gather [hbm4b:s1+s4], $0x80, v3, vm0, $0xb8;
	[tilespmem:$0x1E400] =	vst v63  }
0x1f7: {  	s8 =	simm.s32 $0x1CA00  }
0x1f8: {  	[tilespmem:s8], [sflag:$0x1] =	stream.indirect_vreg.gather [hbm4b:s5+s4], $0x80, v3, vm0, $0xb8;
	[tilespmem:$0x1E400] =	vst v63  }
0x1f9: {  	v3 =	vld.msk [tilespmem:$0x1D8], $0xff;
	_ =	sdelay $0x4  }
0x1fa: {  	v63 =	vshll.u32 v3, $0x2  }
0x1fb: {  	v3 =	vand.u32 $0x7, v3;
	v4 =	vand.u32 $0xFFFFFFE0, v63  }
0x1fc: {  	v3 =	vor.u32 v3, v4  }
0x1fd: {  	v3 =	vperm.xlane v3, v0;
	_ =	sdelay $0x1  }
0x1fe: {  	v3 =	vadd.s32 v1, v3;
	_ =	sdelay $0x3  }
0x1ff: {  	s9 =	simm.s32 $0x1D200  }
0x200: {  	[tilespmem:s9], [sflag:$0x1] =	stream.indirect_vreg.gather [hbm4b:s1+s4], $0x80, v3, vm0, $0xb8;
	[tilespmem:$0x1E400] =	vst v63  }
0x201: {  	s31 =	simm.s32 $0x1DA00  }
0x202: {  	[tilespmem:s31], [sflag:$0x1] =	stream.indirect_vreg.gather [hbm4b:s5+s4], $0x80, v3, vm0, $0xb8;
	[tilespmem:$0x1E400] =	vst v63  }
0x203: {  	_ =	swait.ge [sflag:s17], $0xF000  }
0x204: {  	[sflag:s17] =	ssyncset.done $0x0  }
0x205: {  	s8 =	rddreg [dreg:$0x8];
	[sflag:s17] =	ssyncadd.s32 $0xFFFF1000  }
0x206: {  	[hbm4b:s8+s4] =	stream.linear.scatter [tilespmem:s3], [sflag:$0x4], $0xF000, $0x38;
	[tilespmem:$0x1E400] =	vst v63  }
0x207: {  	_ =	swait.ge [sflag:s2], $0xF000  }
0x208: {  	[sflag:s2] =	ssyncset.done $0x0  }
0x209: {  	[sflag:s2] =	ssyncadd.s32 $0xFFFF1000  }
0x20a: {  	_ =	swait.ge [sflag:s7], $0xF000  }
0x20b: {  	[sflag:s7] =	ssyncset.done $0x0  }
0x20c: {  	[sflag:s7] =	ssyncadd.s32 $0xFFFF1000  }
0x20d: {  	_ =	swait.ge [sflag:s30], $0x78  }
0x20e: {  	[sflag:s30] =	ssyncset.done $0x0  }
0x20f: {  	[sflag:s30] =	ssyncadd.s32 $0xFFFFFF88  }
0x210: {  	_ =	swait.ge [sflag:s30], $0x78  }
0x211: {  	[sflag:s30] =	ssyncset.done $0x0  }
0x212: {  	[sflag:s30] =	ssyncadd.s32 $0xFFFFFF88  }
0x213: {  	_ =	swait.ge [sflag:s30], $0x78  }
0x214: {  	[sflag:s30] =	ssyncset.done $0x0  }
0x215: {  	[sflag:s30] =	ssyncadd.s32 $0xFFFFFF88  }
0x216: {  	_ =	swait.ge [sflag:s30], $0x78  }
0x217: {  	p0 =	sne.s32 s6, $0x1;
	s31 =	simm.s32 $0x1E200;
	[sflag:s30] =	ssyncset.done $0x0  }
.Ltmp0:
0x218: {  	s9 =	rddreg [dreg:$0x9];
	[sflag:s30] =	ssyncadd.s32 $0xFFFFFF88;
	(pc) =	sbr.rel @p0 .LBB2_1-.Ltmp0, $4  }
0x219: {  	[hbm4b:s9+s4] =	stream.linear.scatter [tilespmem:s31], [sflag:$0x5], $0x1E0, $0x38;
	[tilespmem:$0x1E400] =	vst v63  }
0x21a: {  	_ =	swait.ge [sflag:s28], $0x1E0  }
0x21b: {  	[sflag:s28] =	ssyncset.done $0x0  }
0x21c: {  	s6 =	sadd.s32 $0xFFFFFFFF, s6;
	[sflag:s28] =	ssyncadd.s32 $0xFFFFFE20  }
0x21d: {  	_ =	sfence.sel $0x180000  }
0x21e: {  	[bflag:$0x0] =	sbarrier.arrive $0xFFFF  }
0x21f: {  	_ =	strace $0x9000004A  }
0x220: {  	s0 =	stileid.u32;
	[bflag:$0x2] =	sbarrier.arrive $0xFFFF  }
0x221: {  	p0 =	sne.s32 s0, $0x0;
	s0 =	rddreg [dreg:$0x3]  }
0x222: {  	s0 =	sadd.s32 @!p0 $0x100000, s0  }
0x223: {  	[sflag:s0] =	ssyncadd.tile.s32 @!p0 $0x1;
	_ =	shalt  }
.Lfunc_end2:
_tile_overlayer_lowered:
.L_overlay_start_2:
0x224: {  	(tag) =	ssettag $0x2  }
0x225: {  	s0 =	rddreg [dreg:$0x0];
	s2 =	stileid.u32  }
0x226: {  	s1 =	rddreg [dreg:$0x1];
	p0 =	sne.s32 s2, $0x0  }
0x227: {  	s3 =	rddreg [dreg:$0x2];
	[bflag:$0x3] =	sbarrier.arrive $0xFFFF;
	s2 =	simm.s32 @!p0 $0x1C05  }
0x228: {  	[timem:s3], [sflag:s2] =	dma.local @!p0 [hbm:s0], s1  }
0x229: {  	s0 =	simm.s32 @!p0 $0x5  }
0x22a: {  	_ =	swait.ge @!p0 [sflag:s0], s1  }
0x22b: {  	s1 =	ssub.s32 @!p0 $0x0, s1;
	[sflag:s0] =	ssyncset.done @!p0 $0x0  }
0x22c: {  	[sflag:s0] =	ssyncadd.s32 @!p0 s1  }
0x22d: {  	[bflag:$0x3] =	sbarrier.arrive $0xFFFF  }
0x22e: {  	_ =	shalt  }

// kernel: kernel.16.cloned.1.call-start
scs
__scs_entry_jumppad:
0x0: {  	(pc) =	sbr.rel $0x88, $3  }
0x1: {  	(tag) =	ssettag $0x0;
	lr =	simm.s32 $0x1  }
0x2: {  	[smem:$0x3F9B] =	sst lr;
	_ =	strace $0xD0000000  }
0x3: {  	_ = 	snop  }
0x4: {  	_ = 	snop  }
0x5: {  	_ = 	snop  }
0x6: {  	_ = 	snop  }
0x7: {  	_ = 	snop  }
__scs_overlays_trampoline_lowered:
0x8: {  	[smem:$0x3FAA] =	sst s0  }
0x9: {  	[smem:$0x3FAB] =	sst s1  }
0xa: {  	[smem:$0x3FAC] =	sst s2  }
0xb: {  	[smem:$0x3FAD] =	sst s3  }
0xc: {  	[smem:$0x3FAE] =	sst s4  }
0xd: {  	[smem:$0x3FAF] =	sst s5  }
0xe: {  	[smem:$0x3FB0] =	sst s6  }
0xf: {  	[smem:$0x3FB1] =	sst s7  }
0x10: {  	[smem:$0x3FB2] =	sst s8  }
0x11: {  	[smem:$0x3FB3] =	sst s9;
	s0 =	simm.s32 @!p0 $0x0  }
0x12: {  	s1 =	sld [smem:$0x3F99];
	s0 =	simm.s32 @p0 $0x1  }
0x13: {  	[smem:$0x3FB4] =	sst s0;
	s0 =	simm.s32 @!p1 $0x0  }
0x14: {  	s2 =	sld [smem:$0x3F98];
	s0 =	simm.s32 @p1 $0x1  }
0x15: {  	[smem:$0x3FB5] =	sst s0;
	s0 =	simm.s32 @!p2 $0x0  }
0x16: {  	s3 =	sld [smem:$0x3FDB];
	s0 =	simm.s32 @p2 $0x1  }
0x17: {  	s4 =	simm.s32 $0x1BF5;
	[smem:$0x3FB7] =	sst s0  }
0x18: {  	s0 =	sld [smem:$0x3F9A];
	_ =	swait.ge [sflag:s4], $0x0  }
0x19: {  	s7 =	sld [smem:$0x3F9B]  }
0x1a: {  	s8 =	sadd.s32 $0xFFFFE003, lr  }
0x1b: {  	s9 =	sadd.s32 $0xFFFFFEF7, lr;
	s5 =	simm.s32 $0xFFFFFFFF;
	p2 =	slt.u32 s8, $0xFFFFF086  }
0x1c: {  	p1 =	slt.u32 s9, $0xF7A;
	s5 =	simm.s32 @!p2 $0x0  }
0x1d: {  	s5 =	simm.s32 @p1 $0x1;
	p0 =	seq.s32 s7, s2  }
0x1e: {  	s7 =	smul.u32 @!p0 $0xF7A, s2;
	p2 =	seq.s32 @!p0 s5, $0x0  }
0x1f: {  	s9 =	smul.u32 $0xF7A, s1;
	s8 =	simm.s32 @!p0 $0x1BF5;
	p2 =	por !p2, p0  }
0x20: {  	[sflag:s8] =	ssyncset.s32 @!p0 $0xFFFFF086;
	s6 =	sadd.s32 @!p0 s3, s7;
	s7 =	simm.s32 @!p0 $0x108  }
0x21: {  	s3 =	sadd.s32 s3, s9;
	s6 =	sadd.s32 @!p0 $0x88, s6;
	s7 =	simm.s32 @p2 $0x1082  }
0x22: {  	[simem:s7], [sflag:s8] =	dma.local @!p0 [hbm:s6], $0xF7A  }
0x23: {  	s9 =	sor.u32 $0xD0000000, s2;
	s6 =	simm.s32 $0x108;
	_ =	swait.ge @!p0 [sflag:s8], $0x0  }
0x24: {  	s3 =	sadd.s32 $0x88, s3;
	s6 =	simm.s32 @!p1 $0x1082;
	[sflag:s4] =	ssyncset.s32 $0xFFFFF086  }
0x25: {  	[simem:s6], [sflag:s4] =	dma.local [hbm:s3], $0xF7A  }
0x26: {  	[smem:$0x3F9B] =	sst s1;
	(tag) =	ssettag s2;
	_ =	strace s9  }
0x27: {  	s1 =	sld [smem:$0x3FAB]  }
0x28: {  	s2 =	sld [smem:$0x3FAC]  }
0x29: {  	s4 =	sld [smem:$0x3FAE]  }
0x2a: {  	p0 =	seq.s32 s5, $0x0;
	s5 =	sld [smem:$0x3FAF]  }
0x2b: {  	s6 =	sld [smem:$0x3FB0]  }
0x2c: {  	s7 =	sld [smem:$0x3FB1]  }
0x2d: {  	s3 =	simm.s32 $0x108;
	s8 =	sld [smem:$0x3FB2]  }
0x2e: {  	s3 =	simm.s32 @!p0 $0x1082;
	s9 =	sld [smem:$0x3FB3]  }
0x2f: {  	lr =	sadd.s32 s0, s3;
	s0 =	sld [smem:$0x3FAA]  }
0x30: {  	s3 =	sld [smem:$0x3FAD]  }
0x31: {  	[smem:$0x3FB6] =	sst s10  }
0x32: {  	s10 =	sld [smem:$0x3FB4];
	_ =	sdelay $0x3  }
0x33: {  	p0 =	seq.s32 s10, $0x1;
	s10 =	sld [smem:$0x3FB6];
	_ =	sdelay $0x3  }
0x34: {  	[smem:$0x3FB6] =	sst s10  }
0x35: {  	s10 =	sld [smem:$0x3FB5];
	_ =	sdelay $0x3  }
0x36: {  	p1 =	seq.s32 s10, $0x1;
	s10 =	sld [smem:$0x3FB6];
	_ =	sdelay $0x3  }
0x37: {  	[smem:$0x3FB6] =	sst s10  }
0x38: {  	s10 =	sld [smem:$0x3FB7]  }
0x39: {  	_ = 	snop;
	(pc) =	sbr.ind lr, $3  }
0x3a: {  	_ = 	snop  }
0x3b: {  	_ = 	snop  }
0x3c: {  	p2 =	seq.s32 s10, $0x1;
	s10 =	sld [smem:$0x3FB6]  }
0x3d: {  	_ =	shalt  }
0x3e: {  	_ =	shalt  }
0x3f: {  	_ =	shalt  }
0x40: {  	_ =	shalt  }
0x41: {  	_ =	shalt  }
0x42: {  	_ =	shalt  }
0x43: {  	_ =	shalt  }
0x44: {  	_ =	shalt  }
0x45: {  	_ =	shalt  }
0x46: {  	_ =	shalt  }
0x47: {  	_ =	shalt  }
0x48: {  	_ =	shalt  }
0x49: {  	_ =	shalt  }
0x4a: {  	_ =	shalt  }
0x4b: {  	_ =	shalt  }
0x4c: {  	_ =	shalt  }
0x4d: {  	_ =	shalt  }
0x4e: {  	_ =	shalt  }
0x4f: {  	_ =	shalt  }
0x50: {  	_ =	shalt  }
0x51: {  	_ =	shalt  }
0x52: {  	_ =	shalt  }
0x53: {  	_ =	shalt  }
0x54: {  	_ =	shalt  }
0x55: {  	_ =	shalt  }
0x56: {  	_ =	shalt  }
0x57: {  	_ =	shalt  }
0x58: {  	_ =	shalt  }
0x59: {  	_ =	shalt  }
0x5a: {  	_ =	shalt  }
0x5b: {  	_ =	shalt  }
0x5c: {  	_ =	shalt  }
0x5d: {  	_ =	shalt  }
0x5e: {  	_ =	shalt  }
0x5f: {  	_ =	shalt  }
0x60: {  	_ =	shalt  }
0x61: {  	_ =	shalt  }
0x62: {  	_ =	shalt  }
0x63: {  	_ =	shalt  }
0x64: {  	_ =	shalt  }
0x65: {  	_ =	shalt  }
0x66: {  	_ =	shalt  }
0x67: {  	_ =	shalt  }
0x68: {  	_ =	shalt  }
0x69: {  	_ =	shalt  }
0x6a: {  	_ =	shalt  }
0x6b: {  	_ =	shalt  }
0x6c: {  	_ =	shalt  }
0x6d: {  	_ =	shalt  }
0x6e: {  	_ =	shalt  }
0x6f: {  	_ =	shalt  }
0x70: {  	_ =	shalt  }
0x71: {  	_ =	shalt  }
0x72: {  	_ =	shalt  }
0x73: {  	_ =	shalt  }
0x74: {  	_ =	shalt  }
0x75: {  	_ =	shalt  }
0x76: {  	_ =	shalt  }
0x77: {  	_ =	shalt  }
0x78: {  	_ =	shalt  }
0x79: {  	_ =	shalt  }
0x7a: {  	_ =	shalt  }
0x7b: {  	_ =	shalt  }
0x7c: {  	_ =	shalt  }
0x7d: {  	_ =	shalt  }
0x7e: {  	_ =	shalt  }
0x7f: {  	_ =	shalt  }
0x80: {  	_ =	shalt  }
0x81: {  	_ =	shalt  }
0x82: {  	_ =	shalt  }
0x83: {  	_ =	shalt  }
0x84: {  	_ =	shalt  }
0x85: {  	_ =	shalt  }
0x86: {  	_ =	shalt  }
0x87: {  	_ =	shalt  }
.Lfunc_end0:
.L_simem_size_0:
called_computation.2_lowered:
.L_overlay_start_0:
0x88: {  	s2 =	sld [smem:$0x3FD9]  }
0x89: {  	s3 =	sld [smem:$0x3FFE];
	_ =	sdelay $0x1  }
0x8a: {  	s1 =	srdreg.scid  }
0x8b: {  	s0 =	sand.u32 $0x1, s1  }
0x8c: {  	s17 =	sshll.u32 s0, $0xA;
	s2 =	sadd.s32 s3, s2  }
0x8d: {  	s2 =	sadd.s32 s2, s17  }
0x8e: {  	[smem:$0x3FC2] =	sst s2  }
0x8f: {  	_ = 	snop  }
0x90: {  	s18 =	sld [smem:$0x3FC8]  }
0x91: {  	s4 =	sld [smem:$0x3FC6];
	(tm) =	ssettm $0x1  }
0x92: {  	s19 =	sld [smem:$0x3FFB];
	_ =	sdelay $0x3  }
0x93: {  	_ =	strace s19  }
0x94: {  	s2 =	sld [smem:$0x3FFC];
	_ =	sdelay $0x3  }
0x95: {  	_ =	strace s2  }
0x96: {  	s2 =	sld [smem:$0x3FFD];
	_ =	sdelay $0x3  }
0x97: {  	_ =	strace s2  }
0x98: {  	_ =	strace $0x8FFFFFFF  }
0x99: {  	s20 =	sld [smem:$0x3FDB];
	_ =	sdelay $0x1  }
0x9a: {  	s5 =	simm.s32 $_scs_section_size  }
0x9b: {  	s6 =	simm.s32 $_size__tile_overlayer_lowered;
	s7 =	simm.s32 $_tile_overlayer_lowered  }
0x9c: {  	s8 =	simm.s32 $0x1BFF;
	s21 =	sshll.u32 s7, $0x1;
	s5 =	sadd.s32 s5, s20  }
0x9d: {  	s22 =	simm.s32 $0x0;
	s6 =	sshll.u32 s6, $0x1;
	s7 =	sadd.s32 s21, s5  }
0x9e: {  	[timem:s22], [sflag:s8] =	dma.local [hbm:s7], s6  }
0x9f: {  	_ =	swait.ge [sflag:s8], s6  }
0xa0: {  	s6 =	ssub.s32 $0x0, s6;
	[sflag:s8] =	ssyncset.done $0x0  }
0xa1: {  	[sflag:s8] =	ssyncadd.s32 s6;
	_ =	sdelay $0x1  }
0xa2: {  	s23 =	simm.s32 $0x1B8B  }
0xa3: {  	_ =	swait.ge [sflag:s23], $0x1  }
0xa4: {  	[sflag:s23] =	ssyncset.done $0x0  }
0xa5: {  	[sflag:s23] =	ssyncadd.s32 $0xFFFFFFFF  }
0xa6: {  	s6 =	sld [smem:$0x0]  }
0xa7: {  	s7 =	sand.u32 $0xFFFFFFFE, s1  }
0xa8: {  	p0 =	sne.s32 s1, s7  }
0xa9: {  	s7 =	sshll.u32 @p0 s7, $0xE  }
0xaa: {  	s7 =	sadd.s32 @p0 $0x11B8D, s7;
	s8 =	sshll.u32 @p0 s6, $0x11  }
0xab: {  	s7 =	sor.u32 @p0 s8, s7  }
0xac: {  	[sflag:s7] =	ssyncadd.remote.s32 @p0 $0x1;
	_ =	sdelay $0x1  }
0xad: {  	s7 =	simm.s32 @p0 $0x1B8D  }
0xae: {  	_ =	swait.eq @p0 [sflag:s7], $0x1  }
0xaf: {  	[sflag:s7] =	ssyncadd.s32 @p0 $0xFFFFFFFF  }
0xb0: {  	s8 =	sshll.u32 @!p0 s1, $0xE  }
0xb1: {  	s8 =	sor.u32 @!p0 $0x4000, s8;
	s7 =	simm.s32 @!p0 $0x1B8D  }
0xb2: {  	s6 =	sshll.u32 @!p0 s6, $0x11;
	s8 =	sadd.s32 @!p0 $0x11B8D, s8;
	_ =	swait.eq @!p0 [sflag:s7], $0x1  }
0xb3: {  	s6 =	sor.u32 @!p0 s6, s8;
	[sflag:s7] =	ssyncadd.s32 @!p0 $0xFFFFFFFF  }
0xb4: {  	s25 =	simm.s32 $0x1B8E;
	s24 =	sld [smem:$0x3FFE];
	[sflag:s6] =	ssyncadd.remote.s32 @!p0 $0x1  }
0xb5: {  	s26 =	simm.s32 $execute0_lowered;
	[smem:$0x3FD2] =	sst s25  }
0xb6: {  	s7 =	sshll.u32 s26, $0x1;
	_ =	strace $0x8000004C;
	[dreg:$0x1] =	wrdreg $0xFFFFFFFF  }
0xb7: {  	s28 =	simm.s32 $_size_execute0_lowered;
	s5 =	sadd.s32 s5, s7;
	[dreg:$0x0] =	wrdreg $0x0  }
0xb8: {  	s7 =	sshll.u32 s28, $0x1;
	[dreg:$0x2] =	wrdreg s5  }
0xb9: {  	[dreg:$0x3] =	wrdreg s7  }
0xba: {  	[dreg:$0x4] =	wrdreg $0xC0  }
0xbb: {  	_ =	task [dreg:s22], $0x5FFFF  }
0xbc: {  	[dreg:$0x1] =	wrdreg $0xFFFFFFFF  }
0xbd: {  	[dreg:$0x0] =	wrdreg $0x60  }
0xbe: {  	[dreg:$0x2] =	wrdreg s18  }
0xbf: {  	[dreg:$0x3] =	wrdreg s4  }
0xc0: {  	[dreg:$0x4] =	wrdreg s24  }
0xc1: {  	[dreg:$0x5] =	wrdreg $0xB  }
0xc2: {  	_ =	task.clear_ibuf [dreg:s22], $0x6FFFF;
	_ =	strace $0x9000004C  }
0xc3: {  	s29 =	simm.s32 $0xB;
	_ =	strace $0x8000004E  }
0xc4: {  	_ =	swait.ge [sflag:s29], $0x1  }
0xc5: {  	[sflag:s29] =	ssyncadd.s32 $0xFFFFFFFF  }
0xc6: {  	_ =	strace $0x9000004E  }
0xc7: {  	_ =	sfence  }
0xc8: {  	s30 =	sld [smem:$0x0];
	_ =	sdelay $0x2  }
0xc9: {  	s31 =	sshll.u32 s1, $0xD;
	s1 =	sshrl.u32 s1, $0x2  }
0xca: {  	s4 =	sand.u32 $0x4000, s31;
	s1 =	sadd.s32 s1, s30  }
0xcb: {  	s0 =	sor.u32 s4, s0;
	s1 =	sshll.u32 s1, $0x11  }
0xcc: {  	s0 =	sor.u32 s1, s0  }
0xcd: {  	s0 =	sadd.s32 $0x8F2B, s0  }
0xce: {  	[sflag:s0] =	ssyncadd.remote.s32 $0x1  }
0xcf: {  	_ =	sfence.sel $0xFFFF  }
0xd0: {  	[dreg:$0x0] =	wrdreg $0xFFFFFFFF;
	(pc) =	sbr.abs _section_cstart, $3  }
0xd1: {  	[dreg:$0x1] =	wrdreg $0xFFFFFFFF  }
0xd2: {  	_ =	task.clear_ibuf [dreg:s22], $0x2FFFF;
	_ =	strace $0x9FFFFFFF  }
0xd3: {  	(tm) =	ssettm $0x7FFFFFFF  }
tec
execute0_lowered:
.L_overlay_start_1:
0x0: {  	(tag) =	ssettag $0x1  }
0x1: {  	s1 =	rddreg [dreg:$0x0];
	s0 =	srdreg.scid  }
0x2: {  	s2 =	stileid.u32;
	s5 =	rddreg [dreg:$0x2]  }
0x3: {  	s4 =	simm.s32 $0x0;
	s23 =	simm.s32 $0x1E278;
	s24 =	simm.s32 $0xF0  }
0x4: {  	s25 =	simm.s32 $0x1E2F0;
	s26 =	simm.s32 $0x168;
	s31 =	simm.s32 $0x1E368  }
0x5: {  	s17 =	simm.s32 $0x1;
	s30 =	simm.s32 $0x2;
	s28 =	simm.s32 $0x5  }
0x6: {  	s12 =	simm.s32 $0x2200;
	s13 =	simm.s32 $0x2A00;
	s14 =	simm.s32 $0x3200  }
0x7: {  	s15 =	simm.s32 $0x3A00;
	s16 =	simm.s32 $0x4200;
	[smem:$0x7FF] =	sst s4  }
0x8: {  	s11 =	simm.s32 $0x9200;
	_ =	strace $0x8000004D;
	[dreg:$0xa] =	wrdreg s23  }
0x9: {  	s10 =	simm.s32 $0xA200;
	s29 =	simm.s32 $0xB200;
	[dreg:$0xb] =	wrdreg s24  }
0xa: {  	s0 =	sand.u32 $0x1, s0;
	s2 =	sshll.u32 s2, $0x1;
	[dreg:$0xc] =	wrdreg s25  }
0xb: {  	s2 =	sor.u32 s0, s2;
	s0 =	ssub.s32 $0x2, s0;
	[dreg:$0xd] =	wrdreg s26  }
0xc: {  	[dreg:$0xe] =	wrdreg s31;
	s23 =	simm.s32 $0x6A00;
	s6 =	smul.u32 $0x3C, s2  }
0xd: {  	s24 =	simm.s32 $0x7200;
	s25 =	simm.s32 $0x7A00;
	s7 =	smul.u32 $0x3C000, s2  }
0xe: {  	s26 =	simm.s32 $0x8200;
	s2 =	smul.u32 $0x7800, s2;
	s6 =	sadd.s32 s6, s5  }
0xf: {  	s21 =	sshrl.u32 s0, $0x1;
	s5 =	sadd.s32 $0x1E6A00, s5;
	s8 =	sadd.s32 $0xF4A00, s6  }
0x10: {  	s7 =	sshrl.u32 s7, $0x3;
	s2 =	sadd.s32 s5, s2;
	[dreg:$0x4] =	wrdreg s8  }
0x11: {  	s5 =	sadd.s32 s5, s7;
	s22 =	sadd.s32 $0x1E6200, s6;
	[dreg:$0x5] =	wrdreg s2  }
0x12: {  	s0 =	ssub.s32 s0, s21;
	s18 =	sadd.s32 $0x1E00, s5;
	[dreg:$0x9] =	wrdreg s22  }
0x13: {  	s21 =	simm.s32 $0x5A00;
	s19 =	sadd.s32 $0x3C00, s5;
	[dreg:$0x6] =	wrdreg s18  }
0x14: {  	v2 =	vlaneseq.u32;
	s6 =	smax.u32 s0, $0x1;
	s20 =	sadd.s32 $0x5A00, s5;
	[dreg:$0x7] =	wrdreg s19  }
0x15: {  	vm0 =	vmmov $0xffff;
	v1 =	vshrl.u32 v2, $0x3;
	s5 =	sadd.s32 $0x100, s1;
	s22 =	simm.s32 $0x6200;
	[dreg:$0x8] =	wrdreg s20  }
0x16: {  	v0 =	vand.u32 $0x7, v2;
	v2 =	vor.u32 $0x8, v2;
	v1 =	vmul.u32 $0x8, v1;
	s18 =	simm.s32 $0x200;
	s19 =	simm.s32 $0x4A00;
	s20 =	simm.s32 $0x5200  }
.LBB2_1:
0x17: {  	s31 =	rddreg [dreg:$0x4]  }
0x18: {  	[tilespmem:s4], [sflag:$0x5] =	stream.linear.gather [hbm4b:s31+s4], $0x1E0, $0x38;
	[tilespmem:$0x1E400] =	vst v63  }
0x19: {  	_ =	swait.ge [sflag:s28], $0x1E0  }
0x1a: {  	[sflag:s28] =	ssyncset.done $0x0;
	s0 =	rddreg [dreg:$0xa]  }
0x1b: {  	s7 =	rddreg [dreg:$0xc];
	[sflag:s28] =	ssyncadd.s32 $0xFFFFFE20  }
0x1c: {  	s2 =	simm.s32 $0x1E200;
	s8 =	simm.s32 $0x78;
	s3 =	rddreg [dreg:$0x1]  }
0x1d: {  	[tilespmem:s2], [sflag:$0x2] =	stream.indirect.gather [hbm4b:s3+s8], $0x1, s4, s8, $0xb8;
	[tilespmem:$0x1E400] =	vst v63  }
0x1e: {  	s9 =	rddreg [dreg:$0xe]  }
0x1f: {  	[tilespmem:s0], [sflag:$0x2] =	stream.indirect.gather [hbm4b:s3+s8], $0x1, s8, s8, $0xb8;
	[tilespmem:$0x1E400] =	vst v63  }
0x20: {  	s2 =	rddreg [dreg:$0xb]  }
0x21: {  	[tilespmem:s7], [sflag:$0x2] =	stream.indirect.gather [hbm4b:s3+s8], $0x1, s2, s8, $0xb8;
	[tilespmem:$0x1E400] =	vst v63  }
0x22: {  	s0 =	rddreg [dreg:$0xd]  }
0x23: {  	[tilespmem:s9], [sflag:$0x2] =	stream.indirect.gather [hbm4b:s3+s8], $0x1, s0, s8, $0xb8;
	[tilespmem:$0x1E400] =	vst v63  }
0x24: {  	v3 =	vld [tilespmem:$0x0];
	_ =	sdelay $0x4  }
0x25: {  	v4 =	vshll.u32 v3, $0x2  }
0x26: {  	v3 =	vand.u32 $0x7, v3;
	v4 =	vand.u32 $0xFFFFFFE0, v4  }
0x27: {  	v3 =	vor.u32 v3, v4  }
0x28: {  	v4 =	vperm.xlane v3, v0;
	_ =	sdelay $0x1  }
0x29: {  	v4 =	vadd.s32 v1, v4;
	_ =	sdelay $0x1  }
0x2a: {  	v3 =	vperm.xlane v3, v2;
	_ =	sdelay $0x1  }
0x2b: {  	v3 =	vadd.s32 v1, v3  }
0x2c: {  	[tilespmem:s18], [sflag:$0x1] =	stream.indirect_vreg.gather [hbm4b:s1+s4], $0x80, v4, vm0, $0xb8;
	[tilespmem:$0x1E400] =	vst v63  }
0x2d: {  	s7 =	simm.s32 $0xA00  }
0x2e: {  	[tilespmem:s7], [sflag:$0x1] =	stream.indirect_vreg.gather [hbm4b:s5+s4], $0x80, v4, vm0, $0xb8;
	[tilespmem:$0x1E400] =	vst v63  }
0x2f: {  	s9 =	simm.s32 $0x1200  }
0x30: {  	[tilespmem:s9], [sflag:$0x1] =	stream.indirect_vreg.gather [hbm4b:s1+s4], $0x80, v3, vm0, $0xb8;
	[tilespmem:$0x1E400] =	vst v63  }
0x31: {  	s31 =	simm.s32 $0x1A00  }
0x32: {  	[tilespmem:s31], [sflag:$0x1] =	stream.indirect_vreg.gather [hbm4b:s5+s4], $0x80, v3, vm0, $0xb8;
	[tilespmem:$0x1E400] =	vst v63  }
0x33: {  	v3 =	vld [tilespmem:$0x10];
	_ =	sdelay $0x4  }
0x34: {  	v33 =	vshll.u32 v3, $0x2  }
0x35: {  	v3 =	vand.u32 $0x7, v3;
	v4 =	vand.u32 $0xFFFFFFE0, v33  }
0x36: {  	v3 =	vor.u32 v3, v4  }
0x37: {  	v4 =	vperm.xlane v3, v0;
	_ =	sdelay $0x1  }
0x38: {  	v4 =	vadd.s32 v1, v4;
	_ =	sdelay $0x1  }
0x39: {  	v3 =	vperm.xlane v3, v2;
	_ =	sdelay $0x1  }
0x3a: {  	v3 =	vadd.s32 v1, v3  }
0x3b: {  	[tilespmem:s12], [sflag:$0x1] =	stream.indirect_vreg.gather [hbm4b:s1+s4], $0x80, v4, vm0, $0xb8;
	[tilespmem:$0x1E400] =	vst v63  }
0x3c: {  	_ = 	snop  }
0x3d: {  	[tilespmem:s13], [sflag:$0x1] =	stream.indirect_vreg.gather [hbm4b:s5+s4], $0x80, v4, vm0, $0xb8;
	[tilespmem:$0x1E400] =	vst v63  }
0x3e: {  	_ = 	snop  }
0x3f: {  	[tilespmem:s14], [sflag:$0x1] =	stream.indirect_vreg.gather [hbm4b:s1+s4], $0x80, v3, vm0, $0xb8;
	[tilespmem:$0x1E400] =	vst v63  }
0x40: {  	_ = 	snop  }
0x41: {  	[tilespmem:s15], [sflag:$0x1] =	stream.indirect_vreg.gather [hbm4b:s5+s4], $0x80, v3, vm0, $0xb8;
	[tilespmem:$0x1E400] =	vst v63  }
0x42: {  	v3 =	vld [tilespmem:$0x20];
	_ =	sdelay $0x4  }
0x43: {  	v34 =	vshll.u32 v3, $0x2  }
0x44: {  	v3 =	vand.u32 $0x7, v3;
	v4 =	vand.u32 $0xFFFFFFE0, v34  }
0x45: {  	v3 =	vor.u32 v3, v4  }
0x46: {  	v4 =	vperm.xlane v3, v0;
	_ =	sdelay $0x1  }
0x47: {  	v4 =	vadd.s32 v1, v4;
	_ =	sdelay $0x1  }
0x48: {  	v3 =	vperm.xlane v3, v2;
	_ =	sdelay $0x1  }
0x49: {  	v3 =	vadd.s32 v1, v3  }
0x4a: {  	[tilespmem:s16], [sflag:$0x1] =	stream.indirect_vreg.gather [hbm4b:s1+s4], $0x80, v4, vm0, $0xb8;
	[tilespmem:$0x1E400] =	vst v63  }
0x4b: {  	_ = 	snop  }
0x4c: {  	[tilespmem:s19], [sflag:$0x1] =	stream.indirect_vreg.gather [hbm4b:s5+s4], $0x80, v4, vm0, $0xb8;
	[tilespmem:$0x1E400] =	vst v63  }
0x4d: {  	_ = 	snop  }
0x4e: {  	[tilespmem:s20], [sflag:$0x1] =	stream.indirect_vreg.gather [hbm4b:s1+s4], $0x80, v3, vm0, $0xb8;
	[tilespmem:$0x1E400] =	vst v63  }
0x4f: {  	_ = 	snop  }
0x50: {  	[tilespmem:s21], [sflag:$0x1] =	stream.indirect_vreg.gather [hbm4b:s5+s4], $0x80, v3, vm0, $0xb8;
	[tilespmem:$0x1E400] =	vst v63  }
0x51: {  	v3 =	vld [tilespmem:$0x30];
	_ =	sdelay $0x4  }
0x52: {  	v35 =	vshll.u32 v3, $0x2  }
0x53: {  	v3 =	vand.u32 $0x7, v3;
	v4 =	vand.u32 $0xFFFFFFE0, v35  }
0x54: {  	v3 =	vor.u32 v3, v4  }
0x55: {  	v4 =	vperm.xlane v3, v0;
	_ =	sdelay $0x1  }
0x56: {  	v4 =	vadd.s32 v1, v4;
	_ =	sdelay $0x1  }
0x57: {  	v3 =	vperm.xlane v3, v2;
	_ =	sdelay $0x1  }
0x58: {  	v3 =	vadd.s32 v1, v3  }
0x59: {  	[tilespmem:s22], [sflag:$0x1] =	stream.indirect_vreg.gather [hbm4b:s1+s4], $0x80, v4, vm0, $0xb8;
	[tilespmem:$0x1E400] =	vst v63  }
0x5a: {  	_ = 	snop  }
0x5b: {  	[tilespmem:s23], [sflag:$0x1] =	stream.indirect_vreg.gather [hbm4b:s5+s4], $0x80, v4, vm0, $0xb8;
	[tilespmem:$0x1E400] =	vst v63  }
0x5c: {  	_ = 	snop  }
0x5d: {  	[tilespmem:s24], [sflag:$0x1] =	stream.indirect_vreg.gather [hbm4b:s1+s4], $0x80, v3, vm0, $0xb8;
	[tilespmem:$0x1E400] =	vst v63  }
0x5e: {  	_ = 	snop  }
0x5f: {  	[tilespmem:s25], [sflag:$0x1] =	stream.indirect_vreg.gather [hbm4b:s5+s4], $0x80, v3, vm0, $0xb8;
	[tilespmem:$0x1E400] =	vst v63  }
0x60: {  	v3 =	vld [tilespmem:$0x40];
	_ =	sdelay $0x4  }
0x61: {  	v36 =	vshll.u32 v3, $0x2  }
0x62: {  	v3 =	vand.u32 $0x7, v3;
	v4 =	vand.u32 $0xFFFFFFE0, v36  }
0x63: {  	v3 =	vor.u32 v3, v4  }
0x64: {  	v4 =	vperm.xlane v3, v0;
	_ =	sdelay $0x1  }
0x65: {  	v4 =	vadd.s32 v1, v4;
	_ =	sdelay $0x1  }
0x66: {  	v3 =	vperm.xlane v3, v2;
	_ =	sdelay $0x1  }
0x67: {  	v3 =	vadd.s32 v1, v3  }
0x68: {  	[tilespmem:s26], [sflag:$0x1] =	stream.indirect_vreg.gather [hbm4b:s1+s4], $0x80, v4, vm0, $0xb8;
	[tilespmem:$0x1E400] =	vst v63  }
0x69: {  	s8 =	simm.s32 $0x8A00  }
0x6a: {  	[tilespmem:s8], [sflag:$0x1] =	stream.indirect_vreg.gather [hbm4b:s5+s4], $0x80, v4, vm0, $0xb8;
	[tilespmem:$0x1E400] =	vst v63  }
0x6b: {  	_ = 	snop  }
0x6c: {  	[tilespmem:s11], [sflag:$0x1] =	stream.indirect_vreg.gather [hbm4b:s1+s4], $0x80, v3, vm0, $0xb8;
	[tilespmem:$0x1E400] =	vst v63  }
0x6d: {  	s8 =	simm.s32 $0x9A00  }
0x6e: {  	[tilespmem:s8], [sflag:$0x1] =	stream.indirect_vreg.gather [hbm4b:s5+s4], $0x80, v3, vm0, $0xb8;
	[tilespmem:$0x1E400] =	vst v63  }
0x6f: {  	v3 =	vld [tilespmem:$0x50];
	_ =	sdelay $0x4  }
0x70: {  	v37 =	vshll.u32 v3, $0x2  }
0x71: {  	v3 =	vand.u32 $0x7, v3;
	v4 =	vand.u32 $0xFFFFFFE0, v37  }
0x72: {  	v3 =	vor.u32 v3, v4  }
0x73: {  	v4 =	vperm.xlane v3, v0;
	_ =	sdelay $0x1  }
0x74: {  	v4 =	vadd.s32 v1, v4;
	_ =	sdelay $0x1  }
0x75: {  	v3 =	vperm.xlane v3, v2;
	_ =	sdelay $0x1  }
0x76: {  	v3 =	vadd.s32 v1, v3  }
0x77: {  	[tilespmem:s10], [sflag:$0x1] =	stream.indirect_vreg.gather [hbm4b:s1+s4], $0x80, v4, vm0, $0xb8;
	[tilespmem:$0x1E400] =	vst v63  }
0x78: {  	s7 =	simm.s32 $0xAA00  }
0x79: {  	[tilespmem:s7], [sflag:$0x1] =	stream.indirect_vreg.gather [hbm4b:s5+s4], $0x80, v4, vm0, $0xb8;
	[tilespmem:$0x1E400] =	vst v63  }
0x7a: {  	_ = 	snop  }
0x7b: {  	[tilespmem:s29], [sflag:$0x1] =	stream.indirect_vreg.gather [hbm4b:s1+s4], $0x80, v3, vm0, $0xb8;
	[tilespmem:$0x1E400] =	vst v63  }
0x7c: {  	s2 =	simm.s32 $0xBA00  }
0x7d: {  	[tilespmem:s2], [sflag:$0x1] =	stream.indirect_vreg.gather [hbm4b:s5+s4], $0x80, v3, vm0, $0xb8;
	[tilespmem:$0x1E400] =	vst v63  }
0x7e: {  	v3 =	vld [tilespmem:$0x60];
	_ =	sdelay $0x4  }
0x7f: {  	v38 =	vshll.u32 v3, $0x2  }
0x80: {  	v3 =	vand.u32 $0x7, v3;
	v4 =	vand.u32 $0xFFFFFFE0, v38  }
0x81: {  	v3 =	vor.u32 v3, v4  }
0x82: {  	v4 =	vperm.xlane v3, v0;
	_ =	sdelay $0x1  }
0x83: {  	v4 =	vadd.s32 v1, v4;
	_ =	sdelay $0x1  }
0x84: {  	v3 =	vperm.xlane v3, v2;
	_ =	sdelay $0x1  }
0x85: {  	s3 =	simm.s32 $0xC200;
	v3 =	vadd.s32 v1, v3  }
0x86: {  	[tilespmem:s3], [sflag:$0x1] =	stream.indirect_vreg.gather [hbm4b:s1+s4], $0x80, v4, vm0, $0xb8;
	[tilespmem:$0x1E400] =	vst v63  }
0x87: {  	s2 =	simm.s32 $0xCA00  }
0x88: {  	[tilespmem:s2], [sflag:$0x1] =	stream.indirect_vreg.gather [hbm4b:s5+s4], $0x80, v4, vm0, $0xb8;
	[tilespmem:$0x1E400] =	vst v63  }
0x89: {  	s3 =	simm.s32 $0xD200  }
0x8a: {  	[tilespmem:s3], [sflag:$0x1] =	stream.indirect_vreg.gather [hbm4b:s1+s4], $0x80, v3, vm0, $0xb8;
	[tilespmem:$0x1E400] =	vst v63  }
0x8b: {  	s2 =	simm.s32 $0xDA00  }
0x8c: {  	[tilespmem:s2], [sflag:$0x1] =	stream.indirect_vreg.gather [hbm4b:s5+s4], $0x80, v3, vm0, $0xb8;
	[tilespmem:$0x1E400] =	vst v63  }
0x8d: {  	v3 =	vld.msk [tilespmem:$0x70], $0xff;
	_ =	sdelay $0x4  }
0x8e: {  	v39 =	vshll.u32 v3, $0x2  }
0x8f: {  	v3 =	vand.u32 $0x7, v3;
	v4 =	vand.u32 $0xFFFFFFE0, v39  }
0x90: {  	v3 =	vor.u32 v3, v4  }
0x91: {  	v3 =	vperm.xlane v3, v0;
	_ =	sdelay $0x1  }
0x92: {  	v3 =	vadd.s32 v1, v3;
	_ =	sdelay $0x3  }
0x93: {  	s3 =	simm.s32 $0xE200  }
0x94: {  	[tilespmem:s3], [sflag:$0x1] =	stream.indirect_vreg.gather [hbm4b:s1+s4], $0x80, v3, vm0, $0xb8;
	[tilespmem:$0x1E400] =	vst v63  }
0x95: {  	s2 =	simm.s32 $0xEA00  }
0x96: {  	[tilespmem:s2], [sflag:$0x1] =	stream.indirect_vreg.gather [hbm4b:s5+s4], $0x80, v3, vm0, $0xb8;
	[tilespmem:$0x1E400] =	vst v63  }
0x97: {  	_ =	swait.ge [sflag:s17], $0xF000  }
0x98: {  	[sflag:s17] =	ssyncset.done $0x0  }
0x99: {  	s3 =	rddreg [dreg:$0x5];
	[sflag:s17] =	ssyncadd.s32 $0xFFFF1000  }
0x9a: {  	[hbm4b:s3+s4] =	stream.linear.scatter [tilespmem:s18], [sflag:$0x3], $0xF000, $0x38;
	[tilespmem:$0x1E400] =	vst v63  }
0x9b: {  	v3 =	vld [tilespmem:$0x78];
	_ =	sdelay $0x4  }
0x9c: {  	v40 =	vshll.u32 v3, $0x2  }
0x9d: {  	v3 =	vand.u32 $0x7, v3;
	v4 =	vand.u32 $0xFFFFFFE0, v40  }
0x9e: {  	v3 =	vor.u32 v3, v4  }
0x9f: {  	v4 =	vperm.xlane v3, v0;
	_ =	sdelay $0x1  }
0xa0: {  	v4 =	vadd.s32 v1, v4;
	_ =	sdelay $0x1  }
0xa1: {  	v3 =	vperm.xlane v3, v2;
	_ =	sdelay $0x1  }
0xa2: {  	s3 =	simm.s32 $0xF200;
	v3 =	vadd.s32 v1, v3  }
0xa3: {  	[tilespmem:s3], [sflag:$0x1] =	stream.indirect_vreg.gather [hbm4b:s1+s4], $0x80, v4, vm0, $0xb8;
	[tilespmem:$0x1E400] =	vst v63  }
0xa4: {  	s2 =	simm.s32 $0xFA00  }
0xa5: {  	[tilespmem:s2], [sflag:$0x1] =	stream.indirect_vreg.gather [hbm4b:s5+s4], $0x80, v4, vm0, $0xb8;
	[tilespmem:$0x1E400] =	vst v63  }
0xa6: {  	s2 =	simm.s32 $0x10200  }
0xa7: {  	[tilespmem:s2], [sflag:$0x1] =	stream.indirect_vreg.gather [hbm4b:s1+s4], $0x80, v3, vm0, $0xb8;
	[tilespmem:$0x1E400] =	vst v63  }
0xa8: {  	s2 =	simm.s32 $0x10A00  }
0xa9: {  	[tilespmem:s2], [sflag:$0x1] =	stream.indirect_vreg.gather [hbm4b:s5+s4], $0x80, v3, vm0, $0xb8;
	[tilespmem:$0x1E400] =	vst v63  }
0xaa: {  	v3 =	vld [tilespmem:$0x88];
	_ =	sdelay $0x4  }
0xab: {  	v41 =	vshll.u32 v3, $0x2  }
0xac: {  	v3 =	vand.u32 $0x7, v3;
	v4 =	vand.u32 $0xFFFFFFE0, v41  }
0xad: {  	v3 =	vor.u32 v3, v4  }
0xae: {  	v4 =	vperm.xlane v3, v0;
	_ =	sdelay $0x1  }
0xaf: {  	v4 =	vadd.s32 v1, v4;
	_ =	sdelay $0x1  }
0xb0: {  	v3 =	vperm.xlane v3, v2;
	_ =	sdelay $0x1  }
0xb1: {  	s2 =	simm.s32 $0x11200;
	v3 =	vadd.s32 v1, v3  }
0xb2: {  	[tilespmem:s2], [sflag:$0x1] =	stream.indirect_vreg.gather [hbm4b:s1+s4], $0x80, v4, vm0, $0xb8;
	[tilespmem:$0x1E400] =	vst v63  }
0xb3: {  	s2 =	simm.s32 $0x11A00  }
0xb4: {  	[tilespmem:s2], [sflag:$0x1] =	stream.indirect_vreg.gather [hbm4b:s5+s4], $0x80, v4, vm0, $0xb8;
	[tilespmem:$0x1E400] =	vst v63  }
0xb5: {  	s2 =	simm.s32 $0x12200  }
0xb6: {  	[tilespmem:s2], [sflag:$0x1] =	stream.indirect_vreg.gather [hbm4b:s1+s4], $0x80, v3, vm0, $0xb8;
	[tilespmem:$0x1E400] =	vst v63  }
0xb7: {  	s2 =	simm.s32 $0x12A00  }
0xb8: {  	[tilespmem:s2], [sflag:$0x1] =	stream.indirect_vreg.gather [hbm4b:s5+s4], $0x80, v3, vm0, $0xb8;
	[tilespmem:$0x1E400] =	vst v63  }
0xb9: {  	v3 =	vld [tilespmem:$0x98];
	_ =	sdelay $0x4  }
0xba: {  	v42 =	vshll.u32 v3, $0x2  }
0xbb: {  	v3 =	vand.u32 $0x7, v3;
	v4 =	vand.u32 $0xFFFFFFE0, v42  }
0xbc: {  	v3 =	vor.u32 v3, v4  }
0xbd: {  	v4 =	vperm.xlane v3, v0;
	_ =	sdelay $0x1  }
0xbe: {  	v4 =	vadd.s32 v1, v4;
	_ =	sdelay $0x1  }
0xbf: {  	v3 =	vperm.xlane v3, v2;
	_ =	sdelay $0x1  }
0xc0: {  	s2 =	simm.s32 $0x13200;
	v3 =	vadd.s32 v1, v3  }
0xc1: {  	[tilespmem:s2], [sflag:$0x1] =	stream.indirect_vreg.gather [hbm4b:s1+s4], $0x80, v4, vm0, $0xb8;
	[tilespmem:$0x1E400] =	vst v63  }
0xc2: {  	s2 =	simm.s32 $0x13A00  }
0xc3: {  	[tilespmem:s2], [sflag:$0x1] =	stream.indirect_vreg.gather [hbm4b:s5+s4], $0x80, v4, vm0, $0xb8;
	[tilespmem:$0x1E400] =	vst v63  }
0xc4: {  	s2 =	simm.s32 $0x14200  }
0xc5: {  	[tilespmem:s2], [sflag:$0x1] =	stream.indirect_vreg.gather [hbm4b:s1+s4], $0x80, v3, vm0, $0xb8;
	[tilespmem:$0x1E400] =	vst v63  }
0xc6: {  	s2 =	simm.s32 $0x14A00  }
0xc7: {  	[tilespmem:s2], [sflag:$0x1] =	stream.indirect_vreg.gather [hbm4b:s5+s4], $0x80, v3, vm0, $0xb8;
	[tilespmem:$0x1E400] =	vst v63  }
0xc8: {  	v3 =	vld [tilespmem:$0xA8];
	_ =	sdelay $0x4  }
0xc9: {  	v43 =	vshll.u32 v3, $0x2  }
0xca: {  	v3 =	vand.u32 $0x7, v3;
	v4 =	vand.u32 $0xFFFFFFE0, v43  }
0xcb: {  	v3 =	vor.u32 v3, v4  }
0xcc: {  	v4 =	vperm.xlane v3, v0;
	_ =	sdelay $0x1  }
0xcd: {  	v4 =	vadd.s32 v1, v4;
	_ =	sdelay $0x1  }
0xce: {  	v3 =	vperm.xlane v3, v2;
	_ =	sdelay $0x1  }
0xcf: {  	s2 =	simm.s32 $0x15200;
	v3 =	vadd.s32 v1, v3  }
0xd0: {  	[tilespmem:s2], [sflag:$0x1] =	stream.indirect_vreg.gather [hbm4b:s1+s4], $0x80, v4, vm0, $0xb8;
	[tilespmem:$0x1E400] =	vst v63  }
0xd1: {  	s2 =	simm.s32 $0x15A00  }
0xd2: {  	[tilespmem:s2], [sflag:$0x1] =	stream.indirect_vreg.gather [hbm4b:s5+s4], $0x80, v4, vm0, $0xb8;
	[tilespmem:$0x1E400] =	vst v63  }
0xd3: {  	s2 =	simm.s32 $0x16200  }
0xd4: {  	[tilespmem:s2], [sflag:$0x1] =	stream.indirect_vreg.gather [hbm4b:s1+s4], $0x80, v3, vm0, $0xb8;
	[tilespmem:$0x1E400] =	vst v63  }
0xd5: {  	s2 =	simm.s32 $0x16A00  }
0xd6: {  	[tilespmem:s2], [sflag:$0x1] =	stream.indirect_vreg.gather [hbm4b:s5+s4], $0x80, v3, vm0, $0xb8;
	[tilespmem:$0x1E400] =	vst v63  }
0xd7: {  	v3 =	vld [tilespmem:$0xB8];
	_ =	sdelay $0x4  }
0xd8: {  	v44 =	vshll.u32 v3, $0x2  }
0xd9: {  	v3 =	vand.u32 $0x7, v3;
	v4 =	vand.u32 $0xFFFFFFE0, v44  }
0xda: {  	v3 =	vor.u32 v3, v4  }
0xdb: {  	v4 =	vperm.xlane v3, v0;
	_ =	sdelay $0x1  }
0xdc: {  	v4 =	vadd.s32 v1, v4;
	_ =	sdelay $0x1  }
0xdd: {  	v3 =	vperm.xlane v3, v2;
	_ =	sdelay $0x1  }
0xde: {  	s2 =	simm.s32 $0x17200;
	v3 =	vadd.s32 v1, v3  }
0xdf: {  	[tilespmem:s2], [sflag:$0x1] =	stream.indirect_vreg.gather [hbm4b:s1+s4], $0x80, v4, vm0, $0xb8;
	[tilespmem:$0x1E400] =	vst v63  }
0xe0: {  	s2 =	simm.s32 $0x17A00  }
0xe1: {  	[tilespmem:s2], [sflag:$0x1] =	stream.indirect_vreg.gather [hbm4b:s5+s4], $0x80, v4, vm0, $0xb8;
	[tilespmem:$0x1E400] =	vst v63  }
0xe2: {  	s2 =	simm.s32 $0x18200  }
0xe3: {  	[tilespmem:s2], [sflag:$0x1] =	stream.indirect_vreg.gather [hbm4b:s1+s4], $0x80, v3, vm0, $0xb8;
	[tilespmem:$0x1E400] =	vst v63  }
0xe4: {  	s2 =	simm.s32 $0x18A00  }
0xe5: {  	[tilespmem:s2], [sflag:$0x1] =	stream.indirect_vreg.gather [hbm4b:s5+s4], $0x80, v3, vm0, $0xb8;
	[tilespmem:$0x1E400] =	vst v63  }
0xe6: {  	v3 =	vld [tilespmem:$0xC8];
	_ =	sdelay $0x4  }
0xe7: {  	v45 =	vshll.u32 v3, $0x2  }
0xe8: {  	v3 =	vand.u32 $0x7, v3;
	v4 =	vand.u32 $0xFFFFFFE0, v45  }
0xe9: {  	v3 =	vor.u32 v3, v4  }
0xea: {  	v4 =	vperm.xlane v3, v0;
	_ =	sdelay $0x1  }
0xeb: {  	v4 =	vadd.s32 v1, v4;
	_ =	sdelay $0x1  }
0xec: {  	v3 =	vperm.xlane v3, v2;
	_ =	sdelay $0x1  }
0xed: {  	s2 =	simm.s32 $0x19200;
	v3 =	vadd.s32 v1, v3  }
0xee: {  	[tilespmem:s2], [sflag:$0x1] =	stream.indirect_vreg.gather [hbm4b:s1+s4], $0x80, v4, vm0, $0xb8;
	[tilespmem:$0x1E400] =	vst v63  }
0xef: {  	s2 =	simm.s32 $0x19A00  }
0xf0: {  	[tilespmem:s2], [sflag:$0x1] =	stream.indirect_vreg.gather [hbm4b:s5+s4], $0x80, v4, vm0, $0xb8;
	[tilespmem:$0x1E400] =	vst v63  }
0xf1: {  	s2 =	simm.s32 $0x1A200  }
0xf2: {  	[tilespmem:s2], [sflag:$0x1] =	stream.indirect_vreg.gather [hbm4b:s1+s4], $0x80, v3, vm0, $0xb8;
	[tilespmem:$0x1E400] =	vst v63  }
0xf3: {  	s2 =	simm.s32 $0x1AA00  }
0xf4: {  	[tilespmem:s2], [sflag:$0x1] =	stream.indirect_vreg.gather [hbm4b:s5+s4], $0x80, v3, vm0, $0xb8;
	[tilespmem:$0x1E400] =	vst v63  }
0xf5: {  	v3 =	vld [tilespmem:$0xD8];
	_ =	sdelay $0x4  }
0xf6: {  	v46 =	vshll.u32 v3, $0x2  }
0xf7: {  	v3 =	vand.u32 $0x7, v3;
	v4 =	vand.u32 $0xFFFFFFE0, v46  }
0xf8: {  	v3 =	vor.u32 v3, v4  }
0xf9: {  	v4 =	vperm.xlane v3, v0;
	_ =	sdelay $0x1  }
0xfa: {  	v4 =	vadd.s32 v1, v4;
	_ =	sdelay $0x1  }
0xfb: {  	v3 =	vperm.xlane v3, v2;
	_ =	sdelay $0x1  }
0xfc: {  	s2 =	simm.s32 $0x1B200;
	v3 =	vadd.s32 v1, v3  }
0xfd: {  	[tilespmem:s2], [sflag:$0x1] =	stream.indirect_vreg.gather [hbm4b:s1+s4], $0x80, v4, vm0, $0xb8;
	[tilespmem:$0x1E400] =	vst v63  }
0xfe: {  	s2 =	simm.s32 $0x1BA00  }
0xff: {  	[tilespmem:s2], [sflag:$0x1] =	stream.indirect_vreg.gather [hbm4b:s5+s4], $0x80, v4, vm0, $0xb8;
	[tilespmem:$0x1E400] =	vst v63  }
0x100: {  	s2 =	simm.s32 $0x1C200  }
0x101: {  	[tilespmem:s2], [sflag:$0x1] =	stream.indirect_vreg.gather [hbm4b:s1+s4], $0x80, v3, vm0, $0xb8;
	[tilespmem:$0x1E400] =	vst v63  }
0x102: {  	s2 =	simm.s32 $0x1CA00  }
0x103: {  	[tilespmem:s2], [sflag:$0x1] =	stream.indirect_vreg.gather [hbm4b:s5+s4], $0x80, v3, vm0, $0xb8;
	[tilespmem:$0x1E400] =	vst v63  }
0x104: {  	v3 =	vld.msk [tilespmem:$0xE8], $0xff;
	_ =	sdelay $0x4  }
0x105: {  	v47 =	vshll.u32 v3, $0x2  }
0x106: {  	v3 =	vand.u32 $0x7, v3;
	v4 =	vand.u32 $0xFFFFFFE0, v47  }
0x107: {  	v3 =	vor.u32 v3, v4  }
0x108: {  	v3 =	vperm.xlane v3, v0;
	_ =	sdelay $0x1  }
0x109: {  	v3 =	vadd.s32 v1, v3;
	_ =	sdelay $0x3  }
0x10a: {  	s2 =	simm.s32 $0x1D200  }
0x10b: {  	[tilespmem:s2], [sflag:$0x1] =	stream.indirect_vreg.gather [hbm4b:s1+s4], $0x80, v3, vm0, $0xb8;
	[tilespmem:$0x1E400] =	vst v63  }
0x10c: {  	s2 =	simm.s32 $0x1DA00  }
0x10d: {  	[tilespmem:s2], [sflag:$0x1] =	stream.indirect_vreg.gather [hbm4b:s5+s4], $0x80, v3, vm0, $0xb8;
	[tilespmem:$0x1E400] =	vst v63  }
0x10e: {  	_ =	swait.ge [sflag:s17], $0xF000  }
0x10f: {  	[sflag:s17] =	ssyncset.done $0x0  }
0x110: {  	s2 =	rddreg [dreg:$0x6];
	[sflag:s17] =	ssyncadd.s32 $0xFFFF1000  }
0x111: {  	[hbm4b:s2+s4] =	stream.linear.scatter [tilespmem:s3], [sflag:$0x4], $0xF000, $0x38;
	[tilespmem:$0x1E400] =	vst v63  }
0x112: {  	s2 =	simm.s32 $0x3  }
0x113: {  	_ =	swait.ge [sflag:s2], $0xF000  }
0x114: {  	[sflag:s2] =	ssyncset.done $0x0  }
0x115: {  	[sflag:s2] =	ssyncadd.s32 $0xFFFF1000  }
0x116: {  	v3 =	vld [tilespmem:$0xF0];
	_ =	sdelay $0x4  }
0x117: {  	v48 =	vshll.u32 v3, $0x2  }
0x118: {  	v3 =	vand.u32 $0x7, v3;
	v4 =	vand.u32 $0xFFFFFFE0, v48  }
0x119: {  	v3 =	vor.u32 v3, v4  }
0x11a: {  	v4 =	vperm.xlane v3, v0;
	_ =	sdelay $0x1  }
0x11b: {  	v4 =	vadd.s32 v1, v4;
	_ =	sdelay $0x1  }
0x11c: {  	v3 =	vperm.xlane v3, v2;
	_ =	sdelay $0x1  }
0x11d: {  	v3 =	vadd.s32 v1, v3  }
0x11e: {  	[tilespmem:s18], [sflag:$0x1] =	stream.indirect_vreg.gather [hbm4b:s1+s4], $0x80, v4, vm0, $0xb8;
	[tilespmem:$0x1E400] =	vst v63  }
0x11f: {  	s0 =	simm.s32 $0xA00  }
0x120: {  	[tilespmem:s0], [sflag:$0x1] =	stream.indirect_vreg.gather [hbm4b:s5+s4], $0x80, v4, vm0, $0xb8;
	[tilespmem:$0x1E400] =	vst v63  }
0x121: {  	_ = 	snop  }
0x122: {  	[tilespmem:s9], [sflag:$0x1] =	stream.indirect_vreg.gather [hbm4b:s1+s4], $0x80, v3, vm0, $0xb8;
	[tilespmem:$0x1E400] =	vst v63  }
0x123: {  	_ = 	snop  }
0x124: {  	[tilespmem:s31], [sflag:$0x1] =	stream.indirect_vreg.gather [hbm4b:s5+s4], $0x80, v3, vm0, $0xb8;
	[tilespmem:$0x1E400] =	vst v63  }
0x125: {  	v3 =	vld [tilespmem:$0x100];
	_ =	sdelay $0x4  }
0x126: {  	v49 =	vshll.u32 v3, $0x2  }
0x127: {  	v3 =	vand.u32 $0x7, v3;
	v4 =	vand.u32 $0xFFFFFFE0, v49  }
0x128: {  	v3 =	vor.u32 v3, v4  }
0x129: {  	v4 =	vperm.xlane v3, v0;
	_ =	sdelay $0x1  }
0x12a: {  	v4 =	vadd.s32 v1, v4;
	_ =	sdelay $0x1  }
0x12b: {  	v3 =	vperm.xlane v3, v2;
	_ =	sdelay $0x1  }
0x12c: {  	v3 =	vadd.s32 v1, v3  }
0x12d: {  	[tilespmem:s12], [sflag:$0x1] =	stream.indirect_vreg.gather [hbm4b:s1+s4], $0x80, v4, vm0, $0xb8;
	[tilespmem:$0x1E400] =	vst v63  }
0x12e: {  	_ = 	snop  }
0x12f: {  	[tilespmem:s13], [sflag:$0x1] =	stream.indirect_vreg.gather [hbm4b:s5+s4], $0x80, v4, vm0, $0xb8;
	[tilespmem:$0x1E400] =	vst v63  }
0x130: {  	_ = 	snop  }
0x131: {  	[tilespmem:s14], [sflag:$0x1] =	stream.indirect_vreg.gather [hbm4b:s1+s4], $0x80, v3, vm0, $0xb8;
	[tilespmem:$0x1E400] =	vst v63  }
0x132: {  	_ = 	snop  }
0x133: {  	[tilespmem:s15], [sflag:$0x1] =	stream.indirect_vreg.gather [hbm4b:s5+s4], $0x80, v3, vm0, $0xb8;
	[tilespmem:$0x1E400] =	vst v63  }
0x134: {  	v3 =	vld [tilespmem:$0x110];
	_ =	sdelay $0x4  }
0x135: {  	v50 =	vshll.u32 v3, $0x2  }
0x136: {  	v3 =	vand.u32 $0x7, v3;
	v4 =	vand.u32 $0xFFFFFFE0, v50  }
0x137: {  	v3 =	vor.u32 v3, v4  }
0x138: {  	v4 =	vperm.xlane v3, v0;
	_ =	sdelay $0x1  }
0x139: {  	v4 =	vadd.s32 v1, v4;
	_ =	sdelay $0x1  }
0x13a: {  	v3 =	vperm.xlane v3, v2;
	_ =	sdelay $0x1  }
0x13b: {  	v3 =	vadd.s32 v1, v3  }
0x13c: {  	[tilespmem:s16], [sflag:$0x1] =	stream.indirect_vreg.gather [hbm4b:s1+s4], $0x80, v4, vm0, $0xb8;
	[tilespmem:$0x1E400] =	vst v63  }
0x13d: {  	_ = 	snop  }
0x13e: {  	[tilespmem:s19], [sflag:$0x1] =	stream.indirect_vreg.gather [hbm4b:s5+s4], $0x80, v4, vm0, $0xb8;
	[tilespmem:$0x1E400] =	vst v63  }
0x13f: {  	_ = 	snop  }
0x140: {  	[tilespmem:s20], [sflag:$0x1] =	stream.indirect_vreg.gather [hbm4b:s1+s4], $0x80, v3, vm0, $0xb8;
	[tilespmem:$0x1E400] =	vst v63  }
0x141: {  	_ = 	snop  }
0x142: {  	[tilespmem:s21], [sflag:$0x1] =	stream.indirect_vreg.gather [hbm4b:s5+s4], $0x80, v3, vm0, $0xb8;
	[tilespmem:$0x1E400] =	vst v63  }
0x143: {  	v3 =	vld [tilespmem:$0x120];
	_ =	sdelay $0x4  }
0x144: {  	v51 =	vshll.u32 v3, $0x2  }
0x145: {  	v3 =	vand.u32 $0x7, v3;
	v4 =	vand.u32 $0xFFFFFFE0, v51  }
0x146: {  	v3 =	vor.u32 v3, v4  }
0x147: {  	v4 =	vperm.xlane v3, v0;
	_ =	sdelay $0x1  }
0x148: {  	v4 =	vadd.s32 v1, v4;
	_ =	sdelay $0x1  }
0x149: {  	v3 =	vperm.xlane v3, v2;
	_ =	sdelay $0x1  }
0x14a: {  	v3 =	vadd.s32 v1, v3  }
0x14b: {  	[tilespmem:s22], [sflag:$0x1] =	stream.indirect_vreg.gather [hbm4b:s1+s4], $0x80, v4, vm0, $0xb8;
	[tilespmem:$0x1E400] =	vst v63  }
0x14c: {  	_ = 	snop  }
0x14d: {  	[tilespmem:s23], [sflag:$0x1] =	stream.indirect_vreg.gather [hbm4b:s5+s4], $0x80, v4, vm0, $0xb8;
	[tilespmem:$0x1E400] =	vst v63  }
0x14e: {  	_ = 	snop  }
0x14f: {  	[tilespmem:s24], [sflag:$0x1] =	stream.indirect_vreg.gather [hbm4b:s1+s4], $0x80, v3, vm0, $0xb8;
	[tilespmem:$0x1E400] =	vst v63  }
0x150: {  	_ = 	snop  }
0x151: {  	[tilespmem:s25], [sflag:$0x1] =	stream.indirect_vreg.gather [hbm4b:s5+s4], $0x80, v3, vm0, $0xb8;
	[tilespmem:$0x1E400] =	vst v63  }
0x152: {  	v3 =	vld [tilespmem:$0x130];
	_ =	sdelay $0x4  }
0x153: {  	v52 =	vshll.u32 v3, $0x2  }
0x154: {  	v3 =	vand.u32 $0x7, v3;
	v4 =	vand.u32 $0xFFFFFFE0, v52  }
0x155: {  	v3 =	vor.u32 v3, v4  }
0x156: {  	v4 =	vperm.xlane v3, v0;
	_ =	sdelay $0x1  }
0x157: {  	v4 =	vadd.s32 v1, v4;
	_ =	sdelay $0x1  }
0x158: {  	v3 =	vperm.xlane v3, v2;
	_ =	sdelay $0x1  }
0x159: {  	v3 =	vadd.s32 v1, v3  }
0x15a: {  	[tilespmem:s26], [sflag:$0x1] =	stream.indirect_vreg.gather [hbm4b:s1+s4], $0x80, v4, vm0, $0xb8;
	[tilespmem:$0x1E400] =	vst v63  }
0x15b: {  	s31 =	simm.s32 $0x8A00  }
0x15c: {  	[tilespmem:s31], [sflag:$0x1] =	stream.indirect_vreg.gather [hbm4b:s5+s4], $0x80, v4, vm0, $0xb8;
	[tilespmem:$0x1E400] =	vst v63  }
0x15d: {  	_ = 	snop  }
0x15e: {  	[tilespmem:s11], [sflag:$0x1] =	stream.indirect_vreg.gather [hbm4b:s1+s4], $0x80, v3, vm0, $0xb8;
	[tilespmem:$0x1E400] =	vst v63  }
0x15f: {  	_ = 	snop  }
0x160: {  	[tilespmem:s8], [sflag:$0x1] =	stream.indirect_vreg.gather [hbm4b:s5+s4], $0x80, v3, vm0, $0xb8;
	[tilespmem:$0x1E400] =	vst v63  }
0x161: {  	v3 =	vld [tilespmem:$0x140];
	_ =	sdelay $0x4  }
0x162: {  	v53 =	vshll.u32 v3, $0x2  }
0x163: {  	v3 =	vand.u32 $0x7, v3;
	v4 =	vand.u32 $0xFFFFFFE0, v53  }
0x164: {  	v3 =	vor.u32 v3, v4  }
0x165: {  	v4 =	vperm.xlane v3, v0;
	_ =	sdelay $0x1  }
0x166: {  	v4 =	vadd.s32 v1, v4;
	_ =	sdelay $0x1  }
0x167: {  	v3 =	vperm.xlane v3, v2;
	_ =	sdelay $0x1  }
0x168: {  	v3 =	vadd.s32 v1, v3  }
0x169: {  	[tilespmem:s10], [sflag:$0x1] =	stream.indirect_vreg.gather [hbm4b:s1+s4], $0x80, v4, vm0, $0xb8;
	[tilespmem:$0x1E400] =	vst v63  }
0x16a: {  	_ = 	snop  }
0x16b: {  	[tilespmem:s7], [sflag:$0x1] =	stream.indirect_vreg.gather [hbm4b:s5+s4], $0x80, v4, vm0, $0xb8;
	[tilespmem:$0x1E400] =	vst v63  }
0x16c: {  	_ = 	snop  }
0x16d: {  	[tilespmem:s29], [sflag:$0x1] =	stream.indirect_vreg.gather [hbm4b:s1+s4], $0x80, v3, vm0, $0xb8;
	[tilespmem:$0x1E400] =	vst v63  }
0x16e: {  	s9 =	simm.s32 $0xBA00  }
0x16f: {  	[tilespmem:s9], [sflag:$0x1] =	stream.indirect_vreg.gather [hbm4b:s5+s4], $0x80, v3, vm0, $0xb8;
	[tilespmem:$0x1E400] =	vst v63  }
0x170: {  	v3 =	vld [tilespmem:$0x150];
	_ =	sdelay $0x4  }
0x171: {  	v54 =	vshll.u32 v3, $0x2  }
0x172: {  	v3 =	vand.u32 $0x7, v3;
	v4 =	vand.u32 $0xFFFFFFE0, v54  }
0x173: {  	v3 =	vor.u32 v3, v4  }
0x174: {  	v4 =	vperm.xlane v3, v0;
	_ =	sdelay $0x1  }
0x175: {  	v4 =	vadd.s32 v1, v4;
	_ =	sdelay $0x1  }
0x176: {  	v3 =	vperm.xlane v3, v2;
	_ =	sdelay $0x1  }
0x177: {  	s31 =	simm.s32 $0xC200;
	v3 =	vadd.s32 v1, v3  }
0x178: {  	[tilespmem:s31], [sflag:$0x1] =	stream.indirect_vreg.gather [hbm4b:s1+s4], $0x80, v4, vm0, $0xb8;
	[tilespmem:$0x1E400] =	vst v63  }
0x179: {  	s7 =	simm.s32 $0xCA00  }
0x17a: {  	[tilespmem:s7], [sflag:$0x1] =	stream.indirect_vreg.gather [hbm4b:s5+s4], $0x80, v4, vm0, $0xb8;
	[tilespmem:$0x1E400] =	vst v63  }
0x17b: {  	s8 =	simm.s32 $0xD200  }
0x17c: {  	[tilespmem:s8], [sflag:$0x1] =	stream.indirect_vreg.gather [hbm4b:s1+s4], $0x80, v3, vm0, $0xb8;
	[tilespmem:$0x1E400] =	vst v63  }
0x17d: {  	s9 =	simm.s32 $0xDA00  }
0x17e: {  	[tilespmem:s9], [sflag:$0x1] =	stream.indirect_vreg.gather [hbm4b:s5+s4], $0x80, v3, vm0, $0xb8;
	[tilespmem:$0x1E400] =	vst v63  }
0x17f: {  	v3 =	vld.msk [tilespmem:$0x160], $0xff;
	_ =	sdelay $0x4  }
0x180: {  	v55 =	vshll.u32 v3, $0x2  }
0x181: {  	v3 =	vand.u32 $0x7, v3;
	v4 =	vand.u32 $0xFFFFFFE0, v55  }
0x182: {  	v3 =	vor.u32 v3, v4  }
0x183: {  	v3 =	vperm.xlane v3, v0;
	_ =	sdelay $0x1  }
0x184: {  	v3 =	vadd.s32 v1, v3;
	_ =	sdelay $0x3  }
0x185: {  	s31 =	simm.s32 $0xE200  }
0x186: {  	[tilespmem:s31], [sflag:$0x1] =	stream.indirect_vreg.gather [hbm4b:s1+s4], $0x80, v3, vm0, $0xb8;
	[tilespmem:$0x1E400] =	vst v63  }
0x187: {  	s7 =	simm.s32 $0xEA00  }
0x188: {  	[tilespmem:s7], [sflag:$0x1] =	stream.indirect_vreg.gather [hbm4b:s5+s4], $0x80, v3, vm0, $0xb8;
	[tilespmem:$0x1E400] =	vst v63  }
0x189: {  	_ =	swait.ge [sflag:s17], $0xF000  }
0x18a: {  	[sflag:s17] =	ssyncset.done $0x0  }
0x18b: {  	s7 =	simm.s32 $0x4;
	s8 =	rddreg [dreg:$0x7];
	[sflag:s17] =	ssyncadd.s32 $0xFFFF1000  }
0x18c: {  	[hbm4b:s8+s4] =	stream.linear.scatter [tilespmem:s18], [sflag:$0x3], $0xF000, $0x38;
	[tilespmem:$0x1E400] =	vst v63  }
0x18d: {  	_ =	swait.ge [sflag:s7], $0xF000  }
0x18e: {  	[sflag:s7] =	ssyncset.done $0x0  }
0x18f: {  	[sflag:s7] =	ssyncadd.s32 $0xFFFF1000  }
0x190: {  	v3 =	vld [tilespmem:$0x168];
	_ =	sdelay $0x4  }
0x191: {  	v56 =	vshll.u32 v3, $0x2  }
0x192: {  	v3 =	vand.u32 $0x7, v3;
	v4 =	vand.u32 $0xFFFFFFE0, v56  }
0x193: {  	v3 =	vor.u32 v3, v4  }
0x194: {  	v4 =	vperm.xlane v3, v0;
	_ =	sdelay $0x1  }
0x195: {  	v4 =	vadd.s32 v1, v4;
	_ =	sdelay $0x1  }
0x196: {  	v3 =	vperm.xlane v3, v2;
	_ =	sdelay $0x1  }
0x197: {  	v3 =	vadd.s32 v1, v3  }
0x198: {  	[tilespmem:s3], [sflag:$0x1] =	stream.indirect_vreg.gather [hbm4b:s1+s4], $0x80, v4, vm0, $0xb8;
	[tilespmem:$0x1E400] =	vst v63  }
0x199: {  	s9 =	simm.s32 $0xFA00  }
0x19a: {  	[tilespmem:s9], [sflag:$0x1] =	stream.indirect_vreg.gather [hbm4b:s5+s4], $0x80, v4, vm0, $0xb8;
	[tilespmem:$0x1E400] =	vst v63  }
0x19b: {  	s31 =	simm.s32 $0x10200  }
0x19c: {  	[tilespmem:s31], [sflag:$0x1] =	stream.indirect_vreg.gather [hbm4b:s1+s4], $0x80, v3, vm0, $0xb8;
	[tilespmem:$0x1E400] =	vst v63  }
0x19d: {  	s8 =	simm.s32 $0x10A00  }
0x19e: {  	[tilespmem:s8], [sflag:$0x1] =	stream.indirect_vreg.gather [hbm4b:s5+s4], $0x80, v3, vm0, $0xb8;
	[tilespmem:$0x1E400] =	vst v63  }
0x19f: {  	v3 =	vld [tilespmem:$0x178];
	_ =	sdelay $0x4  }
0x1a0: {  	v57 =	vshll.u32 v3, $0x2  }
0x1a1: {  	v3 =	vand.u32 $0x7, v3;
	v4 =	vand.u32 $0xFFFFFFE0, v57  }
0x1a2: {  	v3 =	vor.u32 v3, v4  }
0x1a3: {  	v4 =	vperm.xlane v3, v0;
	_ =	sdelay $0x1  }
0x1a4: {  	v4 =	vadd.s32 v1, v4;
	_ =	sdelay $0x1  }
0x1a5: {  	v3 =	vperm.xlane v3, v2;
	_ =	sdelay $0x1  }
0x1a6: {  	s9 =	simm.s32 $0x11200;
	v3 =	vadd.s32 v1, v3  }
0x1a7: {  	[tilespmem:s9], [sflag:$0x1] =	stream.indirect_vreg.gather [hbm4b:s1+s4], $0x80, v4, vm0, $0xb8;
	[tilespmem:$0x1E400] =	vst v63  }
0x1a8: {  	s31 =	simm.s32 $0x11A00  }
0x1a9: {  	[tilespmem:s31], [sflag:$0x1] =	stream.indirect_vreg.gather [hbm4b:s5+s4], $0x80, v4, vm0, $0xb8;
	[tilespmem:$0x1E400] =	vst v63  }
0x1aa: {  	s8 =	simm.s32 $0x12200  }
0x1ab: {  	[tilespmem:s8], [sflag:$0x1] =	stream.indirect_vreg.gather [hbm4b:s1+s4], $0x80, v3, vm0, $0xb8;
	[tilespmem:$0x1E400] =	vst v63  }
0x1ac: {  	s9 =	simm.s32 $0x12A00  }
0x1ad: {  	[tilespmem:s9], [sflag:$0x1] =	stream.indirect_vreg.gather [hbm4b:s5+s4], $0x80, v3, vm0, $0xb8;
	[tilespmem:$0x1E400] =	vst v63  }
0x1ae: {  	v3 =	vld [tilespmem:$0x188];
	_ =	sdelay $0x4  }
0x1af: {  	v58 =	vshll.u32 v3, $0x2  }
0x1b0: {  	v3 =	vand.u32 $0x7, v3;
	v4 =	vand.u32 $0xFFFFFFE0, v58  }
0x1b1: {  	v3 =	vor.u32 v3, v4  }
0x1b2: {  	v4 =	vperm.xlane v3, v0;
	_ =	sdelay $0x1  }
0x1b3: {  	v4 =	vadd.s32 v1, v4;
	_ =	sdelay $0x1  }
0x1b4: {  	v3 =	vperm.xlane v3, v2;
	_ =	sdelay $0x1  }
0x1b5: {  	s31 =	simm.s32 $0x13200;
	v3 =	vadd.s32 v1, v3  }
0x1b6: {  	[tilespmem:s31], [sflag:$0x1] =	stream.indirect_vreg.gather [hbm4b:s1+s4], $0x80, v4, vm0, $0xb8;
	[tilespmem:$0x1E400] =	vst v63  }
0x1b7: {  	s8 =	simm.s32 $0x13A00  }
0x1b8: {  	[tilespmem:s8], [sflag:$0x1] =	stream.indirect_vreg.gather [hbm4b:s5+s4], $0x80, v4, vm0, $0xb8;
	[tilespmem:$0x1E400] =	vst v63  }
0x1b9: {  	s9 =	simm.s32 $0x14200  }
0x1ba: {  	[tilespmem:s9], [sflag:$0x1] =	stream.indirect_vreg.gather [hbm4b:s1+s4], $0x80, v3, vm0, $0xb8;
	[tilespmem:$0x1E400] =	vst v63  }
0x1bb: {  	s31 =	simm.s32 $0x14A00  }
0x1bc: {  	[tilespmem:s31], [sflag:$0x1] =	stream.indirect_vreg.gather [hbm4b:s5+s4], $0x80, v3, vm0, $0xb8;
	[tilespmem:$0x1E400] =	vst v63  }
0x1bd: {  	v3 =	vld [tilespmem:$0x198];
	_ =	sdelay $0x4  }
0x1be: {  	v59 =	vshll.u32 v3, $0x2  }
0x1bf: {  	v3 =	vand.u32 $0x7, v3;
	v4 =	vand.u32 $0xFFFFFFE0, v59  }
0x1c0: {  	v3 =	vor.u32 v3, v4  }
0x1c1: {  	v4 =	vperm.xlane v3, v0;
	_ =	sdelay $0x1  }
0x1c2: {  	v4 =	vadd.s32 v1, v4;
	_ =	sdelay $0x1  }
0x1c3: {  	v3 =	vperm.xlane v3, v2;
	_ =	sdelay $0x1  }
0x1c4: {  	s8 =	simm.s32 $0x15200;
	v3 =	vadd.s32 v1, v3  }
0x1c5: {  	[tilespmem:s8], [sflag:$0x1] =	stream.indirect_vreg.gather [hbm4b:s1+s4], $0x80, v4, vm0, $0xb8;
	[tilespmem:$0x1E400] =	vst v63  }
0x1c6: {  	s9 =	simm.s32 $0x15A00  }
0x1c7: {  	[tilespmem:s9], [sflag:$0x1] =	stream.indirect_vreg.gather [hbm4b:s5+s4], $0x80, v4, vm0, $0xb8;
	[tilespmem:$0x1E400] =	vst v63  }
0x1c8: {  	s31 =	simm.s32 $0x16200  }
0x1c9: {  	[tilespmem:s31], [sflag:$0x1] =	stream.indirect_vreg.gather [hbm4b:s1+s4], $0x80, v3, vm0, $0xb8;
	[tilespmem:$0x1E400] =	vst v63  }
0x1ca: {  	s8 =	simm.s32 $0x16A00  }
0x1cb: {  	[tilespmem:s8], [sflag:$0x1] =	stream.indirect_vreg.gather [hbm4b:s5+s4], $0x80, v3, vm0, $0xb8;
	[tilespmem:$0x1E400] =	vst v63  }
0x1cc: {  	v3 =	vld [tilespmem:$0x1A8];
	_ =	sdelay $0x4  }
0x1cd: {  	v60 =	vshll.u32 v3, $0x2  }
0x1ce: {  	v3 =	vand.u32 $0x7, v3;
	v4 =	vand.u32 $0xFFFFFFE0, v60  }
0x1cf: {  	v3 =	vor.u32 v3, v4  }
0x1d0: {  	v4 =	vperm.xlane v3, v0;
	_ =	sdelay $0x1  }
0x1d1: {  	v4 =	vadd.s32 v1, v4;
	_ =	sdelay $0x1  }
0x1d2: {  	v3 =	vperm.xlane v3, v2;
	_ =	sdelay $0x1  }
0x1d3: {  	s9 =	simm.s32 $0x17200;
	v3 =	vadd.s32 v1, v3  }
0x1d4: {  	[tilespmem:s9], [sflag:$0x1] =	stream.indirect_vreg.gather [hbm4b:s1+s4], $0x80, v4, vm0, $0xb8;
	[tilespmem:$0x1E400] =	vst v63  }
0x1d5: {  	s31 =	simm.s32 $0x17A00  }
0x1d6: {  	[tilespmem:s31], [sflag:$0x1] =	stream.indirect_vreg.gather [hbm4b:s5+s4], $0x80, v4, vm0, $0xb8;
	[tilespmem:$0x1E400] =	vst v63  }
0x1d7: {  	s8 =	simm.s32 $0x18200  }
0x1d8: {  	[tilespmem:s8], [sflag:$0x1] =	stream.indirect_vreg.gather [hbm4b:s1+s4], $0x80, v3, vm0, $0xb8;
	[tilespmem:$0x1E400] =	vst v63  }
0x1d9: {  	s9 =	simm.s32 $0x18A00  }
0x1da: {  	[tilespmem:s9], [sflag:$0x1] =	stream.indirect_vreg.gather [hbm4b:s5+s4], $0x80, v3, vm0, $0xb8;
	[tilespmem:$0x1E400] =	vst v63  }
0x1db: {  	v3 =	vld [tilespmem:$0x1B8];
	_ =	sdelay $0x4  }
0x1dc: {  	v61 =	vshll.u32 v3, $0x2  }
0x1dd: {  	v3 =	vand.u32 $0x7, v3;
	v4 =	vand.u32 $0xFFFFFFE0, v61  }
0x1de: {  	v3 =	vor.u32 v3, v4  }
0x1df: {  	v4 =	vperm.xlane v3, v0;
	_ =	sdelay $0x1  }
0x1e0: {  	v4 =	vadd.s32 v1, v4;
	_ =	sdelay $0x1  }
0x1e1: {  	v3 =	vperm.xlane v3, v2;
	_ =	sdelay $0x1  }
0x1e2: {  	s31 =	simm.s32 $0x19200;
	v3 =	vadd.s32 v1, v3  }
0x1e3: {  	[tilespmem:s31], [sflag:$0x1] =	stream.indirect_vreg.gather [hbm4b:s1+s4], $0x80, v4, vm0, $0xb8;
	[tilespmem:$0x1E400] =	vst v63  }
0x1e4: {  	s8 =	simm.s32 $0x19A00  }
0x1e5: {  	[tilespmem:s8], [sflag:$0x1] =	stream.indirect_vreg.gather [hbm4b:s5+s4], $0x80, v4, vm0, $0xb8;
	[tilespmem:$0x1E400] =	vst v63  }
0x1e6: {  	s9 =	simm.s32 $0x1A200  }
0x1e7: {  	[tilespmem:s9], [sflag:$0x1] =	stream.indirect_vreg.gather [hbm4b:s1+s4], $0x80, v3, vm0, $0xb8;
	[tilespmem:$0x1E400] =	vst v63  }
0x1e8: {  	s31 =	simm.s32 $0x1AA00  }
0x1e9: {  	[tilespmem:s31], [sflag:$0x1] =	stream.indirect_vreg.gather [hbm4b:s5+s4], $0x80, v3, vm0, $0xb8;
	[tilespmem:$0x1E400] =	vst v63  }
0x1ea: {  	v3 =	vld [tilespmem:$0x1C8];
	_ =	sdelay $0x4  }
0x1eb: {  	v62 =	vshll.u32 v3, $0x2  }
0x1ec: {  	v3 =	vand.u32 $0x7, v3;
	v4 =	vand.u32 $0xFFFFFFE0, v62  }
0x1ed: {  	v3 =	vor.u32 v3, v4  }
0x1ee: {  	v4 =	vperm.xlane v3, v0;
	_ =	sdelay $0x1  }
0x1ef: {  	v4 =	vadd.s32 v1, v4;
	_ =	sdelay $0x1  }
0x1f0: {  	v3 =	vperm.xlane v3, v2;
	_ =	sdelay $0x1  }
0x1f1: {  	s8 =	simm.s32 $0x1B200;
	v3 =	vadd.s32 v1, v3  }
0x1f2: {  	[tilespmem:s8], [sflag:$0x1] =	stream.indirect_vreg.gather [hbm4b:s1+s4], $0x80, v4, vm0, $0xb8;
	[tilespmem:$0x1E400] =	vst v63  }
0x1f3: {  	s9 =	simm.s32 $0x1BA00  }
0x1f4: {  	[tilespmem:s9], [sflag:$0x1] =	stream.indirect_vreg.gather [hbm4b:s5+s4], $0x80, v4, vm0, $0xb8;
	[tilespmem:$0x1E400] =	vst v63  }
0x1f5: {  	s31 =	simm.s32 $0x1C200  }
0x1f6: {  	[tilespmem:s31], [sflag:$0x1] =	stream.indirect_vreg.gather [hbm4b:s1+s4], $0x80, v3, vm0, $0xb8;
	[tilespmem:$0x1E400] =	vst v63  }
0x1f7: {  	s8 =	simm.s32 $0x1CA00  }
0x1f8: {  	[tilespmem:s8], [sflag:$0x1] =	stream.indirect_vreg.gather [hbm4b:s5+s4], $0x80, v3, vm0, $0xb8;
	[tilespmem:$0x1E400] =	vst v63  }
0x1f9: {  	v3 =	vld.msk [tilespmem:$0x1D8], $0xff;
	_ =	sdelay $0x4  }
0x1fa: {  	v63 =	vshll.u32 v3, $0x2  }
0x1fb: {  	v3 =	vand.u32 $0x7, v3;
	v4 =	vand.u32 $0xFFFFFFE0, v63  }
0x1fc: {  	v3 =	vor.u32 v3, v4  }
0x1fd: {  	v3 =	vperm.xlane v3, v0;
	_ =	sdelay $0x1  }
0x1fe: {  	v3 =	vadd.s32 v1, v3;
	_ =	sdelay $0x3  }
0x1ff: {  	s9 =	simm.s32 $0x1D200  }
0x200: {  	[tilespmem:s9], [sflag:$0x1] =	stream.indirect_vreg.gather [hbm4b:s1+s4], $0x80, v3, vm0, $0xb8;
	[tilespmem:$0x1E400] =	vst v63  }
0x201: {  	s31 =	simm.s32 $0x1DA00  }
0x202: {  	[tilespmem:s31], [sflag:$0x1] =	stream.indirect_vreg.gather [hbm4b:s5+s4], $0x80, v3, vm0, $0xb8;
	[tilespmem:$0x1E400] =	vst v63  }
0x203: {  	_ =	swait.ge [sflag:s17], $0xF000  }
0x204: {  	[sflag:s17] =	ssyncset.done $0x0  }
0x205: {  	s8 =	rddreg [dreg:$0x8];
	[sflag:s17] =	ssyncadd.s32 $0xFFFF1000  }
0x206: {  	[hbm4b:s8+s4] =	stream.linear.scatter [tilespmem:s3], [sflag:$0x4], $0xF000, $0x38;
	[tilespmem:$0x1E400] =	vst v63  }
0x207: {  	_ =	swait.ge [sflag:s2], $0xF000  }
0x208: {  	[sflag:s2] =	ssyncset.done $0x0  }
0x209: {  	[sflag:s2] =	ssyncadd.s32 $0xFFFF1000  }
0x20a: {  	_ =	swait.ge [sflag:s7], $0xF000  }
0x20b: {  	[sflag:s7] =	ssyncset.done $0x0  }
0x20c: {  	[sflag:s7] =	ssyncadd.s32 $0xFFFF1000  }
0x20d: {  	_ =	swait.ge [sflag:s30], $0x78  }
0x20e: {  	[sflag:s30] =	ssyncset.done $0x0  }
0x20f: {  	[sflag:s30] =	ssyncadd.s32 $0xFFFFFF88  }
0x210: {  	_ =	swait.ge [sflag:s30], $0x78  }
0x211: {  	[sflag:s30] =	ssyncset.done $0x0  }
0x212: {  	[sflag:s30] =	ssyncadd.s32 $0xFFFFFF88  }
0x213: {  	_ =	swait.ge [sflag:s30], $0x78  }
0x214: {  	[sflag:s30] =	ssyncset.done $0x0  }
0x215: {  	[sflag:s30] =	ssyncadd.s32 $0xFFFFFF88  }
0x216: {  	_ =	swait.ge [sflag:s30], $0x78  }
0x217: {  	p0 =	sne.s32 s6, $0x1;
	s31 =	simm.s32 $0x1E200;
	[sflag:s30] =	ssyncset.done $0x0  }
.Ltmp0:
0x218: {  	s9 =	rddreg [dreg:$0x9];
	[sflag:s30] =	ssyncadd.s32 $0xFFFFFF88;
	(pc) =	sbr.rel @p0 .LBB2_1-.Ltmp0, $4  }
0x219: {  	[hbm4b:s9+s4] =	stream.linear.scatter [tilespmem:s31], [sflag:$0x5], $0x1E0, $0x38;
	[tilespmem:$0x1E400] =	vst v63  }
0x21a: {  	_ =	swait.ge [sflag:s28], $0x1E0  }
0x21b: {  	[sflag:s28] =	ssyncset.done $0x0  }
0x21c: {  	s6 =	sadd.s32 $0xFFFFFFFF, s6;
	[sflag:s28] =	ssyncadd.s32 $0xFFFFFE20  }
0x21d: {  	_ =	sfence.sel $0x180000  }
0x21e: {  	[bflag:$0x0] =	sbarrier.arrive $0xFFFF  }
0x21f: {  	_ =	strace $0x9000004D  }
0x220: {  	s0 =	stileid.u32;
	[bflag:$0x2] =	sbarrier.arrive $0xFFFF  }
0x221: {  	p0 =	sne.s32 s0, $0x0;
	s0 =	rddreg [dreg:$0x3]  }
0x222: {  	s0 =	sadd.s32 @!p0 $0x100000, s0  }
0x223: {  	[sflag:s0] =	ssyncadd.tile.s32 @!p0 $0x1;
	_ =	shalt  }
.Lfunc_end2:
_tile_overlayer_lowered:
.L_overlay_start_2:
0x224: {  	(tag) =	ssettag $0x2  }
0x225: {  	s0 =	rddreg [dreg:$0x0];
	s2 =	stileid.u32  }
0x226: {  	s1 =	rddreg [dreg:$0x1];
	p0 =	sne.s32 s2, $0x0  }
0x227: {  	s3 =	rddreg [dreg:$0x2];
	[bflag:$0x3] =	sbarrier.arrive $0xFFFF;
	s2 =	simm.s32 @!p0 $0x1C05  }
0x228: {  	[timem:s3], [sflag:s2] =	dma.local @!p0 [hbm:s0], s1  }
0x229: {  	s0 =	simm.s32 @!p0 $0x5  }
0x22a: {  	_ =	swait.ge @!p0 [sflag:s0], s1  }
0x22b: {  	s1 =	ssub.s32 @!p0 $0x0, s1;
	[sflag:s0] =	ssyncset.done @!p0 $0x0  }
0x22c: {  	[sflag:s0] =	ssyncadd.s32 @!p0 s1  }
0x22d: {  	[bflag:$0x3] =	sbarrier.arrive $0xFFFF  }
0x22e: {  	_ =	shalt  }

// kernel: kernel.19.cloned.1.call-start
scs
__scs_entry_jumppad:
0x0: {  	(pc) =	sbr.rel $0x88, $3  }
0x1: {  	(tag) =	ssettag $0x0;
	lr =	simm.s32 $0x1  }
0x2: {  	[smem:$0x3F9B] =	sst lr;
	_ =	strace $0xD0000000  }
0x3: {  	_ = 	snop  }
0x4: {  	_ = 	snop  }
0x5: {  	_ = 	snop  }
0x6: {  	_ = 	snop  }
0x7: {  	_ = 	snop  }
__scs_overlays_trampoline_lowered:
0x8: {  	[smem:$0x3FAA] =	sst s0  }
0x9: {  	[smem:$0x3FAB] =	sst s1  }
0xa: {  	[smem:$0x3FAC] =	sst s2  }
0xb: {  	[smem:$0x3FAD] =	sst s3  }
0xc: {  	[smem:$0x3FAE] =	sst s4  }
0xd: {  	[smem:$0x3FAF] =	sst s5  }
0xe: {  	[smem:$0x3FB0] =	sst s6  }
0xf: {  	[smem:$0x3FB1] =	sst s7  }
0x10: {  	[smem:$0x3FB2] =	sst s8  }
0x11: {  	[smem:$0x3FB3] =	sst s9;
	s0 =	simm.s32 @!p0 $0x0  }
0x12: {  	s1 =	sld [smem:$0x3F99];
	s0 =	simm.s32 @p0 $0x1  }
0x13: {  	[smem:$0x3FB4] =	sst s0;
	s0 =	simm.s32 @!p1 $0x0  }
0x14: {  	s2 =	sld [smem:$0x3F98];
	s0 =	simm.s32 @p1 $0x1  }
0x15: {  	[smem:$0x3FB5] =	sst s0;
	s0 =	simm.s32 @!p2 $0x0  }
0x16: {  	s3 =	sld [smem:$0x3FDB];
	s0 =	simm.s32 @p2 $0x1  }
0x17: {  	s4 =	simm.s32 $0x1BF5;
	[smem:$0x3FB7] =	sst s0  }
0x18: {  	s0 =	sld [smem:$0x3F9A];
	_ =	swait.ge [sflag:s4], $0x0  }
0x19: {  	s7 =	sld [smem:$0x3F9B]  }
0x1a: {  	s8 =	sadd.s32 $0xFFFFE003, lr  }
0x1b: {  	s9 =	sadd.s32 $0xFFFFFEF7, lr;
	s5 =	simm.s32 $0xFFFFFFFF;
	p2 =	slt.u32 s8, $0xFFFFF086  }
0x1c: {  	p1 =	slt.u32 s9, $0xF7A;
	s5 =	simm.s32 @!p2 $0x0  }
0x1d: {  	s5 =	simm.s32 @p1 $0x1;
	p0 =	seq.s32 s7, s2  }
0x1e: {  	s7 =	smul.u32 @!p0 $0xF7A, s2;
	p2 =	seq.s32 @!p0 s5, $0x0  }
0x1f: {  	s9 =	smul.u32 $0xF7A, s1;
	s8 =	simm.s32 @!p0 $0x1BF5;
	p2 =	por !p2, p0  }
0x20: {  	[sflag:s8] =	ssyncset.s32 @!p0 $0xFFFFF086;
	s6 =	sadd.s32 @!p0 s3, s7;
	s7 =	simm.s32 @!p0 $0x108  }
0x21: {  	s3 =	sadd.s32 s3, s9;
	s6 =	sadd.s32 @!p0 $0x88, s6;
	s7 =	simm.s32 @p2 $0x1082  }
0x22: {  	[simem:s7], [sflag:s8] =	dma.local @!p0 [hbm:s6], $0xF7A  }
0x23: {  	s9 =	sor.u32 $0xD0000000, s2;
	s6 =	simm.s32 $0x108;
	_ =	swait.ge @!p0 [sflag:s8], $0x0  }
0x24: {  	s3 =	sadd.s32 $0x88, s3;
	s6 =	simm.s32 @!p1 $0x1082;
	[sflag:s4] =	ssyncset.s32 $0xFFFFF086  }
0x25: {  	[simem:s6], [sflag:s4] =	dma.local [hbm:s3], $0xF7A  }
0x26: {  	[smem:$0x3F9B] =	sst s1;
	(tag) =	ssettag s2;
	_ =	strace s9  }
0x27: {  	s1 =	sld [smem:$0x3FAB]  }
0x28: {  	s2 =	sld [smem:$0x3FAC]  }
0x29: {  	s4 =	sld [smem:$0x3FAE]  }
0x2a: {  	p0 =	seq.s32 s5, $0x0;
	s5 =	sld [smem:$0x3FAF]  }
0x2b: {  	s6 =	sld [smem:$0x3FB0]  }
0x2c: {  	s7 =	sld [smem:$0x3FB1]  }
0x2d: {  	s3 =	simm.s32 $0x108;
	s8 =	sld [smem:$0x3FB2]  }
0x2e: {  	s3 =	simm.s32 @!p0 $0x1082;
	s9 =	sld [smem:$0x3FB3]  }
0x2f: {  	lr =	sadd.s32 s0, s3;
	s0 =	sld [smem:$0x3FAA]  }
0x30: {  	s3 =	sld [smem:$0x3FAD]  }
0x31: {  	[smem:$0x3FB6] =	sst s10  }
0x32: {  	s10 =	sld [smem:$0x3FB4];
	_ =	sdelay $0x3  }
0x33: {  	p0 =	seq.s32 s10, $0x1;
	s10 =	sld [smem:$0x3FB6];
	_ =	sdelay $0x3  }
0x34: {  	[smem:$0x3FB6] =	sst s10  }
0x35: {  	s10 =	sld [smem:$0x3FB5];
	_ =	sdelay $0x3  }
0x36: {  	p1 =	seq.s32 s10, $0x1;
	s10 =	sld [smem:$0x3FB6];
	_ =	sdelay $0x3  }
0x37: {  	[smem:$0x3FB6] =	sst s10  }
0x38: {  	s10 =	sld [smem:$0x3FB7]  }
0x39: {  	_ = 	snop;
	(pc) =	sbr.ind lr, $3  }
0x3a: {  	_ = 	snop  }
0x3b: {  	_ = 	snop  }
0x3c: {  	p2 =	seq.s32 s10, $0x1;
	s10 =	sld [smem:$0x3FB6]  }
0x3d: {  	_ =	shalt  }
0x3e: {  	_ =	shalt  }
0x3f: {  	_ =	shalt  }
0x40: {  	_ =	shalt  }
0x41: {  	_ =	shalt  }
0x42: {  	_ =	shalt  }
0x43: {  	_ =	shalt  }
0x44: {  	_ =	shalt  }
0x45: {  	_ =	shalt  }
0x46: {  	_ =	shalt  }
0x47: {  	_ =	shalt  }
0x48: {  	_ =	shalt  }
0x49: {  	_ =	shalt  }
0x4a: {  	_ =	shalt  }
0x4b: {  	_ =	shalt  }
0x4c: {  	_ =	shalt  }
0x4d: {  	_ =	shalt  }
0x4e: {  	_ =	shalt  }
0x4f: {  	_ =	shalt  }
0x50: {  	_ =	shalt  }
0x51: {  	_ =	shalt  }
0x52: {  	_ =	shalt  }
0x53: {  	_ =	shalt  }
0x54: {  	_ =	shalt  }
0x55: {  	_ =	shalt  }
0x56: {  	_ =	shalt  }
0x57: {  	_ =	shalt  }
0x58: {  	_ =	shalt  }
0x59: {  	_ =	shalt  }
0x5a: {  	_ =	shalt  }
0x5b: {  	_ =	shalt  }
0x5c: {  	_ =	shalt  }
0x5d: {  	_ =	shalt  }
0x5e: {  	_ =	shalt  }
0x5f: {  	_ =	shalt  }
0x60: {  	_ =	shalt  }
0x61: {  	_ =	shalt  }
0x62: {  	_ =	shalt  }
0x63: {  	_ =	shalt  }
0x64: {  	_ =	shalt  }
0x65: {  	_ =	shalt  }
0x66: {  	_ =	shalt  }
0x67: {  	_ =	shalt  }
0x68: {  	_ =	shalt  }
0x69: {  	_ =	shalt  }
0x6a: {  	_ =	shalt  }
0x6b: {  	_ =	shalt  }
0x6c: {  	_ =	shalt  }
0x6d: {  	_ =	shalt  }
0x6e: {  	_ =	shalt  }
0x6f: {  	_ =	shalt  }
0x70: {  	_ =	shalt  }
0x71: {  	_ =	shalt  }
0x72: {  	_ =	shalt  }
0x73: {  	_ =	shalt  }
0x74: {  	_ =	shalt  }
0x75: {  	_ =	shalt  }
0x76: {  	_ =	shalt  }
0x77: {  	_ =	shalt  }
0x78: {  	_ =	shalt  }
0x79: {  	_ =	shalt  }
0x7a: {  	_ =	shalt  }
0x7b: {  	_ =	shalt  }
0x7c: {  	_ =	shalt  }
0x7d: {  	_ =	shalt  }
0x7e: {  	_ =	shalt  }
0x7f: {  	_ =	shalt  }
0x80: {  	_ =	shalt  }
0x81: {  	_ =	shalt  }
0x82: {  	_ =	shalt  }
0x83: {  	_ =	shalt  }
0x84: {  	_ =	shalt  }
0x85: {  	_ =	shalt  }
0x86: {  	_ =	shalt  }
0x87: {  	_ =	shalt  }
.Lfunc_end0:
.L_simem_size_0:
called_computation.3_lowered:
.L_overlay_start_0:
0x88: {  	s2 =	sld [smem:$0x3FD9]  }
0x89: {  	s3 =	sld [smem:$0x3FFE];
	_ =	sdelay $0x1  }
0x8a: {  	s1 =	srdreg.scid  }
0x8b: {  	s0 =	sand.u32 $0x1, s1  }
0x8c: {  	s17 =	sshll.u32 s0, $0xA;
	s2 =	sadd.s32 s3, s2  }
0x8d: {  	s2 =	sadd.s32 s2, s17  }
0x8e: {  	[smem:$0x3FC2] =	sst s2  }
0x8f: {  	_ = 	snop  }
0x90: {  	s18 =	sld [smem:$0x3FC8]  }
0x91: {  	s4 =	sld [smem:$0x3FC6];
	(tm) =	ssettm $0x1  }
0x92: {  	s19 =	sld [smem:$0x3FFB];
	_ =	sdelay $0x3  }
0x93: {  	_ =	strace s19  }
0x94: {  	s2 =	sld [smem:$0x3FFC];
	_ =	sdelay $0x3  }
0x95: {  	_ =	strace s2  }
0x96: {  	s2 =	sld [smem:$0x3FFD];
	_ =	sdelay $0x3  }
0x97: {  	_ =	strace s2  }
0x98: {  	_ =	strace $0x8FFFFFFF  }
0x99: {  	s20 =	sld [smem:$0x3FDB];
	_ =	sdelay $0x1  }
0x9a: {  	s5 =	simm.s32 $_scs_section_size  }
0x9b: {  	s6 =	simm.s32 $_size__tile_overlayer_lowered;
	s7 =	simm.s32 $_tile_overlayer_lowered  }
0x9c: {  	s8 =	simm.s32 $0x1BFF;
	s21 =	sshll.u32 s7, $0x1;
	s5 =	sadd.s32 s5, s20  }
0x9d: {  	s22 =	simm.s32 $0x0;
	s6 =	sshll.u32 s6, $0x1;
	s7 =	sadd.s32 s21, s5  }
0x9e: {  	[timem:s22], [sflag:s8] =	dma.local [hbm:s7], s6  }
0x9f: {  	_ =	swait.ge [sflag:s8], s6  }
0xa0: {  	s6 =	ssub.s32 $0x0, s6;
	[sflag:s8] =	ssyncset.done $0x0  }
0xa1: {  	[sflag:s8] =	ssyncadd.s32 s6;
	_ =	sdelay $0x1  }
0xa2: {  	s23 =	simm.s32 $0x1B8B  }
0xa3: {  	_ =	swait.ge [sflag:s23], $0x1  }
0xa4: {  	[sflag:s23] =	ssyncset.done $0x0  }
0xa5: {  	[sflag:s23] =	ssyncadd.s32 $0xFFFFFFFF  }
0xa6: {  	s6 =	sld [smem:$0x0]  }
0xa7: {  	s7 =	sand.u32 $0xFFFFFFFE, s1  }
0xa8: {  	p0 =	sne.s32 s1, s7  }
0xa9: {  	s7 =	sshll.u32 @p0 s7, $0xE  }
0xaa: {  	s7 =	sadd.s32 @p0 $0x11B8D, s7;
	s8 =	sshll.u32 @p0 s6, $0x11  }
0xab: {  	s7 =	sor.u32 @p0 s8, s7  }
0xac: {  	[sflag:s7] =	ssyncadd.remote.s32 @p0 $0x1;
	_ =	sdelay $0x1  }
0xad: {  	s7 =	simm.s32 @p0 $0x1B8D  }
0xae: {  	_ =	swait.eq @p0 [sflag:s7], $0x1  }
0xaf: {  	[sflag:s7] =	ssyncadd.s32 @p0 $0xFFFFFFFF  }
0xb0: {  	s8 =	sshll.u32 @!p0 s1, $0xE  }
0xb1: {  	s8 =	sor.u32 @!p0 $0x4000, s8;
	s7 =	simm.s32 @!p0 $0x1B8D  }
0xb2: {  	s6 =	sshll.u32 @!p0 s6, $0x11;
	s8 =	sadd.s32 @!p0 $0x11B8D, s8;
	_ =	swait.eq @!p0 [sflag:s7], $0x1  }
0xb3: {  	s6 =	sor.u32 @!p0 s6, s8;
	[sflag:s7] =	ssyncadd.s32 @!p0 $0xFFFFFFFF  }
0xb4: {  	s25 =	simm.s32 $0x1B8E;
	s24 =	sld [smem:$0x3FFE];
	[sflag:s6] =	ssyncadd.remote.s32 @!p0 $0x1  }
0xb5: {  	s26 =	simm.s32 $execute0_lowered;
	[smem:$0x3FD2] =	sst s25  }
0xb6: {  	s7 =	sshll.u32 s26, $0x1;
	_ =	strace $0x8000004F;
	[dreg:$0x1] =	wrdreg $0xFFFFFFFF  }
0xb7: {  	s28 =	simm.s32 $_size_execute0_lowered;
	s5 =	sadd.s32 s5, s7;
	[dreg:$0x0] =	wrdreg $0x0  }
0xb8: {  	s7 =	sshll.u32 s28, $0x1;
	[dreg:$0x2] =	wrdreg s5  }
0xb9: {  	[dreg:$0x3] =	wrdreg s7  }
0xba: {  	[dreg:$0x4] =	wrdreg $0xC0  }
0xbb: {  	_ =	task [dreg:s22], $0x5FFFF  }
0xbc: {  	[dreg:$0x1] =	wrdreg $0xFFFFFFFF  }
0xbd: {  	[dreg:$0x0] =	wrdreg $0x60  }
0xbe: {  	[dreg:$0x2] =	wrdreg s18  }
0xbf: {  	[dreg:$0x3] =	wrdreg s4  }
0xc0: {  	[dreg:$0x4] =	wrdreg s24  }
0xc1: {  	[dreg:$0x5] =	wrdreg $0xC  }
0xc2: {  	_ =	task.clear_ibuf [dreg:s22], $0x6FFFF;
	_ =	strace $0x9000004F  }
0xc3: {  	s29 =	simm.s32 $0xC;
	_ =	strace $0x80000051  }
0xc4: {  	_ =	swait.ge [sflag:s29], $0x1  }
0xc5: {  	[sflag:s29] =	ssyncadd.s32 $0xFFFFFFFF  }
0xc6: {  	_ =	strace $0x90000051  }
0xc7: {  	_ =	sfence  }
0xc8: {  	s30 =	sld [smem:$0x0];
	_ =	sdelay $0x2  }
0xc9: {  	s31 =	sshll.u32 s1, $0xD;
	s1 =	sshrl.u32 s1, $0x2  }
0xca: {  	s4 =	sand.u32 $0x4000, s31;
	s1 =	sadd.s32 s1, s30  }
0xcb: {  	s0 =	sor.u32 s4, s0;
	s1 =	sshll.u32 s1, $0x11  }
0xcc: {  	s0 =	sor.u32 s1, s0  }
0xcd: {  	s0 =	sadd.s32 $0x8F2B, s0  }
0xce: {  	[sflag:s0] =	ssyncadd.remote.s32 $0x1  }
0xcf: {  	_ =	sfence.sel $0xFFFF  }
0xd0: {  	[dreg:$0x0] =	wrdreg $0xFFFFFFFF;
	(pc) =	sbr.abs _section_cstart, $3  }
0xd1: {  	[dreg:$0x1] =	wrdreg $0xFFFFFFFF  }
0xd2: {  	_ =	task.clear_ibuf [dreg:s22], $0x2FFFF;
	_ =	strace $0x9FFFFFFF  }
0xd3: {  	(tm) =	ssettm $0x7FFFFFFF  }
tec
execute0_lowered:
.L_overlay_start_1:
0x0: {  	(tag) =	ssettag $0x1  }
0x1: {  	s1 =	rddreg [dreg:$0x0];
	s0 =	srdreg.scid  }
0x2: {  	s2 =	stileid.u32;
	s5 =	rddreg [dreg:$0x2]  }
0x3: {  	s4 =	simm.s32 $0x0;
	s23 =	simm.s32 $0x1E278;
	s24 =	simm.s32 $0xF0  }
0x4: {  	s25 =	simm.s32 $0x1E2F0;
	s26 =	simm.s32 $0x168;
	s31 =	simm.s32 $0x1E368  }
0x5: {  	s17 =	simm.s32 $0x1;
	s30 =	simm.s32 $0x2;
	s28 =	simm.s32 $0x5  }
0x6: {  	s12 =	simm.s32 $0x2200;
	s13 =	simm.s32 $0x2A00;
	s14 =	simm.s32 $0x3200  }
0x7: {  	s15 =	simm.s32 $0x3A00;
	s16 =	simm.s32 $0x4200;
	[smem:$0x7FF] =	sst s4  }
0x8: {  	s11 =	simm.s32 $0x9200;
	_ =	strace $0x80000050;
	[dreg:$0xa] =	wrdreg s23  }
0x9: {  	s10 =	simm.s32 $0xA200;
	s29 =	simm.s32 $0xB200;
	[dreg:$0xb] =	wrdreg s24  }
0xa: {  	s0 =	sand.u32 $0x1, s0;
	s2 =	sshll.u32 s2, $0x1;
	[dreg:$0xc] =	wrdreg s25  }
0xb: {  	s2 =	sor.u32 s0, s2;
	s0 =	ssub.s32 $0x2, s0;
	[dreg:$0xd] =	wrdreg s26  }
0xc: {  	[dreg:$0xe] =	wrdreg s31;
	s23 =	simm.s32 $0x6A00;
	s6 =	smul.u32 $0x3C, s2  }
0xd: {  	s24 =	simm.s32 $0x7200;
	s25 =	simm.s32 $0x7A00;
	s7 =	smul.u32 $0x3C000, s2  }
0xe: {  	s26 =	simm.s32 $0x8200;
	s2 =	smul.u32 $0x7800, s2;
	s6 =	sadd.s32 s6, s5  }
0xf: {  	s21 =	sshrl.u32 s0, $0x1;
	s5 =	sadd.s32 $0x2D7200, s5;
	s8 =	sadd.s32 $0xF5200, s6  }
0x10: {  	s7 =	sshrl.u32 s7, $0x3;
	s2 =	sadd.s32 s5, s2;
	[dreg:$0x4] =	wrdreg s8  }
0x11: {  	s5 =	sadd.s32 s5, s7;
	s22 =	sadd.s32 $0x2D6A00, s6;
	[dreg:$0x5] =	wrdreg s2  }
0x12: {  	s0 =	ssub.s32 s0, s21;
	s18 =	sadd.s32 $0x1E00, s5;
	[dreg:$0x9] =	wrdreg s22  }
0x13: {  	s21 =	simm.s32 $0x5A00;
	s19 =	sadd.s32 $0x3C00, s5;
	[dreg:$0x6] =	wrdreg s18  }
0x14: {  	v2 =	vlaneseq.u32;
	s6 =	smax.u32 s0, $0x1;
	s20 =	sadd.s32 $0x5A00, s5;
	[dreg:$0x7] =	wrdreg s19  }
0x15: {  	vm0 =	vmmov $0xffff;
	v1 =	vshrl.u32 v2, $0x3;
	s5 =	sadd.s32 $0x100, s1;
	s22 =	simm.s32 $0x6200;
	[dreg:$0x8] =	wrdreg s20  }
0x16: {  	v0 =	vand.u32 $0x7, v2;
	v2 =	vor.u32 $0x8, v2;
	v1 =	vmul.u32 $0x8, v1;
	s18 =	simm.s32 $0x200;
	s19 =	simm.s32 $0x4A00;
	s20 =	simm.s32 $0x5200  }
.LBB2_1:
0x17: {  	s31 =	rddreg [dreg:$0x4]  }
0x18: {  	[tilespmem:s4], [sflag:$0x5] =	stream.linear.gather [hbm4b:s31+s4], $0x1E0, $0x38;
	[tilespmem:$0x1E400] =	vst v63  }
0x19: {  	_ =	swait.ge [sflag:s28], $0x1E0  }
0x1a: {  	[sflag:s28] =	ssyncset.done $0x0;
	s0 =	rddreg [dreg:$0xa]  }
0x1b: {  	s7 =	rddreg [dreg:$0xc];
	[sflag:s28] =	ssyncadd.s32 $0xFFFFFE20  }
0x1c: {  	s2 =	simm.s32 $0x1E200;
	s8 =	simm.s32 $0x78;
	s3 =	rddreg [dreg:$0x1]  }
0x1d: {  	[tilespmem:s2], [sflag:$0x2] =	stream.indirect.gather [hbm4b:s3+s8], $0x1, s4, s8, $0xb8;
	[tilespmem:$0x1E400] =	vst v63  }
0x1e: {  	s9 =	rddreg [dreg:$0xe]  }
0x1f: {  	[tilespmem:s0], [sflag:$0x2] =	stream.indirect.gather [hbm4b:s3+s8], $0x1, s8, s8, $0xb8;
	[tilespmem:$0x1E400] =	vst v63  }
0x20: {  	s2 =	rddreg [dreg:$0xb]  }
0x21: {  	[tilespmem:s7], [sflag:$0x2] =	stream.indirect.gather [hbm4b:s3+s8], $0x1, s2, s8, $0xb8;
	[tilespmem:$0x1E400] =	vst v63  }
0x22: {  	s0 =	rddreg [dreg:$0xd]  }
0x23: {  	[tilespmem:s9], [sflag:$0x2] =	stream.indirect.gather [hbm4b:s3+s8], $0x1, s0, s8, $0xb8;
	[tilespmem:$0x1E400] =	vst v63  }
0x24: {  	v3 =	vld [tilespmem:$0x0];
	_ =	sdelay $0x4  }
0x25: {  	v4 =	vshll.u32 v3, $0x2  }
0x26: {  	v3 =	vand.u32 $0x7, v3;
	v4 =	vand.u32 $0xFFFFFFE0, v4  }
0x27: {  	v3 =	vor.u32 v3, v4  }
0x28: {  	v4 =	vperm.xlane v3, v0;
	_ =	sdelay $0x1  }
0x29: {  	v4 =	vadd.s32 v1, v4;
	_ =	sdelay $0x1  }
0x2a: {  	v3 =	vperm.xlane v3, v2;
	_ =	sdelay $0x1  }
0x2b: {  	v3 =	vadd.s32 v1, v3  }
0x2c: {  	[tilespmem:s18], [sflag:$0x1] =	stream.indirect_vreg.gather [hbm4b:s1+s4], $0x80, v4, vm0, $0xb8;
	[tilespmem:$0x1E400] =	vst v63  }
0x2d: {  	s7 =	simm.s32 $0xA00  }
0x2e: {  	[tilespmem:s7], [sflag:$0x1] =	stream.indirect_vreg.gather [hbm4b:s5+s4], $0x80, v4, vm0, $0xb8;
	[tilespmem:$0x1E400] =	vst v63  }
0x2f: {  	s9 =	simm.s32 $0x1200  }
0x30: {  	[tilespmem:s9], [sflag:$0x1] =	stream.indirect_vreg.gather [hbm4b:s1+s4], $0x80, v3, vm0, $0xb8;
	[tilespmem:$0x1E400] =	vst v63  }
0x31: {  	s31 =	simm.s32 $0x1A00  }
0x32: {  	[tilespmem:s31], [sflag:$0x1] =	stream.indirect_vreg.gather [hbm4b:s5+s4], $0x80, v3, vm0, $0xb8;
	[tilespmem:$0x1E400] =	vst v63  }
0x33: {  	v3 =	vld [tilespmem:$0x10];
	_ =	sdelay $0x4  }
0x34: {  	v33 =	vshll.u32 v3, $0x2  }
0x35: {  	v3 =	vand.u32 $0x7, v3;
	v4 =	vand.u32 $0xFFFFFFE0, v33  }
0x36: {  	v3 =	vor.u32 v3, v4  }
0x37: {  	v4 =	vperm.xlane v3, v0;
	_ =	sdelay $0x1  }
0x38: {  	v4 =	vadd.s32 v1, v4;
	_ =	sdelay $0x1  }
0x39: {  	v3 =	vperm.xlane v3, v2;
	_ =	sdelay $0x1  }
0x3a: {  	v3 =	vadd.s32 v1, v3  }
0x3b: {  	[tilespmem:s12], [sflag:$0x1] =	stream.indirect_vreg.gather [hbm4b:s1+s4], $0x80, v4, vm0, $0xb8;
	[tilespmem:$0x1E400] =	vst v63  }
0x3c: {  	_ = 	snop  }
0x3d: {  	[tilespmem:s13], [sflag:$0x1] =	stream.indirect_vreg.gather [hbm4b:s5+s4], $0x80, v4, vm0, $0xb8;
	[tilespmem:$0x1E400] =	vst v63  }
0x3e: {  	_ = 	snop  }
0x3f: {  	[tilespmem:s14], [sflag:$0x1] =	stream.indirect_vreg.gather [hbm4b:s1+s4], $0x80, v3, vm0, $0xb8;
	[tilespmem:$0x1E400] =	vst v63  }
0x40: {  	_ = 	snop  }
0x41: {  	[tilespmem:s15], [sflag:$0x1] =	stream.indirect_vreg.gather [hbm4b:s5+s4], $0x80, v3, vm0, $0xb8;
	[tilespmem:$0x1E400] =	vst v63  }
0x42: {  	v3 =	vld [tilespmem:$0x20];
	_ =	sdelay $0x4  }
0x43: {  	v34 =	vshll.u32 v3, $0x2  }
0x44: {  	v3 =	vand.u32 $0x7, v3;
	v4 =	vand.u32 $0xFFFFFFE0, v34  }
0x45: {  	v3 =	vor.u32 v3, v4  }
0x46: {  	v4 =	vperm.xlane v3, v0;
	_ =	sdelay $0x1  }
0x47: {  	v4 =	vadd.s32 v1, v4;
	_ =	sdelay $0x1  }
0x48: {  	v3 =	vperm.xlane v3, v2;
	_ =	sdelay $0x1  }
0x49: {  	v3 =	vadd.s32 v1, v3  }
0x4a: {  	[tilespmem:s16], [sflag:$0x1] =	stream.indirect_vreg.gather [hbm4b:s1+s4], $0x80, v4, vm0, $0xb8;
	[tilespmem:$0x1E400] =	vst v63  }
0x4b: {  	_ = 	snop  }
0x4c: {  	[tilespmem:s19], [sflag:$0x1] =	stream.indirect_vreg.gather [hbm4b:s5+s4], $0x80, v4, vm0, $0xb8;
	[tilespmem:$0x1E400] =	vst v63  }
0x4d: {  	_ = 	snop  }
0x4e: {  	[tilespmem:s20], [sflag:$0x1] =	stream.indirect_vreg.gather [hbm4b:s1+s4], $0x80, v3, vm0, $0xb8;
	[tilespmem:$0x1E400] =	vst v63  }
0x4f: {  	_ = 	snop  }
0x50: {  	[tilespmem:s21], [sflag:$0x1] =	stream.indirect_vreg.gather [hbm4b:s5+s4], $0x80, v3, vm0, $0xb8;
	[tilespmem:$0x1E400] =	vst v63  }
0x51: {  	v3 =	vld [tilespmem:$0x30];
	_ =	sdelay $0x4  }
0x52: {  	v35 =	vshll.u32 v3, $0x2  }
0x53: {  	v3 =	vand.u32 $0x7, v3;
	v4 =	vand.u32 $0xFFFFFFE0, v35  }
0x54: {  	v3 =	vor.u32 v3, v4  }
0x55: {  	v4 =	vperm.xlane v3, v0;
	_ =	sdelay $0x1  }
0x56: {  	v4 =	vadd.s32 v1, v4;
	_ =	sdelay $0x1  }
0x57: {  	v3 =	vperm.xlane v3, v2;
	_ =	sdelay $0x1  }
0x58: {  	v3 =	vadd.s32 v1, v3  }
0x59: {  	[tilespmem:s22], [sflag:$0x1] =	stream.indirect_vreg.gather [hbm4b:s1+s4], $0x80, v4, vm0, $0xb8;
	[tilespmem:$0x1E400] =	vst v63  }
0x5a: {  	_ = 	snop  }
0x5b: {  	[tilespmem:s23], [sflag:$0x1] =	stream.indirect_vreg.gather [hbm4b:s5+s4], $0x80, v4, vm0, $0xb8;
	[tilespmem:$0x1E400] =	vst v63  }
0x5c: {  	_ = 	snop  }
0x5d: {  	[tilespmem:s24], [sflag:$0x1] =	stream.indirect_vreg.gather [hbm4b:s1+s4], $0x80, v3, vm0, $0xb8;
	[tilespmem:$0x1E400] =	vst v63  }
0x5e: {  	_ = 	snop  }
0x5f: {  	[tilespmem:s25], [sflag:$0x1] =	stream.indirect_vreg.gather [hbm4b:s5+s4], $0x80, v3, vm0, $0xb8;
	[tilespmem:$0x1E400] =	vst v63  }
0x60: {  	v3 =	vld [tilespmem:$0x40];
	_ =	sdelay $0x4  }
0x61: {  	v36 =	vshll.u32 v3, $0x2  }
0x62: {  	v3 =	vand.u32 $0x7, v3;
	v4 =	vand.u32 $0xFFFFFFE0, v36  }
0x63: {  	v3 =	vor.u32 v3, v4  }
0x64: {  	v4 =	vperm.xlane v3, v0;
	_ =	sdelay $0x1  }
0x65: {  	v4 =	vadd.s32 v1, v4;
	_ =	sdelay $0x1  }
0x66: {  	v3 =	vperm.xlane v3, v2;
	_ =	sdelay $0x1  }
0x67: {  	v3 =	vadd.s32 v1, v3  }
0x68: {  	[tilespmem:s26], [sflag:$0x1] =	stream.indirect_vreg.gather [hbm4b:s1+s4], $0x80, v4, vm0, $0xb8;
	[tilespmem:$0x1E400] =	vst v63  }
0x69: {  	s8 =	simm.s32 $0x8A00  }
0x6a: {  	[tilespmem:s8], [sflag:$0x1] =	stream.indirect_vreg.gather [hbm4b:s5+s4], $0x80, v4, vm0, $0xb8;
	[tilespmem:$0x1E400] =	vst v63  }
0x6b: {  	_ = 	snop  }
0x6c: {  	[tilespmem:s11], [sflag:$0x1] =	stream.indirect_vreg.gather [hbm4b:s1+s4], $0x80, v3, vm0, $0xb8;
	[tilespmem:$0x1E400] =	vst v63  }
0x6d: {  	s8 =	simm.s32 $0x9A00  }
0x6e: {  	[tilespmem:s8], [sflag:$0x1] =	stream.indirect_vreg.gather [hbm4b:s5+s4], $0x80, v3, vm0, $0xb8;
	[tilespmem:$0x1E400] =	vst v63  }
0x6f: {  	v3 =	vld [tilespmem:$0x50];
	_ =	sdelay $0x4  }
0x70: {  	v37 =	vshll.u32 v3, $0x2  }
0x71: {  	v3 =	vand.u32 $0x7, v3;
	v4 =	vand.u32 $0xFFFFFFE0, v37  }
0x72: {  	v3 =	vor.u32 v3, v4  }
0x73: {  	v4 =	vperm.xlane v3, v0;
	_ =	sdelay $0x1  }
0x74: {  	v4 =	vadd.s32 v1, v4;
	_ =	sdelay $0x1  }
0x75: {  	v3 =	vperm.xlane v3, v2;
	_ =	sdelay $0x1  }
0x76: {  	v3 =	vadd.s32 v1, v3  }
0x77: {  	[tilespmem:s10], [sflag:$0x1] =	stream.indirect_vreg.gather [hbm4b:s1+s4], $0x80, v4, vm0, $0xb8;
	[tilespmem:$0x1E400] =	vst v63  }
0x78: {  	s7 =	simm.s32 $0xAA00  }
0x79: {  	[tilespmem:s7], [sflag:$0x1] =	stream.indirect_vreg.gather [hbm4b:s5+s4], $0x80, v4, vm0, $0xb8;
	[tilespmem:$0x1E400] =	vst v63  }
0x7a: {  	_ = 	snop  }
0x7b: {  	[tilespmem:s29], [sflag:$0x1] =	stream.indirect_vreg.gather [hbm4b:s1+s4], $0x80, v3, vm0, $0xb8;
	[tilespmem:$0x1E400] =	vst v63  }
0x7c: {  	s2 =	simm.s32 $0xBA00  }
0x7d: {  	[tilespmem:s2], [sflag:$0x1] =	stream.indirect_vreg.gather [hbm4b:s5+s4], $0x80, v3, vm0, $0xb8;
	[tilespmem:$0x1E400] =	vst v63  }
0x7e: {  	v3 =	vld [tilespmem:$0x60];
	_ =	sdelay $0x4  }
0x7f: {  	v38 =	vshll.u32 v3, $0x2  }
0x80: {  	v3 =	vand.u32 $0x7, v3;
	v4 =	vand.u32 $0xFFFFFFE0, v38  }
0x81: {  	v3 =	vor.u32 v3, v4  }
0x82: {  	v4 =	vperm.xlane v3, v0;
	_ =	sdelay $0x1  }
0x83: {  	v4 =	vadd.s32 v1, v4;
	_ =	sdelay $0x1  }
0x84: {  	v3 =	vperm.xlane v3, v2;
	_ =	sdelay $0x1  }
0x85: {  	s3 =	simm.s32 $0xC200;
	v3 =	vadd.s32 v1, v3  }
0x86: {  	[tilespmem:s3], [sflag:$0x1] =	stream.indirect_vreg.gather [hbm4b:s1+s4], $0x80, v4, vm0, $0xb8;
	[tilespmem:$0x1E400] =	vst v63  }
0x87: {  	s2 =	simm.s32 $0xCA00  }
0x88: {  	[tilespmem:s2], [sflag:$0x1] =	stream.indirect_vreg.gather [hbm4b:s5+s4], $0x80, v4, vm0, $0xb8;
	[tilespmem:$0x1E400] =	vst v63  }
0x89: {  	s3 =	simm.s32 $0xD200  }
0x8a: {  	[tilespmem:s3], [sflag:$0x1] =	stream.indirect_vreg.gather [hbm4b:s1+s4], $0x80, v3, vm0, $0xb8;
	[tilespmem:$0x1E400] =	vst v63  }
0x8b: {  	s2 =	simm.s32 $0xDA00  }
0x8c: {  	[tilespmem:s2], [sflag:$0x1] =	stream.indirect_vreg.gather [hbm4b:s5+s4], $0x80, v3, vm0, $0xb8;
	[tilespmem:$0x1E400] =	vst v63  }
0x8d: {  	v3 =	vld.msk [tilespmem:$0x70], $0xff;
	_ =	sdelay $0x4  }
0x8e: {  	v39 =	vshll.u32 v3, $0x2  }
0x8f: {  	v3 =	vand.u32 $0x7, v3;
	v4 =	vand.u32 $0xFFFFFFE0, v39  }
0x90: {  	v3 =	vor.u32 v3, v4  }
0x91: {  	v3 =	vperm.xlane v3, v0;
	_ =	sdelay $0x1  }
0x92: {  	v3 =	vadd.s32 v1, v3;
	_ =	sdelay $0x3  }
0x93: {  	s3 =	simm.s32 $0xE200  }
0x94: {  	[tilespmem:s3], [sflag:$0x1] =	stream.indirect_vreg.gather [hbm4b:s1+s4], $0x80, v3, vm0, $0xb8;
	[tilespmem:$0x1E400] =	vst v63  }
0x95: {  	s2 =	simm.s32 $0xEA00  }
0x96: {  	[tilespmem:s2], [sflag:$0x1] =	stream.indirect_vreg.gather [hbm4b:s5+s4], $0x80, v3, vm0, $0xb8;
	[tilespmem:$0x1E400] =	vst v63  }
0x97: {  	_ =	swait.ge [sflag:s17], $0xF000  }
0x98: {  	[sflag:s17] =	ssyncset.done $0x0  }
0x99: {  	s3 =	rddreg [dreg:$0x5];
	[sflag:s17] =	ssyncadd.s32 $0xFFFF1000  }
0x9a: {  	[hbm4b:s3+s4] =	stream.linear.scatter [tilespmem:s18], [sflag:$0x3], $0xF000, $0x38;
	[tilespmem:$0x1E400] =	vst v63  }
0x9b: {  	v3 =	vld [tilespmem:$0x78];
	_ =	sdelay $0x4  }
0x9c: {  	v40 =	vshll.u32 v3, $0x2  }
0x9d: {  	v3 =	vand.u32 $0x7, v3;
	v4 =	vand.u32 $0xFFFFFFE0, v40  }
0x9e: {  	v3 =	vor.u32 v3, v4  }
0x9f: {  	v4 =	vperm.xlane v3, v0;
	_ =	sdelay $0x1  }
0xa0: {  	v4 =	vadd.s32 v1, v4;
	_ =	sdelay $0x1  }
0xa1: {  	v3 =	vperm.xlane v3, v2;
	_ =	sdelay $0x1  }
0xa2: {  	s3 =	simm.s32 $0xF200;
	v3 =	vadd.s32 v1, v3  }
0xa3: {  	[tilespmem:s3], [sflag:$0x1] =	stream.indirect_vreg.gather [hbm4b:s1+s4], $0x80, v4, vm0, $0xb8;
	[tilespmem:$0x1E400] =	vst v63  }
0xa4: {  	s2 =	simm.s32 $0xFA00  }
0xa5: {  	[tilespmem:s2], [sflag:$0x1] =	stream.indirect_vreg.gather [hbm4b:s5+s4], $0x80, v4, vm0, $0xb8;
	[tilespmem:$0x1E400] =	vst v63  }
0xa6: {  	s2 =	simm.s32 $0x10200  }
0xa7: {  	[tilespmem:s2], [sflag:$0x1] =	stream.indirect_vreg.gather [hbm4b:s1+s4], $0x80, v3, vm0, $0xb8;
	[tilespmem:$0x1E400] =	vst v63  }
0xa8: {  	s2 =	simm.s32 $0x10A00  }
0xa9: {  	[tilespmem:s2], [sflag:$0x1] =	stream.indirect_vreg.gather [hbm4b:s5+s4], $0x80, v3, vm0, $0xb8;
	[tilespmem:$0x1E400] =	vst v63  }
0xaa: {  	v3 =	vld [tilespmem:$0x88];
	_ =	sdelay $0x4  }
0xab: {  	v41 =	vshll.u32 v3, $0x2  }
0xac: {  	v3 =	vand.u32 $0x7, v3;
	v4 =	vand.u32 $0xFFFFFFE0, v41  }
0xad: {  	v3 =	vor.u32 v3, v4  }
0xae: {  	v4 =	vperm.xlane v3, v0;
	_ =	sdelay $0x1  }
0xaf: {  	v4 =	vadd.s32 v1, v4;
	_ =	sdelay $0x1  }
0xb0: {  	v3 =	vperm.xlane v3, v2;
	_ =	sdelay $0x1  }
0xb1: {  	s2 =	simm.s32 $0x11200;
	v3 =	vadd.s32 v1, v3  }
0xb2: {  	[tilespmem:s2], [sflag:$0x1] =	stream.indirect_vreg.gather [hbm4b:s1+s4], $0x80, v4, vm0, $0xb8;
	[tilespmem:$0x1E400] =	vst v63  }
0xb3: {  	s2 =	simm.s32 $0x11A00  }
0xb4: {  	[tilespmem:s2], [sflag:$0x1] =	stream.indirect_vreg.gather [hbm4b:s5+s4], $0x80, v4, vm0, $0xb8;
	[tilespmem:$0x1E400] =	vst v63  }
0xb5: {  	s2 =	simm.s32 $0x12200  }
0xb6: {  	[tilespmem:s2], [sflag:$0x1] =	stream.indirect_vreg.gather [hbm4b:s1+s4], $0x80, v3, vm0, $0xb8;
	[tilespmem:$0x1E400] =	vst v63  }
0xb7: {  	s2 =	simm.s32 $0x12A00  }
0xb8: {  	[tilespmem:s2], [sflag:$0x1] =	stream.indirect_vreg.gather [hbm4b:s5+s4], $0x80, v3, vm0, $0xb8;
	[tilespmem:$0x1E400] =	vst v63  }
0xb9: {  	v3 =	vld [tilespmem:$0x98];
	_ =	sdelay $0x4  }
0xba: {  	v42 =	vshll.u32 v3, $0x2  }
0xbb: {  	v3 =	vand.u32 $0x7, v3;
	v4 =	vand.u32 $0xFFFFFFE0, v42  }
0xbc: {  	v3 =	vor.u32 v3, v4  }
0xbd: {  	v4 =	vperm.xlane v3, v0;
	_ =	sdelay $0x1  }
0xbe: {  	v4 =	vadd.s32 v1, v4;
	_ =	sdelay $0x1  }
0xbf: {  	v3 =	vperm.xlane v3, v2;
	_ =	sdelay $0x1  }
0xc0: {  	s2 =	simm.s32 $0x13200;
	v3 =	vadd.s32 v1, v3  }
0xc1: {  	[tilespmem:s2], [sflag:$0x1] =	stream.indirect_vreg.gather [hbm4b:s1+s4], $0x80, v4, vm0, $0xb8;
	[tilespmem:$0x1E400] =	vst v63  }
0xc2: {  	s2 =	simm.s32 $0x13A00  }
0xc3: {  	[tilespmem:s2], [sflag:$0x1] =	stream.indirect_vreg.gather [hbm4b:s5+s4], $0x80, v4, vm0, $0xb8;
	[tilespmem:$0x1E400] =	vst v63  }
0xc4: {  	s2 =	simm.s32 $0x14200  }
0xc5: {  	[tilespmem:s2], [sflag:$0x1] =	stream.indirect_vreg.gather [hbm4b:s1+s4], $0x80, v3, vm0, $0xb8;
	[tilespmem:$0x1E400] =	vst v63  }
0xc6: {  	s2 =	simm.s32 $0x14A00  }
0xc7: {  	[tilespmem:s2], [sflag:$0x1] =	stream.indirect_vreg.gather [hbm4b:s5+s4], $0x80, v3, vm0, $0xb8;
	[tilespmem:$0x1E400] =	vst v63  }
0xc8: {  	v3 =	vld [tilespmem:$0xA8];
	_ =	sdelay $0x4  }
0xc9: {  	v43 =	vshll.u32 v3, $0x2  }
0xca: {  	v3 =	vand.u32 $0x7, v3;
	v4 =	vand.u32 $0xFFFFFFE0, v43  }
0xcb: {  	v3 =	vor.u32 v3, v4  }
0xcc: {  	v4 =	vperm.xlane v3, v0;
	_ =	sdelay $0x1  }
0xcd: {  	v4 =	vadd.s32 v1, v4;
	_ =	sdelay $0x1  }
0xce: {  	v3 =	vperm.xlane v3, v2;
	_ =	sdelay $0x1  }
0xcf: {  	s2 =	simm.s32 $0x15200;
	v3 =	vadd.s32 v1, v3  }
0xd0: {  	[tilespmem:s2], [sflag:$0x1] =	stream.indirect_vreg.gather [hbm4b:s1+s4], $0x80, v4, vm0, $0xb8;
	[tilespmem:$0x1E400] =	vst v63  }
0xd1: {  	s2 =	simm.s32 $0x15A00  }
0xd2: {  	[tilespmem:s2], [sflag:$0x1] =	stream.indirect_vreg.gather [hbm4b:s5+s4], $0x80, v4, vm0, $0xb8;
	[tilespmem:$0x1E400] =	vst v63  }
0xd3: {  	s2 =	simm.s32 $0x16200  }
0xd4: {  	[tilespmem:s2], [sflag:$0x1] =	stream.indirect_vreg.gather [hbm4b:s1+s4], $0x80, v3, vm0, $0xb8;
	[tilespmem:$0x1E400] =	vst v63  }
0xd5: {  	s2 =	simm.s32 $0x16A00  }
0xd6: {  	[tilespmem:s2], [sflag:$0x1] =	stream.indirect_vreg.gather [hbm4b:s5+s4], $0x80, v3, vm0, $0xb8;
	[tilespmem:$0x1E400] =	vst v63  }
0xd7: {  	v3 =	vld [tilespmem:$0xB8];
	_ =	sdelay $0x4  }
0xd8: {  	v44 =	vshll.u32 v3, $0x2  }
0xd9: {  	v3 =	vand.u32 $0x7, v3;
	v4 =	vand.u32 $0xFFFFFFE0, v44  }
0xda: {  	v3 =	vor.u32 v3, v4  }
0xdb: {  	v4 =	vperm.xlane v3, v0;
	_ =	sdelay $0x1  }
0xdc: {  	v4 =	vadd.s32 v1, v4;
	_ =	sdelay $0x1  }
0xdd: {  	v3 =	vperm.xlane v3, v2;
	_ =	sdelay $0x1  }
0xde: {  	s2 =	simm.s32 $0x17200;
	v3 =	vadd.s32 v1, v3  }
0xdf: {  	[tilespmem:s2], [sflag:$0x1] =	stream.indirect_vreg.gather [hbm4b:s1+s4], $0x80, v4, vm0, $0xb8;
	[tilespmem:$0x1E400] =	vst v63  }
0xe0: {  	s2 =	simm.s32 $0x17A00  }
0xe1: {  	[tilespmem:s2], [sflag:$0x1] =	stream.indirect_vreg.gather [hbm4b:s5+s4], $0x80, v4, vm0, $0xb8;
	[tilespmem:$0x1E400] =	vst v63  }
0xe2: {  	s2 =	simm.s32 $0x18200  }
0xe3: {  	[tilespmem:s2], [sflag:$0x1] =	stream.indirect_vreg.gather [hbm4b:s1+s4], $0x80, v3, vm0, $0xb8;
	[tilespmem:$0x1E400] =	vst v63  }
0xe4: {  	s2 =	simm.s32 $0x18A00  }
0xe5: {  	[tilespmem:s2], [sflag:$0x1] =	stream.indirect_vreg.gather [hbm4b:s5+s4], $0x80, v3, vm0, $0xb8;
	[tilespmem:$0x1E400] =	vst v63  }
0xe6: {  	v3 =	vld [tilespmem:$0xC8];
	_ =	sdelay $0x4  }
0xe7: {  	v45 =	vshll.u32 v3, $0x2  }
0xe8: {  	v3 =	vand.u32 $0x7, v3;
	v4 =	vand.u32 $0xFFFFFFE0, v45  }
0xe9: {  	v3 =	vor.u32 v3, v4  }
0xea: {  	v4 =	vperm.xlane v3, v0;
	_ =	sdelay $0x1  }
0xeb: {  	v4 =	vadd.s32 v1, v4;
	_ =	sdelay $0x1  }
0xec: {  	v3 =	vperm.xlane v3, v2;
	_ =	sdelay $0x1  }
0xed: {  	s2 =	simm.s32 $0x19200;
	v3 =	vadd.s32 v1, v3  }
0xee: {  	[tilespmem:s2], [sflag:$0x1] =	stream.indirect_vreg.gather [hbm4b:s1+s4], $0x80, v4, vm0, $0xb8;
	[tilespmem:$0x1E400] =	vst v63  }
0xef: {  	s2 =	simm.s32 $0x19A00  }
0xf0: {  	[tilespmem:s2], [sflag:$0x1] =	stream.indirect_vreg.gather [hbm4b:s5+s4], $0x80, v4, vm0, $0xb8;
	[tilespmem:$0x1E400] =	vst v63  }
0xf1: {  	s2 =	simm.s32 $0x1A200  }
0xf2: {  	[tilespmem:s2], [sflag:$0x1] =	stream.indirect_vreg.gather [hbm4b:s1+s4], $0x80, v3, vm0, $0xb8;
	[tilespmem:$0x1E400] =	vst v63  }
0xf3: {  	s2 =	simm.s32 $0x1AA00  }
0xf4: {  	[tilespmem:s2], [sflag:$0x1] =	stream.indirect_vreg.gather [hbm4b:s5+s4], $0x80, v3, vm0, $0xb8;
	[tilespmem:$0x1E400] =	vst v63  }
0xf5: {  	v3 =	vld [tilespmem:$0xD8];
	_ =	sdelay $0x4  }
0xf6: {  	v46 =	vshll.u32 v3, $0x2  }
0xf7: {  	v3 =	vand.u32 $0x7, v3;
	v4 =	vand.u32 $0xFFFFFFE0, v46  }
0xf8: {  	v3 =	vor.u32 v3, v4  }
0xf9: {  	v4 =	vperm.xlane v3, v0;
	_ =	sdelay $0x1  }
0xfa: {  	v4 =	vadd.s32 v1, v4;
	_ =	sdelay $0x1  }
0xfb: {  	v3 =	vperm.xlane v3, v2;
	_ =	sdelay $0x1  }
0xfc: {  	s2 =	simm.s32 $0x1B200;
	v3 =	vadd.s32 v1, v3  }
0xfd: {  	[tilespmem:s2], [sflag:$0x1] =	stream.indirect_vreg.gather [hbm4b:s1+s4], $0x80, v4, vm0, $0xb8;
	[tilespmem:$0x1E400] =	vst v63  }
0xfe: {  	s2 =	simm.s32 $0x1BA00  }
0xff: {  	[tilespmem:s2], [sflag:$0x1] =	stream.indirect_vreg.gather [hbm4b:s5+s4], $0x80, v4, vm0, $0xb8;
	[tilespmem:$0x1E400] =	vst v63  }
0x100: {  	s2 =	simm.s32 $0x1C200  }
0x101: {  	[tilespmem:s2], [sflag:$0x1] =	stream.indirect_vreg.gather [hbm4b:s1+s4], $0x80, v3, vm0, $0xb8;
	[tilespmem:$0x1E400] =	vst v63  }
0x102: {  	s2 =	simm.s32 $0x1CA00  }
0x103: {  	[tilespmem:s2], [sflag:$0x1] =	stream.indirect_vreg.gather [hbm4b:s5+s4], $0x80, v3, vm0, $0xb8;
	[tilespmem:$0x1E400] =	vst v63  }
0x104: {  	v3 =	vld.msk [tilespmem:$0xE8], $0xff;
	_ =	sdelay $0x4  }
0x105: {  	v47 =	vshll.u32 v3, $0x2  }
0x106: {  	v3 =	vand.u32 $0x7, v3;
	v4 =	vand.u32 $0xFFFFFFE0, v47  }
0x107: {  	v3 =	vor.u32 v3, v4  }
0x108: {  	v3 =	vperm.xlane v3, v0;
	_ =	sdelay $0x1  }
0x109: {  	v3 =	vadd.s32 v1, v3;
	_ =	sdelay $0x3  }
0x10a: {  	s2 =	simm.s32 $0x1D200  }
0x10b: {  	[tilespmem:s2], [sflag:$0x1] =	stream.indirect_vreg.gather [hbm4b:s1+s4], $0x80, v3, vm0, $0xb8;
	[tilespmem:$0x1E400] =	vst v63  }
0x10c: {  	s2 =	simm.s32 $0x1DA00  }
0x10d: {  	[tilespmem:s2], [sflag:$0x1] =	stream.indirect_vreg.gather [hbm4b:s5+s4], $0x80, v3, vm0, $0xb8;
	[tilespmem:$0x1E400] =	vst v63  }
0x10e: {  	_ =	swait.ge [sflag:s17], $0xF000  }
0x10f: {  	[sflag:s17] =	ssyncset.done $0x0  }
0x110: {  	s2 =	rddreg [dreg:$0x6];
	[sflag:s17] =	ssyncadd.s32 $0xFFFF1000  }
0x111: {  	[hbm4b:s2+s4] =	stream.linear.scatter [tilespmem:s3], [sflag:$0x4], $0xF000, $0x38;
	[tilespmem:$0x1E400] =	vst v63  }
0x112: {  	s2 =	simm.s32 $0x3  }
0x113: {  	_ =	swait.ge [sflag:s2], $0xF000  }
0x114: {  	[sflag:s2] =	ssyncset.done $0x0  }
0x115: {  	[sflag:s2] =	ssyncadd.s32 $0xFFFF1000  }
0x116: {  	v3 =	vld [tilespmem:$0xF0];
	_ =	sdelay $0x4  }
0x117: {  	v48 =	vshll.u32 v3, $0x2  }
0x118: {  	v3 =	vand.u32 $0x7, v3;
	v4 =	vand.u32 $0xFFFFFFE0, v48  }
0x119: {  	v3 =	vor.u32 v3, v4  }
0x11a: {  	v4 =	vperm.xlane v3, v0;
	_ =	sdelay $0x1  }
0x11b: {  	v4 =	vadd.s32 v1, v4;
	_ =	sdelay $0x1  }
0x11c: {  	v3 =	vperm.xlane v3, v2;
	_ =	sdelay $0x1  }
0x11d: {  	v3 =	vadd.s32 v1, v3  }
0x11e: {  	[tilespmem:s18], [sflag:$0x1] =	stream.indirect_vreg.gather [hbm4b:s1+s4], $0x80, v4, vm0, $0xb8;
	[tilespmem:$0x1E400] =	vst v63  }
0x11f: {  	s0 =	simm.s32 $0xA00  }
0x120: {  	[tilespmem:s0], [sflag:$0x1] =	stream.indirect_vreg.gather [hbm4b:s5+s4], $0x80, v4, vm0, $0xb8;
	[tilespmem:$0x1E400] =	vst v63  }
0x121: {  	_ = 	snop  }
0x122: {  	[tilespmem:s9], [sflag:$0x1] =	stream.indirect_vreg.gather [hbm4b:s1+s4], $0x80, v3, vm0, $0xb8;
	[tilespmem:$0x1E400] =	vst v63  }
0x123: {  	_ = 	snop  }
0x124: {  	[tilespmem:s31], [sflag:$0x1] =	stream.indirect_vreg.gather [hbm4b:s5+s4], $0x80, v3, vm0, $0xb8;
	[tilespmem:$0x1E400] =	vst v63  }
0x125: {  	v3 =	vld [tilespmem:$0x100];
	_ =	sdelay $0x4  }
0x126: {  	v49 =	vshll.u32 v3, $0x2  }
0x127: {  	v3 =	vand.u32 $0x7, v3;
	v4 =	vand.u32 $0xFFFFFFE0, v49  }
0x128: {  	v3 =	vor.u32 v3, v4  }
0x129: {  	v4 =	vperm.xlane v3, v0;
	_ =	sdelay $0x1  }
0x12a: {  	v4 =	vadd.s32 v1, v4;
	_ =	sdelay $0x1  }
0x12b: {  	v3 =	vperm.xlane v3, v2;
	_ =	sdelay $0x1  }
0x12c: {  	v3 =	vadd.s32 v1, v3  }
0x12d: {  	[tilespmem:s12], [sflag:$0x1] =	stream.indirect_vreg.gather [hbm4b:s1+s4], $0x80, v4, vm0, $0xb8;
	[tilespmem:$0x1E400] =	vst v63  }
0x12e: {  	_ = 	snop  }
0x12f: {  	[tilespmem:s13], [sflag:$0x1] =	stream.indirect_vreg.gather [hbm4b:s5+s4], $0x80, v4, vm0, $0xb8;
	[tilespmem:$0x1E400] =	vst v63  }
0x130: {  	_ = 	snop  }
0x131: {  	[tilespmem:s14], [sflag:$0x1] =	stream.indirect_vreg.gather [hbm4b:s1+s4], $0x80, v3, vm0, $0xb8;
	[tilespmem:$0x1E400] =	vst v63  }
0x132: {  	_ = 	snop  }
0x133: {  	[tilespmem:s15], [sflag:$0x1] =	stream.indirect_vreg.gather [hbm4b:s5+s4], $0x80, v3, vm0, $0xb8;
	[tilespmem:$0x1E400] =	vst v63  }
0x134: {  	v3 =	vld [tilespmem:$0x110];
	_ =	sdelay $0x4  }
0x135: {  	v50 =	vshll.u32 v3, $0x2  }
0x136: {  	v3 =	vand.u32 $0x7, v3;
	v4 =	vand.u32 $0xFFFFFFE0, v50  }
0x137: {  	v3 =	vor.u32 v3, v4  }
0x138: {  	v4 =	vperm.xlane v3, v0;
	_ =	sdelay $0x1  }
0x139: {  	v4 =	vadd.s32 v1, v4;
	_ =	sdelay $0x1  }
0x13a: {  	v3 =	vperm.xlane v3, v2;
	_ =	sdelay $0x1  }
0x13b: {  	v3 =	vadd.s32 v1, v3  }
0x13c: {  	[tilespmem:s16], [sflag:$0x1] =	stream.indirect_vreg.gather [hbm4b:s1+s4], $0x80, v4, vm0, $0xb8;
	[tilespmem:$0x1E400] =	vst v63  }
0x13d: {  	_ = 	snop  }
0x13e: {  	[tilespmem:s19], [sflag:$0x1] =	stream.indirect_vreg.gather [hbm4b:s5+s4], $0x80, v4, vm0, $0xb8;
	[tilespmem:$0x1E400] =	vst v63  }
0x13f: {  	_ = 	snop  }
0x140: {  	[tilespmem:s20], [sflag:$0x1] =	stream.indirect_vreg.gather [hbm4b:s1+s4], $0x80, v3, vm0, $0xb8;
	[tilespmem:$0x1E400] =	vst v63  }
0x141: {  	_ = 	snop  }
0x142: {  	[tilespmem:s21], [sflag:$0x1] =	stream.indirect_vreg.gather [hbm4b:s5+s4], $0x80, v3, vm0, $0xb8;
	[tilespmem:$0x1E400] =	vst v63  }
0x143: {  	v3 =	vld [tilespmem:$0x120];
	_ =	sdelay $0x4  }
0x144: {  	v51 =	vshll.u32 v3, $0x2  }
0x145: {  	v3 =	vand.u32 $0x7, v3;
	v4 =	vand.u32 $0xFFFFFFE0, v51  }
0x146: {  	v3 =	vor.u32 v3, v4  }
0x147: {  	v4 =	vperm.xlane v3, v0;
	_ =	sdelay $0x1  }
0x148: {  	v4 =	vadd.s32 v1, v4;
	_ =	sdelay $0x1  }
0x149: {  	v3 =	vperm.xlane v3, v2;
	_ =	sdelay $0x1  }
0x14a: {  	v3 =	vadd.s32 v1, v3  }
0x14b: {  	[tilespmem:s22], [sflag:$0x1] =	stream.indirect_vreg.gather [hbm4b:s1+s4], $0x80, v4, vm0, $0xb8;
	[tilespmem:$0x1E400] =	vst v63  }
0x14c: {  	_ = 	snop  }
0x14d: {  	[tilespmem:s23], [sflag:$0x1] =	stream.indirect_vreg.gather [hbm4b:s5+s4], $0x80, v4, vm0, $0xb8;
	[tilespmem:$0x1E400] =	vst v63  }
0x14e: {  	_ = 	snop  }
0x14f: {  	[tilespmem:s24], [sflag:$0x1] =	stream.indirect_vreg.gather [hbm4b:s1+s4], $0x80, v3, vm0, $0xb8;
	[tilespmem:$0x1E400] =	vst v63  }
0x150: {  	_ = 	snop  }
0x151: {  	[tilespmem:s25], [sflag:$0x1] =	stream.indirect_vreg.gather [hbm4b:s5+s4], $0x80, v3, vm0, $0xb8;
	[tilespmem:$0x1E400] =	vst v63  }
0x152: {  	v3 =	vld [tilespmem:$0x130];
	_ =	sdelay $0x4  }
0x153: {  	v52 =	vshll.u32 v3, $0x2  }
0x154: {  	v3 =	vand.u32 $0x7, v3;
	v4 =	vand.u32 $0xFFFFFFE0, v52  }
0x155: {  	v3 =	vor.u32 v3, v4  }
0x156: {  	v4 =	vperm.xlane v3, v0;
	_ =	sdelay $0x1  }
0x157: {  	v4 =	vadd.s32 v1, v4;
	_ =	sdelay $0x1  }
0x158: {  	v3 =	vperm.xlane v3, v2;
	_ =	sdelay $0x1  }
0x159: {  	v3 =	vadd.s32 v1, v3  }
0x15a: {  	[tilespmem:s26], [sflag:$0x1] =	stream.indirect_vreg.gather [hbm4b:s1+s4], $0x80, v4, vm0, $0xb8;
	[tilespmem:$0x1E400] =	vst v63  }
0x15b: {  	s31 =	simm.s32 $0x8A00  }
0x15c: {  	[tilespmem:s31], [sflag:$0x1] =	stream.indirect_vreg.gather [hbm4b:s5+s4], $0x80, v4, vm0, $0xb8;
	[tilespmem:$0x1E400] =	vst v63  }
0x15d: {  	_ = 	snop  }
0x15e: {  	[tilespmem:s11], [sflag:$0x1] =	stream.indirect_vreg.gather [hbm4b:s1+s4], $0x80, v3, vm0, $0xb8;
	[tilespmem:$0x1E400] =	vst v63  }
0x15f: {  	_ = 	snop  }
0x160: {  	[tilespmem:s8], [sflag:$0x1] =	stream.indirect_vreg.gather [hbm4b:s5+s4], $0x80, v3, vm0, $0xb8;
	[tilespmem:$0x1E400] =	vst v63  }
0x161: {  	v3 =	vld [tilespmem:$0x140];
	_ =	sdelay $0x4  }
0x162: {  	v53 =	vshll.u32 v3, $0x2  }
0x163: {  	v3 =	vand.u32 $0x7, v3;
	v4 =	vand.u32 $0xFFFFFFE0, v53  }
0x164: {  	v3 =	vor.u32 v3, v4  }
0x165: {  	v4 =	vperm.xlane v3, v0;
	_ =	sdelay $0x1  }
0x166: {  	v4 =	vadd.s32 v1, v4;
	_ =	sdelay $0x1  }
0x167: {  	v3 =	vperm.xlane v3, v2;
	_ =	sdelay $0x1  }
0x168: {  	v3 =	vadd.s32 v1, v3  }
0x169: {  	[tilespmem:s10], [sflag:$0x1] =	stream.indirect_vreg.gather [hbm4b:s1+s4], $0x80, v4, vm0, $0xb8;
	[tilespmem:$0x1E400] =	vst v63  }
0x16a: {  	_ = 	snop  }
0x16b: {  	[tilespmem:s7], [sflag:$0x1] =	stream.indirect_vreg.gather [hbm4b:s5+s4], $0x80, v4, vm0, $0xb8;
	[tilespmem:$0x1E400] =	vst v63  }
0x16c: {  	_ = 	snop  }
0x16d: {  	[tilespmem:s29], [sflag:$0x1] =	stream.indirect_vreg.gather [hbm4b:s1+s4], $0x80, v3, vm0, $0xb8;
	[tilespmem:$0x1E400] =	vst v63  }
0x16e: {  	s9 =	simm.s32 $0xBA00  }
0x16f: {  	[tilespmem:s9], [sflag:$0x1] =	stream.indirect_vreg.gather [hbm4b:s5+s4], $0x80, v3, vm0, $0xb8;
	[tilespmem:$0x1E400] =	vst v63  }
0x170: {  	v3 =	vld [tilespmem:$0x150];
	_ =	sdelay $0x4  }
0x171: {  	v54 =	vshll.u32 v3, $0x2  }
0x172: {  	v3 =	vand.u32 $0x7, v3;
	v4 =	vand.u32 $0xFFFFFFE0, v54  }
0x173: {  	v3 =	vor.u32 v3, v4  }
0x174: {  	v4 =	vperm.xlane v3, v0;
	_ =	sdelay $0x1  }
0x175: {  	v4 =	vadd.s32 v1, v4;
	_ =	sdelay $0x1  }
0x176: {  	v3 =	vperm.xlane v3, v2;
	_ =	sdelay $0x1  }
0x177: {  	s31 =	simm.s32 $0xC200;
	v3 =	vadd.s32 v1, v3  }
0x178: {  	[tilespmem:s31], [sflag:$0x1] =	stream.indirect_vreg.gather [hbm4b:s1+s4], $0x80, v4, vm0, $0xb8;
	[tilespmem:$0x1E400] =	vst v63  }
0x179: {  	s7 =	simm.s32 $0xCA00  }
0x17a: {  	[tilespmem:s7], [sflag:$0x1] =	stream.indirect_vreg.gather [hbm4b:s5+s4], $0x80, v4, vm0, $0xb8;
	[tilespmem:$0x1E400] =	vst v63  }
0x17b: {  	s8 =	simm.s32 $0xD200  }
0x17c: {  	[tilespmem:s8], [sflag:$0x1] =	stream.indirect_vreg.gather [hbm4b:s1+s4], $0x80, v3, vm0, $0xb8;
	[tilespmem:$0x1E400] =	vst v63  }
0x17d: {  	s9 =	simm.s32 $0xDA00  }
0x17e: {  	[tilespmem:s9], [sflag:$0x1] =	stream.indirect_vreg.gather [hbm4b:s5+s4], $0x80, v3, vm0, $0xb8;
	[tilespmem:$0x1E400] =	vst v63  }
0x17f: {  	v3 =	vld.msk [tilespmem:$0x160], $0xff;
	_ =	sdelay $0x4  }
0x180: {  	v55 =	vshll.u32 v3, $0x2  }
0x181: {  	v3 =	vand.u32 $0x7, v3;
	v4 =	vand.u32 $0xFFFFFFE0, v55  }
0x182: {  	v3 =	vor.u32 v3, v4  }
0x183: {  	v3 =	vperm.xlane v3, v0;
	_ =	sdelay $0x1  }
0x184: {  	v3 =	vadd.s32 v1, v3;
	_ =	sdelay $0x3  }
0x185: {  	s31 =	simm.s32 $0xE200  }
0x186: {  	[tilespmem:s31], [sflag:$0x1] =	stream.indirect_vreg.gather [hbm4b:s1+s4], $0x80, v3, vm0, $0xb8;
	[tilespmem:$0x1E400] =	vst v63  }
0x187: {  	s7 =	simm.s32 $0xEA00  }
0x188: {  	[tilespmem:s7], [sflag:$0x1] =	stream.indirect_vreg.gather [hbm4b:s5+s4], $0x80, v3, vm0, $0xb8;
	[tilespmem:$0x1E400] =	vst v63  }
0x189: {  	_ =	swait.ge [sflag:s17], $0xF000  }
0x18a: {  	[sflag:s17] =	ssyncset.done $0x0  }
0x18b: {  	s7 =	simm.s32 $0x4;
	s8 =	rddreg [dreg:$0x7];
	[sflag:s17] =	ssyncadd.s32 $0xFFFF1000  }
0x18c: {  	[hbm4b:s8+s4] =	stream.linear.scatter [tilespmem:s18], [sflag:$0x3], $0xF000, $0x38;
	[tilespmem:$0x1E400] =	vst v63  }
0x18d: {  	_ =	swait.ge [sflag:s7], $0xF000  }
0x18e: {  	[sflag:s7] =	ssyncset.done $0x0  }
0x18f: {  	[sflag:s7] =	ssyncadd.s32 $0xFFFF1000  }
0x190: {  	v3 =	vld [tilespmem:$0x168];
	_ =	sdelay $0x4  }
0x191: {  	v56 =	vshll.u32 v3, $0x2  }
0x192: {  	v3 =	vand.u32 $0x7, v3;
	v4 =	vand.u32 $0xFFFFFFE0, v56  }
0x193: {  	v3 =	vor.u32 v3, v4  }
0x194: {  	v4 =	vperm.xlane v3, v0;
	_ =	sdelay $0x1  }
0x195: {  	v4 =	vadd.s32 v1, v4;
	_ =	sdelay $0x1  }
0x196: {  	v3 =	vperm.xlane v3, v2;
	_ =	sdelay $0x1  }
0x197: {  	v3 =	vadd.s32 v1, v3  }
0x198: {  	[tilespmem:s3], [sflag:$0x1] =	stream.indirect_vreg.gather [hbm4b:s1+s4], $0x80, v4, vm0, $0xb8;
	[tilespmem:$0x1E400] =	vst v63  }
0x199: {  	s9 =	simm.s32 $0xFA00  }
0x19a: {  	[tilespmem:s9], [sflag:$0x1] =	stream.indirect_vreg.gather [hbm4b:s5+s4], $0x80, v4, vm0, $0xb8;
	[tilespmem:$0x1E400] =	vst v63  }
0x19b: {  	s31 =	simm.s32 $0x10200  }
0x19c: {  	[tilespmem:s31], [sflag:$0x1] =	stream.indirect_vreg.gather [hbm4b:s1+s4], $0x80, v3, vm0, $0xb8;
	[tilespmem:$0x1E400] =	vst v63  }
0x19d: {  	s8 =	simm.s32 $0x10A00  }
0x19e: {  	[tilespmem:s8], [sflag:$0x1] =	stream.indirect_vreg.gather [hbm4b:s5+s4], $0x80, v3, vm0, $0xb8;
	[tilespmem:$0x1E400] =	vst v63  }
0x19f: {  	v3 =	vld [tilespmem:$0x178];
	_ =	sdelay $0x4  }
0x1a0: {  	v57 =	vshll.u32 v3, $0x2  }
0x1a1: {  	v3 =	vand.u32 $0x7, v3;
	v4 =	vand.u32 $0xFFFFFFE0, v57  }
0x1a2: {  	v3 =	vor.u32 v3, v4  }
0x1a3: {  	v4 =	vperm.xlane v3, v0;
	_ =	sdelay $0x1  }
0x1a4: {  	v4 =	vadd.s32 v1, v4;
	_ =	sdelay $0x1  }
0x1a5: {  	v3 =	vperm.xlane v3, v2;
	_ =	sdelay $0x1  }
0x1a6: {  	s9 =	simm.s32 $0x11200;
	v3 =	vadd.s32 v1, v3  }
0x1a7: {  	[tilespmem:s9], [sflag:$0x1] =	stream.indirect_vreg.gather [hbm4b:s1+s4], $0x80, v4, vm0, $0xb8;
	[tilespmem:$0x1E400] =	vst v63  }
0x1a8: {  	s31 =	simm.s32 $0x11A00  }
0x1a9: {  	[tilespmem:s31], [sflag:$0x1] =	stream.indirect_vreg.gather [hbm4b:s5+s4], $0x80, v4, vm0, $0xb8;
	[tilespmem:$0x1E400] =	vst v63  }
0x1aa: {  	s8 =	simm.s32 $0x12200  }
0x1ab: {  	[tilespmem:s8], [sflag:$0x1] =	stream.indirect_vreg.gather [hbm4b:s1+s4], $0x80, v3, vm0, $0xb8;
	[tilespmem:$0x1E400] =	vst v63  }
0x1ac: {  	s9 =	simm.s32 $0x12A00  }
0x1ad: {  	[tilespmem:s9], [sflag:$0x1] =	stream.indirect_vreg.gather [hbm4b:s5+s4], $0x80, v3, vm0, $0xb8;
	[tilespmem:$0x1E400] =	vst v63  }
0x1ae: {  	v3 =	vld [tilespmem:$0x188];
	_ =	sdelay $0x4  }
0x1af: {  	v58 =	vshll.u32 v3, $0x2  }
0x1b0: {  	v3 =	vand.u32 $0x7, v3;
	v4 =	vand.u32 $0xFFFFFFE0, v58  }
0x1b1: {  	v3 =	vor.u32 v3, v4  }
0x1b2: {  	v4 =	vperm.xlane v3, v0;
	_ =	sdelay $0x1  }
0x1b3: {  	v4 =	vadd.s32 v1, v4;
	_ =	sdelay $0x1  }
0x1b4: {  	v3 =	vperm.xlane v3, v2;
	_ =	sdelay $0x1  }
0x1b5: {  	s31 =	simm.s32 $0x13200;
	v3 =	vadd.s32 v1, v3  }
0x1b6: {  	[tilespmem:s31], [sflag:$0x1] =	stream.indirect_vreg.gather [hbm4b:s1+s4], $0x80, v4, vm0, $0xb8;
	[tilespmem:$0x1E400] =	vst v63  }
0x1b7: {  	s8 =	simm.s32 $0x13A00  }
0x1b8: {  	[tilespmem:s8], [sflag:$0x1] =	stream.indirect_vreg.gather [hbm4b:s5+s4], $0x80, v4, vm0, $0xb8;
	[tilespmem:$0x1E400] =	vst v63  }
0x1b9: {  	s9 =	simm.s32 $0x14200  }
0x1ba: {  	[tilespmem:s9], [sflag:$0x1] =	stream.indirect_vreg.gather [hbm4b:s1+s4], $0x80, v3, vm0, $0xb8;
	[tilespmem:$0x1E400] =	vst v63  }
0x1bb: {  	s31 =	simm.s32 $0x14A00  }
0x1bc: {  	[tilespmem:s31], [sflag:$0x1] =	stream.indirect_vreg.gather [hbm4b:s5+s4], $0x80, v3, vm0, $0xb8;
	[tilespmem:$0x1E400] =	vst v63  }
0x1bd: {  	v3 =	vld [tilespmem:$0x198];
	_ =	sdelay $0x4  }
0x1be: {  	v59 =	vshll.u32 v3, $0x2  }
0x1bf: {  	v3 =	vand.u32 $0x7, v3;
	v4 =	vand.u32 $0xFFFFFFE0, v59  }
0x1c0: {  	v3 =	vor.u32 v3, v4  }
0x1c1: {  	v4 =	vperm.xlane v3, v0;
	_ =	sdelay $0x1  }
0x1c2: {  	v4 =	vadd.s32 v1, v4;
	_ =	sdelay $0x1  }
0x1c3: {  	v3 =	vperm.xlane v3, v2;
	_ =	sdelay $0x1  }
0x1c4: {  	s8 =	simm.s32 $0x15200;
	v3 =	vadd.s32 v1, v3  }
0x1c5: {  	[tilespmem:s8], [sflag:$0x1] =	stream.indirect_vreg.gather [hbm4b:s1+s4], $0x80, v4, vm0, $0xb8;
	[tilespmem:$0x1E400] =	vst v63  }
0x1c6: {  	s9 =	simm.s32 $0x15A00  }
0x1c7: {  	[tilespmem:s9], [sflag:$0x1] =	stream.indirect_vreg.gather [hbm4b:s5+s4], $0x80, v4, vm0, $0xb8;
	[tilespmem:$0x1E400] =	vst v63  }
0x1c8: {  	s31 =	simm.s32 $0x16200  }
0x1c9: {  	[tilespmem:s31], [sflag:$0x1] =	stream.indirect_vreg.gather [hbm4b:s1+s4], $0x80, v3, vm0, $0xb8;
	[tilespmem:$0x1E400] =	vst v63  }
0x1ca: {  	s8 =	simm.s32 $0x16A00  }
0x1cb: {  	[tilespmem:s8], [sflag:$0x1] =	stream.indirect_vreg.gather [hbm4b:s5+s4], $0x80, v3, vm0, $0xb8;
	[tilespmem:$0x1E400] =	vst v63  }
0x1cc: {  	v3 =	vld [tilespmem:$0x1A8];
	_ =	sdelay $0x4  }
0x1cd: {  	v60 =	vshll.u32 v3, $0x2  }
0x1ce: {  	v3 =	vand.u32 $0x7, v3;
	v4 =	vand.u32 $0xFFFFFFE0, v60  }
0x1cf: {  	v3 =	vor.u32 v3, v4  }
0x1d0: {  	v4 =	vperm.xlane v3, v0;
	_ =	sdelay $0x1  }
0x1d1: {  	v4 =	vadd.s32 v1, v4;
	_ =	sdelay $0x1  }
0x1d2: {  	v3 =	vperm.xlane v3, v2;
	_ =	sdelay $0x1  }
0x1d3: {  	s9 =	simm.s32 $0x17200;
	v3 =	vadd.s32 v1, v3  }
0x1d4: {  	[tilespmem:s9], [sflag:$0x1] =	stream.indirect_vreg.gather [hbm4b:s1+s4], $0x80, v4, vm0, $0xb8;
	[tilespmem:$0x1E400] =	vst v63  }
0x1d5: {  	s31 =	simm.s32 $0x17A00  }
0x1d6: {  	[tilespmem:s31], [sflag:$0x1] =	stream.indirect_vreg.gather [hbm4b:s5+s4], $0x80, v4, vm0, $0xb8;
	[tilespmem:$0x1E400] =	vst v63  }
0x1d7: {  	s8 =	simm.s32 $0x18200  }
0x1d8: {  	[tilespmem:s8], [sflag:$0x1] =	stream.indirect_vreg.gather [hbm4b:s1+s4], $0x80, v3, vm0, $0xb8;
	[tilespmem:$0x1E400] =	vst v63  }
0x1d9: {  	s9 =	simm.s32 $0x18A00  }
0x1da: {  	[tilespmem:s9], [sflag:$0x1] =	stream.indirect_vreg.gather [hbm4b:s5+s4], $0x80, v3, vm0, $0xb8;
	[tilespmem:$0x1E400] =	vst v63  }
0x1db: {  	v3 =	vld [tilespmem:$0x1B8];
	_ =	sdelay $0x4  }
0x1dc: {  	v61 =	vshll.u32 v3, $0x2  }
0x1dd: {  	v3 =	vand.u32 $0x7, v3;
	v4 =	vand.u32 $0xFFFFFFE0, v61  }
0x1de: {  	v3 =	vor.u32 v3, v4  }
0x1df: {  	v4 =	vperm.xlane v3, v0;
	_ =	sdelay $0x1  }
0x1e0: {  	v4 =	vadd.s32 v1, v4;
	_ =	sdelay $0x1  }
0x1e1: {  	v3 =	vperm.xlane v3, v2;
	_ =	sdelay $0x1  }
0x1e2: {  	s31 =	simm.s32 $0x19200;
	v3 =	vadd.s32 v1, v3  }
0x1e3: {  	[tilespmem:s31], [sflag:$0x1] =	stream.indirect_vreg.gather [hbm4b:s1+s4], $0x80, v4, vm0, $0xb8;
	[tilespmem:$0x1E400] =	vst v63  }
0x1e4: {  	s8 =	simm.s32 $0x19A00  }
0x1e5: {  	[tilespmem:s8], [sflag:$0x1] =	stream.indirect_vreg.gather [hbm4b:s5+s4], $0x80, v4, vm0, $0xb8;
	[tilespmem:$0x1E400] =	vst v63  }
0x1e6: {  	s9 =	simm.s32 $0x1A200  }
0x1e7: {  	[tilespmem:s9], [sflag:$0x1] =	stream.indirect_vreg.gather [hbm4b:s1+s4], $0x80, v3, vm0, $0xb8;
	[tilespmem:$0x1E400] =	vst v63  }
0x1e8: {  	s31 =	simm.s32 $0x1AA00  }
0x1e9: {  	[tilespmem:s31], [sflag:$0x1] =	stream.indirect_vreg.gather [hbm4b:s5+s4], $0x80, v3, vm0, $0xb8;
	[tilespmem:$0x1E400] =	vst v63  }
0x1ea: {  	v3 =	vld [tilespmem:$0x1C8];
	_ =	sdelay $0x4  }
0x1eb: {  	v62 =	vshll.u32 v3, $0x2  }
0x1ec: {  	v3 =	vand.u32 $0x7, v3;
	v4 =	vand.u32 $0xFFFFFFE0, v62  }
0x1ed: {  	v3 =	vor.u32 v3, v4  }
0x1ee: {  	v4 =	vperm.xlane v3, v0;
	_ =	sdelay $0x1  }
0x1ef: {  	v4 =	vadd.s32 v1, v4;
	_ =	sdelay $0x1  }
0x1f0: {  	v3 =	vperm.xlane v3, v2;
	_ =	sdelay $0x1  }
0x1f1: {  	s8 =	simm.s32 $0x1B200;
	v3 =	vadd.s32 v1, v3  }
0x1f2: {  	[tilespmem:s8], [sflag:$0x1] =	stream.indirect_vreg.gather [hbm4b:s1+s4], $0x80, v4, vm0, $0xb8;
	[tilespmem:$0x1E400] =	vst v63  }
0x1f3: {  	s9 =	simm.s32 $0x1BA00  }
0x1f4: {  	[tilespmem:s9], [sflag:$0x1] =	stream.indirect_vreg.gather [hbm4b:s5+s4], $0x80, v4, vm0, $0xb8;
	[tilespmem:$0x1E400] =	vst v63  }
0x1f5: {  	s31 =	simm.s32 $0x1C200  }
0x1f6: {  	[tilespmem:s31], [sflag:$0x1] =	stream.indirect_vreg.gather [hbm4b:s1+s4], $0x80, v3, vm0, $0xb8;
	[tilespmem:$0x1E400] =	vst v63  }
0x1f7: {  	s8 =	simm.s32 $0x1CA00  }
0x1f8: {  	[tilespmem:s8], [sflag:$0x1] =	stream.indirect_vreg.gather [hbm4b:s5+s4], $0x80, v3, vm0, $0xb8;
	[tilespmem:$0x1E400] =	vst v63  }
0x1f9: {  	v3 =	vld.msk [tilespmem:$0x1D8], $0xff;
	_ =	sdelay $0x4  }
0x1fa: {  	v63 =	vshll.u32 v3, $0x2  }
0x1fb: {  	v3 =	vand.u32 $0x7, v3;
	v4 =	vand.u32 $0xFFFFFFE0, v63  }
0x1fc: {  	v3 =	vor.u32 v3, v4  }
0x1fd: {  	v3 =	vperm.xlane v3, v0;
	_ =	sdelay $0x1  }
0x1fe: {  	v3 =	vadd.s32 v1, v3;
	_ =	sdelay $0x3  }
0x1ff: {  	s9 =	simm.s32 $0x1D200  }
0x200: {  	[tilespmem:s9], [sflag:$0x1] =	stream.indirect_vreg.gather [hbm4b:s1+s4], $0x80, v3, vm0, $0xb8;
	[tilespmem:$0x1E400] =	vst v63  }
0x201: {  	s31 =	simm.s32 $0x1DA00  }
0x202: {  	[tilespmem:s31], [sflag:$0x1] =	stream.indirect_vreg.gather [hbm4b:s5+s4], $0x80, v3, vm0, $0xb8;
	[tilespmem:$0x1E400] =	vst v63  }
0x203: {  	_ =	swait.ge [sflag:s17], $0xF000  }
0x204: {  	[sflag:s17] =	ssyncset.done $0x0  }
0x205: {  	s8 =	rddreg [dreg:$0x8];
	[sflag:s17] =	ssyncadd.s32 $0xFFFF1000  }
0x206: {  	[hbm4b:s8+s4] =	stream.linear.scatter [tilespmem:s3], [sflag:$0x4], $0xF000, $0x38;
	[tilespmem:$0x1E400] =	vst v63  }
0x207: {  	_ =	swait.ge [sflag:s2], $0xF000  }
0x208: {  	[sflag:s2] =	ssyncset.done $0x0  }
0x209: {  	[sflag:s2] =	ssyncadd.s32 $0xFFFF1000  }
0x20a: {  	_ =	swait.ge [sflag:s7], $0xF000  }
0x20b: {  	[sflag:s7] =	ssyncset.done $0x0  }
0x20c: {  	[sflag:s7] =	ssyncadd.s32 $0xFFFF1000  }
0x20d: {  	_ =	swait.ge [sflag:s30], $0x78  }
0x20e: {  	[sflag:s30] =	ssyncset.done $0x0  }
0x20f: {  	[sflag:s30] =	ssyncadd.s32 $0xFFFFFF88  }
0x210: {  	_ =	swait.ge [sflag:s30], $0x78  }
0x211: {  	[sflag:s30] =	ssyncset.done $0x0  }
0x212: {  	[sflag:s30] =	ssyncadd.s32 $0xFFFFFF88  }
0x213: {  	_ =	swait.ge [sflag:s30], $0x78  }
0x214: {  	[sflag:s30] =	ssyncset.done $0x0  }
0x215: {  	[sflag:s30] =	ssyncadd.s32 $0xFFFFFF88  }
0x216: {  	_ =	swait.ge [sflag:s30], $0x78  }
0x217: {  	p0 =	sne.s32 s6, $0x1;
	s31 =	simm.s32 $0x1E200;
	[sflag:s30] =	ssyncset.done $0x0  }
.Ltmp0:
0x218: {  	s9 =	rddreg [dreg:$0x9];
	[sflag:s30] =	ssyncadd.s32 $0xFFFFFF88;
	(pc) =	sbr.rel @p0 .LBB2_1-.Ltmp0, $4  }
0x219: {  	[hbm4b:s9+s4] =	stream.linear.scatter [tilespmem:s31], [sflag:$0x5], $0x1E0, $0x38;
	[tilespmem:$0x1E400] =	vst v63  }
0x21a: {  	_ =	swait.ge [sflag:s28], $0x1E0  }
0x21b: {  	[sflag:s28] =	ssyncset.done $0x0  }
0x21c: {  	s6 =	sadd.s32 $0xFFFFFFFF, s6;
	[sflag:s28] =	ssyncadd.s32 $0xFFFFFE20  }
0x21d: {  	_ =	sfence.sel $0x180000  }
0x21e: {  	[bflag:$0x0] =	sbarrier.arrive $0xFFFF  }
0x21f: {  	_ =	strace $0x90000050  }
0x220: {  	s0 =	stileid.u32;
	[bflag:$0x2] =	sbarrier.arrive $0xFFFF  }
0x221: {  	p0 =	sne.s32 s0, $0x0;
	s0 =	rddreg [dreg:$0x3]  }
0x222: {  	s0 =	sadd.s32 @!p0 $0x100000, s0  }
0x223: {  	[sflag:s0] =	ssyncadd.tile.s32 @!p0 $0x1;
	_ =	shalt  }
.Lfunc_end2:
_tile_overlayer_lowered:
.L_overlay_start_2:
0x224: {  	(tag) =	ssettag $0x2  }
0x225: {  	s0 =	rddreg [dreg:$0x0];
	s2 =	stileid.u32  }
0x226: {  	s1 =	rddreg [dreg:$0x1];
	p0 =	sne.s32 s2, $0x0  }
0x227: {  	s3 =	rddreg [dreg:$0x2];
	[bflag:$0x3] =	sbarrier.arrive $0xFFFF;
	s2 =	simm.s32 @!p0 $0x1C05  }
0x228: {  	[timem:s3], [sflag:s2] =	dma.local @!p0 [hbm:s0], s1  }
0x229: {  	s0 =	simm.s32 @!p0 $0x5  }
0x22a: {  	_ =	swait.ge @!p0 [sflag:s0], s1  }
0x22b: {  	s1 =	ssub.s32 @!p0 $0x0, s1;
	[sflag:s0] =	ssyncset.done @!p0 $0x0  }
0x22c: {  	[sflag:s0] =	ssyncadd.s32 @!p0 s1  }
0x22d: {  	[bflag:$0x3] =	sbarrier.arrive $0xFFFF  }
0x22e: {  	_ =	shalt  }

</sc_bundles>
